<compile_context>
chip_gen: v7x
topology: tpu7x:2x2x1
jax: 0.10.2.dev20260603
libtpu: 0.0.44.dev20260713+nightly
codegen_flags: <defaults>
</compile_context>

<pallas_src>
import functools

import jax
import jax.numpy as jnp
from jax import lax
from jax.experimental import pallas as pl
from jax.experimental.pallas import tpu as pltpu
from jax.experimental.pallas import tpu_sc as plsc

N = 10000
E = 320000
H = 128
NUM_CODES = 16

NC = 2
NS = 16
NW = NC * NS
EDGES_PER_TILE = E // NW
CHUNK = 80
NCHUNK = EDGES_PER_TILE // CHUNK
NBUF = 4
NGRP = CHUNK // 16
N_PAD = 10240
ROWS_PER_TILE = N_PAD // NS
ZROWS = 128



def _prep_body(attr_ref, emb_ref, linw_ref, linb_ref, h_ref, e16_ref):
    a = attr_ref[...]
    h_ref[...] = (a[0:1, :] + 3 * a[1:2, :] + 7 * a[2:3, :]) & (NUM_CODES - 1)

    @pl.when(pl.program_id(0) == 0)
    def _():
        e16_ref[...] = (
            jnp.dot(emb_ref[...], linw_ref[...],
                    preferred_element_type=jnp.float32)
            + linb_ref[...]
        )


def _prep(attr_t, emb, lin_W, lin_b2d):
    eb = E // 10
    return pl.pallas_call(
        _prep_body,
        grid=(10,),
        in_specs=[
            pl.BlockSpec((3, eb), lambda i: (0, i)),
            pl.BlockSpec((NUM_CODES, 8), lambda i: (0, 0)),
            pl.BlockSpec((8, H), lambda i: (0, 0)),
            pl.BlockSpec((1, H), lambda i: (0, 0)),
        ],
        out_specs=[
            pl.BlockSpec((1, eb), lambda i: (0, i)),
            pl.BlockSpec((NUM_CODES, H), lambda i: (0, 0)),
        ],
        out_shape=[
            jax.ShapeDtypeStruct((1, E), jnp.int32),
            jax.ShapeDtypeStruct((NUM_CODES, H), jnp.float32),
        ],
    )(attr_t, emb, lin_W, lin_b2d)



def _sc_body(x_hbm, e16_hbm, src_hbm, dst_hbm, h_hbm, part_hbm,
             src_all, dst_all, h_all, e16_v, xb, acc_sh, sg, ss, si):
    cid = lax.axis_index("c")
    sid = lax.axis_index("s")
    wid = cid * NS + sid
    base = wid * EDGES_PER_TILE

    pltpu.sync_copy(e16_hbm, e16_v)

    zv = jnp.zeros((16,), jnp.float32)

    @plsc.parallel_loop(0, CHUNK)
    def zero_body(j):
        for g in range(8):
            xb[j, pl.ds(g * 16, 16)] = zv

    for r in range(ROWS_PER_TILE // CHUNK):
        pltpu.sync_copy(xb.at[pl.ds(0, CHUNK)],
                        acc_sh.at[pl.ds((sid * 8 + r) * CHUNK, CHUNK)])
    plsc.subcore_barrier()

    def fire_idx(k, b):
        off = base + k * CHUNK
        pltpu.async_copy(src_hbm.at[pl.ds(off, CHUNK)], src_all.at[b],
                         si.at[b])
        pltpu.async_copy(dst_hbm.at[pl.ds(off, CHUNK)], dst_all.at[b],
                         si.at[b])
        pltpu.async_copy(h_hbm.at[pl.ds(off, CHUNK)], h_all.at[b], si.at[b])

    def wait_idx(b):
        for _ in range(3):
            pltpu.make_async_copy(src_hbm.at[pl.ds(0, CHUNK)],
                                  src_all.at[b], si.at[b]).wait()

    def slot(b):
        return pl.ds(pl.multiple_of(b * CHUNK, CHUNK), CHUNK)

    def fire_gather(b):
        pltpu.async_copy(x_hbm.at[src_all.at[b]], xb.at[slot(b)], sg.at[b])

    def wait_gather(b):
        pltpu.make_async_copy(x_hbm.at[src_all.at[b]], xb.at[slot(b)],
                              sg.at[b]).wait()

    def fire_scatter(b):
        pltpu.async_copy(xb.at[slot(b)], acc_sh.at[dst_all.at[b]], ss.at[b],
                         add=True)

    def wait_scatter(b):
        pltpu.make_async_copy(xb.at[slot(b)], acc_sh.at[dst_all.at[b]],
                              ss.at[b]).wait()

    def compute(b):
        rowbase = b * CHUNK

        @plsc.parallel_loop(0, NGRP)
        def msg_body(jg):
            hv = h_all[b, pl.ds(jg * 16, 16)]
            hjs = [hv[e] for e in range(16)]
            for e in range(16):
                row = rowbase + jg * 16 + e
                xs = [xb[row, pl.ds(g * 16, 16)] for g in range(8)]
                es = [e16_v[hjs[e], pl.ds(g * 16, 16)] for g in range(8)]
                for g in range(8):
                    xb[row, pl.ds(g * 16, 16)] = jnp.maximum(
                        xs[g] + es[g], 0.0)

    fire_idx(0, 0)
    fire_idx(1, 1)
    wait_idx(0)
    fire_gather(0)

    def step(k, carry):
        b = lax.rem(k, NBUF)
        b1 = lax.rem(k + 1, NBUF)
        b2 = lax.rem(k + 2, NBUF)
        wait_gather(b)

        @pl.when(k + 1 < NCHUNK)
        def _():
            wait_idx(b1)
            fire_gather(b1)

        compute(b)
        fire_scatter(b)

        @pl.when(k >= 2)
        def _():
            wait_scatter(b2)

        @pl.when(k + 2 < NCHUNK)
        def _():
            fire_idx(k + 2, b2)

        return carry

    lax.fori_loop(0, NCHUNK, step, 0)
    wait_scatter((NCHUNK - 2) % NBUF)
    wait_scatter((NCHUNK - 1) % NBUF)
    plsc.subcore_barrier()

    for r in range(ROWS_PER_TILE // ZROWS):
        rs = pl.ds((sid * 5 + r) * ZROWS, ZROWS)
        pltpu.sync_copy(acc_sh.at[rs], part_hbm.at[cid, rs])


def _sc_agg(x, e16, src, dst, h):
    mesh = plsc.VectorSubcoreMesh(core_axis_name="c", subcore_axis_name="s")
    f = pl.kernel(
        _sc_body,
        out_type=jax.ShapeDtypeStruct((NC, N_PAD, H), jnp.float32),
        mesh=mesh,
        scratch_types=[
            pltpu.VMEM((NBUF, CHUNK), jnp.int32),
            pltpu.VMEM((NBUF, CHUNK), jnp.int32),
            pltpu.VMEM((NBUF, CHUNK), jnp.int32),
            pltpu.VMEM((NUM_CODES, H), jnp.float32),
            pltpu.VMEM((NBUF * CHUNK, H), jnp.float32),
            pltpu.VMEM_SHARED((N_PAD, H), jnp.float32),
            pltpu.SemaphoreType.DMA((NBUF,)),
            pltpu.SemaphoreType.DMA((NBUF,)),
            pltpu.SemaphoreType.DMA((NBUF,)),
        ],
    )
    return f(x, e16, src, dst, h)



def _mlp_body(x_ref, part_ref, w1_ref, b1_ref, w2_ref, b2_ref, eps_ref,
              out_ref):
    z = ((1.0 + eps_ref[0, 0]) * x_ref[...]
         + part_ref[0, :, :] + part_ref[1, :, :])
    hh = jnp.maximum(
        jnp.dot(z, w1_ref[...], preferred_element_type=jnp.float32)
        + b1_ref[...], 0.0)
    out_ref[...] = (
        jnp.dot(hh, w2_ref[...], preferred_element_type=jnp.float32)
        + b2_ref[...])


def _mlp(x, part, W1, b1_2d, W2, b2_2d, eps_2d):
    nb = 2000
    return pl.pallas_call(
        _mlp_body,
        grid=(N // nb,),
        in_specs=[
            pl.BlockSpec((nb, H), lambda i: (i, 0)),
            pl.BlockSpec((NC, nb, H), lambda i: (0, i, 0)),
            pl.BlockSpec((H, H), lambda i: (0, 0)),
            pl.BlockSpec((1, H), lambda i: (0, 0)),
            pl.BlockSpec((H, H), lambda i: (0, 0)),
            pl.BlockSpec((1, H), lambda i: (0, 0)),
            pl.BlockSpec(memory_space=pltpu.SMEM),
        ],
        out_specs=pl.BlockSpec((nb, H), lambda i: (i, 0)),
        out_shape=jax.ShapeDtypeStruct((N, H), jnp.float32),
    )(x, part, W1, b1_2d, W2, b2_2d, eps_2d)



def kernel(x, edge_index, edge_attr, emb, lin_W, lin_b, W1, b1, W2, b2, eps):
    h2d, e16 = _prep(edge_attr.T, emb, lin_W, lin_b.reshape(1, H))
    part = _sc_agg(x, e16, edge_index[0], edge_index[1], h2d.reshape(E))
    return _mlp(x, part, W1, b1.reshape(1, H), W2, b2.reshape(1, H),
                eps.reshape(1, 1))

# --- scband reference (transcript-rebuilt; emitter-appended) ---
"""Pipeline reference for scband-gineblock-45397804319446 (READ-ONLY COPY).

The authoritative reference and input builder live on the scoring server;
editing this copy changes nothing except your own understanding.
"""

import jax, jax.numpy as jnp
import numpy as np

N = 10000
E = 320000
H = 128
EMB = 8
NUM_CODES = 16


def setup_inputs(seed: int = 0) -> dict:
    key = jax.random.key(seed)
    ks = jax.random.split(key, 10)
    x = jax.random.normal(ks[0], (N, H), dtype=jnp.float32)
    edge_index = jax.random.randint(ks[1], (2, E), 0, N, dtype=jnp.int32)
    edge_attr = jax.random.randint(ks[2], (E, 3), 0, NUM_CODES, dtype=jnp.int32)
    emb = jax.random.normal(ks[3], (NUM_CODES, EMB), dtype=jnp.float32)
    lin_W = jax.random.normal(ks[4], (EMB, H), dtype=jnp.float32) / jnp.sqrt(EMB)
    lin_b = jnp.zeros((H,), dtype=jnp.float32)
    W1 = jax.random.normal(ks[5], (H, H), dtype=jnp.float32) / jnp.sqrt(H)
    b1 = jnp.zeros((H,), dtype=jnp.float32)
    W2 = jax.random.normal(ks[6], (H, H), dtype=jnp.float32) / jnp.sqrt(H)
    b2 = jnp.zeros((H,), dtype=jnp.float32)
    eps = jnp.zeros((), dtype=jnp.float32)
    return {"x": x, "edge_index": edge_index, "edge_attr": edge_attr,
            "emb": emb, "lin_W": lin_W, "lin_b": lin_b,
            "W1": W1, "b1": b1, "W2": W2, "b2": b2, "eps": eps}


def reference(x, edge_index, edge_attr, emb, lin_W, lin_b, W1, b1, W2, b2, eps):
    # hash edge codes -> embedding index (mod 16)
    h = (edge_attr[:, 0] + 3 * edge_attr[:, 1] + 7 * edge_attr[:, 2]) % NUM_CODES
    e = jnp.take(emb, h, axis=0)                       # [E, EMB] embedding lookup
    e = e @ lin_W + lin_b                              # GINEConv edge projection edge_dim->hidden
    src = edge_index[0]                                # x_j (source / message sender)
    dst = edge_index[1]                                # x_i (target / aggregation index)
    msg = jax.nn.relu(jnp.take(x, src, axis=0) + e)    # GINE message: ReLU(x_j + e)
    agg = jax.ops.segment_sum(msg, dst, num_segments=x.shape[0])  # sum aggregation
    out = (1.0 + eps) * x + agg                        # (1 + eps) * x_i + aggr
    out = jax.nn.relu(out @ W1 + b1) @ W2 + b2         # nn.Sequential(Linear, ReLU, Linear)
    return out

if __name__ == "__main__":
    import jax
    _d = setup_inputs()
    print(jax.jit(kernel)(*tuple(_d.values())))

</pallas_src>

<mosaic_0001>
#map = affine_map<(d0, d1) -> (0, 0)>
#map1 = affine_map<(d0, d1) -> (0)>
#map2 = affine_map<(d0, d1) -> (0, 0, 0)>
module attributes {stable_mosaic.version = 14 : i64} {
  func.func @_sc_body(%arg0: i32, %arg1: i32, %arg2: memref<10000x128xf32, #tpu.memory_space<hbm>>, %arg3: memref<16x128xf32, #tpu.memory_space<hbm>>, %arg4: memref<320000xi32, #tpu.memory_space<hbm>>, %arg5: memref<320000xi32, #tpu.memory_space<hbm>>, %arg6: memref<320000xi32, #tpu.memory_space<hbm>>, %arg7: memref<2x10240x128xf32, #tpu.memory_space<hbm>>, %arg8: memref<4x80xi32, #tpu.memory_space<vmem>>, %arg9: memref<4x80xi32, #tpu.memory_space<vmem>>, %arg10: memref<4x80xi32, #tpu.memory_space<vmem>>, %arg11: memref<16x128xf32, #tpu.memory_space<vmem>>, %arg12: memref<320x128xf32, #tpu.memory_space<vmem>>, %arg13: memref<10240x128xf32, #tpu.memory_space<vmem_shared>>, %arg14: memref<4x!tpu.dma_semaphore, #tpu.memory_space<semaphore_mem>>, %arg15: memref<4x!tpu.dma_semaphore, #tpu.memory_space<semaphore_mem>>, %arg16: memref<4x!tpu.dma_semaphore, #tpu.memory_space<semaphore_mem>>) attributes {dimension_semantics = [#tpu.dimension_semantics<core_parallel>, #tpu.dimension_semantics<subcore_parallel>], iteration_bounds = array<i64: 2, 16>, scalar_prefetch = 0 : i64, scratch_operands = 9 : i64, tpu.core_type = #tpu.core_type<sc_vector_subcore>, window_params = [{transform_indices = #map}, {transform_indices = #map}, {transform_indices = #map1}, {transform_indices = #map1}, {transform_indices = #map1}, {transform_indices = #map2}]} {
    %mul3A = arith.constant 16 : i32
    %mul3A_0 = arith.muli %arg0, %mul3A : i32
    %add3A = arith.addi %mul3A_0, %arg1 : i32
    %mul3A_1 = arith.constant 10000 : i32
    %mul3A_2 = arith.muli %add3A, %mul3A_1 : i32
    "tpu.region"() ({
      %run_scoped3A = tpu.sem_alloc : memref<!tpu.dma_semaphore, #tpu.memory_space<semaphore_mem>>
      tpu.enqueue_dma source(%arg3 : memref<16x128xf32, #tpu.memory_space<hbm>>) target(%arg11 : memref<16x128xf32, #tpu.memory_space<vmem>>) target_semaphore(%run_scoped3A : memref<!tpu.dma_semaphore, #tpu.memory_space<semaphore_mem>>)
      tpu.wait_dma2 semaphore(%run_scoped3A : memref<!tpu.dma_semaphore, #tpu.memory_space<semaphore_mem>>) src(%arg3 : memref<16x128xf32, #tpu.memory_space<hbm>>) dst(%arg11 : memref<16x128xf32, #tpu.memory_space<vmem>>)
      tpu.yield
    }) : () -> ()
    %broadcast_in_dim3A = arith.constant 0.000000e+00 : f32
    %broadcast_in_dim3A_3 = vector.broadcast %broadcast_in_dim3A : f32 to vector<16xf32>
    %parallel_loop3A = arith.constant 0 : i32
    %parallel_loop3A_4 = arith.constant 80 : i32
    %parallel_loop3A_5 = arith.constant 1 : i32
    scf.for %parallel_loop3A_247 = %parallel_loop3A to %parallel_loop3A_4 step %parallel_loop3A_5  : i32 {
      %parallel_loop3A_248 = arith.index_cast %parallel_loop3A_247 : i32 to index
      %parallel_loop3A_249 = arith.constant 0 : index
      %parallel_loop3A_250 = tpu.vector_load %arg12[%parallel_loop3A_248, %parallel_loop3A_249] {strides = array<i32>} : memref<320x128xf32, #tpu.memory_space<vmem>>, vector<1x16xf32>,
      %parallel_loop3A_251 = vector.shape_cast %parallel_loop3A_250 : vector<1x16xf32> to vector<16xf32>
      %parallel_loop3A_252 = vector.shape_cast %broadcast_in_dim3A_3 : vector<16xf32> to vector<1x16xf32>
      tpu.vector_store %arg12[%parallel_loop3A_248, %parallel_loop3A_249], %parallel_loop3A_252 {strides = array<i32>} : memref<320x128xf32, #tpu.memory_space<vmem>>, vector<1x16xf32>,
      %parallel_loop3A_253 = arith.index_cast %parallel_loop3A_247 : i32 to index
      %parallel_loop3A_254 = arith.constant 16 : index
      %parallel_loop3A_255 = tpu.vector_load %arg12[%parallel_loop3A_253, %parallel_loop3A_254] {strides = array<i32>} : memref<320x128xf32, #tpu.memory_space<vmem>>, vector<1x16xf32>,
      %parallel_loop3A_256 = vector.shape_cast %parallel_loop3A_255 : vector<1x16xf32> to vector<16xf32>
      %parallel_loop3A_257 = vector.shape_cast %broadcast_in_dim3A_3 : vector<16xf32> to vector<1x16xf32>
      tpu.vector_store %arg12[%parallel_loop3A_253, %parallel_loop3A_254], %parallel_loop3A_257 {strides = array<i32>} : memref<320x128xf32, #tpu.memory_space<vmem>>, vector<1x16xf32>,
      %parallel_loop3A_258 = arith.index_cast %parallel_loop3A_247 : i32 to index
      %parallel_loop3A_259 = arith.constant 32 : index
      %parallel_loop3A_260 = tpu.vector_load %arg12[%parallel_loop3A_258, %parallel_loop3A_259] {strides = array<i32>} : memref<320x128xf32, #tpu.memory_space<vmem>>, vector<1x16xf32>,
      %parallel_loop3A_261 = vector.shape_cast %parallel_loop3A_260 : vector<1x16xf32> to vector<16xf32>
      %parallel_loop3A_262 = vector.shape_cast %broadcast_in_dim3A_3 : vector<16xf32> to vector<1x16xf32>
      tpu.vector_store %arg12[%parallel_loop3A_258, %parallel_loop3A_259], %parallel_loop3A_262 {strides = array<i32>} : memref<320x128xf32, #tpu.memory_space<vmem>>, vector<1x16xf32>,
      %parallel_loop3A_263 = arith.index_cast %parallel_loop3A_247 : i32 to index
      %parallel_loop3A_264 = arith.constant 48 : index
      %parallel_loop3A_265 = tpu.vector_load %arg12[%parallel_loop3A_263, %parallel_loop3A_264] {strides = array<i32>} : memref<320x128xf32, #tpu.memory_space<vmem>>, vector<1x16xf32>,
      %parallel_loop3A_266 = vector.shape_cast %parallel_loop3A_265 : vector<1x16xf32> to vector<16xf32>
      %parallel_loop3A_267 = vector.shape_cast %broadcast_in_dim3A_3 : vector<16xf32> to vector<1x16xf32>
      tpu.vector_store %arg12[%parallel_loop3A_263, %parallel_loop3A_264], %parallel_loop3A_267 {strides = array<i32>} : memref<320x128xf32, #tpu.memory_space<vmem>>, vector<1x16xf32>,
      %parallel_loop3A_268 = arith.index_cast %parallel_loop3A_247 : i32 to index
      %parallel_loop3A_269 = arith.constant 64 : index
      %parallel_loop3A_270 = tpu.vector_load %arg12[%parallel_loop3A_268, %parallel_loop3A_269] {strides = array<i32>} : memref<320x128xf32, #tpu.memory_space<vmem>>, vector<1x16xf32>,
      %parallel_loop3A_271 = vector.shape_cast %parallel_loop3A_270 : vector<1x16xf32> to vector<16xf32>
      %parallel_loop3A_272 = vector.shape_cast %broadcast_in_dim3A_3 : vector<16xf32> to vector<1x16xf32>
      tpu.vector_store %arg12[%parallel_loop3A_268, %parallel_loop3A_269], %parallel_loop3A_272 {strides = array<i32>} : memref<320x128xf32, #tpu.memory_space<vmem>>, vector<1x16xf32>,
      %parallel_loop3A_273 = arith.index_cast %parallel_loop3A_247 : i32 to index
      %parallel_loop3A_274 = arith.constant 80 : index
      %parallel_loop3A_275 = tpu.vector_load %arg12[%parallel_loop3A_273, %parallel_loop3A_274] {strides = array<i32>} : memref<320x128xf32, #tpu.memory_space<vmem>>, vector<1x16xf32>,
      %parallel_loop3A_276 = vector.shape_cast %parallel_loop3A_275 : vector<1x16xf32> to vector<16xf32>
      %parallel_loop3A_277 = vector.shape_cast %broadcast_in_dim3A_3 : vector<16xf32> to vector<1x16xf32>
      tpu.vector_store %arg12[%parallel_loop3A_273, %parallel_loop3A_274], %parallel_loop3A_277 {strides = array<i32>} : memref<320x128xf32, #tpu.memory_space<vmem>>, vector<1x16xf32>,
      %parallel_loop3A_278 = arith.index_cast %parallel_loop3A_247 : i32 to index
      %parallel_loop3A_279 = arith.constant 96 : index
      %parallel_loop3A_280 = tpu.vector_load %arg12[%parallel_loop3A_278, %parallel_loop3A_279] {strides = array<i32>} : memref<320x128xf32, #tpu.memory_space<vmem>>, vector<1x16xf32>,
      %parallel_loop3A_281 = vector.shape_cast %parallel_loop3A_280 : vector<1x16xf32> to vector<16xf32>
      %parallel_loop3A_282 = vector.shape_cast %broadcast_in_dim3A_3 : vector<16xf32> to vector<1x16xf32>
      tpu.vector_store %arg12[%parallel_loop3A_278, %parallel_loop3A_279], %parallel_loop3A_282 {strides = array<i32>} : memref<320x128xf32, #tpu.memory_space<vmem>>, vector<1x16xf32>,
      %parallel_loop3A_283 = arith.index_cast %parallel_loop3A_247 : i32 to index
      %parallel_loop3A_284 = arith.constant 112 : index
      %parallel_loop3A_285 = tpu.vector_load %arg12[%parallel_loop3A_283, %parallel_loop3A_284] {strides = array<i32>} : memref<320x128xf32, #tpu.memory_space<vmem>>, vector<1x16xf32>,
      %parallel_loop3A_286 = vector.shape_cast %parallel_loop3A_285 : vector<1x16xf32> to vector<16xf32>
      %parallel_loop3A_287 = vector.shape_cast %broadcast_in_dim3A_3 : vector<16xf32> to vector<1x16xf32>
      tpu.vector_store %arg12[%parallel_loop3A_283, %parallel_loop3A_284], %parallel_loop3A_287 {strides = array<i32>} : memref<320x128xf32, #tpu.memory_space<vmem>>, vector<1x16xf32>,
    } {sc.loop_unroll_factor = 1 : i64, sc.parallel_access}
    %mul3A_6 = arith.constant 8 : i32
    %mul3A_7 = arith.muli %arg1, %mul3A_6 : i32
    %add3A_8 = arith.constant 0 : i32
    %add3A_9 = arith.addi %mul3A_7, %add3A_8 : i32
    %mul3A_10 = arith.constant 80 : i32
    %mul3A_11 = arith.muli %add3A_9, %mul3A_10 : i32
    "tpu.region"() ({
      %run_scoped3A = tpu.sem_alloc : memref<!tpu.dma_semaphore, #tpu.memory_space<semaphore_mem>>
      %dma_start3A_247 = arith.constant 0 : i32
      %dma_start3A_248 = arith.constant 0 : i32
      %dma_start3A_249 = tpu.memref_slice %arg12[%dma_start3A_247, %dma_start3A_248] : memref<320x128xf32, #tpu.memory_space<vmem>> -> memref<80x128xf32, #tpu.memory_space<vmem>>
      %dma_start3A_250 = arith.constant 0 : i32
      %dma_start3A_251 = tpu.memref_slice %arg13[%mul3A_11, %dma_start3A_250] : memref<10240x128xf32, #tpu.memory_space<vmem_shared>> -> memref<80x128xf32, #tpu.memory_space<vmem_shared>>
      %dma_start3A_252 = arith.constant 0 : i32
      %dma_start3A_253 = tpu.memref_slice %arg13[%mul3A_11, %dma_start3A_252] : memref<10240x128xf32, #tpu.memory_space<vmem_shared>> -> memref<80x128xf32, #tpu.memory_space<vmem_shared>>
      %dma_start3A_254 = arith.constant 0 : i32
      %dma_start3A_255 = arith.constant 0 : i32
      %dma_start3A_256 = tpu.memref_slice %arg12[%dma_start3A_254, %dma_start3A_255] : memref<320x128xf32, #tpu.memory_space<vmem>> -> memref<80x128xf32, #tpu.memory_space<vmem>>
      tpu.enqueue_dma source(%dma_start3A_256 : memref<80x128xf32, #tpu.memory_space<vmem>>) target(%dma_start3A_253 : memref<80x128xf32, #tpu.memory_space<vmem_shared>>) target_semaphore(%run_scoped3A : memref<!tpu.dma_semaphore, #tpu.memory_space<semaphore_mem>>)
      %dma_wait3A_257 = arith.constant 0 : i32
      %dma_wait3A_258 = arith.constant 0 : i32
      %dma_wait3A_259 = tpu.memref_slice %arg12[%dma_wait3A_257, %dma_wait3A_258] : memref<320x128xf32, #tpu.memory_space<vmem>> -> memref<80x128xf32, #tpu.memory_space<vmem>>
      %dma_wait3A_260 = arith.constant 0 : i32
      %dma_wait3A_261 = tpu.memref_slice %arg13[%mul3A_11, %dma_wait3A_260] : memref<10240x128xf32, #tpu.memory_space<vmem_shared>> -> memref<80x128xf32, #tpu.memory_space<vmem_shared>>
      %dma_wait3A_262 = arith.constant 0 : i32
      %dma_wait3A_263 = tpu.memref_slice %arg13[%mul3A_11, %dma_wait3A_262] : memref<10240x128xf32, #tpu.memory_space<vmem_shared>> -> memref<80x128xf32, #tpu.memory_space<vmem_shared>>
      %dma_wait3A_264 = arith.constant 0 : i32
      %dma_wait3A_265 = arith.constant 0 : i32
      %dma_wait3A_266 = tpu.memref_slice %arg12[%dma_wait3A_264, %dma_wait3A_265] : memref<320x128xf32, #tpu.memory_space<vmem>> -> memref<80x128xf32, #tpu.memory_space<vmem>>
      tpu.wait_dma2 semaphore(%run_scoped3A : memref<!tpu.dma_semaphore, #tpu.memory_space<semaphore_mem>>) src(%dma_wait3A_266 : memref<80x128xf32, #tpu.memory_space<vmem>>) dst(%dma_wait3A_263 : memref<80x128xf32, #tpu.memory_space<vmem_shared>>)
      tpu.yield
    }) : () -> ()
    %mul3A_12 = arith.constant 8 : i32
    %mul3A_13 = arith.muli %arg1, %mul3A_12 : i32
    %add3A_14 = arith.constant 1 : i32
    %add3A_15 = arith.addi %mul3A_13, %add3A_14 : i32
    %mul3A_16 = arith.constant 80 : i32
    %mul3A_17 = arith.muli %add3A_15, %mul3A_16 : i32
    "tpu.region"() ({
      %run_scoped3A = tpu.sem_alloc : memref<!tpu.dma_semaphore, #tpu.memory_space<semaphore_mem>>
      %dma_start3A_247 = arith.constant 0 : i32
      %dma_start3A_248 = arith.constant 0 : i32
      %dma_start3A_249 = tpu.memref_slice %arg12[%dma_start3A_247, %dma_start3A_248] : memref<320x128xf32, #tpu.memory_space<vmem>> -> memref<80x128xf32, #tpu.memory_space<vmem>>
      %dma_start3A_250 = arith.constant 0 : i32
      %dma_start3A_251 = tpu.memref_slice %arg13[%mul3A_17, %dma_start3A_250] : memref<10240x128xf32, #tpu.memory_space<vmem_shared>> -> memref<80x128xf32, #tpu.memory_space<vmem_shared>>
      %dma_start3A_252 = arith.constant 0 : i32
      %dma_start3A_253 = tpu.memref_slice %arg13[%mul3A_17, %dma_start3A_252] : memref<10240x128xf32, #tpu.memory_space<vmem_shared>> -> memref<80x128xf32, #tpu.memory_space<vmem_shared>>
      %dma_start3A_254 = arith.constant 0 : i32
      %dma_start3A_255 = arith.constant 0 : i32
      %dma_start3A_256 = tpu.memref_slice %arg12[%dma_start3A_254, %dma_start3A_255] : memref<320x128xf32, #tpu.memory_space<vmem>> -> memref<80x128xf32, #tpu.memory_space<vmem>>
      tpu.enqueue_dma source(%dma_start3A_256 : memref<80x128xf32, #tpu.memory_space<vmem>>) target(%dma_start3A_253 : memref<80x128xf32, #tpu.memory_space<vmem_shared>>) target_semaphore(%run_scoped3A : memref<!tpu.dma_semaphore, #tpu.memory_space<semaphore_mem>>)
      %dma_wait3A_257 = arith.constant 0 : i32
      %dma_wait3A_258 = arith.constant 0 : i32
      %dma_wait3A_259 = tpu.memref_slice %arg12[%dma_wait3A_257, %dma_wait3A_258] : memref<320x128xf32, #tpu.memory_space<vmem>> -> memref<80x128xf32, #tpu.memory_space<vmem>>
      %dma_wait3A_260 = arith.constant 0 : i32
      %dma_wait3A_261 = tpu.memref_slice %arg13[%mul3A_17, %dma_wait3A_260] : memref<10240x128xf32, #tpu.memory_space<vmem_shared>> -> memref<80x128xf32, #tpu.memory_space<vmem_shared>>
      %dma_wait3A_262 = arith.constant 0 : i32
      %dma_wait3A_263 = tpu.memref_slice %arg13[%mul3A_17, %dma_wait3A_262] : memref<10240x128xf32, #tpu.memory_space<vmem_shared>> -> memref<80x128xf32, #tpu.memory_space<vmem_shared>>
      %dma_wait3A_264 = arith.constant 0 : i32
      %dma_wait3A_265 = arith.constant 0 : i32
      %dma_wait3A_266 = tpu.memref_slice %arg12[%dma_wait3A_264, %dma_wait3A_265] : memref<320x128xf32, #tpu.memory_space<vmem>> -> memref<80x128xf32, #tpu.memory_space<vmem>>
      tpu.wait_dma2 semaphore(%run_scoped3A : memref<!tpu.dma_semaphore, #tpu.memory_space<semaphore_mem>>) src(%dma_wait3A_266 : memref<80x128xf32, #tpu.memory_space<vmem>>) dst(%dma_wait3A_263 : memref<80x128xf32, #tpu.memory_space<vmem_shared>>)
      tpu.yield
    }) : () -> ()
    %mul3A_18 = arith.constant 8 : i32
    %mul3A_19 = arith.muli %arg1, %mul3A_18 : i32
    %add3A_20 = arith.constant 2 : i32
    %add3A_21 = arith.addi %mul3A_19, %add3A_20 : i32
    %mul3A_22 = arith.constant 80 : i32
    %mul3A_23 = arith.muli %add3A_21, %mul3A_22 : i32
    "tpu.region"() ({
      %run_scoped3A = tpu.sem_alloc : memref<!tpu.dma_semaphore, #tpu.memory_space<semaphore_mem>>
      %dma_start3A_247 = arith.constant 0 : i32
      %dma_start3A_248 = arith.constant 0 : i32
      %dma_start3A_249 = tpu.memref_slice %arg12[%dma_start3A_247, %dma_start3A_248] : memref<320x128xf32, #tpu.memory_space<vmem>> -> memref<80x128xf32, #tpu.memory_space<vmem>>
      %dma_start3A_250 = arith.constant 0 : i32
      %dma_start3A_251 = tpu.memref_slice %arg13[%mul3A_23, %dma_start3A_250] : memref<10240x128xf32, #tpu.memory_space<vmem_shared>> -> memref<80x128xf32, #tpu.memory_space<vmem_shared>>
      %dma_start3A_252 = arith.constant 0 : i32
      %dma_start3A_253 = tpu.memref_slice %arg13[%mul3A_23, %dma_start3A_252] : memref<10240x128xf32, #tpu.memory_space<vmem_shared>> -> memref<80x128xf32, #tpu.memory_space<vmem_shared>>
      %dma_start3A_254 = arith.constant 0 : i32
      %dma_start3A_255 = arith.constant 0 : i32
      %dma_start3A_256 = tpu.memref_slice %arg12[%dma_start3A_254, %dma_start3A_255] : memref<320x128xf32, #tpu.memory_space<vmem>> -> memref<80x128xf32, #tpu.memory_space<vmem>>
      tpu.enqueue_dma source(%dma_start3A_256 : memref<80x128xf32, #tpu.memory_space<vmem>>) target(%dma_start3A_253 : memref<80x128xf32, #tpu.memory_space<vmem_shared>>) target_semaphore(%run_scoped3A : memref<!tpu.dma_semaphore, #tpu.memory_space<semaphore_mem>>)
      %dma_wait3A_257 = arith.constant 0 : i32
      %dma_wait3A_258 = arith.constant 0 : i32
      %dma_wait3A_259 = tpu.memref_slice %arg12[%dma_wait3A_257, %dma_wait3A_258] : memref<320x128xf32, #tpu.memory_space<vmem>> -> memref<80x128xf32, #tpu.memory_space<vmem>>
      %dma_wait3A_260 = arith.constant 0 : i32
      %dma_wait3A_261 = tpu.memref_slice %arg13[%mul3A_23, %dma_wait3A_260] : memref<10240x128xf32, #tpu.memory_space<vmem_shared>> -> memref<80x128xf32, #tpu.memory_space<vmem_shared>>
      %dma_wait3A_262 = arith.constant 0 : i32
      %dma_wait3A_263 = tpu.memref_slice %arg13[%mul3A_23, %dma_wait3A_262] : memref<10240x128xf32, #tpu.memory_space<vmem_shared>> -> memref<80x128xf32, #tpu.memory_space<vmem_shared>>
      %dma_wait3A_264 = arith.constant 0 : i32
      %dma_wait3A_265 = arith.constant 0 : i32
      %dma_wait3A_266 = tpu.memref_slice %arg12[%dma_wait3A_264, %dma_wait3A_265] : memref<320x128xf32, #tpu.memory_space<vmem>> -> memref<80x128xf32, #tpu.memory_space<vmem>>
      tpu.wait_dma2 semaphore(%run_scoped3A : memref<!tpu.dma_semaphore, #tpu.memory_space<semaphore_mem>>) src(%dma_wait3A_266 : memref<80x128xf32, #tpu.memory_space<vmem>>) dst(%dma_wait3A_263 : memref<80x128xf32, #tpu.memory_space<vmem_shared>>)
      tpu.yield
    }) : () -> ()
    %mul3A_24 = arith.constant 8 : i32
    %mul3A_25 = arith.muli %arg1, %mul3A_24 : i32
    %add3A_26 = arith.constant 3 : i32
    %add3A_27 = arith.addi %mul3A_25, %add3A_26 : i32
    %mul3A_28 = arith.constant 80 : i32
    %mul3A_29 = arith.muli %add3A_27, %mul3A_28 : i32
    "tpu.region"() ({
      %run_scoped3A = tpu.sem_alloc : memref<!tpu.dma_semaphore, #tpu.memory_space<semaphore_mem>>
      %dma_start3A_247 = arith.constant 0 : i32
      %dma_start3A_248 = arith.constant 0 : i32
      %dma_start3A_249 = tpu.memref_slice %arg12[%dma_start3A_247, %dma_start3A_248] : memref<320x128xf32, #tpu.memory_space<vmem>> -> memref<80x128xf32, #tpu.memory_space<vmem>>
      %dma_start3A_250 = arith.constant 0 : i32
      %dma_start3A_251 = tpu.memref_slice %arg13[%mul3A_29, %dma_start3A_250] : memref<10240x128xf32, #tpu.memory_space<vmem_shared>> -> memref<80x128xf32, #tpu.memory_space<vmem_shared>>
      %dma_start3A_252 = arith.constant 0 : i32
      %dma_start3A_253 = tpu.memref_slice %arg13[%mul3A_29, %dma_start3A_252] : memref<10240x128xf32, #tpu.memory_space<vmem_shared>> -> memref<80x128xf32, #tpu.memory_space<vmem_shared>>
      %dma_start3A_254 = arith.constant 0 : i32
      %dma_start3A_255 = arith.constant 0 : i32
      %dma_start3A_256 = tpu.memref_slice %arg12[%dma_start3A_254, %dma_start3A_255] : memref<320x128xf32, #tpu.memory_space<vmem>> -> memref<80x128xf32, #tpu.memory_space<vmem>>
      tpu.enqueue_dma source(%dma_start3A_256 : memref<80x128xf32, #tpu.memory_space<vmem>>) target(%dma_start3A_253 : memref<80x128xf32, #tpu.memory_space<vmem_shared>>) target_semaphore(%run_scoped3A : memref<!tpu.dma_semaphore, #tpu.memory_space<semaphore_mem>>)
      %dma_wait3A_257 = arith.constant 0 : i32
      %dma_wait3A_258 = arith.constant 0 : i32
      %dma_wait3A_259 = tpu.memref_slice %arg12[%dma_wait3A_257, %dma_wait3A_258] : memref<320x128xf32, #tpu.memory_space<vmem>> -> memref<80x128xf32, #tpu.memory_space<vmem>>
      %dma_wait3A_260 = arith.constant 0 : i32
      %dma_wait3A_261 = tpu.memref_slice %arg13[%mul3A_29, %dma_wait3A_260] : memref<10240x128xf32, #tpu.memory_space<vmem_shared>> -> memref<80x128xf32, #tpu.memory_space<vmem_shared>>
      %dma_wait3A_262 = arith.constant 0 : i32
      %dma_wait3A_263 = tpu.memref_slice %arg13[%mul3A_29, %dma_wait3A_262] : memref<10240x128xf32, #tpu.memory_space<vmem_shared>> -> memref<80x128xf32, #tpu.memory_space<vmem_shared>>
      %dma_wait3A_264 = arith.constant 0 : i32
      %dma_wait3A_265 = arith.constant 0 : i32
      %dma_wait3A_266 = tpu.memref_slice %arg12[%dma_wait3A_264, %dma_wait3A_265] : memref<320x128xf32, #tpu.memory_space<vmem>> -> memref<80x128xf32, #tpu.memory_space<vmem>>
      tpu.wait_dma2 semaphore(%run_scoped3A : memref<!tpu.dma_semaphore, #tpu.memory_space<semaphore_mem>>) src(%dma_wait3A_266 : memref<80x128xf32, #tpu.memory_space<vmem>>) dst(%dma_wait3A_263 : memref<80x128xf32, #tpu.memory_space<vmem_shared>>)
      tpu.yield
    }) : () -> ()
    %mul3A_30 = arith.constant 8 : i32
    %mul3A_31 = arith.muli %arg1, %mul3A_30 : i32
    %add3A_32 = arith.constant 4 : i32
    %add3A_33 = arith.addi %mul3A_31, %add3A_32 : i32
    %mul3A_34 = arith.constant 80 : i32
    %mul3A_35 = arith.muli %add3A_33, %mul3A_34 : i32
    "tpu.region"() ({
      %run_scoped3A = tpu.sem_alloc : memref<!tpu.dma_semaphore, #tpu.memory_space<semaphore_mem>>
      %dma_start3A_247 = arith.constant 0 : i32
      %dma_start3A_248 = arith.constant 0 : i32
      %dma_start3A_249 = tpu.memref_slice %arg12[%dma_start3A_247, %dma_start3A_248] : memref<320x128xf32, #tpu.memory_space<vmem>> -> memref<80x128xf32, #tpu.memory_space<vmem>>
      %dma_start3A_250 = arith.constant 0 : i32
      %dma_start3A_251 = tpu.memref_slice %arg13[%mul3A_35, %dma_start3A_250] : memref<10240x128xf32, #tpu.memory_space<vmem_shared>> -> memref<80x128xf32, #tpu.memory_space<vmem_shared>>
      %dma_start3A_252 = arith.constant 0 : i32
      %dma_start3A_253 = tpu.memref_slice %arg13[%mul3A_35, %dma_start3A_252] : memref<10240x128xf32, #tpu.memory_space<vmem_shared>> -> memref<80x128xf32, #tpu.memory_space<vmem_shared>>
      %dma_start3A_254 = arith.constant 0 : i32
      %dma_start3A_255 = arith.constant 0 : i32
      %dma_start3A_256 = tpu.memref_slice %arg12[%dma_start3A_254, %dma_start3A_255] : memref<320x128xf32, #tpu.memory_space<vmem>> -> memref<80x128xf32, #tpu.memory_space<vmem>>
      tpu.enqueue_dma source(%dma_start3A_256 : memref<80x128xf32, #tpu.memory_space<vmem>>) target(%dma_start3A_253 : memref<80x128xf32, #tpu.memory_space<vmem_shared>>) target_semaphore(%run_scoped3A : memref<!tpu.dma_semaphore, #tpu.memory_space<semaphore_mem>>)
      %dma_wait3A_257 = arith.constant 0 : i32
      %dma_wait3A_258 = arith.constant 0 : i32
      %dma_wait3A_259 = tpu.memref_slice %arg12[%dma_wait3A_257, %dma_wait3A_258] : memref<320x128xf32, #tpu.memory_space<vmem>> -> memref<80x128xf32, #tpu.memory_space<vmem>>
      %dma_wait3A_260 = arith.constant 0 : i32
      %dma_wait3A_261 = tpu.memref_slice %arg13[%mul3A_35, %dma_wait3A_260] : memref<10240x128xf32, #tpu.memory_space<vmem_shared>> -> memref<80x128xf32, #tpu.memory_space<vmem_shared>>
      %dma_wait3A_262 = arith.constant 0 : i32
      %dma_wait3A_263 = tpu.memref_slice %arg13[%mul3A_35, %dma_wait3A_262] : memref<10240x128xf32, #tpu.memory_space<vmem_shared>> -> memref<80x128xf32, #tpu.memory_space<vmem_shared>>
      %dma_wait3A_264 = arith.constant 0 : i32
      %dma_wait3A_265 = arith.constant 0 : i32
      %dma_wait3A_266 = tpu.memref_slice %arg12[%dma_wait3A_264, %dma_wait3A_265] : memref<320x128xf32, #tpu.memory_space<vmem>> -> memref<80x128xf32, #tpu.memory_space<vmem>>
      tpu.wait_dma2 semaphore(%run_scoped3A : memref<!tpu.dma_semaphore, #tpu.memory_space<semaphore_mem>>) src(%dma_wait3A_266 : memref<80x128xf32, #tpu.memory_space<vmem>>) dst(%dma_wait3A_263 : memref<80x128xf32, #tpu.memory_space<vmem_shared>>)
      tpu.yield
    }) : () -> ()
    %mul3A_36 = arith.constant 8 : i32
    %mul3A_37 = arith.muli %arg1, %mul3A_36 : i32
    %add3A_38 = arith.constant 5 : i32
    %add3A_39 = arith.addi %mul3A_37, %add3A_38 : i32
    %mul3A_40 = arith.constant 80 : i32
    %mul3A_41 = arith.muli %add3A_39, %mul3A_40 : i32
    "tpu.region"() ({
      %run_scoped3A = tpu.sem_alloc : memref<!tpu.dma_semaphore, #tpu.memory_space<semaphore_mem>>
      %dma_start3A_247 = arith.constant 0 : i32
      %dma_start3A_248 = arith.constant 0 : i32
      %dma_start3A_249 = tpu.memref_slice %arg12[%dma_start3A_247, %dma_start3A_248] : memref<320x128xf32, #tpu.memory_space<vmem>> -> memref<80x128xf32, #tpu.memory_space<vmem>>
      %dma_start3A_250 = arith.constant 0 : i32
      %dma_start3A_251 = tpu.memref_slice %arg13[%mul3A_41, %dma_start3A_250] : memref<10240x128xf32, #tpu.memory_space<vmem_shared>> -> memref<80x128xf32, #tpu.memory_space<vmem_shared>>
      %dma_start3A_252 = arith.constant 0 : i32
      %dma_start3A_253 = tpu.memref_slice %arg13[%mul3A_41, %dma_start3A_252] : memref<10240x128xf32, #tpu.memory_space<vmem_shared>> -> memref<80x128xf32, #tpu.memory_space<vmem_shared>>
      %dma_start3A_254 = arith.constant 0 : i32
      %dma_start3A_255 = arith.constant 0 : i32
      %dma_start3A_256 = tpu.memref_slice %arg12[%dma_start3A_254, %dma_start3A_255] : memref<320x128xf32, #tpu.memory_space<vmem>> -> memref<80x128xf32, #tpu.memory_space<vmem>>
      tpu.enqueue_dma source(%dma_start3A_256 : memref<80x128xf32, #tpu.memory_space<vmem>>) target(%dma_start3A_253 : memref<80x128xf32, #tpu.memory_space<vmem_shared>>) target_semaphore(%run_scoped3A : memref<!tpu.dma_semaphore, #tpu.memory_space<semaphore_mem>>)
      %dma_wait3A_257 = arith.constant 0 : i32
      %dma_wait3A_258 = arith.constant 0 : i32
      %dma_wait3A_259 = tpu.memref_slice %arg12[%dma_wait3A_257, %dma_wait3A_258] : memref<320x128xf32, #tpu.memory_space<vmem>> -> memref<80x128xf32, #tpu.memory_space<vmem>>
      %dma_wait3A_260 = arith.constant 0 : i32
      %dma_wait3A_261 = tpu.memref_slice %arg13[%mul3A_41, %dma_wait3A_260] : memref<10240x128xf32, #tpu.memory_space<vmem_shared>> -> memref<80x128xf32, #tpu.memory_space<vmem_shared>>
      %dma_wait3A_262 = arith.constant 0 : i32
      %dma_wait3A_263 = tpu.memref_slice %arg13[%mul3A_41, %dma_wait3A_262] : memref<10240x128xf32, #tpu.memory_space<vmem_shared>> -> memref<80x128xf32, #tpu.memory_space<vmem_shared>>
      %dma_wait3A_264 = arith.constant 0 : i32
      %dma_wait3A_265 = arith.constant 0 : i32
      %dma_wait3A_266 = tpu.memref_slice %arg12[%dma_wait3A_264, %dma_wait3A_265] : memref<320x128xf32, #tpu.memory_space<vmem>> -> memref<80x128xf32, #tpu.memory_space<vmem>>
      tpu.wait_dma2 semaphore(%run_scoped3A : memref<!tpu.dma_semaphore, #tpu.memory_space<semaphore_mem>>) src(%dma_wait3A_266 : memref<80x128xf32, #tpu.memory_space<vmem>>) dst(%dma_wait3A_263 : memref<80x128xf32, #tpu.memory_space<vmem_shared>>)
      tpu.yield
    }) : () -> ()
    %mul3A_42 = arith.constant 8 : i32
    %mul3A_43 = arith.muli %arg1, %mul3A_42 : i32
    %add3A_44 = arith.constant 6 : i32
    %add3A_45 = arith.addi %mul3A_43, %add3A_44 : i32
    %mul3A_46 = arith.constant 80 : i32
    %mul3A_47 = arith.muli %add3A_45, %mul3A_46 : i32
    "tpu.region"() ({
      %run_scoped3A = tpu.sem_alloc : memref<!tpu.dma_semaphore, #tpu.memory_space<semaphore_mem>>
      %dma_start3A_247 = arith.constant 0 : i32
      %dma_start3A_248 = arith.constant 0 : i32
      %dma_start3A_249 = tpu.memref_slice %arg12[%dma_start3A_247, %dma_start3A_248] : memref<320x128xf32, #tpu.memory_space<vmem>> -> memref<80x128xf32, #tpu.memory_space<vmem>>
      %dma_start3A_250 = arith.constant 0 : i32
      %dma_start3A_251 = tpu.memref_slice %arg13[%mul3A_47, %dma_start3A_250] : memref<10240x128xf32, #tpu.memory_space<vmem_shared>> -> memref<80x128xf32, #tpu.memory_space<vmem_shared>>
      %dma_start3A_252 = arith.constant 0 : i32
      %dma_start3A_253 = tpu.memref_slice %arg13[%mul3A_47, %dma_start3A_252] : memref<10240x128xf32, #tpu.memory_space<vmem_shared>> -> memref<80x128xf32, #tpu.memory_space<vmem_shared>>
      %dma_start3A_254 = arith.constant 0 : i32
      %dma_start3A_255 = arith.constant 0 : i32
      %dma_start3A_256 = tpu.memref_slice %arg12[%dma_start3A_254, %dma_start3A_255] : memref<320x128xf32, #tpu.memory_space<vmem>> -> memref<80x128xf32, #tpu.memory_space<vmem>>
      tpu.enqueue_dma source(%dma_start3A_256 : memref<80x128xf32, #tpu.memory_space<vmem>>) target(%dma_start3A_253 : memref<80x128xf32, #tpu.memory_space<vmem_shared>>) target_semaphore(%run_scoped3A : memref<!tpu.dma_semaphore, #tpu.memory_space<semaphore_mem>>)
      %dma_wait3A_257 = arith.constant 0 : i32
      %dma_wait3A_258 = arith.constant 0 : i32
      %dma_wait3A_259 = tpu.memref_slice %arg12[%dma_wait3A_257, %dma_wait3A_258] : memref<320x128xf32, #tpu.memory_space<vmem>> -> memref<80x128xf32, #tpu.memory_space<vmem>>
      %dma_wait3A_260 = arith.constant 0 : i32
      %dma_wait3A_261 = tpu.memref_slice %arg13[%mul3A_47, %dma_wait3A_260] : memref<10240x128xf32, #tpu.memory_space<vmem_shared>> -> memref<80x128xf32, #tpu.memory_space<vmem_shared>>
      %dma_wait3A_262 = arith.constant 0 : i32
      %dma_wait3A_263 = tpu.memref_slice %arg13[%mul3A_47, %dma_wait3A_262] : memref<10240x128xf32, #tpu.memory_space<vmem_shared>> -> memref<80x128xf32, #tpu.memory_space<vmem_shared>>
      %dma_wait3A_264 = arith.constant 0 : i32
      %dma_wait3A_265 = arith.constant 0 : i32
      %dma_wait3A_266 = tpu.memref_slice %arg12[%dma_wait3A_264, %dma_wait3A_265] : memref<320x128xf32, #tpu.memory_space<vmem>> -> memref<80x128xf32, #tpu.memory_space<vmem>>
      tpu.wait_dma2 semaphore(%run_scoped3A : memref<!tpu.dma_semaphore, #tpu.memory_space<semaphore_mem>>) src(%dma_wait3A_266 : memref<80x128xf32, #tpu.memory_space<vmem>>) dst(%dma_wait3A_263 : memref<80x128xf32, #tpu.memory_space<vmem_shared>>)
      tpu.yield
    }) : () -> ()
    %mul3A_48 = arith.constant 8 : i32
    %mul3A_49 = arith.muli %arg1, %mul3A_48 : i32
    %add3A_50 = arith.constant 7 : i32
    %add3A_51 = arith.addi %mul3A_49, %add3A_50 : i32
    %mul3A_52 = arith.constant 80 : i32
    %mul3A_53 = arith.muli %add3A_51, %mul3A_52 : i32
    "tpu.region"() ({
      %run_scoped3A = tpu.sem_alloc : memref<!tpu.dma_semaphore, #tpu.memory_space<semaphore_mem>>
      %dma_start3A_247 = arith.constant 0 : i32
      %dma_start3A_248 = arith.constant 0 : i32
      %dma_start3A_249 = tpu.memref_slice %arg12[%dma_start3A_247, %dma_start3A_248] : memref<320x128xf32, #tpu.memory_space<vmem>> -> memref<80x128xf32, #tpu.memory_space<vmem>>
      %dma_start3A_250 = arith.constant 0 : i32
      %dma_start3A_251 = tpu.memref_slice %arg13[%mul3A_53, %dma_start3A_250] : memref<10240x128xf32, #tpu.memory_space<vmem_shared>> -> memref<80x128xf32, #tpu.memory_space<vmem_shared>>
      %dma_start3A_252 = arith.constant 0 : i32
      %dma_start3A_253 = tpu.memref_slice %arg13[%mul3A_53, %dma_start3A_252] : memref<10240x128xf32, #tpu.memory_space<vmem_shared>> -> memref<80x128xf32, #tpu.memory_space<vmem_shared>>
      %dma_start3A_254 = arith.constant 0 : i32
      %dma_start3A_255 = arith.constant 0 : i32
      %dma_start3A_256 = tpu.memref_slice %arg12[%dma_start3A_254, %dma_start3A_255] : memref<320x128xf32, #tpu.memory_space<vmem>> -> memref<80x128xf32, #tpu.memory_space<vmem>>
      tpu.enqueue_dma source(%dma_start3A_256 : memref<80x128xf32, #tpu.memory_space<vmem>>) target(%dma_start3A_253 : memref<80x128xf32, #tpu.memory_space<vmem_shared>>) target_semaphore(%run_scoped3A : memref<!tpu.dma_semaphore, #tpu.memory_space<semaphore_mem>>)
      %dma_wait3A_257 = arith.constant 0 : i32
      %dma_wait3A_258 = arith.constant 0 : i32
      %dma_wait3A_259 = tpu.memref_slice %arg12[%dma_wait3A_257, %dma_wait3A_258] : memref<320x128xf32, #tpu.memory_space<vmem>> -> memref<80x128xf32, #tpu.memory_space<vmem>>
      %dma_wait3A_260 = arith.constant 0 : i32
      %dma_wait3A_261 = tpu.memref_slice %arg13[%mul3A_53, %dma_wait3A_260] : memref<10240x128xf32, #tpu.memory_space<vmem_shared>> -> memref<80x128xf32, #tpu.memory_space<vmem_shared>>
      %dma_wait3A_262 = arith.constant 0 : i32
      %dma_wait3A_263 = tpu.memref_slice %arg13[%mul3A_53, %dma_wait3A_262] : memref<10240x128xf32, #tpu.memory_space<vmem_shared>> -> memref<80x128xf32, #tpu.memory_space<vmem_shared>>
      %dma_wait3A_264 = arith.constant 0 : i32
      %dma_wait3A_265 = arith.constant 0 : i32
      %dma_wait3A_266 = tpu.memref_slice %arg12[%dma_wait3A_264, %dma_wait3A_265] : memref<320x128xf32, #tpu.memory_space<vmem>> -> memref<80x128xf32, #tpu.memory_space<vmem>>
      tpu.wait_dma2 semaphore(%run_scoped3A : memref<!tpu.dma_semaphore, #tpu.memory_space<semaphore_mem>>) src(%dma_wait3A_266 : memref<80x128xf32, #tpu.memory_space<vmem>>) dst(%dma_wait3A_263 : memref<80x128xf32, #tpu.memory_space<vmem_shared>>)
      tpu.yield
    }) : () -> ()
    %barrier3A = arith.constant 0 : index
    tpu.barrier barrier_id(%barrier3A)
    %add3A_54 = arith.constant 0 : i32
    %add3A_55 = arith.addi %mul3A_2, %add3A_54 : i32
    %dma_start3A = arith.constant 0 : i32
    %dma_start3A_56 = arith.constant 0 : i32
    %dma_start3A_57 = arith.constant 0 : i32
    %dma_start3A_58 = tpu.memref_slice %arg8[%dma_start3A, %dma_start3A_57] : memref<4x80xi32, #tpu.memory_space<vmem>> -> memref<1x80xi32, #tpu.memory_space<vmem>>
    %dma_start3A_59 = tpu.memref_squeeze %dma_start3A_58 : memref<1x80xi32, #tpu.memory_space<vmem>> -> memref<80xi32, #tpu.memory_space<vmem>>
    %dma_start3A_60 = tpu.memref_slice %arg4[%add3A_55] : memref<320000xi32, #tpu.memory_space<hbm>> -> memref<80xi32, #tpu.memory_space<hbm>>
    %dma_start3A_61 = tpu.memref_slice %arg16[%dma_start3A_56] : memref<4x!tpu.dma_semaphore, #tpu.memory_space<semaphore_mem>> -> memref<1x!tpu.dma_semaphore, #tpu.memory_space<semaphore_mem>>
    %dma_start3A_62 = tpu.memref_squeeze %dma_start3A_61 : memref<1x!tpu.dma_semaphore, #tpu.memory_space<semaphore_mem>> -> memref<!tpu.dma_semaphore, #tpu.memory_space<semaphore_mem>>
    %dma_start3A_63 = arith.constant 0 : i32
    %dma_start3A_64 = tpu.memref_slice %arg8[%dma_start3A, %dma_start3A_63] : memref<4x80xi32, #tpu.memory_space<vmem>> -> memref<1x80xi32, #tpu.memory_space<vmem>>
    %dma_start3A_65 = tpu.memref_squeeze %dma_start3A_64 : memref<1x80xi32, #tpu.memory_space<vmem>> -> memref<80xi32, #tpu.memory_space<vmem>>
    %dma_start3A_66 = tpu.memref_slice %arg4[%add3A_55] : memref<320000xi32, #tpu.memory_space<hbm>> -> memref<80xi32, #tpu.memory_space<hbm>>
    tpu.enqueue_dma source(%dma_start3A_66 : memref<80xi32, #tpu.memory_space<hbm>>) target(%dma_start3A_65 : memref<80xi32, #tpu.memory_space<vmem>>) target_semaphore(%dma_start3A_62 : memref<!tpu.dma_semaphore, #tpu.memory_space<semaphore_mem>>)
    %dma_start3A_67 = arith.constant 0 : i32
    %dma_start3A_68 = arith.constant 0 : i32
    %dma_start3A_69 = arith.constant 0 : i32
    %dma_start3A_70 = tpu.memref_slice %arg9[%dma_start3A_67, %dma_start3A_69] : memref<4x80xi32, #tpu.memory_space<vmem>> -> memref<1x80xi32, #tpu.memory_space<vmem>>
    %dma_start3A_71 = tpu.memref_squeeze %dma_start3A_70 : memref<1x80xi32, #tpu.memory_space<vmem>> -> memref<80xi32, #tpu.memory_space<vmem>>
    %dma_start3A_72 = tpu.memref_slice %arg5[%add3A_55] : memref<320000xi32, #tpu.memory_space<hbm>> -> memref<80xi32, #tpu.memory_space<hbm>>
    %dma_start3A_73 = tpu.memref_slice %arg16[%dma_start3A_68] : memref<4x!tpu.dma_semaphore, #tpu.memory_space<semaphore_mem>> -> memref<1x!tpu.dma_semaphore, #tpu.memory_space<semaphore_mem>>
    %dma_start3A_74 = tpu.memref_squeeze %dma_start3A_73 : memref<1x!tpu.dma_semaphore, #tpu.memory_space<semaphore_mem>> -> memref<!tpu.dma_semaphore, #tpu.memory_space<semaphore_mem>>
    %dma_start3A_75 = arith.constant 0 : i32
    %dma_start3A_76 = tpu.memref_slice %arg9[%dma_start3A_67, %dma_start3A_75] : memref<4x80xi32, #tpu.memory_space<vmem>> -> memref<1x80xi32, #tpu.memory_space<vmem>>
    %dma_start3A_77 = tpu.memref_squeeze %dma_start3A_76 : memref<1x80xi32, #tpu.memory_space<vmem>> -> memref<80xi32, #tpu.memory_space<vmem>>
    %dma_start3A_78 = tpu.memref_slice %arg5[%add3A_55] : memref<320000xi32, #tpu.memory_space<hbm>> -> memref<80xi32, #tpu.memory_space<hbm>>
    tpu.enqueue_dma source(%dma_start3A_78 : memref<80xi32, #tpu.memory_space<hbm>>) target(%dma_start3A_77 : memref<80xi32, #tpu.memory_space<vmem>>) target_semaphore(%dma_start3A_74 : memref<!tpu.dma_semaphore, #tpu.memory_space<semaphore_mem>>)
    %dma_start3A_79 = arith.constant 0 : i32
    %dma_start3A_80 = arith.constant 0 : i32
    %dma_start3A_81 = arith.constant 0 : i32
    %dma_start3A_82 = tpu.memref_slice %arg10[%dma_start3A_79, %dma_start3A_81] : memref<4x80xi32, #tpu.memory_space<vmem>> -> memref<1x80xi32, #tpu.memory_space<vmem>>
    %dma_start3A_83 = tpu.memref_squeeze %dma_start3A_82 : memref<1x80xi32, #tpu.memory_space<vmem>> -> memref<80xi32, #tpu.memory_space<vmem>>
    %dma_start3A_84 = tpu.memref_slice %arg6[%add3A_55] : memref<320000xi32, #tpu.memory_space<hbm>> -> memref<80xi32, #tpu.memory_space<hbm>>
    %dma_start3A_85 = tpu.memref_slice %arg16[%dma_start3A_80] : memref<4x!tpu.dma_semaphore, #tpu.memory_space<semaphore_mem>> -> memref<1x!tpu.dma_semaphore, #tpu.memory_space<semaphore_mem>>
    %dma_start3A_86 = tpu.memref_squeeze %dma_start3A_85 : memref<1x!tpu.dma_semaphore, #tpu.memory_space<semaphore_mem>> -> memref<!tpu.dma_semaphore, #tpu.memory_space<semaphore_mem>>
    %dma_start3A_87 = arith.constant 0 : i32
    %dma_start3A_88 = tpu.memref_slice %arg10[%dma_start3A_79, %dma_start3A_87] : memref<4x80xi32, #tpu.memory_space<vmem>> -> memref<1x80xi32, #tpu.memory_space<vmem>>
    %dma_start3A_89 = tpu.memref_squeeze %dma_start3A_88 : memref<1x80xi32, #tpu.memory_space<vmem>> -> memref<80xi32, #tpu.memory_space<vmem>>
    %dma_start3A_90 = tpu.memref_slice %arg6[%add3A_55] : memref<320000xi32, #tpu.memory_space<hbm>> -> memref<80xi32, #tpu.memory_space<hbm>>
    tpu.enqueue_dma source(%dma_start3A_90 : memref<80xi32, #tpu.memory_space<hbm>>) target(%dma_start3A_89 : memref<80xi32, #tpu.memory_space<vmem>>) target_semaphore(%dma_start3A_86 : memref<!tpu.dma_semaphore, #tpu.memory_space<semaphore_mem>>)
    %add3A_91 = arith.constant 80 : i32
    %add3A_92 = arith.addi %mul3A_2, %add3A_91 : i32
    %dma_start3A_93 = arith.constant 1 : i32
    %dma_start3A_94 = arith.constant 1 : i32
    %dma_start3A_95 = arith.constant 0 : i32
    %dma_start3A_96 = tpu.memref_slice %arg8[%dma_start3A_93, %dma_start3A_95] : memref<4x80xi32, #tpu.memory_space<vmem>> -> memref<1x80xi32, #tpu.memory_space<vmem>>
    %dma_start3A_97 = tpu.memref_squeeze %dma_start3A_96 : memref<1x80xi32, #tpu.memory_space<vmem>> -> memref<80xi32, #tpu.memory_space<vmem>>
    %dma_start3A_98 = tpu.memref_slice %arg4[%add3A_92] : memref<320000xi32, #tpu.memory_space<hbm>> -> memref<80xi32, #tpu.memory_space<hbm>>
    %dma_start3A_99 = tpu.memref_slice %arg16[%dma_start3A_94] : memref<4x!tpu.dma_semaphore, #tpu.memory_space<semaphore_mem>> -> memref<1x!tpu.dma_semaphore, #tpu.memory_space<semaphore_mem>>
    %dma_start3A_100 = tpu.memref_squeeze %dma_start3A_99 : memref<1x!tpu.dma_semaphore, #tpu.memory_space<semaphore_mem>> -> memref<!tpu.dma_semaphore, #tpu.memory_space<semaphore_mem>>
    %dma_start3A_101 = arith.constant 0 : i32
    %dma_start3A_102 = tpu.memref_slice %arg8[%dma_start3A_93, %dma_start3A_101] : memref<4x80xi32, #tpu.memory_space<vmem>> -> memref<1x80xi32, #tpu.memory_space<vmem>>
    %dma_start3A_103 = tpu.memref_squeeze %dma_start3A_102 : memref<1x80xi32, #tpu.memory_space<vmem>> -> memref<80xi32, #tpu.memory_space<vmem>>
    %dma_start3A_104 = tpu.memref_slice %arg4[%add3A_92] : memref<320000xi32, #tpu.memory_space<hbm>> -> memref<80xi32, #tpu.memory_space<hbm>>
    tpu.enqueue_dma source(%dma_start3A_104 : memref<80xi32, #tpu.memory_space<hbm>>) target(%dma_start3A_103 : memref<80xi32, #tpu.memory_space<vmem>>) target_semaphore(%dma_start3A_100 : memref<!tpu.dma_semaphore, #tpu.memory_space<semaphore_mem>>)
    %dma_start3A_105 = arith.constant 1 : i32
    %dma_start3A_106 = arith.constant 1 : i32
    %dma_start3A_107 = arith.constant 0 : i32
    %dma_start3A_108 = tpu.memref_slice %arg9[%dma_start3A_105, %dma_start3A_107] : memref<4x80xi32, #tpu.memory_space<vmem>> -> memref<1x80xi32, #tpu.memory_space<vmem>>
    %dma_start3A_109 = tpu.memref_squeeze %dma_start3A_108 : memref<1x80xi32, #tpu.memory_space<vmem>> -> memref<80xi32, #tpu.memory_space<vmem>>
    %dma_start3A_110 = tpu.memref_slice %arg5[%add3A_92] : memref<320000xi32, #tpu.memory_space<hbm>> -> memref<80xi32, #tpu.memory_space<hbm>>
    %dma_start3A_111 = tpu.memref_slice %arg16[%dma_start3A_106] : memref<4x!tpu.dma_semaphore, #tpu.memory_space<semaphore_mem>> -> memref<1x!tpu.dma_semaphore, #tpu.memory_space<semaphore_mem>>
    %dma_start3A_112 = tpu.memref_squeeze %dma_start3A_111 : memref<1x!tpu.dma_semaphore, #tpu.memory_space<semaphore_mem>> -> memref<!tpu.dma_semaphore, #tpu.memory_space<semaphore_mem>>
    %dma_start3A_113 = arith.constant 0 : i32
    %dma_start3A_114 = tpu.memref_slice %arg9[%dma_start3A_105, %dma_start3A_113] : memref<4x80xi32, #tpu.memory_space<vmem>> -> memref<1x80xi32, #tpu.memory_space<vmem>>
    %dma_start3A_115 = tpu.memref_squeeze %dma_start3A_114 : memref<1x80xi32, #tpu.memory_space<vmem>> -> memref<80xi32, #tpu.memory_space<vmem>>
    %dma_start3A_116 = tpu.memref_slice %arg5[%add3A_92] : memref<320000xi32, #tpu.memory_space<hbm>> -> memref<80xi32, #tpu.memory_space<hbm>>
    tpu.enqueue_dma source(%dma_start3A_116 : memref<80xi32, #tpu.memory_space<hbm>>) target(%dma_start3A_115 : memref<80xi32, #tpu.memory_space<vmem>>) target_semaphore(%dma_start3A_112 : memref<!tpu.dma_semaphore, #tpu.memory_space<semaphore_mem>>)
    %dma_start3A_117 = arith.constant 1 : i32
    %dma_start3A_118 = arith.constant 1 : i32
    %dma_start3A_119 = arith.constant 0 : i32
    %dma_start3A_120 = tpu.memref_slice %arg10[%dma_start3A_117, %dma_start3A_119] : memref<4x80xi32, #tpu.memory_space<vmem>> -> memref<1x80xi32, #tpu.memory_space<vmem>>
    %dma_start3A_121 = tpu.memref_squeeze %dma_start3A_120 : memref<1x80xi32, #tpu.memory_space<vmem>> -> memref<80xi32, #tpu.memory_space<vmem>>
    %dma_start3A_122 = tpu.memref_slice %arg6[%add3A_92] : memref<320000xi32, #tpu.memory_space<hbm>> -> memref<80xi32, #tpu.memory_space<hbm>>
    %dma_start3A_123 = tpu.memref_slice %arg16[%dma_start3A_118] : memref<4x!tpu.dma_semaphore, #tpu.memory_space<semaphore_mem>> -> memref<1x!tpu.dma_semaphore, #tpu.memory_space<semaphore_mem>>
    %dma_start3A_124 = tpu.memref_squeeze %dma_start3A_123 : memref<1x!tpu.dma_semaphore, #tpu.memory_space<semaphore_mem>> -> memref<!tpu.dma_semaphore, #tpu.memory_space<semaphore_mem>>
    %dma_start3A_125 = arith.constant 0 : i32
    %dma_start3A_126 = tpu.memref_slice %arg10[%dma_start3A_117, %dma_start3A_125] : memref<4x80xi32, #tpu.memory_space<vmem>> -> memref<1x80xi32, #tpu.memory_space<vmem>>
    %dma_start3A_127 = tpu.memref_squeeze %dma_start3A_126 : memref<1x80xi32, #tpu.memory_space<vmem>> -> memref<80xi32, #tpu.memory_space<vmem>>
    %dma_start3A_128 = tpu.memref_slice %arg6[%add3A_92] : memref<320000xi32, #tpu.memory_space<hbm>> -> memref<80xi32, #tpu.memory_space<hbm>>
    tpu.enqueue_dma source(%dma_start3A_128 : memref<80xi32, #tpu.memory_space<hbm>>) target(%dma_start3A_127 : memref<80xi32, #tpu.memory_space<vmem>>) target_semaphore(%dma_start3A_124 : memref<!tpu.dma_semaphore, #tpu.memory_space<semaphore_mem>>)
    %dma_wait3A = arith.constant 0 : i32
    %dma_wait3A_129 = arith.constant 0 : i32
    %dma_wait3A_130 = arith.constant 0 : i32
    %dma_wait3A_131 = tpu.memref_slice %arg8[%dma_wait3A, %dma_wait3A_130] : memref<4x80xi32, #tpu.memory_space<vmem>> -> memref<1x80xi32, #tpu.memory_space<vmem>>
    %dma_wait3A_132 = tpu.memref_squeeze %dma_wait3A_131 : memref<1x80xi32, #tpu.memory_space<vmem>> -> memref<80xi32, #tpu.memory_space<vmem>>
    %dma_wait3A_133 = arith.constant 0 : i32
    %dma_wait3A_134 = tpu.memref_slice %arg4[%dma_wait3A_133] : memref<320000xi32, #tpu.memory_space<hbm>> -> memref<80xi32, #tpu.memory_space<hbm>>
    %dma_wait3A_135 = tpu.memref_slice %arg16[%dma_wait3A_129] : memref<4x!tpu.dma_semaphore, #tpu.memory_space<semaphore_mem>> -> memref<1x!tpu.dma_semaphore, #tpu.memory_space<semaphore_mem>>
    %dma_wait3A_136 = tpu.memref_squeeze %dma_wait3A_135 : memref<1x!tpu.dma_semaphore, #tpu.memory_space<semaphore_mem>> -> memref<!tpu.dma_semaphore, #tpu.memory_space<semaphore_mem>>
    %dma_wait3A_137 = arith.constant 0 : i32
    %dma_wait3A_138 = tpu.memref_slice %arg8[%dma_wait3A, %dma_wait3A_137] : memref<4x80xi32, #tpu.memory_space<vmem>> -> memref<1x80xi32, #tpu.memory_space<vmem>>
    %dma_wait3A_139 = tpu.memref_squeeze %dma_wait3A_138 : memref<1x80xi32, #tpu.memory_space<vmem>> -> memref<80xi32, #tpu.memory_space<vmem>>
    %dma_wait3A_140 = arith.constant 0 : i32
    %dma_wait3A_141 = tpu.memref_slice %arg4[%dma_wait3A_140] : memref<320000xi32, #tpu.memory_space<hbm>> -> memref<80xi32, #tpu.memory_space<hbm>>
    tpu.wait_dma2 semaphore(%dma_wait3A_136 : memref<!tpu.dma_semaphore, #tpu.memory_space<semaphore_mem>>) src(%dma_wait3A_141 : memref<80xi32, #tpu.memory_space<hbm>>) dst(%dma_wait3A_139 : memref<80xi32, #tpu.memory_space<vmem>>)
    %dma_wait3A_142 = arith.constant 0 : i32
    %dma_wait3A_143 = arith.constant 0 : i32
    %dma_wait3A_144 = arith.constant 0 : i32
    %dma_wait3A_145 = tpu.memref_slice %arg8[%dma_wait3A_142, %dma_wait3A_144] : memref<4x80xi32, #tpu.memory_space<vmem>> -> memref<1x80xi32, #tpu.memory_space<vmem>>
    %dma_wait3A_146 = tpu.memref_squeeze %dma_wait3A_145 : memref<1x80xi32, #tpu.memory_space<vmem>> -> memref<80xi32, #tpu.memory_space<vmem>>
    %dma_wait3A_147 = arith.constant 0 : i32
    %dma_wait3A_148 = tpu.memref_slice %arg4[%dma_wait3A_147] : memref<320000xi32, #tpu.memory_space<hbm>> -> memref<80xi32, #tpu.memory_space<hbm>>
    %dma_wait3A_149 = tpu.memref_slice %arg16[%dma_wait3A_143] : memref<4x!tpu.dma_semaphore, #tpu.memory_space<semaphore_mem>> -> memref<1x!tpu.dma_semaphore, #tpu.memory_space<semaphore_mem>>
    %dma_wait3A_150 = tpu.memref_squeeze %dma_wait3A_149 : memref<1x!tpu.dma_semaphore, #tpu.memory_space<semaphore_mem>> -> memref<!tpu.dma_semaphore, #tpu.memory_space<semaphore_mem>>
    %dma_wait3A_151 = arith.constant 0 : i32
    %dma_wait3A_152 = tpu.memref_slice %arg8[%dma_wait3A_142, %dma_wait3A_151] : memref<4x80xi32, #tpu.memory_space<vmem>> -> memref<1x80xi32, #tpu.memory_space<vmem>>
    %dma_wait3A_153 = tpu.memref_squeeze %dma_wait3A_152 : memref<1x80xi32, #tpu.memory_space<vmem>> -> memref<80xi32, #tpu.memory_space<vmem>>
    %dma_wait3A_154 = arith.constant 0 : i32
    %dma_wait3A_155 = tpu.memref_slice %arg4[%dma_wait3A_154] : memref<320000xi32, #tpu.memory_space<hbm>> -> memref<80xi32, #tpu.memory_space<hbm>>
    tpu.wait_dma2 semaphore(%dma_wait3A_150 : memref<!tpu.dma_semaphore, #tpu.memory_space<semaphore_mem>>) src(%dma_wait3A_155 : memref<80xi32, #tpu.memory_space<hbm>>) dst(%dma_wait3A_153 : memref<80xi32, #tpu.memory_space<vmem>>)
    %dma_wait3A_156 = arith.constant 0 : i32
    %dma_wait3A_157 = arith.constant 0 : i32
    %dma_wait3A_158 = arith.constant 0 : i32
    %dma_wait3A_159 = tpu.memref_slice %arg8[%dma_wait3A_156, %dma_wait3A_158] : memref<4x80xi32, #tpu.memory_space<vmem>> -> memref<1x80xi32, #tpu.memory_space<vmem>>
    %dma_wait3A_160 = tpu.memref_squeeze %dma_wait3A_159 : memref<1x80xi32, #tpu.memory_space<vmem>> -> memref<80xi32, #tpu.memory_space<vmem>>
    %dma_wait3A_161 = arith.constant 0 : i32
    %dma_wait3A_162 = tpu.memref_slice %arg4[%dma_wait3A_161] : memref<320000xi32, #tpu.memory_space<hbm>> -> memref<80xi32, #tpu.memory_space<hbm>>
    %dma_wait3A_163 = tpu.memref_slice %arg16[%dma_wait3A_157] : memref<4x!tpu.dma_semaphore, #tpu.memory_space<semaphore_mem>> -> memref<1x!tpu.dma_semaphore, #tpu.memory_space<semaphore_mem>>
    %dma_wait3A_164 = tpu.memref_squeeze %dma_wait3A_163 : memref<1x!tpu.dma_semaphore, #tpu.memory_space<semaphore_mem>> -> memref<!tpu.dma_semaphore, #tpu.memory_space<semaphore_mem>>
    %dma_wait3A_165 = arith.constant 0 : i32
    %dma_wait3A_166 = tpu.memref_slice %arg8[%dma_wait3A_156, %dma_wait3A_165] : memref<4x80xi32, #tpu.memory_space<vmem>> -> memref<1x80xi32, #tpu.memory_space<vmem>>
    %dma_wait3A_167 = tpu.memref_squeeze %dma_wait3A_166 : memref<1x80xi32, #tpu.memory_space<vmem>> -> memref<80xi32, #tpu.memory_space<vmem>>
    %dma_wait3A_168 = arith.constant 0 : i32
    %dma_wait3A_169 = tpu.memref_slice %arg4[%dma_wait3A_168] : memref<320000xi32, #tpu.memory_space<hbm>> -> memref<80xi32, #tpu.memory_space<hbm>>
    tpu.wait_dma2 semaphore(%dma_wait3A_164 : memref<!tpu.dma_semaphore, #tpu.memory_space<semaphore_mem>>) src(%dma_wait3A_169 : memref<80xi32, #tpu.memory_space<hbm>>) dst(%dma_wait3A_167 : memref<80xi32, #tpu.memory_space<vmem>>)
    %multiple_of3A = arith.constant 0 : i32
    %multiple_of3A_170 = tpu.assume_multiple %multiple_of3A, 80 : i32
    %dma_start3A_171 = arith.constant 0 : i32
    %dma_start3A_172 = arith.constant 0 : i32
    %dma_start3A_173 = arith.constant 0 : i32
    %dma_start3A_174 = tpu.memref_slice %arg12[%multiple_of3A_170, %dma_start3A_173] : memref<320x128xf32, #tpu.memory_space<vmem>> -> memref<80x128xf32, #tpu.memory_space<vmem>>
    %dma_start3A_175 = arith.constant 0 : i32
    %dma_start3A_176 = tpu.memref_slice %arg8[%dma_start3A_171, %dma_start3A_175] : memref<4x80xi32, #tpu.memory_space<vmem>> -> memref<1x80xi32, #tpu.memory_space<vmem>>
    %dma_start3A_177 = tpu.memref_squeeze %dma_start3A_176 : memref<1x80xi32, #tpu.memory_space<vmem>> -> memref<80xi32, #tpu.memory_space<vmem>>
    %dma_start3A_178 = arith.constant 0 : i32
    %dma_start3A_179 = arith.constant 0 : i32
    %dma_start3A_180 = tpu.memref_slice %arg2[%dma_start3A_178, %dma_start3A_179] : memref<10000x128xf32, #tpu.memory_space<hbm>> -> memref<10000x128xf32, #tpu.memory_space<hbm>>
    %dma_start3A_181 = tpu.memref_slice %arg14[%dma_start3A_172] : memref<4x!tpu.dma_semaphore, #tpu.memory_space<semaphore_mem>> -> memref<1x!tpu.dma_semaphore, #tpu.memory_space<semaphore_mem>>
    %dma_start3A_182 = tpu.memref_squeeze %dma_start3A_181 : memref<1x!tpu.dma_semaphore, #tpu.memory_space<semaphore_mem>> -> memref<!tpu.dma_semaphore, #tpu.memory_space<semaphore_mem>>
    tpu.enqueue_indirect_dma source(%dma_start3A_180 : memref<10000x128xf32, #tpu.memory_space<hbm>>) target(%dma_start3A_174 : memref<80x128xf32, #tpu.memory_space<vmem>>) offsets(%dma_start3A_177 : memref<80xi32, #tpu.memory_space<vmem>>) semaphore(%dma_start3A_182 : memref<!tpu.dma_semaphore, #tpu.memory_space<semaphore_mem>>)
    %scan3A = arith.constant 0 : i32
    %scan3A_183 = arith.constant 0 : i32
    %scan3A_184 = arith.constant 125 : i32
    %scan3A_185 = arith.addi %scan3A_183, %scan3A_184 : i32
    %scan3A_186 = arith.constant 1 : i32
    scf.for %scan3A_247 = %scan3A_183 to %scan3A_185 step %scan3A_186  : i32 {
      %rem3A = arith.constant 4 : i32
      %rem3A_248 = arith.remsi %scan3A_247, %rem3A : i32
      %add3A_249 = arith.constant 1 : i32
      %add3A_250 = arith.addi %scan3A_247, %add3A_249 : i32
      %rem3A_251 = arith.constant 4 : i32
      %rem3A_252 = arith.remsi %add3A_250, %rem3A_251 : i32
      %add3A_253 = arith.constant 2 : i32
      %add3A_254 = arith.addi %scan3A_247, %add3A_253 : i32
      %rem3A_255 = arith.constant 4 : i32
      %rem3A_256 = arith.remsi %add3A_254, %rem3A_255 : i32
      %mul3A_257 = arith.constant 80 : i32
      %mul3A_258 = arith.muli %rem3A_248, %mul3A_257 : i32
      %multiple_of3A_259 = tpu.assume_multiple %mul3A_258, 80 : i32
      %dma_wait3A_260 = arith.constant 0 : i32
      %dma_wait3A_261 = tpu.memref_slice %arg12[%multiple_of3A_259, %dma_wait3A_260] : memref<320x128xf32, #tpu.memory_space<vmem>> -> memref<80x128xf32, #tpu.memory_space<vmem>>
      %dma_wait3A_262 = arith.constant 0 : i32
      %dma_wait3A_263 = tpu.memref_slice %arg8[%rem3A_248, %dma_wait3A_262] : memref<4x80xi32, #tpu.memory_space<vmem>> -> memref<1x80xi32, #tpu.memory_space<vmem>>
      %dma_wait3A_264 = tpu.memref_squeeze %dma_wait3A_263 : memref<1x80xi32, #tpu.memory_space<vmem>> -> memref<80xi32, #tpu.memory_space<vmem>>
      %dma_wait3A_265 = arith.constant 0 : i32
      %dma_wait3A_266 = arith.constant 0 : i32
      %dma_wait3A_267 = tpu.memref_slice %arg2[%dma_wait3A_265, %dma_wait3A_266] : memref<10000x128xf32, #tpu.memory_space<hbm>> -> memref<10000x128xf32, #tpu.memory_space<hbm>>
      %dma_wait3A_268 = tpu.memref_slice %arg14[%rem3A_248] : memref<4x!tpu.dma_semaphore, #tpu.memory_space<semaphore_mem>> -> memref<1x!tpu.dma_semaphore, #tpu.memory_space<semaphore_mem>>
      %dma_wait3A_269 = tpu.memref_squeeze %dma_wait3A_268 : memref<1x!tpu.dma_semaphore, #tpu.memory_space<semaphore_mem>> -> memref<!tpu.dma_semaphore, #tpu.memory_space<semaphore_mem>>
      tpu.wait_indirect_dma semaphore(%dma_wait3A_269 : memref<!tpu.dma_semaphore, #tpu.memory_space<semaphore_mem>>) src(%dma_wait3A_267 : memref<10000x128xf32, #tpu.memory_space<hbm>>) dst(%dma_wait3A_261 : memref<80x128xf32, #tpu.memory_space<vmem>>)
      %add3A_270 = arith.constant 1 : i32
      %add3A_271 = arith.addi %scan3A_247, %add3A_270 : i32
      %lt3A = arith.constant 125 : i32
      %lt3A_272 = arith.cmpi slt, %add3A_271, %lt3A : i32
      %convert_element_type3A = arith.extui %lt3A_272 : i1 to i32
      %cond3A = arith.constant 0 : i32
      %cond3A_273 = arith.cmpi ne, %convert_element_type3A, %cond3A : i32
      scf.if %cond3A_273 {
        %dma_wait3A_303 = arith.constant 0 : i32
        %dma_wait3A_304 = tpu.memref_slice %arg8[%rem3A_252, %dma_wait3A_303] : memref<4x80xi32, #tpu.memory_space<vmem>> -> memref<1x80xi32, #tpu.memory_space<vmem>>
        %dma_wait3A_305 = tpu.memref_squeeze %dma_wait3A_304 : memref<1x80xi32, #tpu.memory_space<vmem>> -> memref<80xi32, #tpu.memory_space<vmem>>
        %dma_wait3A_306 = arith.constant 0 : i32
        %dma_wait3A_307 = tpu.memref_slice %arg4[%dma_wait3A_306] : memref<320000xi32, #tpu.memory_space<hbm>> -> memref<80xi32, #tpu.memory_space<hbm>>
        %dma_wait3A_308 = tpu.memref_slice %arg16[%rem3A_252] : memref<4x!tpu.dma_semaphore, #tpu.memory_space<semaphore_mem>> -> memref<1x!tpu.dma_semaphore, #tpu.memory_space<semaphore_mem>>
        %dma_wait3A_309 = tpu.memref_squeeze %dma_wait3A_308 : memref<1x!tpu.dma_semaphore, #tpu.memory_space<semaphore_mem>> -> memref<!tpu.dma_semaphore, #tpu.memory_space<semaphore_mem>>
        %dma_wait3A_310 = arith.constant 0 : i32
        %dma_wait3A_311 = tpu.memref_slice %arg8[%rem3A_252, %dma_wait3A_310] : memref<4x80xi32, #tpu.memory_space<vmem>> -> memref<1x80xi32, #tpu.memory_space<vmem>>
        %dma_wait3A_312 = tpu.memref_squeeze %dma_wait3A_311 : memref<1x80xi32, #tpu.memory_space<vmem>> -> memref<80xi32, #tpu.memory_space<vmem>>
        %dma_wait3A_313 = arith.constant 0 : i32
        %dma_wait3A_314 = tpu.memref_slice %arg4[%dma_wait3A_313] : memref<320000xi32, #tpu.memory_space<hbm>> -> memref<80xi32, #tpu.memory_space<hbm>>
        tpu.wait_dma2 semaphore(%dma_wait3A_309 : memref<!tpu.dma_semaphore, #tpu.memory_space<semaphore_mem>>) src(%dma_wait3A_314 : memref<80xi32, #tpu.memory_space<hbm>>) dst(%dma_wait3A_312 : memref<80xi32, #tpu.memory_space<vmem>>)
        %dma_wait3A_315 = arith.constant 0 : i32
        %dma_wait3A_316 = tpu.memref_slice %arg8[%rem3A_252, %dma_wait3A_315] : memref<4x80xi32, #tpu.memory_space<vmem>> -> memref<1x80xi32, #tpu.memory_space<vmem>>
        %dma_wait3A_317 = tpu.memref_squeeze %dma_wait3A_316 : memref<1x80xi32, #tpu.memory_space<vmem>> -> memref<80xi32, #tpu.memory_space<vmem>>
        %dma_wait3A_318 = arith.constant 0 : i32
        %dma_wait3A_319 = tpu.memref_slice %arg4[%dma_wait3A_318] : memref<320000xi32, #tpu.memory_space<hbm>> -> memref<80xi32, #tpu.memory_space<hbm>>
        %dma_wait3A_320 = tpu.memref_slice %arg16[%rem3A_252] : memref<4x!tpu.dma_semaphore, #tpu.memory_space<semaphore_mem>> -> memref<1x!tpu.dma_semaphore, #tpu.memory_space<semaphore_mem>>
        %dma_wait3A_321 = tpu.memref_squeeze %dma_wait3A_320 : memref<1x!tpu.dma_semaphore, #tpu.memory_space<semaphore_mem>> -> memref<!tpu.dma_semaphore, #tpu.memory_space<semaphore_mem>>
        %dma_wait3A_322 = arith.constant 0 : i32
        %dma_wait3A_323 = tpu.memref_slice %arg8[%rem3A_252, %dma_wait3A_322] : memref<4x80xi32, #tpu.memory_space<vmem>> -> memref<1x80xi32, #tpu.memory_space<vmem>>
        %dma_wait3A_324 = tpu.memref_squeeze %dma_wait3A_323 : memref<1x80xi32, #tpu.memory_space<vmem>> -> memref<80xi32, #tpu.memory_space<vmem>>
        %dma_wait3A_325 = arith.constant 0 : i32
        %dma_wait3A_326 = tpu.memref_slice %arg4[%dma_wait3A_325] : memref<320000xi32, #tpu.memory_space<hbm>> -> memref<80xi32, #tpu.memory_space<hbm>>
        tpu.wait_dma2 semaphore(%dma_wait3A_321 : memref<!tpu.dma_semaphore, #tpu.memory_space<semaphore_mem>>) src(%dma_wait3A_326 : memref<80xi32, #tpu.memory_space<hbm>>) dst(%dma_wait3A_324 : memref<80xi32, #tpu.memory_space<vmem>>)
        %dma_wait3A_327 = arith.constant 0 : i32
        %dma_wait3A_328 = tpu.memref_slice %arg8[%rem3A_252, %dma_wait3A_327] : memref<4x80xi32, #tpu.memory_space<vmem>> -> memref<1x80xi32, #tpu.memory_space<vmem>>
        %dma_wait3A_329 = tpu.memref_squeeze %dma_wait3A_328 : memref<1x80xi32, #tpu.memory_space<vmem>> -> memref<80xi32, #tpu.memory_space<vmem>>
        %dma_wait3A_330 = arith.constant 0 : i32
        %dma_wait3A_331 = tpu.memref_slice %arg4[%dma_wait3A_330] : memref<320000xi32, #tpu.memory_space<hbm>> -> memref<80xi32, #tpu.memory_space<hbm>>
        %dma_wait3A_332 = tpu.memref_slice %arg16[%rem3A_252] : memref<4x!tpu.dma_semaphore, #tpu.memory_space<semaphore_mem>> -> memref<1x!tpu.dma_semaphore, #tpu.memory_space<semaphore_mem>>
        %dma_wait3A_333 = tpu.memref_squeeze %dma_wait3A_332 : memref<1x!tpu.dma_semaphore, #tpu.memory_space<semaphore_mem>> -> memref<!tpu.dma_semaphore, #tpu.memory_space<semaphore_mem>>
        %dma_wait3A_334 = arith.constant 0 : i32
        %dma_wait3A_335 = tpu.memref_slice %arg8[%rem3A_252, %dma_wait3A_334] : memref<4x80xi32, #tpu.memory_space<vmem>> -> memref<1x80xi32, #tpu.memory_space<vmem>>
        %dma_wait3A_336 = tpu.memref_squeeze %dma_wait3A_335 : memref<1x80xi32, #tpu.memory_space<vmem>> -> memref<80xi32, #tpu.memory_space<vmem>>
        %dma_wait3A_337 = arith.constant 0 : i32
        %dma_wait3A_338 = tpu.memref_slice %arg4[%dma_wait3A_337] : memref<320000xi32, #tpu.memory_space<hbm>> -> memref<80xi32, #tpu.memory_space<hbm>>
        tpu.wait_dma2 semaphore(%dma_wait3A_333 : memref<!tpu.dma_semaphore, #tpu.memory_space<semaphore_mem>>) src(%dma_wait3A_338 : memref<80xi32, #tpu.memory_space<hbm>>) dst(%dma_wait3A_336 : memref<80xi32, #tpu.memory_space<vmem>>)
        %mul3A_339 = arith.constant 80 : i32
        %mul3A_340 = arith.muli %rem3A_252, %mul3A_339 : i32
        %multiple_of3A_341 = tpu.assume_multiple %mul3A_340, 80 : i32
        %dma_start3A_342 = arith.constant 0 : i32
        %dma_start3A_343 = tpu.memref_slice %arg12[%multiple_of3A_341, %dma_start3A_342] : memref<320x128xf32, #tpu.memory_space<vmem>> -> memref<80x128xf32, #tpu.memory_space<vmem>>
        %dma_start3A_344 = arith.constant 0 : i32
        %dma_start3A_345 = tpu.memref_slice %arg8[%rem3A_252, %dma_start3A_344] : memref<4x80xi32, #tpu.memory_space<vmem>> -> memref<1x80xi32, #tpu.memory_space<vmem>>
        %dma_start3A_346 = tpu.memref_squeeze %dma_start3A_345 : memref<1x80xi32, #tpu.memory_space<vmem>> -> memref<80xi32, #tpu.memory_space<vmem>>
        %dma_start3A_347 = arith.constant 0 : i32
        %dma_start3A_348 = arith.constant 0 : i32
        %dma_start3A_349 = tpu.memref_slice %arg2[%dma_start3A_347, %dma_start3A_348] : memref<10000x128xf32, #tpu.memory_space<hbm>> -> memref<10000x128xf32, #tpu.memory_space<hbm>>
        %dma_start3A_350 = tpu.memref_slice %arg14[%rem3A_252] : memref<4x!tpu.dma_semaphore, #tpu.memory_space<semaphore_mem>> -> memref<1x!tpu.dma_semaphore, #tpu.memory_space<semaphore_mem>>
        %dma_start3A_351 = tpu.memref_squeeze %dma_start3A_350 : memref<1x!tpu.dma_semaphore, #tpu.memory_space<semaphore_mem>> -> memref<!tpu.dma_semaphore, #tpu.memory_space<semaphore_mem>>
        tpu.enqueue_indirect_dma source(%dma_start3A_349 : memref<10000x128xf32, #tpu.memory_space<hbm>>) target(%dma_start3A_343 : memref<80x128xf32, #tpu.memory_space<vmem>>) offsets(%dma_start3A_346 : memref<80xi32, #tpu.memory_space<vmem>>) semaphore(%dma_start3A_351 : memref<!tpu.dma_semaphore, #tpu.memory_space<semaphore_mem>>)
      } else {
      }
      %mul3A_274 = arith.constant 80 : i32
      %mul3A_275 = arith.muli %rem3A_248, %mul3A_274 : i32
      %parallel_loop3A_276 = arith.constant 0 : i32
      %parallel_loop3A_277 = arith.constant 5 : i32
      %parallel_loop3A_278 = arith.constant 1 : i32
      scf.for %parallel_loop3A_303 = %parallel_loop3A_276 to %parallel_loop3A_277 step %parallel_loop3A_278  : i32 {
        %parallel_loop3A_304 = arith.constant 16 : i32
        %parallel_loop3A_305 = arith.muli %parallel_loop3A_303, %parallel_loop3A_304 : i32
        %parallel_loop3A_306 = arith.index_cast %rem3A_248 : i32 to index
        %parallel_loop3A_307 = arith.index_cast %parallel_loop3A_305 : i32 to index
        %parallel_loop3A_308 = tpu.vector_load %arg10[%parallel_loop3A_306, %parallel_loop3A_307] {strides = array<i32>} : memref<4x80xi32, #tpu.memory_space<vmem>>, vector<1x16xi32>,
        %parallel_loop3A_309 = vector.shape_cast %parallel_loop3A_308 : vector<1x16xi32> to vector<16xi32>
        %parallel_loop3A_310 = vector.extract_strided_slice %parallel_loop3A_309 {offsets = [0], sizes = [1], strides = [1]} : vector<16xi32> to vector<1xi32>
        %parallel_loop3A_311 = vector.extract %parallel_loop3A_310[0] : i32 from vector<1xi32>
        %parallel_loop3A_312 = vector.extract_strided_slice %parallel_loop3A_309 {offsets = [1], sizes = [1], strides = [1]} : vector<16xi32> to vector<1xi32>
        %parallel_loop3A_313 = vector.extract %parallel_loop3A_312[0] : i32 from vector<1xi32>
        %parallel_loop3A_314 = vector.extract_strided_slice %parallel_loop3A_309 {offsets = [2], sizes = [1], strides = [1]} : vector<16xi32> to vector<1xi32>
        %parallel_loop3A_315 = vector.extract %parallel_loop3A_314[0] : i32 from vector<1xi32>
        %parallel_loop3A_316 = vector.extract_strided_slice %parallel_loop3A_309 {offsets = [3], sizes = [1], strides = [1]} : vector<16xi32> to vector<1xi32>
        %parallel_loop3A_317 = vector.extract %parallel_loop3A_316[0] : i32 from vector<1xi32>
        %parallel_loop3A_318 = vector.extract_strided_slice %parallel_loop3A_309 {offsets = [4], sizes = [1], strides = [1]} : vector<16xi32> to vector<1xi32>
        %parallel_loop3A_319 = vector.extract %parallel_loop3A_318[0] : i32 from vector<1xi32>
        %parallel_loop3A_320 = vector.extract_strided_slice %parallel_loop3A_309 {offsets = [5], sizes = [1], strides = [1]} : vector<16xi32> to vector<1xi32>
        %parallel_loop3A_321 = vector.extract %parallel_loop3A_320[0] : i32 from vector<1xi32>
        %parallel_loop3A_322 = vector.extract_strided_slice %parallel_loop3A_309 {offsets = [6], sizes = [1], strides = [1]} : vector<16xi32> to vector<1xi32>
        %parallel_loop3A_323 = vector.extract %parallel_loop3A_322[0] : i32 from vector<1xi32>
        %parallel_loop3A_324 = vector.extract_strided_slice %parallel_loop3A_309 {offsets = [7], sizes = [1], strides = [1]} : vector<16xi32> to vector<1xi32>
        %parallel_loop3A_325 = vector.extract %parallel_loop3A_324[0] : i32 from vector<1xi32>
        %parallel_loop3A_326 = vector.extract_strided_slice %parallel_loop3A_309 {offsets = [8], sizes = [1], strides = [1]} : vector<16xi32> to vector<1xi32>
        %parallel_loop3A_327 = vector.extract %parallel_loop3A_326[0] : i32 from vector<1xi32>
        %parallel_loop3A_328 = vector.extract_strided_slice %parallel_loop3A_309 {offsets = [9], sizes = [1], strides = [1]} : vector<16xi32> to vector<1xi32>
        %parallel_loop3A_329 = vector.extract %parallel_loop3A_328[0] : i32 from vector<1xi32>
        %parallel_loop3A_330 = vector.extract_strided_slice %parallel_loop3A_309 {offsets = [10], sizes = [1], strides = [1]} : vector<16xi32> to vector<1xi32>
        %parallel_loop3A_331 = vector.extract %parallel_loop3A_330[0] : i32 from vector<1xi32>
        %parallel_loop3A_332 = vector.extract_strided_slice %parallel_loop3A_309 {offsets = [11], sizes = [1], strides = [1]} : vector<16xi32> to vector<1xi32>
        %parallel_loop3A_333 = vector.extract %parallel_loop3A_332[0] : i32 from vector<1xi32>
        %parallel_loop3A_334 = vector.extract_strided_slice %parallel_loop3A_309 {offsets = [12], sizes = [1], strides = [1]} : vector<16xi32> to vector<1xi32>
        %parallel_loop3A_335 = vector.extract %parallel_loop3A_334[0] : i32 from vector<1xi32>
        %parallel_loop3A_336 = vector.extract_strided_slice %parallel_loop3A_309 {offsets = [13], sizes = [1], strides = [1]} : vector<16xi32> to vector<1xi32>
        %parallel_loop3A_337 = vector.extract %parallel_loop3A_336[0] : i32 from vector<1xi32>
        %parallel_loop3A_338 = vector.extract_strided_slice %parallel_loop3A_309 {offsets = [14], sizes = [1], strides = [1]} : vector<16xi32> to vector<1xi32>
        %parallel_loop3A_339 = vector.extract %parallel_loop3A_338[0] : i32 from vector<1xi32>
        %parallel_loop3A_340 = vector.extract_strided_slice %parallel_loop3A_309 {offsets = [15], sizes = [1], strides = [1]} : vector<16xi32> to vector<1xi32>
        %parallel_loop3A_341 = vector.extract %parallel_loop3A_340[0] : i32 from vector<1xi32>
        %parallel_loop3A_342 = arith.constant 16 : i32
        %parallel_loop3A_343 = arith.muli %parallel_loop3A_303, %parallel_loop3A_342 : i32
        %parallel_loop3A_344 = arith.addi %mul3A_275, %parallel_loop3A_343 : i32
        %parallel_loop3A_345 = arith.constant 0 : i32
        %parallel_loop3A_346 = arith.addi %parallel_loop3A_344, %parallel_loop3A_345 : i32
        %parallel_loop3A_347 = arith.index_cast %parallel_loop3A_346 : i32 to index
        %parallel_loop3A_348 = arith.constant 0 : index
        %parallel_loop3A_349 = tpu.vector_load %arg12[%parallel_loop3A_347, %parallel_loop3A_348] {strides = array<i32>} : memref<320x128xf32, #tpu.memory_space<vmem>>, vector<1x16xf32>,
        %parallel_loop3A_350 = vector.shape_cast %parallel_loop3A_349 : vector<1x16xf32> to vector<16xf32>
        %parallel_loop3A_351 = arith.index_cast %parallel_loop3A_346 : i32 to index
        %parallel_loop3A_352 = arith.constant 16 : index
        %parallel_loop3A_353 = tpu.vector_load %arg12[%parallel_loop3A_351, %parallel_loop3A_352] {strides = array<i32>} : memref<320x128xf32, #tpu.memory_space<vmem>>, vector<1x16xf32>,
        %parallel_loop3A_354 = vector.shape_cast %parallel_loop3A_353 : vector<1x16xf32> to vector<16xf32>
        %parallel_loop3A_355 = arith.index_cast %parallel_loop3A_346 : i32 to index
        %parallel_loop3A_356 = arith.constant 32 : index
        %parallel_loop3A_357 = tpu.vector_load %arg12[%parallel_loop3A_355, %parallel_loop3A_356] {strides = array<i32>} : memref<320x128xf32, #tpu.memory_space<vmem>>, vector<1x16xf32>,
        %parallel_loop3A_358 = vector.shape_cast %parallel_loop3A_357 : vector<1x16xf32> to vector<16xf32>
        %parallel_loop3A_359 = arith.index_cast %parallel_loop3A_346 : i32 to index
        %parallel_loop3A_360 = arith.constant 48 : index
        %parallel_loop3A_361 = tpu.vector_load %arg12[%parallel_loop3A_359, %parallel_loop3A_360] {strides = array<i32>} : memref<320x128xf32, #tpu.memory_space<vmem>>, vector<1x16xf32>,
        %parallel_loop3A_362 = vector.shape_cast %parallel_loop3A_361 : vector<1x16xf32> to vector<16xf32>
        %parallel_loop3A_363 = arith.index_cast %parallel_loop3A_346 : i32 to index
        %parallel_loop3A_364 = arith.constant 64 : index
        %parallel_loop3A_365 = tpu.vector_load %arg12[%parallel_loop3A_363, %parallel_loop3A_364] {strides = array<i32>} : memref<320x128xf32, #tpu.memory_space<vmem>>, vector<1x16xf32>,
        %parallel_loop3A_366 = vector.shape_cast %parallel_loop3A_365 : vector<1x16xf32> to vector<16xf32>
        %parallel_loop3A_367 = arith.index_cast %parallel_loop3A_346 : i32 to index
        %parallel_loop3A_368 = arith.constant 80 : index
        %parallel_loop3A_369 = tpu.vector_load %arg12[%parallel_loop3A_367, %parallel_loop3A_368] {strides = array<i32>} : memref<320x128xf32, #tpu.memory_space<vmem>>, vector<1x16xf32>,
        %parallel_loop3A_370 = vector.shape_cast %parallel_loop3A_369 : vector<1x16xf32> to vector<16xf32>
        %parallel_loop3A_371 = arith.index_cast %parallel_loop3A_346 : i32 to index
        %parallel_loop3A_372 = arith.constant 96 : index
        %parallel_loop3A_373 = tpu.vector_load %arg12[%parallel_loop3A_371, %parallel_loop3A_372] {strides = array<i32>} : memref<320x128xf32, #tpu.memory_space<vmem>>, vector<1x16xf32>,
        %parallel_loop3A_374 = vector.shape_cast %parallel_loop3A_373 : vector<1x16xf32> to vector<16xf32>
        %parallel_loop3A_375 = arith.index_cast %parallel_loop3A_346 : i32 to index
        %parallel_loop3A_376 = arith.constant 112 : index
        %parallel_loop3A_377 = tpu.vector_load %arg12[%parallel_loop3A_375, %parallel_loop3A_376] {strides = array<i32>} : memref<320x128xf32, #tpu.memory_space<vmem>>, vector<1x16xf32>,
        %parallel_loop3A_378 = vector.shape_cast %parallel_loop3A_377 : vector<1x16xf32> to vector<16xf32>
        %parallel_loop3A_379 = arith.index_cast %parallel_loop3A_311 : i32 to index
        %parallel_loop3A_380 = arith.constant 0 : index
        %parallel_loop3A_381 = tpu.vector_load %arg11[%parallel_loop3A_379, %parallel_loop3A_380] {strides = array<i32>} : memref<16x128xf32, #tpu.memory_space<vmem>>, vector<1x16xf32>,
        %parallel_loop3A_382 = vector.shape_cast %parallel_loop3A_381 : vector<1x16xf32> to vector<16xf32>
        %parallel_loop3A_383 = arith.index_cast %parallel_loop3A_311 : i32 to index
        %parallel_loop3A_384 = arith.constant 16 : index
        %parallel_loop3A_385 = tpu.vector_load %arg11[%parallel_loop3A_383, %parallel_loop3A_384] {strides = array<i32>} : memref<16x128xf32, #tpu.memory_space<vmem>>, vector<1x16xf32>,
        %parallel_loop3A_386 = vector.shape_cast %parallel_loop3A_385 : vector<1x16xf32> to vector<16xf32>
        %parallel_loop3A_387 = arith.index_cast %parallel_loop3A_311 : i32 to index
        %parallel_loop3A_388 = arith.constant 32 : index
        %parallel_loop3A_389 = tpu.vector_load %arg11[%parallel_loop3A_387, %parallel_loop3A_388] {strides = array<i32>} : memref<16x128xf32, #tpu.memory_space<vmem>>, vector<1x16xf32>,
        %parallel_loop3A_390 = vector.shape_cast %parallel_loop3A_389 : vector<1x16xf32> to vector<16xf32>
        %parallel_loop3A_391 = arith.index_cast %parallel_loop3A_311 : i32 to index
        %parallel_loop3A_392 = arith.constant 48 : index
        %parallel_loop3A_393 = tpu.vector_load %arg11[%parallel_loop3A_391, %parallel_loop3A_392] {strides = array<i32>} : memref<16x128xf32, #tpu.memory_space<vmem>>, vector<1x16xf32>,
        %parallel_loop3A_394 = vector.shape_cast %parallel_loop3A_393 : vector<1x16xf32> to vector<16xf32>
        %parallel_loop3A_395 = arith.index_cast %parallel_loop3A_311 : i32 to index
        %parallel_loop3A_396 = arith.constant 64 : index
        %parallel_loop3A_397 = tpu.vector_load %arg11[%parallel_loop3A_395, %parallel_loop3A_396] {strides = array<i32>} : memref<16x128xf32, #tpu.memory_space<vmem>>, vector<1x16xf32>,
        %parallel_loop3A_398 = vector.shape_cast %parallel_loop3A_397 : vector<1x16xf32> to vector<16xf32>
        %parallel_loop3A_399 = arith.index_cast %parallel_loop3A_311 : i32 to index
        %parallel_loop3A_400 = arith.constant 80 : index
        %parallel_loop3A_401 = tpu.vector_load %arg11[%parallel_loop3A_399, %parallel_loop3A_400] {strides = array<i32>} : memref<16x128xf32, #tpu.memory_space<vmem>>, vector<1x16xf32>,
        %parallel_loop3A_402 = vector.shape_cast %parallel_loop3A_401 : vector<1x16xf32> to vector<16xf32>
        %parallel_loop3A_403 = arith.index_cast %parallel_loop3A_311 : i32 to index
        %parallel_loop3A_404 = arith.constant 96 : index
        %parallel_loop3A_405 = tpu.vector_load %arg11[%parallel_loop3A_403, %parallel_loop3A_404] {strides = array<i32>} : memref<16x128xf32, #tpu.memory_space<vmem>>, vector<1x16xf32>,
        %parallel_loop3A_406 = vector.shape_cast %parallel_loop3A_405 : vector<1x16xf32> to vector<16xf32>
        %parallel_loop3A_407 = arith.index_cast %parallel_loop3A_311 : i32 to index
        %parallel_loop3A_408 = arith.constant 112 : index
        %parallel_loop3A_409 = tpu.vector_load %arg11[%parallel_loop3A_407, %parallel_loop3A_408] {strides = array<i32>} : memref<16x128xf32, #tpu.memory_space<vmem>>, vector<1x16xf32>,
        %parallel_loop3A_410 = vector.shape_cast %parallel_loop3A_409 : vector<1x16xf32> to vector<16xf32>
        %parallel_loop3A_411 = arith.addf %parallel_loop3A_350, %parallel_loop3A_382 : vector<16xf32>
        %parallel_loop3A_412 = arith.constant 0.000000e+00 : f32
        %parallel_loop3A_413 = vector.broadcast %parallel_loop3A_412 : f32 to vector<16xf32>
        %parallel_loop3A_414 = arith.maximumf %parallel_loop3A_411, %parallel_loop3A_413 : vector<16xf32>
        %parallel_loop3A_415 = arith.index_cast %parallel_loop3A_346 : i32 to index
        %parallel_loop3A_416 = arith.constant 0 : index
        %parallel_loop3A_417 = tpu.vector_load %arg12[%parallel_loop3A_415, %parallel_loop3A_416] {strides = array<i32>} : memref<320x128xf32, #tpu.memory_space<vmem>>, vector<1x16xf32>,
        %parallel_loop3A_418 = vector.shape_cast %parallel_loop3A_417 : vector<1x16xf32> to vector<16xf32>
        %parallel_loop3A_419 = vector.shape_cast %parallel_loop3A_414 : vector<16xf32> to vector<1x16xf32>
        tpu.vector_store %arg12[%parallel_loop3A_415, %parallel_loop3A_416], %parallel_loop3A_419 {strides = array<i32>} : memref<320x128xf32, #tpu.memory_space<vmem>>, vector<1x16xf32>,
        %parallel_loop3A_420 = arith.addf %parallel_loop3A_354, %parallel_loop3A_386 : vector<16xf32>
        %parallel_loop3A_421 = arith.constant 0.000000e+00 : f32
        %parallel_loop3A_422 = vector.broadcast %parallel_loop3A_421 : f32 to vector<16xf32>
        %parallel_loop3A_423 = arith.maximumf %parallel_loop3A_420, %parallel_loop3A_422 : vector<16xf32>
        %parallel_loop3A_424 = arith.index_cast %parallel_loop3A_346 : i32 to index
        %parallel_loop3A_425 = arith.constant 16 : index
        %parallel_loop3A_426 = tpu.vector_load %arg12[%parallel_loop3A_424, %parallel_loop3A_425] {strides = array<i32>} : memref<320x128xf32, #tpu.memory_space<vmem>>, vector<1x16xf32>,
        %parallel_loop3A_427 = vector.shape_cast %parallel_loop3A_426 : vector<1x16xf32> to vector<16xf32>
        %parallel_loop3A_428 = vector.shape_cast %parallel_loop3A_423 : vector<16xf32> to vector<1x16xf32>
        tpu.vector_store %arg12[%parallel_loop3A_424, %parallel_loop3A_425], %parallel_loop3A_428 {strides = array<i32>} : memref<320x128xf32, #tpu.memory_space<vmem>>, vector<1x16xf32>,
        %parallel_loop3A_429 = arith.addf %parallel_loop3A_358, %parallel_loop3A_390 : vector<16xf32>
        %parallel_loop3A_430 = arith.constant 0.000000e+00 : f32
        %parallel_loop3A_431 = vector.broadcast %parallel_loop3A_430 : f32 to vector<16xf32>
        %parallel_loop3A_432 = arith.maximumf %parallel_loop3A_429, %parallel_loop3A_431 : vector<16xf32>
        %parallel_loop3A_433 = arith.index_cast %parallel_loop3A_346 : i32 to index
        %parallel_loop3A_434 = arith.constant 32 : index
        %parallel_loop3A_435 = tpu.vector_load %arg12[%parallel_loop3A_433, %parallel_loop3A_434] {strides = array<i32>} : memref<320x128xf32, #tpu.memory_space<vmem>>, vector<1x16xf32>,
        %parallel_loop3A_436 = vector.shape_cast %parallel_loop3A_435 : vector<1x16xf32> to vector<16xf32>
        %parallel_loop3A_437 = vector.shape_cast %parallel_loop3A_432 : vector<16xf32> to vector<1x16xf32>
        tpu.vector_store %arg12[%parallel_loop3A_433, %parallel_loop3A_434], %parallel_loop3A_437 {strides = array<i32>} : memref<320x128xf32, #tpu.memory_space<vmem>>, vector<1x16xf32>,
        %parallel_loop3A_438 = arith.addf %parallel_loop3A_362, %parallel_loop3A_394 : vector<16xf32>
        %parallel_loop3A_439 = arith.constant 0.000000e+00 : f32
        %parallel_loop3A_440 = vector.broadcast %parallel_loop3A_439 : f32 to vector<16xf32>
        %parallel_loop3A_441 = arith.maximumf %parallel_loop3A_438, %parallel_loop3A_440 : vector<16xf32>
        %parallel_loop3A_442 = arith.index_cast %parallel_loop3A_346 : i32 to index
        %parallel_loop3A_443 = arith.constant 48 : index
        %parallel_loop3A_444 = tpu.vector_load %arg12[%parallel_loop3A_442, %parallel_loop3A_443] {strides = array<i32>} : memref<320x128xf32, #tpu.memory_space<vmem>>, vector<1x16xf32>,
        %parallel_loop3A_445 = vector.shape_cast %parallel_loop3A_444 : vector<1x16xf32> to vector<16xf32>
        %parallel_loop3A_446 = vector.shape_cast %parallel_loop3A_441 : vector<16xf32> to vector<1x16xf32>
        tpu.vector_store %arg12[%parallel_loop3A_442, %parallel_loop3A_443], %parallel_loop3A_446 {strides = array<i32>} : memref<320x128xf32, #tpu.memory_space<vmem>>, vector<1x16xf32>,
        %parallel_loop3A_447 = arith.addf %parallel_loop3A_366, %parallel_loop3A_398 : vector<16xf32>
        %parallel_loop3A_448 = arith.constant 0.000000e+00 : f32
        %parallel_loop3A_449 = vector.broadcast %parallel_loop3A_448 : f32 to vector<16xf32>
        %parallel_loop3A_450 = arith.maximumf %parallel_loop3A_447, %parallel_loop3A_449 : vector<16xf32>
        %parallel_loop3A_451 = arith.index_cast %parallel_loop3A_346 : i32 to index
        %parallel_loop3A_452 = arith.constant 64 : index
        %parallel_loop3A_453 = tpu.vector_load %arg12[%parallel_loop3A_451, %parallel_loop3A_452] {strides = array<i32>} : memref<320x128xf32, #tpu.memory_space<vmem>>, vector<1x16xf32>,
        %parallel_loop3A_454 = vector.shape_cast %parallel_loop3A_453 : vector<1x16xf32> to vector<16xf32>
        %parallel_loop3A_455 = vector.shape_cast %parallel_loop3A_450 : vector<16xf32> to vector<1x16xf32>
        tpu.vector_store %arg12[%parallel_loop3A_451, %parallel_loop3A_452], %parallel_loop3A_455 {strides = array<i32>} : memref<320x128xf32, #tpu.memory_space<vmem>>, vector<1x16xf32>,
        %parallel_loop3A_456 = arith.addf %parallel_loop3A_370, %parallel_loop3A_402 : vector<16xf32>
        %parallel_loop3A_457 = arith.constant 0.000000e+00 : f32
        %parallel_loop3A_458 = vector.broadcast %parallel_loop3A_457 : f32 to vector<16xf32>
        %parallel_loop3A_459 = arith.maximumf %parallel_loop3A_456, %parallel_loop3A_458 : vector<16xf32>
        %parallel_loop3A_460 = arith.index_cast %parallel_loop3A_346 : i32 to index
        %parallel_loop3A_461 = arith.constant 80 : index
        %parallel_loop3A_462 = tpu.vector_load %arg12[%parallel_loop3A_460, %parallel_loop3A_461] {strides = array<i32>} : memref<320x128xf32, #tpu.memory_space<vmem>>, vector<1x16xf32>,
        %parallel_loop3A_463 = vector.shape_cast %parallel_loop3A_462 : vector<1x16xf32> to vector<16xf32>
        %parallel_loop3A_464 = vector.shape_cast %parallel_loop3A_459 : vector<16xf32> to vector<1x16xf32>
        tpu.vector_store %arg12[%parallel_loop3A_460, %parallel_loop3A_461], %parallel_loop3A_464 {strides = array<i32>} : memref<320x128xf32, #tpu.memory_space<vmem>>, vector<1x16xf32>,
        %parallel_loop3A_465 = arith.addf %parallel_loop3A_374, %parallel_loop3A_406 : vector<16xf32>
        %parallel_loop3A_466 = arith.constant 0.000000e+00 : f32
        %parallel_loop3A_467 = vector.broadcast %parallel_loop3A_466 : f32 to vector<16xf32>
        %parallel_loop3A_468 = arith.maximumf %parallel_loop3A_465, %parallel_loop3A_467 : vector<16xf32>
        %parallel_loop3A_469 = arith.index_cast %parallel_loop3A_346 : i32 to index
        %parallel_loop3A_470 = arith.constant 96 : index
        %parallel_loop3A_471 = tpu.vector_load %arg12[%parallel_loop3A_469, %parallel_loop3A_470] {strides = array<i32>} : memref<320x128xf32, #tpu.memory_space<vmem>>, vector<1x16xf32>,
        %parallel_loop3A_472 = vector.shape_cast %parallel_loop3A_471 : vector<1x16xf32> to vector<16xf32>
        %parallel_loop3A_473 = vector.shape_cast %parallel_loop3A_468 : vector<16xf32> to vector<1x16xf32>
        tpu.vector_store %arg12[%parallel_loop3A_469, %parallel_loop3A_470], %parallel_loop3A_473 {strides = array<i32>} : memref<320x128xf32, #tpu.memory_space<vmem>>, vector<1x16xf32>,
        %parallel_loop3A_474 = arith.addf %parallel_loop3A_378, %parallel_loop3A_410 : vector<16xf32>
        %parallel_loop3A_475 = arith.constant 0.000000e+00 : f32
        %parallel_loop3A_476 = vector.broadcast %parallel_loop3A_475 : f32 to vector<16xf32>
        %parallel_loop3A_477 = arith.maximumf %parallel_loop3A_474, %parallel_loop3A_476 : vector<16xf32>
        %parallel_loop3A_478 = arith.index_cast %parallel_loop3A_346 : i32 to index
        %parallel_loop3A_479 = arith.constant 112 : index
        %parallel_loop3A_480 = tpu.vector_load %arg12[%parallel_loop3A_478, %parallel_loop3A_479] {strides = array<i32>} : memref<320x128xf32, #tpu.memory_space<vmem>>, vector<1x16xf32>,
        %parallel_loop3A_481 = vector.shape_cast %parallel_loop3A_480 : vector<1x16xf32> to vector<16xf32>
        %parallel_loop3A_482 = vector.shape_cast %parallel_loop3A_477 : vector<16xf32> to vector<1x16xf32>
        tpu.vector_store %arg12[%parallel_loop3A_478, %parallel_loop3A_479], %parallel_loop3A_482 {strides = array<i32>} : memref<320x128xf32, #tpu.memory_space<vmem>>, vector<1x16xf32>,
        %parallel_loop3A_483 = arith.constant 16 : i32
        %parallel_loop3A_484 = arith.muli %parallel_loop3A_303, %parallel_loop3A_483 : i32
        %parallel_loop3A_485 = arith.addi %mul3A_275, %parallel_loop3A_484 : i32
        %parallel_loop3A_486 = arith.constant 1 : i32
        %parallel_loop3A_487 = arith.addi %parallel_loop3A_485, %parallel_loop3A_486 : i32
        %parallel_loop3A_488 = arith.index_cast %parallel_loop3A_487 : i32 to index
        %parallel_loop3A_489 = arith.constant 0 : index
        %parallel_loop3A_490 = tpu.vector_load %arg12[%parallel_loop3A_488, %parallel_loop3A_489] {strides = array<i32>} : memref<320x128xf32, #tpu.memory_space<vmem>>, vector<1x16xf32>,
        %parallel_loop3A_491 = vector.shape_cast %parallel_loop3A_490 : vector<1x16xf32> to vector<16xf32>
        %parallel_loop3A_492 = arith.index_cast %parallel_loop3A_487 : i32 to index
        %parallel_loop3A_493 = arith.constant 16 : index
        %parallel_loop3A_494 = tpu.vector_load %arg12[%parallel_loop3A_492, %parallel_loop3A_493] {strides = array<i32>} : memref<320x128xf32, #tpu.memory_space<vmem>>, vector<1x16xf32>,
        %parallel_loop3A_495 = vector.shape_cast %parallel_loop3A_494 : vector<1x16xf32> to vector<16xf32>
        %parallel_loop3A_496 = arith.index_cast %parallel_loop3A_487 : i32 to index
        %parallel_loop3A_497 = arith.constant 32 : index
        %parallel_loop3A_498 = tpu.vector_load %arg12[%parallel_loop3A_496, %parallel_loop3A_497] {strides = array<i32>} : memref<320x128xf32, #tpu.memory_space<vmem>>, vector<1x16xf32>,
        %parallel_loop3A_499 = vector.shape_cast %parallel_loop3A_498 : vector<1x16xf32> to vector<16xf32>
        %parallel_loop3A_500 = arith.index_cast %parallel_loop3A_487 : i32 to index
        %parallel_loop3A_501 = arith.constant 48 : index
        %parallel_loop3A_502 = tpu.vector_load %arg12[%parallel_loop3A_500, %parallel_loop3A_501] {strides = array<i32>} : memref<320x128xf32, #tpu.memory_space<vmem>>, vector<1x16xf32>,
        %parallel_loop3A_503 = vector.shape_cast %parallel_loop3A_502 : vector<1x16xf32> to vector<16xf32>
        %parallel_loop3A_504 = arith.index_cast %parallel_loop3A_487 : i32 to index
        %parallel_loop3A_505 = arith.constant 64 : index
        %parallel_loop3A_506 = tpu.vector_load %arg12[%parallel_loop3A_504, %parallel_loop3A_505] {strides = array<i32>} : memref<320x128xf32, #tpu.memory_space<vmem>>, vector<1x16xf32>,
        %parallel_loop3A_507 = vector.shape_cast %parallel_loop3A_506 : vector<1x16xf32> to vector<16xf32>
        %parallel_loop3A_508 = arith.index_cast %parallel_loop3A_487 : i32 to index
        %parallel_loop3A_509 = arith.constant 80 : index
        %parallel_loop3A_510 = tpu.vector_load %arg12[%parallel_loop3A_508, %parallel_loop3A_509] {strides = array<i32>} : memref<320x128xf32, #tpu.memory_space<vmem>>, vector<1x16xf32>,
        %parallel_loop3A_511 = vector.shape_cast %parallel_loop3A_510 : vector<1x16xf32> to vector<16xf32>
        %parallel_loop3A_512 = arith.index_cast %parallel_loop3A_487 : i32 to index
        %parallel_loop3A_513 = arith.constant 96 : index
        %parallel_loop3A_514 = tpu.vector_load %arg12[%parallel_loop3A_512, %parallel_loop3A_513] {strides = array<i32>} : memref<320x128xf32, #tpu.memory_space<vmem>>, vector<1x16xf32>,
        %parallel_loop3A_515 = vector.shape_cast %parallel_loop3A_514 : vector<1x16xf32> to vector<16xf32>
        %parallel_loop3A_516 = arith.index_cast %parallel_loop3A_487 : i32 to index
        %parallel_loop3A_517 = arith.constant 112 : index
        %parallel_loop3A_518 = tpu.vector_load %arg12[%parallel_loop3A_516, %parallel_loop3A_517] {strides = array<i32>} : memref<320x128xf32, #tpu.memory_space<vmem>>, vector<1x16xf32>,
        %parallel_loop3A_519 = vector.shape_cast %parallel_loop3A_518 : vector<1x16xf32> to vector<16xf32>
        %parallel_loop3A_520 = arith.index_cast %parallel_loop3A_313 : i32 to index
        %parallel_loop3A_521 = arith.constant 0 : index
        %parallel_loop3A_522 = tpu.vector_load %arg11[%parallel_loop3A_520, %parallel_loop3A_521] {strides = array<i32>} : memref<16x128xf32, #tpu.memory_space<vmem>>, vector<1x16xf32>,
        %parallel_loop3A_523 = vector.shape_cast %parallel_loop3A_522 : vector<1x16xf32> to vector<16xf32>
        %parallel_loop3A_524 = arith.index_cast %parallel_loop3A_313 : i32 to index
        %parallel_loop3A_525 = arith.constant 16 : index
        %parallel_loop3A_526 = tpu.vector_load %arg11[%parallel_loop3A_524, %parallel_loop3A_525] {strides = array<i32>} : memref<16x128xf32, #tpu.memory_space<vmem>>, vector<1x16xf32>,
        %parallel_loop3A_527 = vector.shape_cast %parallel_loop3A_526 : vector<1x16xf32> to vector<16xf32>
        %parallel_loop3A_528 = arith.index_cast %parallel_loop3A_313 : i32 to index
        %parallel_loop3A_529 = arith.constant 32 : index
        %parallel_loop3A_530 = tpu.vector_load %arg11[%parallel_loop3A_528, %parallel_loop3A_529] {strides = array<i32>} : memref<16x128xf32, #tpu.memory_space<vmem>>, vector<1x16xf32>,
        %parallel_loop3A_531 = vector.shape_cast %parallel_loop3A_530 : vector<1x16xf32> to vector<16xf32>
        %parallel_loop3A_532 = arith.index_cast %parallel_loop3A_313 : i32 to index
        %parallel_loop3A_533 = arith.constant 48 : index
        %parallel_loop3A_534 = tpu.vector_load %arg11[%parallel_loop3A_532, %parallel_loop3A_533] {strides = array<i32>} : memref<16x128xf32, #tpu.memory_space<vmem>>, vector<1x16xf32>,
        %parallel_loop3A_535 = vector.shape_cast %parallel_loop3A_534 : vector<1x16xf32> to vector<16xf32>
        %parallel_loop3A_536 = arith.index_cast %parallel_loop3A_313 : i32 to index
        %parallel_loop3A_537 = arith.constant 64 : index
        %parallel_loop3A_538 = tpu.vector_load %arg11[%parallel_loop3A_536, %parallel_loop3A_537] {strides = array<i32>} : memref<16x128xf32, #tpu.memory_space<vmem>>, vector<1x16xf32>,
        %parallel_loop3A_539 = vector.shape_cast %parallel_loop3A_538 : vector<1x16xf32> to vector<16xf32>
        %parallel_loop3A_540 = arith.index_cast %parallel_loop3A_313 : i32 to index
        %parallel_loop3A_541 = arith.constant 80 : index
        %parallel_loop3A_542 = tpu.vector_load %arg11[%parallel_loop3A_540, %parallel_loop3A_541] {strides = array<i32>} : memref<16x128xf32, #tpu.memory_space<vmem>>, vector<1x16xf32>,
        %parallel_loop3A_543 = vector.shape_cast %parallel_loop3A_542 : vector<1x16xf32> to vector<16xf32>
        %parallel_loop3A_544 = arith.index_cast %parallel_loop3A_313 : i32 to index
        %parallel_loop3A_545 = arith.constant 96 : index
        %parallel_loop3A_546 = tpu.vector_load %arg11[%parallel_loop3A_544, %parallel_loop3A_545] {strides = array<i32>} : memref<16x128xf32, #tpu.memory_space<vmem>>, vector<1x16xf32>,
        %parallel_loop3A_547 = vector.shape_cast %parallel_loop3A_546 : vector<1x16xf32> to vector<16xf32>
        %parallel_loop3A_548 = arith.index_cast %parallel_loop3A_313 : i32 to index
        %parallel_loop3A_549 = arith.constant 112 : index
        %parallel_loop3A_550 = tpu.vector_load %arg11[%parallel_loop3A_548, %parallel_loop3A_549] {strides = array<i32>} : memref<16x128xf32, #tpu.memory_space<vmem>>, vector<1x16xf32>,
        %parallel_loop3A_551 = vector.shape_cast %parallel_loop3A_550 : vector<1x16xf32> to vector<16xf32>
        %parallel_loop3A_552 = arith.addf %parallel_loop3A_491, %parallel_loop3A_523 : vector<16xf32>
        %parallel_loop3A_553 = arith.constant 0.000000e+00 : f32
        %parallel_loop3A_554 = vector.broadcast %parallel_loop3A_553 : f32 to vector<16xf32>
        %parallel_loop3A_555 = arith.maximumf %parallel_loop3A_552, %parallel_loop3A_554 : vector<16xf32>
        %parallel_loop3A_556 = arith.index_cast %parallel_loop3A_487 : i32 to index
        %parallel_loop3A_557 = arith.constant 0 : index
        %parallel_loop3A_558 = tpu.vector_load %arg12[%parallel_loop3A_556, %parallel_loop3A_557] {strides = array<i32>} : memref<320x128xf32, #tpu.memory_space<vmem>>, vector<1x16xf32>,
        %parallel_loop3A_559 = vector.shape_cast %parallel_loop3A_558 : vector<1x16xf32> to vector<16xf32>
        %parallel_loop3A_560 = vector.shape_cast %parallel_loop3A_555 : vector<16xf32> to vector<1x16xf32>
        tpu.vector_store %arg12[%parallel_loop3A_556, %parallel_loop3A_557], %parallel_loop3A_560 {strides = array<i32>} : memref<320x128xf32, #tpu.memory_space<vmem>>, vector<1x16xf32>,
        %parallel_loop3A_561 = arith.addf %parallel_loop3A_495, %parallel_loop3A_527 : vector<16xf32>
        %parallel_loop3A_562 = arith.constant 0.000000e+00 : f32
        %parallel_loop3A_563 = vector.broadcast %parallel_loop3A_562 : f32 to vector<16xf32>
        %parallel_loop3A_564 = arith.maximumf %parallel_loop3A_561, %parallel_loop3A_563 : vector<16xf32>
        %parallel_loop3A_565 = arith.index_cast %parallel_loop3A_487 : i32 to index
        %parallel_loop3A_566 = arith.constant 16 : index
        %parallel_loop3A_567 = tpu.vector_load %arg12[%parallel_loop3A_565, %parallel_loop3A_566] {strides = array<i32>} : memref<320x128xf32, #tpu.memory_space<vmem>>, vector<1x16xf32>,
        %parallel_loop3A_568 = vector.shape_cast %parallel_loop3A_567 : vector<1x16xf32> to vector<16xf32>
        %parallel_loop3A_569 = vector.shape_cast %parallel_loop3A_564 : vector<16xf32> to vector<1x16xf32>
        tpu.vector_store %arg12[%parallel_loop3A_565, %parallel_loop3A_566], %parallel_loop3A_569 {strides = array<i32>} : memref<320x128xf32, #tpu.memory_space<vmem>>, vector<1x16xf32>,
        %parallel_loop3A_570 = arith.addf %parallel_loop3A_499, %parallel_loop3A_531 : vector<16xf32>
        %parallel_loop3A_571 = arith.constant 0.000000e+00 : f32
        %parallel_loop3A_572 = vector.broadcast %parallel_loop3A_571 : f32 to vector<16xf32>
        %parallel_loop3A_573 = arith.maximumf %parallel_loop3A_570, %parallel_loop3A_572 : vector<16xf32>
        %parallel_loop3A_574 = arith.index_cast %parallel_loop3A_487 : i32 to index
        %parallel_loop3A_575 = arith.constant 32 : index
        %parallel_loop3A_576 = tpu.vector_load %arg12[%parallel_loop3A_574, %parallel_loop3A_575] {strides = array<i32>} : memref<320x128xf32, #tpu.memory_space<vmem>>, vector<1x16xf32>,
        %parallel_loop3A_577 = vector.shape_cast %parallel_loop3A_576 : vector<1x16xf32> to vector<16xf32>
        %parallel_loop3A_578 = vector.shape_cast %parallel_loop3A_573 : vector<16xf32> to vector<1x16xf32>
        tpu.vector_store %arg12[%parallel_loop3A_574, %parallel_loop3A_575], %parallel_loop3A_578 {strides = array<i32>} : memref<320x128xf32, #tpu.memory_space<vmem>>, vector<1x16xf32>,
        %parallel_loop3A_579 = arith.addf %parallel_loop3A_503, %parallel_loop3A_535 : vector<16xf32>
        %parallel_loop3A_580 = arith.constant 0.000000e+00 : f32
        %parallel_loop3A_581 = vector.broadcast %parallel_loop3A_580 : f32 to vector<16xf32>
        %parallel_loop3A_582 = arith.maximumf %parallel_loop3A_579, %parallel_loop3A_581 : vector<16xf32>
        %parallel_loop3A_583 = arith.index_cast %parallel_loop3A_487 : i32 to index
        %parallel_loop3A_584 = arith.constant 48 : index
        %parallel_loop3A_585 = tpu.vector_load %arg12[%parallel_loop3A_583, %parallel_loop3A_584] {strides = array<i32>} : memref<320x128xf32, #tpu.memory_space<vmem>>, vector<1x16xf32>,
        %parallel_loop3A_586 = vector.shape_cast %parallel_loop3A_585 : vector<1x16xf32> to vector<16xf32>
        %parallel_loop3A_587 = vector.shape_cast %parallel_loop3A_582 : vector<16xf32> to vector<1x16xf32>
        tpu.vector_store %arg12[%parallel_loop3A_583, %parallel_loop3A_584], %parallel_loop3A_587 {strides = array<i32>} : memref<320x128xf32, #tpu.memory_space<vmem>>, vector<1x16xf32>,
        %parallel_loop3A_588 = arith.addf %parallel_loop3A_507, %parallel_loop3A_539 : vector<16xf32>
        %parallel_loop3A_589 = arith.constant 0.000000e+00 : f32
        %parallel_loop3A_590 = vector.broadcast %parallel_loop3A_589 : f32 to vector<16xf32>
        %parallel_loop3A_591 = arith.maximumf %parallel_loop3A_588, %parallel_loop3A_590 : vector<16xf32>
        %parallel_loop3A_592 = arith.index_cast %parallel_loop3A_487 : i32 to index
        %parallel_loop3A_593 = arith.constant 64 : index
        %parallel_loop3A_594 = tpu.vector_load %arg12[%parallel_loop3A_592, %parallel_loop3A_593] {strides = array<i32>} : memref<320x128xf32, #tpu.memory_space<vmem>>, vector<1x16xf32>,
        %parallel_loop3A_595 = vector.shape_cast %parallel_loop3A_594 : vector<1x16xf32> to vector<16xf32>
        %parallel_loop3A_596 = vector.shape_cast %parallel_loop3A_591 : vector<16xf32> to vector<1x16xf32>
        tpu.vector_store %arg12[%parallel_loop3A_592, %parallel_loop3A_593], %parallel_loop3A_596 {strides = array<i32>} : memref<320x128xf32, #tpu.memory_space<vmem>>, vector<1x16xf32>,
        %parallel_loop3A_597 = arith.addf %parallel_loop3A_511, %parallel_loop3A_543 : vector<16xf32>
        %parallel_loop3A_598 = arith.constant 0.000000e+00 : f32
        %parallel_loop3A_599 = vector.broadcast %parallel_loop3A_598 : f32 to vector<16xf32>
        %parallel_loop3A_600 = arith.maximumf %parallel_loop3A_597, %parallel_loop3A_599 : vector<16xf32>
        %parallel_loop3A_601 = arith.index_cast %parallel_loop3A_487 : i32 to index
        %parallel_loop3A_602 = arith.constant 80 : index
        %parallel_loop3A_603 = tpu.vector_load %arg12[%parallel_loop3A_601, %parallel_loop3A_602] {strides = array<i32>} : memref<320x128xf32, #tpu.memory_space<vmem>>, vector<1x16xf32>,
        %parallel_loop3A_604 = vector.shape_cast %parallel_loop3A_603 : vector<1x16xf32> to vector<16xf32>
        %parallel_loop3A_605 = vector.shape_cast %parallel_loop3A_600 : vector<16xf32> to vector<1x16xf32>
        tpu.vector_store %arg12[%parallel_loop3A_601, %parallel_loop3A_602], %parallel_loop3A_605 {strides = array<i32>} : memref<320x128xf32, #tpu.memory_space<vmem>>, vector<1x16xf32>,
        %parallel_loop3A_606 = arith.addf %parallel_loop3A_515, %parallel_loop3A_547 : vector<16xf32>
        %parallel_loop3A_607 = arith.constant 0.000000e+00 : f32
        %parallel_loop3A_608 = vector.broadcast %parallel_loop3A_607 : f32 to vector<16xf32>
        %parallel_loop3A_609 = arith.maximumf %parallel_loop3A_606, %parallel_loop3A_608 : vector<16xf32>
        %parallel_loop3A_610 = arith.index_cast %parallel_loop3A_487 : i32 to index
        %parallel_loop3A_611 = arith.constant 96 : index
        %parallel_loop3A_612 = tpu.vector_load %arg12[%parallel_loop3A_610, %parallel_loop3A_611] {strides = array<i32>} : memref<320x128xf32, #tpu.memory_space<vmem>>, vector<1x16xf32>,
        %parallel_loop3A_613 = vector.shape_cast %parallel_loop3A_612 : vector<1x16xf32> to vector<16xf32>
        %parallel_loop3A_614 = vector.shape_cast %parallel_loop3A_609 : vector<16xf32> to vector<1x16xf32>
        tpu.vector_store %arg12[%parallel_loop3A_610, %parallel_loop3A_611], %parallel_loop3A_614 {strides = array<i32>} : memref<320x128xf32, #tpu.memory_space<vmem>>, vector<1x16xf32>,
        %parallel_loop3A_615 = arith.addf %parallel_loop3A_519, %parallel_loop3A_551 : vector<16xf32>
        %parallel_loop3A_616 = arith.constant 0.000000e+00 : f32
        %parallel_loop3A_617 = vector.broadcast %parallel_loop3A_616 : f32 to vector<16xf32>
        %parallel_loop3A_618 = arith.maximumf %parallel_loop3A_615, %parallel_loop3A_617 : vector<16xf32>
        %parallel_loop3A_619 = arith.index_cast %parallel_loop3A_487 : i32 to index
        %parallel_loop3A_620 = arith.constant 112 : index
        %parallel_loop3A_621 = tpu.vector_load %arg12[%parallel_loop3A_619, %parallel_loop3A_620] {strides = array<i32>} : memref<320x128xf32, #tpu.memory_space<vmem>>, vector<1x16xf32>,
        %parallel_loop3A_622 = vector.shape_cast %parallel_loop3A_621 : vector<1x16xf32> to vector<16xf32>
        %parallel_loop3A_623 = vector.shape_cast %parallel_loop3A_618 : vector<16xf32> to vector<1x16xf32>
        tpu.vector_store %arg12[%parallel_loop3A_619, %parallel_loop3A_620], %parallel_loop3A_623 {strides = array<i32>} : memref<320x128xf32, #tpu.memory_space<vmem>>, vector<1x16xf32>,
        %parallel_loop3A_624 = arith.constant 16 : i32
        %parallel_loop3A_625 = arith.muli %parallel_loop3A_303, %parallel_loop3A_624 : i32
        %parallel_loop3A_626 = arith.addi %mul3A_275, %parallel_loop3A_625 : i32
        %parallel_loop3A_627 = arith.constant 2 : i32
        %parallel_loop3A_628 = arith.addi %parallel_loop3A_626, %parallel_loop3A_627 : i32
        %parallel_loop3A_629 = arith.index_cast %parallel_loop3A_628 : i32 to index
        %parallel_loop3A_630 = arith.constant 0 : index
        %parallel_loop3A_631 = tpu.vector_load %arg12[%parallel_loop3A_629, %parallel_loop3A_630] {strides = array<i32>} : memref<320x128xf32, #tpu.memory_space<vmem>>, vector<1x16xf32>,
        %parallel_loop3A_632 = vector.shape_cast %parallel_loop3A_631 : vector<1x16xf32> to vector<16xf32>
        %parallel_loop3A_633 = arith.index_cast %parallel_loop3A_628 : i32 to index
        %parallel_loop3A_634 = arith.constant 16 : index
        %parallel_loop3A_635 = tpu.vector_load %arg12[%parallel_loop3A_633, %parallel_loop3A_634] {strides = array<i32>} : memref<320x128xf32, #tpu.memory_space<vmem>>, vector<1x16xf32>,
        %parallel_loop3A_636 = vector.shape_cast %parallel_loop3A_635 : vector<1x16xf32> to vector<16xf32>
        %parallel_loop3A_637 = arith.index_cast %parallel_loop3A_628 : i32 to index
        %parallel_loop3A_638 = arith.constant 32 : index
        %parallel_loop3A_639 = tpu.vector_load %arg12[%parallel_loop3A_637, %parallel_loop3A_638] {strides = array<i32>} : memref<320x128xf32, #tpu.memory_space<vmem>>, vector<1x16xf32>,
        %parallel_loop3A_640 = vector.shape_cast %parallel_loop3A_639 : vector<1x16xf32> to vector<16xf32>
        %parallel_loop3A_641 = arith.index_cast %parallel_loop3A_628 : i32 to index
        %parallel_loop3A_642 = arith.constant 48 : index
        %parallel_loop3A_643 = tpu.vector_load %arg12[%parallel_loop3A_641, %parallel_loop3A_642] {strides = array<i32>} : memref<320x128xf32, #tpu.memory_space<vmem>>, vector<1x16xf32>,
        %parallel_loop3A_644 = vector.shape_cast %parallel_loop3A_643 : vector<1x16xf32> to vector<16xf32>
        %parallel_loop3A_645 = arith.index_cast %parallel_loop3A_628 : i32 to index
        %parallel_loop3A_646 = arith.constant 64 : index
        %parallel_loop3A_647 = tpu.vector_load %arg12[%parallel_loop3A_645, %parallel_loop3A_646] {strides = array<i32>} : memref<320x128xf32, #tpu.memory_space<vmem>>, vector<1x16xf32>,
        %parallel_loop3A_648 = vector.shape_cast %parallel_loop3A_647 : vector<1x16xf32> to vector<16xf32>
        %parallel_loop3A_649 = arith.index_cast %parallel_loop3A_628 : i32 to index
        %parallel_loop3A_650 = arith.constant 80 : index
        %parallel_loop3A_651 = tpu.vector_load %arg12[%parallel_loop3A_649, %parallel_loop3A_650] {strides = array<i32>} : memref<320x128xf32, #tpu.memory_space<vmem>>, vector<1x16xf32>,
        %parallel_loop3A_652 = vector.shape_cast %parallel_loop3A_651 : vector<1x16xf32> to vector<16xf32>
        %parallel_loop3A_653 = arith.index_cast %parallel_loop3A_628 : i32 to index
        %parallel_loop3A_654 = arith.constant 96 : index
        %parallel_loop3A_655 = tpu.vector_load %arg12[%parallel_loop3A_653, %parallel_loop3A_654] {strides = array<i32>} : memref<320x128xf32, #tpu.memory_space<vmem>>, vector<1x16xf32>,
        %parallel_loop3A_656 = vector.shape_cast %parallel_loop3A_655 : vector<1x16xf32> to vector<16xf32>
        %parallel_loop3A_657 = arith.index_cast %parallel_loop3A_628 : i32 to index
        %parallel_loop3A_658 = arith.constant 112 : index
        %parallel_loop3A_659 = tpu.vector_load %arg12[%parallel_loop3A_657, %parallel_loop3A_658] {strides = array<i32>} : memref<320x128xf32, #tpu.memory_space<vmem>>, vector<1x16xf32>,
        %parallel_loop3A_660 = vector.shape_cast %parallel_loop3A_659 : vector<1x16xf32> to vector<16xf32>
        %parallel_loop3A_661 = arith.index_cast %parallel_loop3A_315 : i32 to index
        %parallel_loop3A_662 = arith.constant 0 : index
        %parallel_loop3A_663 = tpu.vector_load %arg11[%parallel_loop3A_661, %parallel_loop3A_662] {strides = array<i32>} : memref<16x128xf32, #tpu.memory_space<vmem>>, vector<1x16xf32>,
        %parallel_loop3A_664 = vector.shape_cast %parallel_loop3A_663 : vector<1x16xf32> to vector<16xf32>
        %parallel_loop3A_665 = arith.index_cast %parallel_loop3A_315 : i32 to index
        %parallel_loop3A_666 = arith.constant 16 : index
        %parallel_loop3A_667 = tpu.vector_load %arg11[%parallel_loop3A_665, %parallel_loop3A_666] {strides = array<i32>} : memref<16x128xf32, #tpu.memory_space<vmem>>, vector<1x16xf32>,
        %parallel_loop3A_668 = vector.shape_cast %parallel_loop3A_667 : vector<1x16xf32> to vector<16xf32>
        %parallel_loop3A_669 = arith.index_cast %parallel_loop3A_315 : i32 to index
        %parallel_loop3A_670 = arith.constant 32 : index
        %parallel_loop3A_671 = tpu.vector_load %arg11[%parallel_loop3A_669, %parallel_loop3A_670] {strides = array<i32>} : memref<16x128xf32, #tpu.memory_space<vmem>>, vector<1x16xf32>,
        %parallel_loop3A_672 = vector.shape_cast %parallel_loop3A_671 : vector<1x16xf32> to vector<16xf32>
        %parallel_loop3A_673 = arith.index_cast %parallel_loop3A_315 : i32 to index
        %parallel_loop3A_674 = arith.constant 48 : index
        %parallel_loop3A_675 = tpu.vector_load %arg11[%parallel_loop3A_673, %parallel_loop3A_674] {strides = array<i32>} : memref<16x128xf32, #tpu.memory_space<vmem>>, vector<1x16xf32>,
        %parallel_loop3A_676 = vector.shape_cast %parallel_loop3A_675 : vector<1x16xf32> to vector<16xf32>
        %parallel_loop3A_677 = arith.index_cast %parallel_loop3A_315 : i32 to index
        %parallel_loop3A_678 = arith.constant 64 : index
        %parallel_loop3A_679 = tpu.vector_load %arg11[%parallel_loop3A_677, %parallel_loop3A_678] {strides = array<i32>} : memref<16x128xf32, #tpu.memory_space<vmem>>, vector<1x16xf32>,
        %parallel_loop3A_680 = vector.shape_cast %parallel_loop3A_679 : vector<1x16xf32> to vector<16xf32>
        %parallel_loop3A_681 = arith.index_cast %parallel_loop3A_315 : i32 to index
        %parallel_loop3A_682 = arith.constant 80 : index
        %parallel_loop3A_683 = tpu.vector_load %arg11[%parallel_loop3A_681, %parallel_loop3A_682] {strides = array<i32>} : memref<16x128xf32, #tpu.memory_space<vmem>>, vector<1x16xf32>,
        %parallel_loop3A_684 = vector.shape_cast %parallel_loop3A_683 : vector<1x16xf32> to vector<16xf32>
        %parallel_loop3A_685 = arith.index_cast %parallel_loop3A_315 : i32 to index
        %parallel_loop3A_686 = arith.constant 96 : index
        %parallel_loop3A_687 = tpu.vector_load %arg11[%parallel_loop3A_685, %parallel_loop3A_686] {strides = array<i32>} : memref<16x128xf32, #tpu.memory_space<vmem>>, vector<1x16xf32>,
        %parallel_loop3A_688 = vector.shape_cast %parallel_loop3A_687 : vector<1x16xf32> to vector<16xf32>
        %parallel_loop3A_689 = arith.index_cast %parallel_loop3A_315 : i32 to index
        %parallel_loop3A_690 = arith.constant 112 : index
        %parallel_loop3A_691 = tpu.vector_load %arg11[%parallel_loop3A_689, %parallel_loop3A_690] {strides = array<i32>} : memref<16x128xf32, #tpu.memory_space<vmem>>, vector<1x16xf32>,
        %parallel_loop3A_692 = vector.shape_cast %parallel_loop3A_691 : vector<1x16xf32> to vector<16xf32>
        %parallel_loop3A_693 = arith.addf %parallel_loop3A_632, %parallel_loop3A_664 : vector<16xf32>
        %parallel_loop3A_694 = arith.constant 0.000000e+00 : f32
        %parallel_loop3A_695 = vector.broadcast %parallel_loop3A_694 : f32 to vector<16xf32>
        %parallel_loop3A_696 = arith.maximumf %parallel_loop3A_693, %parallel_loop3A_695 : vector<16xf32>
        %parallel_loop3A_697 = arith.index_cast %parallel_loop3A_628 : i32 to index
        %parallel_loop3A_698 = arith.constant 0 : index
        %parallel_loop3A_699 = tpu.vector_load %arg12[%parallel_loop3A_697, %parallel_loop3A_698] {strides = array<i32>} : memref<320x128xf32, #tpu.memory_space<vmem>>, vector<1x16xf32>,
        %parallel_loop3A_700 = vector.shape_cast %parallel_loop3A_699 : vector<1x16xf32> to vector<16xf32>
        %parallel_loop3A_701 = vector.shape_cast %parallel_loop3A_696 : vector<16xf32> to vector<1x16xf32>
        tpu.vector_store %arg12[%parallel_loop3A_697, %parallel_loop3A_698], %parallel_loop3A_701 {strides = array<i32>} : memref<320x128xf32, #tpu.memory_space<vmem>>, vector<1x16xf32>,
        %parallel_loop3A_702 = arith.addf %parallel_loop3A_636, %parallel_loop3A_668 : vector<16xf32>
        %parallel_loop3A_703 = arith.constant 0.000000e+00 : f32
        %parallel_loop3A_704 = vector.broadcast %parallel_loop3A_703 : f32 to vector<16xf32>
        %parallel_loop3A_705 = arith.maximumf %parallel_loop3A_702, %parallel_loop3A_704 : vector<16xf32>
        %parallel_loop3A_706 = arith.index_cast %parallel_loop3A_628 : i32 to index
        %parallel_loop3A_707 = arith.constant 16 : index
        %parallel_loop3A_708 = tpu.vector_load %arg12[%parallel_loop3A_706, %parallel_loop3A_707] {strides = array<i32>} : memref<320x128xf32, #tpu.memory_space<vmem>>, vector<1x16xf32>,
        %parallel_loop3A_709 = vector.shape_cast %parallel_loop3A_708 : vector<1x16xf32> to vector<16xf32>
        %parallel_loop3A_710 = vector.shape_cast %parallel_loop3A_705 : vector<16xf32> to vector<1x16xf32>
        tpu.vector_store %arg12[%parallel_loop3A_706, %parallel_loop3A_707], %parallel_loop3A_710 {strides = array<i32>} : memref<320x128xf32, #tpu.memory_space<vmem>>, vector<1x16xf32>,
        %parallel_loop3A_711 = arith.addf %parallel_loop3A_640, %parallel_loop3A_672 : vector<16xf32>
        %parallel_loop3A_712 = arith.constant 0.000000e+00 : f32
        %parallel_loop3A_713 = vector.broadcast %parallel_loop3A_712 : f32 to vector<16xf32>
        %parallel_loop3A_714 = arith.maximumf %parallel_loop3A_711, %parallel_loop3A_713 : vector<16xf32>
        %parallel_loop3A_715 = arith.index_cast %parallel_loop3A_628 : i32 to index
        %parallel_loop3A_716 = arith.constant 32 : index
        %parallel_loop3A_717 = tpu.vector_load %arg12[%parallel_loop3A_715, %parallel_loop3A_716] {strides = array<i32>} : memref<320x128xf32, #tpu.memory_space<vmem>>, vector<1x16xf32>,
        %parallel_loop3A_718 = vector.shape_cast %parallel_loop3A_717 : vector<1x16xf32> to vector<16xf32>
        %parallel_loop3A_719 = vector.shape_cast %parallel_loop3A_714 : vector<16xf32> to vector<1x16xf32>
        tpu.vector_store %arg12[%parallel_loop3A_715, %parallel_loop3A_716], %parallel_loop3A_719 {strides = array<i32>} : memref<320x128xf32, #tpu.memory_space<vmem>>, vector<1x16xf32>,
        %parallel_loop3A_720 = arith.addf %parallel_loop3A_644, %parallel_loop3A_676 : vector<16xf32>
        %parallel_loop3A_721 = arith.constant 0.000000e+00 : f32
        %parallel_loop3A_722 = vector.broadcast %parallel_loop3A_721 : f32 to vector<16xf32>
        %parallel_loop3A_723 = arith.maximumf %parallel_loop3A_720, %parallel_loop3A_722 : vector<16xf32>
        %parallel_loop3A_724 = arith.index_cast %parallel_loop3A_628 : i32 to index
        %parallel_loop3A_725 = arith.constant 48 : index
        %parallel_loop3A_726 = tpu.vector_load %arg12[%parallel_loop3A_724, %parallel_loop3A_725] {strides = array<i32>} : memref<320x128xf32, #tpu.memory_space<vmem>>, vector<1x16xf32>,
        %parallel_loop3A_727 = vector.shape_cast %parallel_loop3A_726 : vector<1x16xf32> to vector<16xf32>
        %parallel_loop3A_728 = vector.shape_cast %parallel_loop3A_723 : vector<16xf32> to vector<1x16xf32>
        tpu.vector_store %arg12[%parallel_loop3A_724, %parallel_loop3A_725], %parallel_loop3A_728 {strides = array<i32>} : memref<320x128xf32, #tpu.memory_space<vmem>>, vector<1x16xf32>,
        %parallel_loop3A_729 = arith.addf %parallel_loop3A_648, %parallel_loop3A_680 : vector<16xf32>
        %parallel_loop3A_730 = arith.constant 0.000000e+00 : f32
        %parallel_loop3A_731 = vector.broadcast %parallel_loop3A_730 : f32 to vector<16xf32>
        %parallel_loop3A_732 = arith.maximumf %parallel_loop3A_729, %parallel_loop3A_731 : vector<16xf32>
        %parallel_loop3A_733 = arith.index_cast %parallel_loop3A_628 : i32 to index
        %parallel_loop3A_734 = arith.constant 64 : index
        %parallel_loop3A_735 = tpu.vector_load %arg12[%parallel_loop3A_733, %parallel_loop3A_734] {strides = array<i32>} : memref<320x128xf32, #tpu.memory_space<vmem>>, vector<1x16xf32>,
        %parallel_loop3A_736 = vector.shape_cast %parallel_loop3A_735 : vector<1x16xf32> to vector<16xf32>
        %parallel_loop3A_737 = vector.shape_cast %parallel_loop3A_732 : vector<16xf32> to vector<1x16xf32>
        tpu.vector_store %arg12[%parallel_loop3A_733, %parallel_loop3A_734], %parallel_loop3A_737 {strides = array<i32>} : memref<320x128xf32, #tpu.memory_space<vmem>>, vector<1x16xf32>,
        %parallel_loop3A_738 = arith.addf %parallel_loop3A_652, %parallel_loop3A_684 : vector<16xf32>
        %parallel_loop3A_739 = arith.constant 0.000000e+00 : f32
        %parallel_loop3A_740 = vector.broadcast %parallel_loop3A_739 : f32 to vector<16xf32>
        %parallel_loop3A_741 = arith.maximumf %parallel_loop3A_738, %parallel_loop3A_740 : vector<16xf32>
        %parallel_loop3A_742 = arith.index_cast %parallel_loop3A_628 : i32 to index
        %parallel_loop3A_743 = arith.constant 80 : index
        %parallel_loop3A_744 = tpu.vector_load %arg12[%parallel_loop3A_742, %parallel_loop3A_743] {strides = array<i32>} : memref<320x128xf32, #tpu.memory_space<vmem>>, vector<1x16xf32>,
        %parallel_loop3A_745 = vector.shape_cast %parallel_loop3A_744 : vector<1x16xf32> to vector<16xf32>
        %parallel_loop3A_746 = vector.shape_cast %parallel_loop3A_741 : vector<16xf32> to vector<1x16xf32>
        tpu.vector_store %arg12[%parallel_loop3A_742, %parallel_loop3A_743], %parallel_loop3A_746 {strides = array<i32>} : memref<320x128xf32, #tpu.memory_space<vmem>>, vector<1x16xf32>,
        %parallel_loop3A_747 = arith.addf %parallel_loop3A_656, %parallel_loop3A_688 : vector<16xf32>
        %parallel_loop3A_748 = arith.constant 0.000000e+00 : f32
        %parallel_loop3A_749 = vector.broadcast %parallel_loop3A_748 : f32 to vector<16xf32>
        %parallel_loop3A_750 = arith.maximumf %parallel_loop3A_747, %parallel_loop3A_749 : vector<16xf32>
        %parallel_loop3A_751 = arith.index_cast %parallel_loop3A_628 : i32 to index
        %parallel_loop3A_752 = arith.constant 96 : index
        %parallel_loop3A_753 = tpu.vector_load %arg12[%parallel_loop3A_751, %parallel_loop3A_752] {strides = array<i32>} : memref<320x128xf32, #tpu.memory_space<vmem>>, vector<1x16xf32>,
        %parallel_loop3A_754 = vector.shape_cast %parallel_loop3A_753 : vector<1x16xf32> to vector<16xf32>
        %parallel_loop3A_755 = vector.shape_cast %parallel_loop3A_750 : vector<16xf32> to vector<1x16xf32>
        tpu.vector_store %arg12[%parallel_loop3A_751, %parallel_loop3A_752], %parallel_loop3A_755 {strides = array<i32>} : memref<320x128xf32, #tpu.memory_space<vmem>>, vector<1x16xf32>,
        %parallel_loop3A_756 = arith.addf %parallel_loop3A_660, %parallel_loop3A_692 : vector<16xf32>
        %parallel_loop3A_757 = arith.constant 0.000000e+00 : f32
        %parallel_loop3A_758 = vector.broadcast %parallel_loop3A_757 : f32 to vector<16xf32>
        %parallel_loop3A_759 = arith.maximumf %parallel_loop3A_756, %parallel_loop3A_758 : vector<16xf32>
        %parallel_loop3A_760 = arith.index_cast %parallel_loop3A_628 : i32 to index
        %parallel_loop3A_761 = arith.constant 112 : index
        %parallel_loop3A_762 = tpu.vector_load %arg12[%parallel_loop3A_760, %parallel_loop3A_761] {strides = array<i32>} : memref<320x128xf32, #tpu.memory_space<vmem>>, vector<1x16xf32>,
        %parallel_loop3A_763 = vector.shape_cast %parallel_loop3A_762 : vector<1x16xf32> to vector<16xf32>
        %parallel_loop3A_764 = vector.shape_cast %parallel_loop3A_759 : vector<16xf32> to vector<1x16xf32>
        tpu.vector_store %arg12[%parallel_loop3A_760, %parallel_loop3A_761], %parallel_loop3A_764 {strides = array<i32>} : memref<320x128xf32, #tpu.memory_space<vmem>>, vector<1x16xf32>,
        %parallel_loop3A_765 = arith.constant 16 : i32
        %parallel_loop3A_766 = arith.muli %parallel_loop3A_303, %parallel_loop3A_765 : i32
        %parallel_loop3A_767 = arith.addi %mul3A_275, %parallel_loop3A_766 : i32
        %parallel_loop3A_768 = arith.constant 3 : i32
        %parallel_loop3A_769 = arith.addi %parallel_loop3A_767, %parallel_loop3A_768 : i32
        %parallel_loop3A_770 = arith.index_cast %parallel_loop3A_769 : i32 to index
        %parallel_loop3A_771 = arith.constant 0 : index
        %parallel_loop3A_772 = tpu.vector_load %arg12[%parallel_loop3A_770, %parallel_loop3A_771] {strides = array<i32>} : memref<320x128xf32, #tpu.memory_space<vmem>>, vector<1x16xf32>,
        %parallel_loop3A_773 = vector.shape_cast %parallel_loop3A_772 : vector<1x16xf32> to vector<16xf32>
        %parallel_loop3A_774 = arith.index_cast %parallel_loop3A_769 : i32 to index
        %parallel_loop3A_775 = arith.constant 16 : index
        %parallel_loop3A_776 = tpu.vector_load %arg12[%parallel_loop3A_774, %parallel_loop3A_775] {strides = array<i32>} : memref<320x128xf32, #tpu.memory_space<vmem>>, vector<1x16xf32>,
        %parallel_loop3A_777 = vector.shape_cast %parallel_loop3A_776 : vector<1x16xf32> to vector<16xf32>
        %parallel_loop3A_778 = arith.index_cast %parallel_loop3A_769 : i32 to index
        %parallel_loop3A_779 = arith.constant 32 : index
        %parallel_loop3A_780 = tpu.vector_load %arg12[%parallel_loop3A_778, %parallel_loop3A_779] {strides = array<i32>} : memref<320x128xf32, #tpu.memory_space<vmem>>, vector<1x16xf32>,
        %parallel_loop3A_781 = vector.shape_cast %parallel_loop3A_780 : vector<1x16xf32> to vector<16xf32>
        %parallel_loop3A_782 = arith.index_cast %parallel_loop3A_769 : i32 to index
        %parallel_loop3A_783 = arith.constant 48 : index
        %parallel_loop3A_784 = tpu.vector_load %arg12[%parallel_loop3A_782, %parallel_loop3A_783] {strides = array<i32>} : memref<320x128xf32, #tpu.memory_space<vmem>>, vector<1x16xf32>,
        %parallel_loop3A_785 = vector.shape_cast %parallel_loop3A_784 : vector<1x16xf32> to vector<16xf32>
        %parallel_loop3A_786 = arith.index_cast %parallel_loop3A_769 : i32 to index
        %parallel_loop3A_787 = arith.constant 64 : index
        %parallel_loop3A_788 = tpu.vector_load %arg12[%parallel_loop3A_786, %parallel_loop3A_787] {strides = array<i32>} : memref<320x128xf32, #tpu.memory_space<vmem>>, vector<1x16xf32>,
        %parallel_loop3A_789 = vector.shape_cast %parallel_loop3A_788 : vector<1x16xf32> to vector<16xf32>
        %parallel_loop3A_790 = arith.index_cast %parallel_loop3A_769 : i32 to index
        %parallel_loop3A_791 = arith.constant 80 : index
        %parallel_loop3A_792 = tpu.vector_load %arg12[%parallel_loop3A_790, %parallel_loop3A_791] {strides = array<i32>} : memref<320x128xf32, #tpu.memory_space<vmem>>, vector<1x16xf32>,
        %parallel_loop3A_793 = vector.shape_cast %parallel_loop3A_792 : vector<1x16xf32> to vector<16xf32>
        %parallel_loop3A_794 = arith.index_cast %parallel_loop3A_769 : i32 to index
        %parallel_loop3A_795 = arith.constant 96 : index
        %parallel_loop3A_796 = tpu.vector_load %arg12[%parallel_loop3A_794, %parallel_loop3A_795] {strides = array<i32>} : memref<320x128xf32, #tpu.memory_space<vmem>>, vector<1x16xf32>,
        %parallel_loop3A_797 = vector.shape_cast %parallel_loop3A_796 : vector<1x16xf32> to vector<16xf32>
        %parallel_loop3A_798 = arith.index_cast %parallel_loop3A_769 : i32 to index
        %parallel_loop3A_799 = arith.constant 112 : index
        %parallel_loop3A_800 = tpu.vector_load %arg12[%parallel_loop3A_798, %parallel_loop3A_799] {strides = array<i32>} : memref<320x128xf32, #tpu.memory_space<vmem>>, vector<1x16xf32>,
        %parallel_loop3A_801 = vector.shape_cast %parallel_loop3A_800 : vector<1x16xf32> to vector<16xf32>
        %parallel_loop3A_802 = arith.index_cast %parallel_loop3A_317 : i32 to index
        %parallel_loop3A_803 = arith.constant 0 : index
        %parallel_loop3A_804 = tpu.vector_load %arg11[%parallel_loop3A_802, %parallel_loop3A_803] {strides = array<i32>} : memref<16x128xf32, #tpu.memory_space<vmem>>, vector<1x16xf32>,
        %parallel_loop3A_805 = vector.shape_cast %parallel_loop3A_804 : vector<1x16xf32> to vector<16xf32>
        %parallel_loop3A_806 = arith.index_cast %parallel_loop3A_317 : i32 to index
        %parallel_loop3A_807 = arith.constant 16 : index
        %parallel_loop3A_808 = tpu.vector_load %arg11[%parallel_loop3A_806, %parallel_loop3A_807] {strides = array<i32>} : memref<16x128xf32, #tpu.memory_space<vmem>>, vector<1x16xf32>,
        %parallel_loop3A_809 = vector.shape_cast %parallel_loop3A_808 : vector<1x16xf32> to vector<16xf32>
        %parallel_loop3A_810 = arith.index_cast %parallel_loop3A_317 : i32 to index
        %parallel_loop3A_811 = arith.constant 32 : index
        %parallel_loop3A_812 = tpu.vector_load %arg11[%parallel_loop3A_810, %parallel_loop3A_811] {strides = array<i32>} : memref<16x128xf32, #tpu.memory_space<vmem>>, vector<1x16xf32>,
        %parallel_loop3A_813 = vector.shape_cast %parallel_loop3A_812 : vector<1x16xf32> to vector<16xf32>
        %parallel_loop3A_814 = arith.index_cast %parallel_loop3A_317 : i32 to index
        %parallel_loop3A_815 = arith.constant 48 : index
        %parallel_loop3A_816 = tpu.vector_load %arg11[%parallel_loop3A_814, %parallel_loop3A_815] {strides = array<i32>} : memref<16x128xf32, #tpu.memory_space<vmem>>, vector<1x16xf32>,
        %parallel_loop3A_817 = vector.shape_cast %parallel_loop3A_816 : vector<1x16xf32> to vector<16xf32>
        %parallel_loop3A_818 = arith.index_cast %parallel_loop3A_317 : i32 to index
        %parallel_loop3A_819 = arith.constant 64 : index
        %parallel_loop3A_820 = tpu.vector_load %arg11[%parallel_loop3A_818, %parallel_loop3A_819] {strides = array<i32>} : memref<16x128xf32, #tpu.memory_space<vmem>>, vector<1x16xf32>,
        %parallel_loop3A_821 = vector.shape_cast %parallel_loop3A_820 : vector<1x16xf32> to vector<16xf32>
        %parallel_loop3A_822 = arith.index_cast %parallel_loop3A_317 : i32 to index
        %parallel_loop3A_823 = arith.constant 80 : index
        %parallel_loop3A_824 = tpu.vector_load %arg11[%parallel_loop3A_822, %parallel_loop3A_823] {strides = array<i32>} : memref<16x128xf32, #tpu.memory_space<vmem>>, vector<1x16xf32>,
        %parallel_loop3A_825 = vector.shape_cast %parallel_loop3A_824 : vector<1x16xf32> to vector<16xf32>
        %parallel_loop3A_826 = arith.index_cast %parallel_loop3A_317 : i32 to index
        %parallel_loop3A_827 = arith.constant 96 : index
        %parallel_loop3A_828 = tpu.vector_load %arg11[%parallel_loop3A_826, %parallel_loop3A_827] {strides = array<i32>} : memref<16x128xf32, #tpu.memory_space<vmem>>, vector<1x16xf32>,
        %parallel_loop3A_829 = vector.shape_cast %parallel_loop3A_828 : vector<1x16xf32> to vector<16xf32>
        %parallel_loop3A_830 = arith.index_cast %parallel_loop3A_317 : i32 to index
        %parallel_loop3A_831 = arith.constant 112 : index
        %parallel_loop3A_832 = tpu.vector_load %arg11[%parallel_loop3A_830, %parallel_loop3A_831] {strides = array<i32>} : memref<16x128xf32, #tpu.memory_space<vmem>>, vector<1x16xf32>,
        %parallel_loop3A_833 = vector.shape_cast %parallel_loop3A_832 : vector<1x16xf32> to vector<16xf32>
        %parallel_loop3A_834 = arith.addf %parallel_loop3A_773, %parallel_loop3A_805 : vector<16xf32>
        %parallel_loop3A_835 = arith.constant 0.000000e+00 : f32
        %parallel_loop3A_836 = vector.broadcast %parallel_loop3A_835 : f32 to vector<16xf32>
        %parallel_loop3A_837 = arith.maximumf %parallel_loop3A_834, %parallel_loop3A_836 : vector<16xf32>
        %parallel_loop3A_838 = arith.index_cast %parallel_loop3A_769 : i32 to index
        %parallel_loop3A_839 = arith.constant 0 : index
        %parallel_loop3A_840 = tpu.vector_load %arg12[%parallel_loop3A_838, %parallel_loop3A_839] {strides = array<i32>} : memref<320x128xf32, #tpu.memory_space<vmem>>, vector<1x16xf32>,
        %parallel_loop3A_841 = vector.shape_cast %parallel_loop3A_840 : vector<1x16xf32> to vector<16xf32>
        %parallel_loop3A_842 = vector.shape_cast %parallel_loop3A_837 : vector<16xf32> to vector<1x16xf32>
        tpu.vector_store %arg12[%parallel_loop3A_838, %parallel_loop3A_839], %parallel_loop3A_842 {strides = array<i32>} : memref<320x128xf32, #tpu.memory_space<vmem>>, vector<1x16xf32>,
        %parallel_loop3A_843 = arith.addf %parallel_loop3A_777, %parallel_loop3A_809 : vector<16xf32>
        %parallel_loop3A_844 = arith.constant 0.000000e+00 : f32
        %parallel_loop3A_845 = vector.broadcast %parallel_loop3A_844 : f32 to vector<16xf32>
        %parallel_loop3A_846 = arith.maximumf %parallel_loop3A_843, %parallel_loop3A_845 : vector<16xf32>
        %parallel_loop3A_847 = arith.index_cast %parallel_loop3A_769 : i32 to index
        %parallel_loop3A_848 = arith.constant 16 : index
        %parallel_loop3A_849 = tpu.vector_load %arg12[%parallel_loop3A_847, %parallel_loop3A_848] {strides = array<i32>} : memref<320x128xf32, #tpu.memory_space<vmem>>, vector<1x16xf32>,
        %parallel_loop3A_850 = vector.shape_cast %parallel_loop3A_849 : vector<1x16xf32> to vector<16xf32>
        %parallel_loop3A_851 = vector.shape_cast %parallel_loop3A_846 : vector<16xf32> to vector<1x16xf32>
        tpu.vector_store %arg12[%parallel_loop3A_847, %parallel_loop3A_848], %parallel_loop3A_851 {strides = array<i32>} : memref<320x128xf32, #tpu.memory_space<vmem>>, vector<1x16xf32>,
        %parallel_loop3A_852 = arith.addf %parallel_loop3A_781, %parallel_loop3A_813 : vector<16xf32>
        %parallel_loop3A_853 = arith.constant 0.000000e+00 : f32
        %parallel_loop3A_854 = vector.broadcast %parallel_loop3A_853 : f32 to vector<16xf32>
        %parallel_loop3A_855 = arith.maximumf %parallel_loop3A_852, %parallel_loop3A_854 : vector<16xf32>
        %parallel_loop3A_856 = arith.index_cast %parallel_loop3A_769 : i32 to index
        %parallel_loop3A_857 = arith.constant 32 : index
        %parallel_loop3A_858 = tpu.vector_load %arg12[%parallel_loop3A_856, %parallel_loop3A_857] {strides = array<i32>} : memref<320x128xf32, #tpu.memory_space<vmem>>, vector<1x16xf32>,
        %parallel_loop3A_859 = vector.shape_cast %parallel_loop3A_858 : vector<1x16xf32> to vector<16xf32>
        %parallel_loop3A_860 = vector.shape_cast %parallel_loop3A_855 : vector<16xf32> to vector<1x16xf32>
        tpu.vector_store %arg12[%parallel_loop3A_856, %parallel_loop3A_857], %parallel_loop3A_860 {strides = array<i32>} : memref<320x128xf32, #tpu.memory_space<vmem>>, vector<1x16xf32>,
        %parallel_loop3A_861 = arith.addf %parallel_loop3A_785, %parallel_loop3A_817 : vector<16xf32>
        %parallel_loop3A_862 = arith.constant 0.000000e+00 : f32
        %parallel_loop3A_863 = vector.broadcast %parallel_loop3A_862 : f32 to vector<16xf32>
        %parallel_loop3A_864 = arith.maximumf %parallel_loop3A_861, %parallel_loop3A_863 : vector<16xf32>
        %parallel_loop3A_865 = arith.index_cast %parallel_loop3A_769 : i32 to index
        %parallel_loop3A_866 = arith.constant 48 : index
        %parallel_loop3A_867 = tpu.vector_load %arg12[%parallel_loop3A_865, %parallel_loop3A_866] {strides = array<i32>} : memref<320x128xf32, #tpu.memory_space<vmem>>, vector<1x16xf32>,
        %parallel_loop3A_868 = vector.shape_cast %parallel_loop3A_867 : vector<1x16xf32> to vector<16xf32>
        %parallel_loop3A_869 = vector.shape_cast %parallel_loop3A_864 : vector<16xf32> to vector<1x16xf32>
        tpu.vector_store %arg12[%parallel_loop3A_865, %parallel_loop3A_866], %parallel_loop3A_869 {strides = array<i32>} : memref<320x128xf32, #tpu.memory_space<vmem>>, vector<1x16xf32>,
        %parallel_loop3A_870 = arith.addf %parallel_loop3A_789, %parallel_loop3A_821 : vector<16xf32>
        %parallel_loop3A_871 = arith.constant 0.000000e+00 : f32
        %parallel_loop3A_872 = vector.broadcast %parallel_loop3A_871 : f32 to vector<16xf32>
        %parallel_loop3A_873 = arith.maximumf %parallel_loop3A_870, %parallel_loop3A_872 : vector<16xf32>
        %parallel_loop3A_874 = arith.index_cast %parallel_loop3A_769 : i32 to index
        %parallel_loop3A_875 = arith.constant 64 : index
        %parallel_loop3A_876 = tpu.vector_load %arg12[%parallel_loop3A_874, %parallel_loop3A_875] {strides = array<i32>} : memref<320x128xf32, #tpu.memory_space<vmem>>, vector<1x16xf32>,
        %parallel_loop3A_877 = vector.shape_cast %parallel_loop3A_876 : vector<1x16xf32> to vector<16xf32>
        %parallel_loop3A_878 = vector.shape_cast %parallel_loop3A_873 : vector<16xf32> to vector<1x16xf32>
        tpu.vector_store %arg12[%parallel_loop3A_874, %parallel_loop3A_875], %parallel_loop3A_878 {strides = array<i32>} : memref<320x128xf32, #tpu.memory_space<vmem>>, vector<1x16xf32>,
        %parallel_loop3A_879 = arith.addf %parallel_loop3A_793, %parallel_loop3A_825 : vector<16xf32>
        %parallel_loop3A_880 = arith.constant 0.000000e+00 : f32
        %parallel_loop3A_881 = vector.broadcast %parallel_loop3A_880 : f32 to vector<16xf32>
        %parallel_loop3A_882 = arith.maximumf %parallel_loop3A_879, %parallel_loop3A_881 : vector<16xf32>
        %parallel_loop3A_883 = arith.index_cast %parallel_loop3A_769 : i32 to index
        %parallel_loop3A_884 = arith.constant 80 : index
        %parallel_loop3A_885 = tpu.vector_load %arg12[%parallel_loop3A_883, %parallel_loop3A_884] {strides = array<i32>} : memref<320x128xf32, #tpu.memory_space<vmem>>, vector<1x16xf32>,
        %parallel_loop3A_886 = vector.shape_cast %parallel_loop3A_885 : vector<1x16xf32> to vector<16xf32>
        %parallel_loop3A_887 = vector.shape_cast %parallel_loop3A_882 : vector<16xf32> to vector<1x16xf32>
        tpu.vector_store %arg12[%parallel_loop3A_883, %parallel_loop3A_884], %parallel_loop3A_887 {strides = array<i32>} : memref<320x128xf32, #tpu.memory_space<vmem>>, vector<1x16xf32>,
        %parallel_loop3A_888 = arith.addf %parallel_loop3A_797, %parallel_loop3A_829 : vector<16xf32>
        %parallel_loop3A_889 = arith.constant 0.000000e+00 : f32
        %parallel_loop3A_890 = vector.broadcast %parallel_loop3A_889 : f32 to vector<16xf32>
        %parallel_loop3A_891 = arith.maximumf %parallel_loop3A_888, %parallel_loop3A_890 : vector<16xf32>
        %parallel_loop3A_892 = arith.index_cast %parallel_loop3A_769 : i32 to index
        %parallel_loop3A_893 = arith.constant 96 : index
        %parallel_loop3A_894 = tpu.vector_load %arg12[%parallel_loop3A_892, %parallel_loop3A_893] {strides = array<i32>} : memref<320x128xf32, #tpu.memory_space<vmem>>, vector<1x16xf32>,
        %parallel_loop3A_895 = vector.shape_cast %parallel_loop3A_894 : vector<1x16xf32> to vector<16xf32>
        %parallel_loop3A_896 = vector.shape_cast %parallel_loop3A_891 : vector<16xf32> to vector<1x16xf32>
        tpu.vector_store %arg12[%parallel_loop3A_892, %parallel_loop3A_893], %parallel_loop3A_896 {strides = array<i32>} : memref<320x128xf32, #tpu.memory_space<vmem>>, vector<1x16xf32>,
        %parallel_loop3A_897 = arith.addf %parallel_loop3A_801, %parallel_loop3A_833 : vector<16xf32>
        %parallel_loop3A_898 = arith.constant 0.000000e+00 : f32
        %parallel_loop3A_899 = vector.broadcast %parallel_loop3A_898 : f32 to vector<16xf32>
        %parallel_loop3A_900 = arith.maximumf %parallel_loop3A_897, %parallel_loop3A_899 : vector<16xf32>
        %parallel_loop3A_901 = arith.index_cast %parallel_loop3A_769 : i32 to index
        %parallel_loop3A_902 = arith.constant 112 : index
        %parallel_loop3A_903 = tpu.vector_load %arg12[%parallel_loop3A_901, %parallel_loop3A_902] {strides = array<i32>} : memref<320x128xf32, #tpu.memory_space<vmem>>, vector<1x16xf32>,
        %parallel_loop3A_904 = vector.shape_cast %parallel_loop3A_903 : vector<1x16xf32> to vector<16xf32>
        %parallel_loop3A_905 = vector.shape_cast %parallel_loop3A_900 : vector<16xf32> to vector<1x16xf32>
        tpu.vector_store %arg12[%parallel_loop3A_901, %parallel_loop3A_902], %parallel_loop3A_905 {strides = array<i32>} : memref<320x128xf32, #tpu.memory_space<vmem>>, vector<1x16xf32>,
        %parallel_loop3A_906 = arith.constant 16 : i32
        %parallel_loop3A_907 = arith.muli %parallel_loop3A_303, %parallel_loop3A_906 : i32
        %parallel_loop3A_908 = arith.addi %mul3A_275, %parallel_loop3A_907 : i32
        %parallel_loop3A_909 = arith.constant 4 : i32
        %parallel_loop3A_910 = arith.addi %parallel_loop3A_908, %parallel_loop3A_909 : i32
        %parallel_loop3A_911 = arith.index_cast %parallel_loop3A_910 : i32 to index
        %parallel_loop3A_912 = arith.constant 0 : index
        %parallel_loop3A_913 = tpu.vector_load %arg12[%parallel_loop3A_911, %parallel_loop3A_912] {strides = array<i32>} : memref<320x128xf32, #tpu.memory_space<vmem>>, vector<1x16xf32>,
        %parallel_loop3A_914 = vector.shape_cast %parallel_loop3A_913 : vector<1x16xf32> to vector<16xf32>
        %parallel_loop3A_915 = arith.index_cast %parallel_loop3A_910 : i32 to index
        %parallel_loop3A_916 = arith.constant 16 : index
        %parallel_loop3A_917 = tpu.vector_load %arg12[%parallel_loop3A_915, %parallel_loop3A_916] {strides = array<i32>} : memref<320x128xf32, #tpu.memory_space<vmem>>, vector<1x16xf32>,
        %parallel_loop3A_918 = vector.shape_cast %parallel_loop3A_917 : vector<1x16xf32> to vector<16xf32>
        %parallel_loop3A_919 = arith.index_cast %parallel_loop3A_910 : i32 to index
        %parallel_loop3A_920 = arith.constant 32 : index
        %parallel_loop3A_921 = tpu.vector_load %arg12[%parallel_loop3A_919, %parallel_loop3A_920] {strides = array<i32>} : memref<320x128xf32, #tpu.memory_space<vmem>>, vector<1x16xf32>,
        %parallel_loop3A_922 = vector.shape_cast %parallel_loop3A_921 : vector<1x16xf32> to vector<16xf32>
        %parallel_loop3A_923 = arith.index_cast %parallel_loop3A_910 : i32 to index
        %parallel_loop3A_924 = arith.constant 48 : index
        %parallel_loop3A_925 = tpu.vector_load %arg12[%parallel_loop3A_923, %parallel_loop3A_924] {strides = array<i32>} : memref<320x128xf32, #tpu.memory_space<vmem>>, vector<1x16xf32>,
        %parallel_loop3A_926 = vector.shape_cast %parallel_loop3A_925 : vector<1x16xf32> to vector<16xf32>
        %parallel_loop3A_927 = arith.index_cast %parallel_loop3A_910 : i32 to index
        %parallel_loop3A_928 = arith.constant 64 : index
        %parallel_loop3A_929 = tpu.vector_load %arg12[%parallel_loop3A_927, %parallel_loop3A_928] {strides = array<i32>} : memref<320x128xf32, #tpu.memory_space<vmem>>, vector<1x16xf32>,
        %parallel_loop3A_930 = vector.shape_cast %parallel_loop3A_929 : vector<1x16xf32> to vector<16xf32>
        %parallel_loop3A_931 = arith.index_cast %parallel_loop3A_910 : i32 to index
        %parallel_loop3A_932 = arith.constant 80 : index
        %parallel_loop3A_933 = tpu.vector_load %arg12[%parallel_loop3A_931, %parallel_loop3A_932] {strides = array<i32>} : memref<320x128xf32, #tpu.memory_space<vmem>>, vector<1x16xf32>,
        %parallel_loop3A_934 = vector.shape_cast %parallel_loop3A_933 : vector<1x16xf32> to vector<16xf32>
        %parallel_loop3A_935 = arith.index_cast %parallel_loop3A_910 : i32 to index
        %parallel_loop3A_936 = arith.constant 96 : index
        %parallel_loop3A_937 = tpu.vector_load %arg12[%parallel_loop3A_935, %parallel_loop3A_936] {strides = array<i32>} : memref<320x128xf32, #tpu.memory_space<vmem>>, vector<1x16xf32>,
        %parallel_loop3A_938 = vector.shape_cast %parallel_loop3A_937 : vector<1x16xf32> to vector<16xf32>
        %parallel_loop3A_939 = arith.index_cast %parallel_loop3A_910 : i32 to index
        %parallel_loop3A_940 = arith.constant 112 : index
        %parallel_loop3A_941 = tpu.vector_load %arg12[%parallel_loop3A_939, %parallel_loop3A_940] {strides = array<i32>} : memref<320x128xf32, #tpu.memory_space<vmem>>, vector<1x16xf32>,
        %parallel_loop3A_942 = vector.shape_cast %parallel_loop3A_941 : vector<1x16xf32> to vector<16xf32>
        %parallel_loop3A_943 = arith.index_cast %parallel_loop3A_319 : i32 to index
        %parallel_loop3A_944 = arith.constant 0 : index
        %parallel_loop3A_945 = tpu.vector_load %arg11[%parallel_loop3A_943, %parallel_loop3A_944] {strides = array<i32>} : memref<16x128xf32, #tpu.memory_space<vmem>>, vector<1x16xf32>,
        %parallel_loop3A_946 = vector.shape_cast %parallel_loop3A_945 : vector<1x16xf32> to vector<16xf32>
        %parallel_loop3A_947 = arith.index_cast %parallel_loop3A_319 : i32 to index
        %parallel_loop3A_948 = arith.constant 16 : index
        %parallel_loop3A_949 = tpu.vector_load %arg11[%parallel_loop3A_947, %parallel_loop3A_948] {strides = array<i32>} : memref<16x128xf32, #tpu.memory_space<vmem>>, vector<1x16xf32>,
        %parallel_loop3A_950 = vector.shape_cast %parallel_loop3A_949 : vector<1x16xf32> to vector<16xf32>
        %parallel_loop3A_951 = arith.index_cast %parallel_loop3A_319 : i32 to index
        %parallel_loop3A_952 = arith.constant 32 : index
        %parallel_loop3A_953 = tpu.vector_load %arg11[%parallel_loop3A_951, %parallel_loop3A_952] {strides = array<i32>} : memref<16x128xf32, #tpu.memory_space<vmem>>, vector<1x16xf32>,
        %parallel_loop3A_954 = vector.shape_cast %parallel_loop3A_953 : vector<1x16xf32> to vector<16xf32>
        %parallel_loop3A_955 = arith.index_cast %parallel_loop3A_319 : i32 to index
        %parallel_loop3A_956 = arith.constant 48 : index
        %parallel_loop3A_957 = tpu.vector_load %arg11[%parallel_loop3A_955, %parallel_loop3A_956] {strides = array<i32>} : memref<16x128xf32, #tpu.memory_space<vmem>>, vector<1x16xf32>,
        %parallel_loop3A_958 = vector.shape_cast %parallel_loop3A_957 : vector<1x16xf32> to vector<16xf32>
        %parallel_loop3A_959 = arith.index_cast %parallel_loop3A_319 : i32 to index
        %parallel_loop3A_960 = arith.constant 64 : index
        %parallel_loop3A_961 = tpu.vector_load %arg11[%parallel_loop3A_959, %parallel_loop3A_960] {strides = array<i32>} : memref<16x128xf32, #tpu.memory_space<vmem>>, vector<1x16xf32>,
        %parallel_loop3A_962 = vector.shape_cast %parallel_loop3A_961 : vector<1x16xf32> to vector<16xf32>
        %parallel_loop3A_963 = arith.index_cast %parallel_loop3A_319 : i32 to index
        %parallel_loop3A_964 = arith.constant 80 : index
        %parallel_loop3A_965 = tpu.vector_load %arg11[%parallel_loop3A_963, %parallel_loop3A_964] {strides = array<i32>} : memref<16x128xf32, #tpu.memory_space<vmem>>, vector<1x16xf32>,
        %parallel_loop3A_966 = vector.shape_cast %parallel_loop3A_965 : vector<1x16xf32> to vector<16xf32>
        %parallel_loop3A_967 = arith.index_cast %parallel_loop3A_319 : i32 to index
        %parallel_loop3A_968 = arith.constant 96 : index
        %parallel_loop3A_969 = tpu.vector_load %arg11[%parallel_loop3A_967, %parallel_loop3A_968] {strides = array<i32>} : memref<16x128xf32, #tpu.memory_space<vmem>>, vector<1x16xf32>,
        %parallel_loop3A_970 = vector.shape_cast %parallel_loop3A_969 : vector<1x16xf32> to vector<16xf32>
        %parallel_loop3A_971 = arith.index_cast %parallel_loop3A_319 : i32 to index
        %parallel_loop3A_972 = arith.constant 112 : index
        %parallel_loop3A_973 = tpu.vector_load %arg11[%parallel_loop3A_971, %parallel_loop3A_972] {strides = array<i32>} : memref<16x128xf32, #tpu.memory_space<vmem>>, vector<1x16xf32>,
        %parallel_loop3A_974 = vector.shape_cast %parallel_loop3A_973 : vector<1x16xf32> to vector<16xf32>
        %parallel_loop3A_975 = arith.addf %parallel_loop3A_914, %parallel_loop3A_946 : vector<16xf32>
        %parallel_loop3A_976 = arith.constant 0.000000e+00 : f32
        %parallel_loop3A_977 = vector.broadcast %parallel_loop3A_976 : f32 to vector<16xf32>
        %parallel_loop3A_978 = arith.maximumf %parallel_loop3A_975, %parallel_loop3A_977 : vector<16xf32>
        %parallel_loop3A_979 = arith.index_cast %parallel_loop3A_910 : i32 to index
        %parallel_loop3A_980 = arith.constant 0 : index
        %parallel_loop3A_981 = tpu.vector_load %arg12[%parallel_loop3A_979, %parallel_loop3A_980] {strides = array<i32>} : memref<320x128xf32, #tpu.memory_space<vmem>>, vector<1x16xf32>,
        %parallel_loop3A_982 = vector.shape_cast %parallel_loop3A_981 : vector<1x16xf32> to vector<16xf32>
        %parallel_loop3A_983 = vector.shape_cast %parallel_loop3A_978 : vector<16xf32> to vector<1x16xf32>
        tpu.vector_store %arg12[%parallel_loop3A_979, %parallel_loop3A_980], %parallel_loop3A_983 {strides = array<i32>} : memref<320x128xf32, #tpu.memory_space<vmem>>, vector<1x16xf32>,
        %parallel_loop3A_984 = arith.addf %parallel_loop3A_918, %parallel_loop3A_950 : vector<16xf32>
        %parallel_loop3A_985 = arith.constant 0.000000e+00 : f32
        %parallel_loop3A_986 = vector.broadcast %parallel_loop3A_985 : f32 to vector<16xf32>
        %parallel_loop3A_987 = arith.maximumf %parallel_loop3A_984, %parallel_loop3A_986 : vector<16xf32>
        %parallel_loop3A_988 = arith.index_cast %parallel_loop3A_910 : i32 to index
        %parallel_loop3A_989 = arith.constant 16 : index
        %parallel_loop3A_990 = tpu.vector_load %arg12[%parallel_loop3A_988, %parallel_loop3A_989] {strides = array<i32>} : memref<320x128xf32, #tpu.memory_space<vmem>>, vector<1x16xf32>,
        %parallel_loop3A_991 = vector.shape_cast %parallel_loop3A_990 : vector<1x16xf32> to vector<16xf32>
        %parallel_loop3A_992 = vector.shape_cast %parallel_loop3A_987 : vector<16xf32> to vector<1x16xf32>
        tpu.vector_store %arg12[%parallel_loop3A_988, %parallel_loop3A_989], %parallel_loop3A_992 {strides = array<i32>} : memref<320x128xf32, #tpu.memory_space<vmem>>, vector<1x16xf32>,
        %parallel_loop3A_993 = arith.addf %parallel_loop3A_922, %parallel_loop3A_954 : vector<16xf32>
        %parallel_loop3A_994 = arith.constant 0.000000e+00 : f32
        %parallel_loop3A_995 = vector.broadcast %parallel_loop3A_994 : f32 to vector<16xf32>
        %parallel_loop3A_996 = arith.maximumf %parallel_loop3A_993, %parallel_loop3A_995 : vector<16xf32>
        %parallel_loop3A_997 = arith.index_cast %parallel_loop3A_910 : i32 to index
        %parallel_loop3A_998 = arith.constant 32 : index
        %parallel_loop3A_999 = tpu.vector_load %arg12[%parallel_loop3A_997, %parallel_loop3A_998] {strides = array<i32>} : memref<320x128xf32, #tpu.memory_space<vmem>>, vector<1x16xf32>,
        %parallel_loop3A_1000 = vector.shape_cast %parallel_loop3A_999 : vector<1x16xf32> to vector<16xf32>
        %parallel_loop3A_1001 = vector.shape_cast %parallel_loop3A_996 : vector<16xf32> to vector<1x16xf32>
        tpu.vector_store %arg12[%parallel_loop3A_997, %parallel_loop3A_998], %parallel_loop3A_1001 {strides = array<i32>} : memref<320x128xf32, #tpu.memory_space<vmem>>, vector<1x16xf32>,
        %parallel_loop3A_1002 = arith.addf %parallel_loop3A_926, %parallel_loop3A_958 : vector<16xf32>
        %parallel_loop3A_1003 = arith.constant 0.000000e+00 : f32
        %parallel_loop3A_1004 = vector.broadcast %parallel_loop3A_1003 : f32 to vector<16xf32>
        %parallel_loop3A_1005 = arith.maximumf %parallel_loop3A_1002, %parallel_loop3A_1004 : vector<16xf32>
        %parallel_loop3A_1006 = arith.index_cast %parallel_loop3A_910 : i32 to index
        %parallel_loop3A_1007 = arith.constant 48 : index
        %parallel_loop3A_1008 = tpu.vector_load %arg12[%parallel_loop3A_1006, %parallel_loop3A_1007] {strides = array<i32>} : memref<320x128xf32, #tpu.memory_space<vmem>>, vector<1x16xf32>,
        %parallel_loop3A_1009 = vector.shape_cast %parallel_loop3A_1008 : vector<1x16xf32> to vector<16xf32>
        %parallel_loop3A_1010 = vector.shape_cast %parallel_loop3A_1005 : vector<16xf32> to vector<1x16xf32>
        tpu.vector_store %arg12[%parallel_loop3A_1006, %parallel_loop3A_1007], %parallel_loop3A_1010 {strides = array<i32>} : memref<320x128xf32, #tpu.memory_space<vmem>>, vector<1x16xf32>,
        %parallel_loop3A_1011 = arith.addf %parallel_loop3A_930, %parallel_loop3A_962 : vector<16xf32>
        %parallel_loop3A_1012 = arith.constant 0.000000e+00 : f32
        %parallel_loop3A_1013 = vector.broadcast %parallel_loop3A_1012 : f32 to vector<16xf32>
        %parallel_loop3A_1014 = arith.maximumf %parallel_loop3A_1011, %parallel_loop3A_1013 : vector<16xf32>
        %parallel_loop3A_1015 = arith.index_cast %parallel_loop3A_910 : i32 to index
        %parallel_loop3A_1016 = arith.constant 64 : index
        %parallel_loop3A_1017 = tpu.vector_load %arg12[%parallel_loop3A_1015, %parallel_loop3A_1016] {strides = array<i32>} : memref<320x128xf32, #tpu.memory_space<vmem>>, vector<1x16xf32>,
        %parallel_loop3A_1018 = vector.shape_cast %parallel_loop3A_1017 : vector<1x16xf32> to vector<16xf32>
        %parallel_loop3A_1019 = vector.shape_cast %parallel_loop3A_1014 : vector<16xf32> to vector<1x16xf32>
        tpu.vector_store %arg12[%parallel_loop3A_1015, %parallel_loop3A_1016], %parallel_loop3A_1019 {strides = array<i32>} : memref<320x128xf32, #tpu.memory_space<vmem>>, vector<1x16xf32>,
        %parallel_loop3A_1020 = arith.addf %parallel_loop3A_934, %parallel_loop3A_966 : vector<16xf32>
        %parallel_loop3A_1021 = arith.constant 0.000000e+00 : f32
        %parallel_loop3A_1022 = vector.broadcast %parallel_loop3A_1021 : f32 to vector<16xf32>
        %parallel_loop3A_1023 = arith.maximumf %parallel_loop3A_1020, %parallel_loop3A_1022 : vector<16xf32>
        %parallel_loop3A_1024 = arith.index_cast %parallel_loop3A_910 : i32 to index
        %parallel_loop3A_1025 = arith.constant 80 : index
        %parallel_loop3A_1026 = tpu.vector_load %arg12[%parallel_loop3A_1024, %parallel_loop3A_1025] {strides = array<i32>} : memref<320x128xf32, #tpu.memory_space<vmem>>, vector<1x16xf32>,
        %parallel_loop3A_1027 = vector.shape_cast %parallel_loop3A_1026 : vector<1x16xf32> to vector<16xf32>
        %parallel_loop3A_1028 = vector.shape_cast %parallel_loop3A_1023 : vector<16xf32> to vector<1x16xf32>
        tpu.vector_store %arg12[%parallel_loop3A_1024, %parallel_loop3A_1025], %parallel_loop3A_1028 {strides = array<i32>} : memref<320x128xf32, #tpu.memory_space<vmem>>, vector<1x16xf32>,
        %parallel_loop3A_1029 = arith.addf %parallel_loop3A_938, %parallel_loop3A_970 : vector<16xf32>
        %parallel_loop3A_1030 = arith.constant 0.000000e+00 : f32
        %parallel_loop3A_1031 = vector.broadcast %parallel_loop3A_1030 : f32 to vector<16xf32>
        %parallel_loop3A_1032 = arith.maximumf %parallel_loop3A_1029, %parallel_loop3A_1031 : vector<16xf32>
        %parallel_loop3A_1033 = arith.index_cast %parallel_loop3A_910 : i32 to index
        %parallel_loop3A_1034 = arith.constant 96 : index
        %parallel_loop3A_1035 = tpu.vector_load %arg12[%parallel_loop3A_1033, %parallel_loop3A_1034] {strides = array<i32>} : memref<320x128xf32, #tpu.memory_space<vmem>>, vector<1x16xf32>,
        %parallel_loop3A_1036 = vector.shape_cast %parallel_loop3A_1035 : vector<1x16xf32> to vector<16xf32>
        %parallel_loop3A_1037 = vector.shape_cast %parallel_loop3A_1032 : vector<16xf32> to vector<1x16xf32>
        tpu.vector_store %arg12[%parallel_loop3A_1033, %parallel_loop3A_1034], %parallel_loop3A_1037 {strides = array<i32>} : memref<320x128xf32, #tpu.memory_space<vmem>>, vector<1x16xf32>,
        %parallel_loop3A_1038 = arith.addf %parallel_loop3A_942, %parallel_loop3A_974 : vector<16xf32>
        %parallel_loop3A_1039 = arith.constant 0.000000e+00 : f32
        %parallel_loop3A_1040 = vector.broadcast %parallel_loop3A_1039 : f32 to vector<16xf32>
        %parallel_loop3A_1041 = arith.maximumf %parallel_loop3A_1038, %parallel_loop3A_1040 : vector<16xf32>
        %parallel_loop3A_1042 = arith.index_cast %parallel_loop3A_910 : i32 to index
        %parallel_loop3A_1043 = arith.constant 112 : index
        %parallel_loop3A_1044 = tpu.vector_load %arg12[%parallel_loop3A_1042, %parallel_loop3A_1043] {strides = array<i32>} : memref<320x128xf32, #tpu.memory_space<vmem>>, vector<1x16xf32>,
        %parallel_loop3A_1045 = vector.shape_cast %parallel_loop3A_1044 : vector<1x16xf32> to vector<16xf32>
        %parallel_loop3A_1046 = vector.shape_cast %parallel_loop3A_1041 : vector<16xf32> to vector<1x16xf32>
        tpu.vector_store %arg12[%parallel_loop3A_1042, %parallel_loop3A_1043], %parallel_loop3A_1046 {strides = array<i32>} : memref<320x128xf32, #tpu.memory_space<vmem>>, vector<1x16xf32>,
        %parallel_loop3A_1047 = arith.constant 16 : i32
        %parallel_loop3A_1048 = arith.muli %parallel_loop3A_303, %parallel_loop3A_1047 : i32
        %parallel_loop3A_1049 = arith.addi %mul3A_275, %parallel_loop3A_1048 : i32
        %parallel_loop3A_1050 = arith.constant 5 : i32
        %parallel_loop3A_1051 = arith.addi %parallel_loop3A_1049, %parallel_loop3A_1050 : i32
        %parallel_loop3A_1052 = arith.index_cast %parallel_loop3A_1051 : i32 to index
        %parallel_loop3A_1053 = arith.constant 0 : index
        %parallel_loop3A_1054 = tpu.vector_load %arg12[%parallel_loop3A_1052, %parallel_loop3A_1053] {strides = array<i32>} : memref<320x128xf32, #tpu.memory_space<vmem>>, vector<1x16xf32>,
        %parallel_loop3A_1055 = vector.shape_cast %parallel_loop3A_1054 : vector<1x16xf32> to vector<16xf32>
        %parallel_loop3A_1056 = arith.index_cast %parallel_loop3A_1051 : i32 to index
        %parallel_loop3A_1057 = arith.constant 16 : index
        %parallel_loop3A_1058 = tpu.vector_load %arg12[%parallel_loop3A_1056, %parallel_loop3A_1057] {strides = array<i32>} : memref<320x128xf32, #tpu.memory_space<vmem>>, vector<1x16xf32>,
        %parallel_loop3A_1059 = vector.shape_cast %parallel_loop3A_1058 : vector<1x16xf32> to vector<16xf32>
        %parallel_loop3A_1060 = arith.index_cast %parallel_loop3A_1051 : i32 to index
        %parallel_loop3A_1061 = arith.constant 32 : index
        %parallel_loop3A_1062 = tpu.vector_load %arg12[%parallel_loop3A_1060, %parallel_loop3A_1061] {strides = array<i32>} : memref<320x128xf32, #tpu.memory_space<vmem>>, vector<1x16xf32>,
        %parallel_loop3A_1063 = vector.shape_cast %parallel_loop3A_1062 : vector<1x16xf32> to vector<16xf32>
        %parallel_loop3A_1064 = arith.index_cast %parallel_loop3A_1051 : i32 to index
        %parallel_loop3A_1065 = arith.constant 48 : index
        %parallel_loop3A_1066 = tpu.vector_load %arg12[%parallel_loop3A_1064, %parallel_loop3A_1065] {strides = array<i32>} : memref<320x128xf32, #tpu.memory_space<vmem>>, vector<1x16xf32>,
        %parallel_loop3A_1067 = vector.shape_cast %parallel_loop3A_1066 : vector<1x16xf32> to vector<16xf32>
        %parallel_loop3A_1068 = arith.index_cast %parallel_loop3A_1051 : i32 to index
        %parallel_loop3A_1069 = arith.constant 64 : index
        %parallel_loop3A_1070 = tpu.vector_load %arg12[%parallel_loop3A_1068, %parallel_loop3A_1069] {strides = array<i32>} : memref<320x128xf32, #tpu.memory_space<vmem>>, vector<1x16xf32>,
        %parallel_loop3A_1071 = vector.shape_cast %parallel_loop3A_1070 : vector<1x16xf32> to vector<16xf32>
        %parallel_loop3A_1072 = arith.index_cast %parallel_loop3A_1051 : i32 to index
        %parallel_loop3A_1073 = arith.constant 80 : index
        %parallel_loop3A_1074 = tpu.vector_load %arg12[%parallel_loop3A_1072, %parallel_loop3A_1073] {strides = array<i32>} : memref<320x128xf32, #tpu.memory_space<vmem>>, vector<1x16xf32>,
        %parallel_loop3A_1075 = vector.shape_cast %parallel_loop3A_1074 : vector<1x16xf32> to vector<16xf32>
        %parallel_loop3A_1076 = arith.index_cast %parallel_loop3A_1051 : i32 to index
        %parallel_loop3A_1077 = arith.constant 96 : index
        %parallel_loop3A_1078 = tpu.vector_load %arg12[%parallel_loop3A_1076, %parallel_loop3A_1077] {strides = array<i32>} : memref<320x128xf32, #tpu.memory_space<vmem>>, vector<1x16xf32>,
        %parallel_loop3A_1079 = vector.shape_cast %parallel_loop3A_1078 : vector<1x16xf32> to vector<16xf32>
        %parallel_loop3A_1080 = arith.index_cast %parallel_loop3A_1051 : i32 to index
        %parallel_loop3A_1081 = arith.constant 112 : index
        %parallel_loop3A_1082 = tpu.vector_load %arg12[%parallel_loop3A_1080, %parallel_loop3A_1081] {strides = array<i32>} : memref<320x128xf32, #tpu.memory_space<vmem>>, vector<1x16xf32>,
        %parallel_loop3A_1083 = vector.shape_cast %parallel_loop3A_1082 : vector<1x16xf32> to vector<16xf32>
        %parallel_loop3A_1084 = arith.index_cast %parallel_loop3A_321 : i32 to index
        %parallel_loop3A_1085 = arith.constant 0 : index
        %parallel_loop3A_1086 = tpu.vector_load %arg11[%parallel_loop3A_1084, %parallel_loop3A_1085] {strides = array<i32>} : memref<16x128xf32, #tpu.memory_space<vmem>>, vector<1x16xf32>,
        %parallel_loop3A_1087 = vector.shape_cast %parallel_loop3A_1086 : vector<1x16xf32> to vector<16xf32>
        %parallel_loop3A_1088 = arith.index_cast %parallel_loop3A_321 : i32 to index
        %parallel_loop3A_1089 = arith.constant 16 : index
        %parallel_loop3A_1090 = tpu.vector_load %arg11[%parallel_loop3A_1088, %parallel_loop3A_1089] {strides = array<i32>} : memref<16x128xf32, #tpu.memory_space<vmem>>, vector<1x16xf32>,
        %parallel_loop3A_1091 = vector.shape_cast %parallel_loop3A_1090 : vector<1x16xf32> to vector<16xf32>
        %parallel_loop3A_1092 = arith.index_cast %parallel_loop3A_321 : i32 to index
        %parallel_loop3A_1093 = arith.constant 32 : index
        %parallel_loop3A_1094 = tpu.vector_load %arg11[%parallel_loop3A_1092, %parallel_loop3A_1093] {strides = array<i32>} : memref<16x128xf32, #tpu.memory_space<vmem>>, vector<1x16xf32>,
        %parallel_loop3A_1095 = vector.shape_cast %parallel_loop3A_1094 : vector<1x16xf32> to vector<16xf32>
        %parallel_loop3A_1096 = arith.index_cast %parallel_loop3A_321 : i32 to index
        %parallel_loop3A_1097 = arith.constant 48 : index
        %parallel_loop3A_1098 = tpu.vector_load %arg11[%parallel_loop3A_1096, %parallel_loop3A_1097] {strides = array<i32>} : memref<16x128xf32, #tpu.memory_space<vmem>>, vector<1x16xf32>,
        %parallel_loop3A_1099 = vector.shape_cast %parallel_loop3A_1098 : vector<1x16xf32> to vector<16xf32>
        %parallel_loop3A_1100 = arith.index_cast %parallel_loop3A_321 : i32 to index
        %parallel_loop3A_1101 = arith.constant 64 : index
        %parallel_loop3A_1102 = tpu.vector_load %arg11[%parallel_loop3A_1100, %parallel_loop3A_1101] {strides = array<i32>} : memref<16x128xf32, #tpu.memory_space<vmem>>, vector<1x16xf32>,
        %parallel_loop3A_1103 = vector.shape_cast %parallel_loop3A_1102 : vector<1x16xf32> to vector<16xf32>
        %parallel_loop3A_1104 = arith.index_cast %parallel_loop3A_321 : i32 to index
        %parallel_loop3A_1105 = arith.constant 80 : index
        %parallel_loop3A_1106 = tpu.vector_load %arg11[%parallel_loop3A_1104, %parallel_loop3A_1105] {strides = array<i32>} : memref<16x128xf32, #tpu.memory_space<vmem>>, vector<1x16xf32>,
        %parallel_loop3A_1107 = vector.shape_cast %parallel_loop3A_1106 : vector<1x16xf32> to vector<16xf32>
        %parallel_loop3A_1108 = arith.index_cast %parallel_loop3A_321 : i32 to index
        %parallel_loop3A_1109 = arith.constant 96 : index
        %parallel_loop3A_1110 = tpu.vector_load %arg11[%parallel_loop3A_1108, %parallel_loop3A_1109] {strides = array<i32>} : memref<16x128xf32, #tpu.memory_space<vmem>>, vector<1x16xf32>,
        %parallel_loop3A_1111 = vector.shape_cast %parallel_loop3A_1110 : vector<1x16xf32> to vector<16xf32>
        %parallel_loop3A_1112 = arith.index_cast %parallel_loop3A_321 : i32 to index
        %parallel_loop3A_1113 = arith.constant 112 : index
        %parallel_loop3A_1114 = tpu.vector_load %arg11[%parallel_loop3A_1112, %parallel_loop3A_1113] {strides = array<i32>} : memref<16x128xf32, #tpu.memory_space<vmem>>, vector<1x16xf32>,
        %parallel_loop3A_1115 = vector.shape_cast %parallel_loop3A_1114 : vector<1x16xf32> to vector<16xf32>
        %parallel_loop3A_1116 = arith.addf %parallel_loop3A_1055, %parallel_loop3A_1087 : vector<16xf32>
        %parallel_loop3A_1117 = arith.constant 0.000000e+00 : f32
        %parallel_loop3A_1118 = vector.broadcast %parallel_loop3A_1117 : f32 to vector<16xf32>
        %parallel_loop3A_1119 = arith.maximumf %parallel_loop3A_1116, %parallel_loop3A_1118 : vector<16xf32>
        %parallel_loop3A_1120 = arith.index_cast %parallel_loop3A_1051 : i32 to index
        %parallel_loop3A_1121 = arith.constant 0 : index
        %parallel_loop3A_1122 = tpu.vector_load %arg12[%parallel_loop3A_1120, %parallel_loop3A_1121] {strides = array<i32>} : memref<320x128xf32, #tpu.memory_space<vmem>>, vector<1x16xf32>,
        %parallel_loop3A_1123 = vector.shape_cast %parallel_loop3A_1122 : vector<1x16xf32> to vector<16xf32>
        %parallel_loop3A_1124 = vector.shape_cast %parallel_loop3A_1119 : vector<16xf32> to vector<1x16xf32>
        tpu.vector_store %arg12[%parallel_loop3A_1120, %parallel_loop3A_1121], %parallel_loop3A_1124 {strides = array<i32>} : memref<320x128xf32, #tpu.memory_space<vmem>>, vector<1x16xf32>,
        %parallel_loop3A_1125 = arith.addf %parallel_loop3A_1059, %parallel_loop3A_1091 : vector<16xf32>
        %parallel_loop3A_1126 = arith.constant 0.000000e+00 : f32
        %parallel_loop3A_1127 = vector.broadcast %parallel_loop3A_1126 : f32 to vector<16xf32>
        %parallel_loop3A_1128 = arith.maximumf %parallel_loop3A_1125, %parallel_loop3A_1127 : vector<16xf32>
        %parallel_loop3A_1129 = arith.index_cast %parallel_loop3A_1051 : i32 to index
        %parallel_loop3A_1130 = arith.constant 16 : index
        %parallel_loop3A_1131 = tpu.vector_load %arg12[%parallel_loop3A_1129, %parallel_loop3A_1130] {strides = array<i32>} : memref<320x128xf32, #tpu.memory_space<vmem>>, vector<1x16xf32>,
        %parallel_loop3A_1132 = vector.shape_cast %parallel_loop3A_1131 : vector<1x16xf32> to vector<16xf32>
        %parallel_loop3A_1133 = vector.shape_cast %parallel_loop3A_1128 : vector<16xf32> to vector<1x16xf32>
        tpu.vector_store %arg12[%parallel_loop3A_1129, %parallel_loop3A_1130], %parallel_loop3A_1133 {strides = array<i32>} : memref<320x128xf32, #tpu.memory_space<vmem>>, vector<1x16xf32>,
        %parallel_loop3A_1134 = arith.addf %parallel_loop3A_1063, %parallel_loop3A_1095 : vector<16xf32>
        %parallel_loop3A_1135 = arith.constant 0.000000e+00 : f32
        %parallel_loop3A_1136 = vector.broadcast %parallel_loop3A_1135 : f32 to vector<16xf32>
        %parallel_loop3A_1137 = arith.maximumf %parallel_loop3A_1134, %parallel_loop3A_1136 : vector<16xf32>
        %parallel_loop3A_1138 = arith.index_cast %parallel_loop3A_1051 : i32 to index
        %parallel_loop3A_1139 = arith.constant 32 : index
        %parallel_loop3A_1140 = tpu.vector_load %arg12[%parallel_loop3A_1138, %parallel_loop3A_1139] {strides = array<i32>} : memref<320x128xf32, #tpu.memory_space<vmem>>, vector<1x16xf32>,
        %parallel_loop3A_1141 = vector.shape_cast %parallel_loop3A_1140 : vector<1x16xf32> to vector<16xf32>
        %parallel_loop3A_1142 = vector.shape_cast %parallel_loop3A_1137 : vector<16xf32> to vector<1x16xf32>
        tpu.vector_store %arg12[%parallel_loop3A_1138, %parallel_loop3A_1139], %parallel_loop3A_1142 {strides = array<i32>} : memref<320x128xf32, #tpu.memory_space<vmem>>, vector<1x16xf32>,
        %parallel_loop3A_1143 = arith.addf %parallel_loop3A_1067, %parallel_loop3A_1099 : vector<16xf32>
        %parallel_loop3A_1144 = arith.constant 0.000000e+00 : f32
        %parallel_loop3A_1145 = vector.broadcast %parallel_loop3A_1144 : f32 to vector<16xf32>
        %parallel_loop3A_1146 = arith.maximumf %parallel_loop3A_1143, %parallel_loop3A_1145 : vector<16xf32>
        %parallel_loop3A_1147 = arith.index_cast %parallel_loop3A_1051 : i32 to index
        %parallel_loop3A_1148 = arith.constant 48 : index
        %parallel_loop3A_1149 = tpu.vector_load %arg12[%parallel_loop3A_1147, %parallel_loop3A_1148] {strides = array<i32>} : memref<320x128xf32, #tpu.memory_space<vmem>>, vector<1x16xf32>,
        %parallel_loop3A_1150 = vector.shape_cast %parallel_loop3A_1149 : vector<1x16xf32> to vector<16xf32>
        %parallel_loop3A_1151 = vector.shape_cast %parallel_loop3A_1146 : vector<16xf32> to vector<1x16xf32>
        tpu.vector_store %arg12[%parallel_loop3A_1147, %parallel_loop3A_1148], %parallel_loop3A_1151 {strides = array<i32>} : memref<320x128xf32, #tpu.memory_space<vmem>>, vector<1x16xf32>,
        %parallel_loop3A_1152 = arith.addf %parallel_loop3A_1071, %parallel_loop3A_1103 : vector<16xf32>
        %parallel_loop3A_1153 = arith.constant 0.000000e+00 : f32
        %parallel_loop3A_1154 = vector.broadcast %parallel_loop3A_1153 : f32 to vector<16xf32>
        %parallel_loop3A_1155 = arith.maximumf %parallel_loop3A_1152, %parallel_loop3A_1154 : vector<16xf32>
        %parallel_loop3A_1156 = arith.index_cast %parallel_loop3A_1051 : i32 to index
        %parallel_loop3A_1157 = arith.constant 64 : index
        %parallel_loop3A_1158 = tpu.vector_load %arg12[%parallel_loop3A_1156, %parallel_loop3A_1157] {strides = array<i32>} : memref<320x128xf32, #tpu.memory_space<vmem>>, vector<1x16xf32>,
        %parallel_loop3A_1159 = vector.shape_cast %parallel_loop3A_1158 : vector<1x16xf32> to vector<16xf32>
        %parallel_loop3A_1160 = vector.shape_cast %parallel_loop3A_1155 : vector<16xf32> to vector<1x16xf32>
        tpu.vector_store %arg12[%parallel_loop3A_1156, %parallel_loop3A_1157], %parallel_loop3A_1160 {strides = array<i32>} : memref<320x128xf32, #tpu.memory_space<vmem>>, vector<1x16xf32>,
        %parallel_loop3A_1161 = arith.addf %parallel_loop3A_1075, %parallel_loop3A_1107 : vector<16xf32>
        %parallel_loop3A_1162 = arith.constant 0.000000e+00 : f32
        %parallel_loop3A_1163 = vector.broadcast %parallel_loop3A_1162 : f32 to vector<16xf32>
        %parallel_loop3A_1164 = arith.maximumf %parallel_loop3A_1161, %parallel_loop3A_1163 : vector<16xf32>
        %parallel_loop3A_1165 = arith.index_cast %parallel_loop3A_1051 : i32 to index
        %parallel_loop3A_1166 = arith.constant 80 : index
        %parallel_loop3A_1167 = tpu.vector_load %arg12[%parallel_loop3A_1165, %parallel_loop3A_1166] {strides = array<i32>} : memref<320x128xf32, #tpu.memory_space<vmem>>, vector<1x16xf32>,
        %parallel_loop3A_1168 = vector.shape_cast %parallel_loop3A_1167 : vector<1x16xf32> to vector<16xf32>
        %parallel_loop3A_1169 = vector.shape_cast %parallel_loop3A_1164 : vector<16xf32> to vector<1x16xf32>
        tpu.vector_store %arg12[%parallel_loop3A_1165, %parallel_loop3A_1166], %parallel_loop3A_1169 {strides = array<i32>} : memref<320x128xf32, #tpu.memory_space<vmem>>, vector<1x16xf32>,
        %parallel_loop3A_1170 = arith.addf %parallel_loop3A_1079, %parallel_loop3A_1111 : vector<16xf32>
        %parallel_loop3A_1171 = arith.constant 0.000000e+00 : f32
        %parallel_loop3A_1172 = vector.broadcast %parallel_loop3A_1171 : f32 to vector<16xf32>
        %parallel_loop3A_1173 = arith.maximumf %parallel_loop3A_1170, %parallel_loop3A_1172 : vector<16xf32>
        %parallel_loop3A_1174 = arith.index_cast %parallel_loop3A_1051 : i32 to index
        %parallel_loop3A_1175 = arith.constant 96 : index
        %parallel_loop3A_1176 = tpu.vector_load %arg12[%parallel_loop3A_1174, %parallel_loop3A_1175] {strides = array<i32>} : memref<320x128xf32, #tpu.memory_space<vmem>>, vector<1x16xf32>,
        %parallel_loop3A_1177 = vector.shape_cast %parallel_loop3A_1176 : vector<1x16xf32> to vector<16xf32>
        %parallel_loop3A_1178 = vector.shape_cast %parallel_loop3A_1173 : vector<16xf32> to vector<1x16xf32>
        tpu.vector_store %arg12[%parallel_loop3A_1174, %parallel_loop3A_1175], %parallel_loop3A_1178 {strides = array<i32>} : memref<320x128xf32, #tpu.memory_space<vmem>>, vector<1x16xf32>,
        %parallel_loop3A_1179 = arith.addf %parallel_loop3A_1083, %parallel_loop3A_1115 : vector<16xf32>
        %parallel_loop3A_1180 = arith.constant 0.000000e+00 : f32
        %parallel_loop3A_1181 = vector.broadcast %parallel_loop3A_1180 : f32 to vector<16xf32>
        %parallel_loop3A_1182 = arith.maximumf %parallel_loop3A_1179, %parallel_loop3A_1181 : vector<16xf32>
        %parallel_loop3A_1183 = arith.index_cast %parallel_loop3A_1051 : i32 to index
        %parallel_loop3A_1184 = arith.constant 112 : index
        %parallel_loop3A_1185 = tpu.vector_load %arg12[%parallel_loop3A_1183, %parallel_loop3A_1184] {strides = array<i32>} : memref<320x128xf32, #tpu.memory_space<vmem>>, vector<1x16xf32>,
        %parallel_loop3A_1186 = vector.shape_cast %parallel_loop3A_1185 : vector<1x16xf32> to vector<16xf32>
        %parallel_loop3A_1187 = vector.shape_cast %parallel_loop3A_1182 : vector<16xf32> to vector<1x16xf32>
        tpu.vector_store %arg12[%parallel_loop3A_1183, %parallel_loop3A_1184], %parallel_loop3A_1187 {strides = array<i32>} : memref<320x128xf32, #tpu.memory_space<vmem>>, vector<1x16xf32>,
        %parallel_loop3A_1188 = arith.constant 16 : i32
        %parallel_loop3A_1189 = arith.muli %parallel_loop3A_303, %parallel_loop3A_1188 : i32
        %parallel_loop3A_1190 = arith.addi %mul3A_275, %parallel_loop3A_1189 : i32
        %parallel_loop3A_1191 = arith.constant 6 : i32
        %parallel_loop3A_1192 = arith.addi %parallel_loop3A_1190, %parallel_loop3A_1191 : i32
        %parallel_loop3A_1193 = arith.index_cast %parallel_loop3A_1192 : i32 to index
        %parallel_loop3A_1194 = arith.constant 0 : index
        %parallel_loop3A_1195 = tpu.vector_load %arg12[%parallel_loop3A_1193, %parallel_loop3A_1194] {strides = array<i32>} : memref<320x128xf32, #tpu.memory_space<vmem>>, vector<1x16xf32>,
        %parallel_loop3A_1196 = vector.shape_cast %parallel_loop3A_1195 : vector<1x16xf32> to vector<16xf32>
        %parallel_loop3A_1197 = arith.index_cast %parallel_loop3A_1192 : i32 to index
        %parallel_loop3A_1198 = arith.constant 16 : index
        %parallel_loop3A_1199 = tpu.vector_load %arg12[%parallel_loop3A_1197, %parallel_loop3A_1198] {strides = array<i32>} : memref<320x128xf32, #tpu.memory_space<vmem>>, vector<1x16xf32>,
        %parallel_loop3A_1200 = vector.shape_cast %parallel_loop3A_1199 : vector<1x16xf32> to vector<16xf32>
        %parallel_loop3A_1201 = arith.index_cast %parallel_loop3A_1192 : i32 to index
        %parallel_loop3A_1202 = arith.constant 32 : index
        %parallel_loop3A_1203 = tpu.vector_load %arg12[%parallel_loop3A_1201, %parallel_loop3A_1202] {strides = array<i32>} : memref<320x128xf32, #tpu.memory_space<vmem>>, vector<1x16xf32>,
        %parallel_loop3A_1204 = vector.shape_cast %parallel_loop3A_1203 : vector<1x16xf32> to vector<16xf32>
        %parallel_loop3A_1205 = arith.index_cast %parallel_loop3A_1192 : i32 to index
        %parallel_loop3A_1206 = arith.constant 48 : index
        %parallel_loop3A_1207 = tpu.vector_load %arg12[%parallel_loop3A_1205, %parallel_loop3A_1206] {strides = array<i32>} : memref<320x128xf32, #tpu.memory_space<vmem>>, vector<1x16xf32>,
        %parallel_loop3A_1208 = vector.shape_cast %parallel_loop3A_1207 : vector<1x16xf32> to vector<16xf32>
        %parallel_loop3A_1209 = arith.index_cast %parallel_loop3A_1192 : i32 to index
        %parallel_loop3A_1210 = arith.constant 64 : index
        %parallel_loop3A_1211 = tpu.vector_load %arg12[%parallel_loop3A_1209, %parallel_loop3A_1210] {strides = array<i32>} : memref<320x128xf32, #tpu.memory_space<vmem>>, vector<1x16xf32>,
        %parallel_loop3A_1212 = vector.shape_cast %parallel_loop3A_1211 : vector<1x16xf32> to vector<16xf32>
        %parallel_loop3A_1213 = arith.index_cast %parallel_loop3A_1192 : i32 to index
        %parallel_loop3A_1214 = arith.constant 80 : index
        %parallel_loop3A_1215 = tpu.vector_load %arg12[%parallel_loop3A_1213, %parallel_loop3A_1214] {strides = array<i32>} : memref<320x128xf32, #tpu.memory_space<vmem>>, vector<1x16xf32>,
        %parallel_loop3A_1216 = vector.shape_cast %parallel_loop3A_1215 : vector<1x16xf32> to vector<16xf32>
        %parallel_loop3A_1217 = arith.index_cast %parallel_loop3A_1192 : i32 to index
        %parallel_loop3A_1218 = arith.constant 96 : index
        %parallel_loop3A_1219 = tpu.vector_load %arg12[%parallel_loop3A_1217, %parallel_loop3A_1218] {strides = array<i32>} : memref<320x128xf32, #tpu.memory_space<vmem>>, vector<1x16xf32>,
        %parallel_loop3A_1220 = vector.shape_cast %parallel_loop3A_1219 : vector<1x16xf32> to vector<16xf32>
        %parallel_loop3A_1221 = arith.index_cast %parallel_loop3A_1192 : i32 to index
        %parallel_loop3A_1222 = arith.constant 112 : index
        %parallel_loop3A_1223 = tpu.vector_load %arg12[%parallel_loop3A_1221, %parallel_loop3A_1222] {strides = array<i32>} : memref<320x128xf32, #tpu.memory_space<vmem>>, vector<1x16xf32>,
        %parallel_loop3A_1224 = vector.shape_cast %parallel_loop3A_1223 : vector<1x16xf32> to vector<16xf32>
        %parallel_loop3A_1225 = arith.index_cast %parallel_loop3A_323 : i32 to index
        %parallel_loop3A_1226 = arith.constant 0 : index
        %parallel_loop3A_1227 = tpu.vector_load %arg11[%parallel_loop3A_1225, %parallel_loop3A_1226] {strides = array<i32>} : memref<16x128xf32, #tpu.memory_space<vmem>>, vector<1x16xf32>,
        %parallel_loop3A_1228 = vector.shape_cast %parallel_loop3A_1227 : vector<1x16xf32> to vector<16xf32>
        %parallel_loop3A_1229 = arith.index_cast %parallel_loop3A_323 : i32 to index
        %parallel_loop3A_1230 = arith.constant 16 : index
        %parallel_loop3A_1231 = tpu.vector_load %arg11[%parallel_loop3A_1229, %parallel_loop3A_1230] {strides = array<i32>} : memref<16x128xf32, #tpu.memory_space<vmem>>, vector<1x16xf32>,
        %parallel_loop3A_1232 = vector.shape_cast %parallel_loop3A_1231 : vector<1x16xf32> to vector<16xf32>
        %parallel_loop3A_1233 = arith.index_cast %parallel_loop3A_323 : i32 to index
        %parallel_loop3A_1234 = arith.constant 32 : index
        %parallel_loop3A_1235 = tpu.vector_load %arg11[%parallel_loop3A_1233, %parallel_loop3A_1234] {strides = array<i32>} : memref<16x128xf32, #tpu.memory_space<vmem>>, vector<1x16xf32>,
        %parallel_loop3A_1236 = vector.shape_cast %parallel_loop3A_1235 : vector<1x16xf32> to vector<16xf32>
        %parallel_loop3A_1237 = arith.index_cast %parallel_loop3A_323 : i32 to index
        %parallel_loop3A_1238 = arith.constant 48 : index
        %parallel_loop3A_1239 = tpu.vector_load %arg11[%parallel_loop3A_1237, %parallel_loop3A_1238] {strides = array<i32>} : memref<16x128xf32, #tpu.memory_space<vmem>>, vector<1x16xf32>,
        %parallel_loop3A_1240 = vector.shape_cast %parallel_loop3A_1239 : vector<1x16xf32> to vector<16xf32>
        %parallel_loop3A_1241 = arith.index_cast %parallel_loop3A_323 : i32 to index
        %parallel_loop3A_1242 = arith.constant 64 : index
        %parallel_loop3A_1243 = tpu.vector_load %arg11[%parallel_loop3A_1241, %parallel_loop3A_1242] {strides = array<i32>} : memref<16x128xf32, #tpu.memory_space<vmem>>, vector<1x16xf32>,
        %parallel_loop3A_1244 = vector.shape_cast %parallel_loop3A_1243 : vector<1x16xf32> to vector<16xf32>
        %parallel_loop3A_1245 = arith.index_cast %parallel_loop3A_323 : i32 to index
        %parallel_loop3A_1246 = arith.constant 80 : index
        %parallel_loop3A_1247 = tpu.vector_load %arg11[%parallel_loop3A_1245, %parallel_loop3A_1246] {strides = array<i32>} : memref<16x128xf32, #tpu.memory_space<vmem>>, vector<1x16xf32>,
        %parallel_loop3A_1248 = vector.shape_cast %parallel_loop3A_1247 : vector<1x16xf32> to vector<16xf32>
        %parallel_loop3A_1249 = arith.index_cast %parallel_loop3A_323 : i32 to index
        %parallel_loop3A_1250 = arith.constant 96 : index
        %parallel_loop3A_1251 = tpu.vector_load %arg11[%parallel_loop3A_1249, %parallel_loop3A_1250] {strides = array<i32>} : memref<16x128xf32, #tpu.memory_space<vmem>>, vector<1x16xf32>,
        %parallel_loop3A_1252 = vector.shape_cast %parallel_loop3A_1251 : vector<1x16xf32> to vector<16xf32>
        %parallel_loop3A_1253 = arith.index_cast %parallel_loop3A_323 : i32 to index
        %parallel_loop3A_1254 = arith.constant 112 : index
        %parallel_loop3A_1255 = tpu.vector_load %arg11[%parallel_loop3A_1253, %parallel_loop3A_1254] {strides = array<i32>} : memref<16x128xf32, #tpu.memory_space<vmem>>, vector<1x16xf32>,
        %parallel_loop3A_1256 = vector.shape_cast %parallel_loop3A_1255 : vector<1x16xf32> to vector<16xf32>
        %parallel_loop3A_1257 = arith.addf %parallel_loop3A_1196, %parallel_loop3A_1228 : vector<16xf32>
        %parallel_loop3A_1258 = arith.constant 0.000000e+00 : f32
        %parallel_loop3A_1259 = vector.broadcast %parallel_loop3A_1258 : f32 to vector<16xf32>
        %parallel_loop3A_1260 = arith.maximumf %parallel_loop3A_1257, %parallel_loop3A_1259 : vector<16xf32>
        %parallel_loop3A_1261 = arith.index_cast %parallel_loop3A_1192 : i32 to index
        %parallel_loop3A_1262 = arith.constant 0 : index
        %parallel_loop3A_1263 = tpu.vector_load %arg12[%parallel_loop3A_1261, %parallel_loop3A_1262] {strides = array<i32>} : memref<320x128xf32, #tpu.memory_space<vmem>>, vector<1x16xf32>,
        %parallel_loop3A_1264 = vector.shape_cast %parallel_loop3A_1263 : vector<1x16xf32> to vector<16xf32>
        %parallel_loop3A_1265 = vector.shape_cast %parallel_loop3A_1260 : vector<16xf32> to vector<1x16xf32>
        tpu.vector_store %arg12[%parallel_loop3A_1261, %parallel_loop3A_1262], %parallel_loop3A_1265 {strides = array<i32>} : memref<320x128xf32, #tpu.memory_space<vmem>>, vector<1x16xf32>,
        %parallel_loop3A_1266 = arith.addf %parallel_loop3A_1200, %parallel_loop3A_1232 : vector<16xf32>
        %parallel_loop3A_1267 = arith.constant 0.000000e+00 : f32
        %parallel_loop3A_1268 = vector.broadcast %parallel_loop3A_1267 : f32 to vector<16xf32>
        %parallel_loop3A_1269 = arith.maximumf %parallel_loop3A_1266, %parallel_loop3A_1268 : vector<16xf32>
        %parallel_loop3A_1270 = arith.index_cast %parallel_loop3A_1192 : i32 to index
        %parallel_loop3A_1271 = arith.constant 16 : index
        %parallel_loop3A_1272 = tpu.vector_load %arg12[%parallel_loop3A_1270, %parallel_loop3A_1271] {strides = array<i32>} : memref<320x128xf32, #tpu.memory_space<vmem>>, vector<1x16xf32>,
        %parallel_loop3A_1273 = vector.shape_cast %parallel_loop3A_1272 : vector<1x16xf32> to vector<16xf32>
        %parallel_loop3A_1274 = vector.shape_cast %parallel_loop3A_1269 : vector<16xf32> to vector<1x16xf32>
        tpu.vector_store %arg12[%parallel_loop3A_1270, %parallel_loop3A_1271], %parallel_loop3A_1274 {strides = array<i32>} : memref<320x128xf32, #tpu.memory_space<vmem>>, vector<1x16xf32>,
        %parallel_loop3A_1275 = arith.addf %parallel_loop3A_1204, %parallel_loop3A_1236 : vector<16xf32>
        %parallel_loop3A_1276 = arith.constant 0.000000e+00 : f32
        %parallel_loop3A_1277 = vector.broadcast %parallel_loop3A_1276 : f32 to vector<16xf32>
        %parallel_loop3A_1278 = arith.maximumf %parallel_loop3A_1275, %parallel_loop3A_1277 : vector<16xf32>
        %parallel_loop3A_1279 = arith.index_cast %parallel_loop3A_1192 : i32 to index
        %parallel_loop3A_1280 = arith.constant 32 : index
        %parallel_loop3A_1281 = tpu.vector_load %arg12[%parallel_loop3A_1279, %parallel_loop3A_1280] {strides = array<i32>} : memref<320x128xf32, #tpu.memory_space<vmem>>, vector<1x16xf32>,
        %parallel_loop3A_1282 = vector.shape_cast %parallel_loop3A_1281 : vector<1x16xf32> to vector<16xf32>
        %parallel_loop3A_1283 = vector.shape_cast %parallel_loop3A_1278 : vector<16xf32> to vector<1x16xf32>
        tpu.vector_store %arg12[%parallel_loop3A_1279, %parallel_loop3A_1280], %parallel_loop3A_1283 {strides = array<i32>} : memref<320x128xf32, #tpu.memory_space<vmem>>, vector<1x16xf32>,
        %parallel_loop3A_1284 = arith.addf %parallel_loop3A_1208, %parallel_loop3A_1240 : vector<16xf32>
        %parallel_loop3A_1285 = arith.constant 0.000000e+00 : f32
        %parallel_loop3A_1286 = vector.broadcast %parallel_loop3A_1285 : f32 to vector<16xf32>
        %parallel_loop3A_1287 = arith.maximumf %parallel_loop3A_1284, %parallel_loop3A_1286 : vector<16xf32>
        %parallel_loop3A_1288 = arith.index_cast %parallel_loop3A_1192 : i32 to index
        %parallel_loop3A_1289 = arith.constant 48 : index
        %parallel_loop3A_1290 = tpu.vector_load %arg12[%parallel_loop3A_1288, %parallel_loop3A_1289] {strides = array<i32>} : memref<320x128xf32, #tpu.memory_space<vmem>>, vector<1x16xf32>,
        %parallel_loop3A_1291 = vector.shape_cast %parallel_loop3A_1290 : vector<1x16xf32> to vector<16xf32>
        %parallel_loop3A_1292 = vector.shape_cast %parallel_loop3A_1287 : vector<16xf32> to vector<1x16xf32>
        tpu.vector_store %arg12[%parallel_loop3A_1288, %parallel_loop3A_1289], %parallel_loop3A_1292 {strides = array<i32>} : memref<320x128xf32, #tpu.memory_space<vmem>>, vector<1x16xf32>,
        %parallel_loop3A_1293 = arith.addf %parallel_loop3A_1212, %parallel_loop3A_1244 : vector<16xf32>
        %parallel_loop3A_1294 = arith.constant 0.000000e+00 : f32
        %parallel_loop3A_1295 = vector.broadcast %parallel_loop3A_1294 : f32 to vector<16xf32>
        %parallel_loop3A_1296 = arith.maximumf %parallel_loop3A_1293, %parallel_loop3A_1295 : vector<16xf32>
        %parallel_loop3A_1297 = arith.index_cast %parallel_loop3A_1192 : i32 to index
        %parallel_loop3A_1298 = arith.constant 64 : index
        %parallel_loop3A_1299 = tpu.vector_load %arg12[%parallel_loop3A_1297, %parallel_loop3A_1298] {strides = array<i32>} : memref<320x128xf32, #tpu.memory_space<vmem>>, vector<1x16xf32>,
        %parallel_loop3A_1300 = vector.shape_cast %parallel_loop3A_1299 : vector<1x16xf32> to vector<16xf32>
        %parallel_loop3A_1301 = vector.shape_cast %parallel_loop3A_1296 : vector<16xf32> to vector<1x16xf32>
        tpu.vector_store %arg12[%parallel_loop3A_1297, %parallel_loop3A_1298], %parallel_loop3A_1301 {strides = array<i32>} : memref<320x128xf32, #tpu.memory_space<vmem>>, vector<1x16xf32>,
        %parallel_loop3A_1302 = arith.addf %parallel_loop3A_1216, %parallel_loop3A_1248 : vector<16xf32>
        %parallel_loop3A_1303 = arith.constant 0.000000e+00 : f32
        %parallel_loop3A_1304 = vector.broadcast %parallel_loop3A_1303 : f32 to vector<16xf32>
        %parallel_loop3A_1305 = arith.maximumf %parallel_loop3A_1302, %parallel_loop3A_1304 : vector<16xf32>
        %parallel_loop3A_1306 = arith.index_cast %parallel_loop3A_1192 : i32 to index
        %parallel_loop3A_1307 = arith.constant 80 : index
        %parallel_loop3A_1308 = tpu.vector_load %arg12[%parallel_loop3A_1306, %parallel_loop3A_1307] {strides = array<i32>} : memref<320x128xf32, #tpu.memory_space<vmem>>, vector<1x16xf32>,
        %parallel_loop3A_1309 = vector.shape_cast %parallel_loop3A_1308 : vector<1x16xf32> to vector<16xf32>
        %parallel_loop3A_1310 = vector.shape_cast %parallel_loop3A_1305 : vector<16xf32> to vector<1x16xf32>
        tpu.vector_store %arg12[%parallel_loop3A_1306, %parallel_loop3A_1307], %parallel_loop3A_1310 {strides = array<i32>} : memref<320x128xf32, #tpu.memory_space<vmem>>, vector<1x16xf32>,
        %parallel_loop3A_1311 = arith.addf %parallel_loop3A_1220, %parallel_loop3A_1252 : vector<16xf32>
        %parallel_loop3A_1312 = arith.constant 0.000000e+00 : f32
        %parallel_loop3A_1313 = vector.broadcast %parallel_loop3A_1312 : f32 to vector<16xf32>
        %parallel_loop3A_1314 = arith.maximumf %parallel_loop3A_1311, %parallel_loop3A_1313 : vector<16xf32>
        %parallel_loop3A_1315 = arith.index_cast %parallel_loop3A_1192 : i32 to index
        %parallel_loop3A_1316 = arith.constant 96 : index
        %parallel_loop3A_1317 = tpu.vector_load %arg12[%parallel_loop3A_1315, %parallel_loop3A_1316] {strides = array<i32>} : memref<320x128xf32, #tpu.memory_space<vmem>>, vector<1x16xf32>,
        %parallel_loop3A_1318 = vector.shape_cast %parallel_loop3A_1317 : vector<1x16xf32> to vector<16xf32>
        %parallel_loop3A_1319 = vector.shape_cast %parallel_loop3A_1314 : vector<16xf32> to vector<1x16xf32>
        tpu.vector_store %arg12[%parallel_loop3A_1315, %parallel_loop3A_1316], %parallel_loop3A_1319 {strides = array<i32>} : memref<320x128xf32, #tpu.memory_space<vmem>>, vector<1x16xf32>,
        %parallel_loop3A_1320 = arith.addf %parallel_loop3A_1224, %parallel_loop3A_1256 : vector<16xf32>
        %parallel_loop3A_1321 = arith.constant 0.000000e+00 : f32
        %parallel_loop3A_1322 = vector.broadcast %parallel_loop3A_1321 : f32 to vector<16xf32>
        %parallel_loop3A_1323 = arith.maximumf %parallel_loop3A_1320, %parallel_loop3A_1322 : vector<16xf32>
        %parallel_loop3A_1324 = arith.index_cast %parallel_loop3A_1192 : i32 to index
        %parallel_loop3A_1325 = arith.constant 112 : index
        %parallel_loop3A_1326 = tpu.vector_load %arg12[%parallel_loop3A_1324, %parallel_loop3A_1325] {strides = array<i32>} : memref<320x128xf32, #tpu.memory_space<vmem>>, vector<1x16xf32>,
        %parallel_loop3A_1327 = vector.shape_cast %parallel_loop3A_1326 : vector<1x16xf32> to vector<16xf32>
        %parallel_loop3A_1328 = vector.shape_cast %parallel_loop3A_1323 : vector<16xf32> to vector<1x16xf32>
        tpu.vector_store %arg12[%parallel_loop3A_1324, %parallel_loop3A_1325], %parallel_loop3A_1328 {strides = array<i32>} : memref<320x128xf32, #tpu.memory_space<vmem>>, vector<1x16xf32>,
        %parallel_loop3A_1329 = arith.constant 16 : i32
        %parallel_loop3A_1330 = arith.muli %parallel_loop3A_303, %parallel_loop3A_1329 : i32
        %parallel_loop3A_1331 = arith.addi %mul3A_275, %parallel_loop3A_1330 : i32
        %parallel_loop3A_1332 = arith.constant 7 : i32
        %parallel_loop3A_1333 = arith.addi %parallel_loop3A_1331, %parallel_loop3A_1332 : i32
        %parallel_loop3A_1334 = arith.index_cast %parallel_loop3A_1333 : i32 to index
        %parallel_loop3A_1335 = arith.constant 0 : index
        %parallel_loop3A_1336 = tpu.vector_load %arg12[%parallel_loop3A_1334, %parallel_loop3A_1335] {strides = array<i32>} : memref<320x128xf32, #tpu.memory_space<vmem>>, vector<1x16xf32>,
        %parallel_loop3A_1337 = vector.shape_cast %parallel_loop3A_1336 : vector<1x16xf32> to vector<16xf32>
        %parallel_loop3A_1338 = arith.index_cast %parallel_loop3A_1333 : i32 to index
        %parallel_loop3A_1339 = arith.constant 16 : index
        %parallel_loop3A_1340 = tpu.vector_load %arg12[%parallel_loop3A_1338, %parallel_loop3A_1339] {strides = array<i32>} : memref<320x128xf32, #tpu.memory_space<vmem>>, vector<1x16xf32>,
        %parallel_loop3A_1341 = vector.shape_cast %parallel_loop3A_1340 : vector<1x16xf32> to vector<16xf32>
        %parallel_loop3A_1342 = arith.index_cast %parallel_loop3A_1333 : i32 to index
        %parallel_loop3A_1343 = arith.constant 32 : index
        %parallel_loop3A_1344 = tpu.vector_load %arg12[%parallel_loop3A_1342, %parallel_loop3A_1343] {strides = array<i32>} : memref<320x128xf32, #tpu.memory_space<vmem>>, vector<1x16xf32>,
        %parallel_loop3A_1345 = vector.shape_cast %parallel_loop3A_1344 : vector<1x16xf32> to vector<16xf32>
        %parallel_loop3A_1346 = arith.index_cast %parallel_loop3A_1333 : i32 to index
        %parallel_loop3A_1347 = arith.constant 48 : index
        %parallel_loop3A_1348 = tpu.vector_load %arg12[%parallel_loop3A_1346, %parallel_loop3A_1347] {strides = array<i32>} : memref<320x128xf32, #tpu.memory_space<vmem>>, vector<1x16xf32>,
        %parallel_loop3A_1349 = vector.shape_cast %parallel_loop3A_1348 : vector<1x16xf32> to vector<16xf32>
        %parallel_loop3A_1350 = arith.index_cast %parallel_loop3A_1333 : i32 to index
        %parallel_loop3A_1351 = arith.constant 64 : index
        %parallel_loop3A_1352 = tpu.vector_load %arg12[%parallel_loop3A_1350, %parallel_loop3A_1351] {strides = array<i32>} : memref<320x128xf32, #tpu.memory_space<vmem>>, vector<1x16xf32>,
        %parallel_loop3A_1353 = vector.shape_cast %parallel_loop3A_1352 : vector<1x16xf32> to vector<16xf32>
        %parallel_loop3A_1354 = arith.index_cast %parallel_loop3A_1333 : i32 to index
        %parallel_loop3A_1355 = arith.constant 80 : index
        %parallel_loop3A_1356 = tpu.vector_load %arg12[%parallel_loop3A_1354, %parallel_loop3A_1355] {strides = array<i32>} : memref<320x128xf32, #tpu.memory_space<vmem>>, vector<1x16xf32>,
        %parallel_loop3A_1357 = vector.shape_cast %parallel_loop3A_1356 : vector<1x16xf32> to vector<16xf32>
        %parallel_loop3A_1358 = arith.index_cast %parallel_loop3A_1333 : i32 to index
        %parallel_loop3A_1359 = arith.constant 96 : index
        %parallel_loop3A_1360 = tpu.vector_load %arg12[%parallel_loop3A_1358, %parallel_loop3A_1359] {strides = array<i32>} : memref<320x128xf32, #tpu.memory_space<vmem>>, vector<1x16xf32>,
        %parallel_loop3A_1361 = vector.shape_cast %parallel_loop3A_1360 : vector<1x16xf32> to vector<16xf32>
        %parallel_loop3A_1362 = arith.index_cast %parallel_loop3A_1333 : i32 to index
        %parallel_loop3A_1363 = arith.constant 112 : index
        %parallel_loop3A_1364 = tpu.vector_load %arg12[%parallel_loop3A_1362, %parallel_loop3A_1363] {strides = array<i32>} : memref<320x128xf32, #tpu.memory_space<vmem>>, vector<1x16xf32>,
        %parallel_loop3A_1365 = vector.shape_cast %parallel_loop3A_1364 : vector<1x16xf32> to vector<16xf32>
        %parallel_loop3A_1366 = arith.index_cast %parallel_loop3A_325 : i32 to index
        %parallel_loop3A_1367 = arith.constant 0 : index
        %parallel_loop3A_1368 = tpu.vector_load %arg11[%parallel_loop3A_1366, %parallel_loop3A_1367] {strides = array<i32>} : memref<16x128xf32, #tpu.memory_space<vmem>>, vector<1x16xf32>,
        %parallel_loop3A_1369 = vector.shape_cast %parallel_loop3A_1368 : vector<1x16xf32> to vector<16xf32>
        %parallel_loop3A_1370 = arith.index_cast %parallel_loop3A_325 : i32 to index
        %parallel_loop3A_1371 = arith.constant 16 : index
        %parallel_loop3A_1372 = tpu.vector_load %arg11[%parallel_loop3A_1370, %parallel_loop3A_1371] {strides = array<i32>} : memref<16x128xf32, #tpu.memory_space<vmem>>, vector<1x16xf32>,
        %parallel_loop3A_1373 = vector.shape_cast %parallel_loop3A_1372 : vector<1x16xf32> to vector<16xf32>
        %parallel_loop3A_1374 = arith.index_cast %parallel_loop3A_325 : i32 to index
        %parallel_loop3A_1375 = arith.constant 32 : index
        %parallel_loop3A_1376 = tpu.vector_load %arg11[%parallel_loop3A_1374, %parallel_loop3A_1375] {strides = array<i32>} : memref<16x128xf32, #tpu.memory_space<vmem>>, vector<1x16xf32>,
        %parallel_loop3A_1377 = vector.shape_cast %parallel_loop3A_1376 : vector<1x16xf32> to vector<16xf32>
        %parallel_loop3A_1378 = arith.index_cast %parallel_loop3A_325 : i32 to index
        %parallel_loop3A_1379 = arith.constant 48 : index
        %parallel_loop3A_1380 = tpu.vector_load %arg11[%parallel_loop3A_1378, %parallel_loop3A_1379] {strides = array<i32>} : memref<16x128xf32, #tpu.memory_space<vmem>>, vector<1x16xf32>,
        %parallel_loop3A_1381 = vector.shape_cast %parallel_loop3A_1380 : vector<1x16xf32> to vector<16xf32>
        %parallel_loop3A_1382 = arith.index_cast %parallel_loop3A_325 : i32 to index
        %parallel_loop3A_1383 = arith.constant 64 : index
        %parallel_loop3A_1384 = tpu.vector_load %arg11[%parallel_loop3A_1382, %parallel_loop3A_1383] {strides = array<i32>} : memref<16x128xf32, #tpu.memory_space<vmem>>, vector<1x16xf32>,
        %parallel_loop3A_1385 = vector.shape_cast %parallel_loop3A_1384 : vector<1x16xf32> to vector<16xf32>
        %parallel_loop3A_1386 = arith.index_cast %parallel_loop3A_325 : i32 to index
        %parallel_loop3A_1387 = arith.constant 80 : index
        %parallel_loop3A_1388 = tpu.vector_load %arg11[%parallel_loop3A_1386, %parallel_loop3A_1387] {strides = array<i32>} : memref<16x128xf32, #tpu.memory_space<vmem>>, vector<1x16xf32>,
        %parallel_loop3A_1389 = vector.shape_cast %parallel_loop3A_1388 : vector<1x16xf32> to vector<16xf32>
        %parallel_loop3A_1390 = arith.index_cast %parallel_loop3A_325 : i32 to index
        %parallel_loop3A_1391 = arith.constant 96 : index
        %parallel_loop3A_1392 = tpu.vector_load %arg11[%parallel_loop3A_1390, %parallel_loop3A_1391] {strides = array<i32>} : memref<16x128xf32, #tpu.memory_space<vmem>>, vector<1x16xf32>,
        %parallel_loop3A_1393 = vector.shape_cast %parallel_loop3A_1392 : vector<1x16xf32> to vector<16xf32>
        %parallel_loop3A_1394 = arith.index_cast %parallel_loop3A_325 : i32 to index
        %parallel_loop3A_1395 = arith.constant 112 : index
        %parallel_loop3A_1396 = tpu.vector_load %arg11[%parallel_loop3A_1394, %parallel_loop3A_1395] {strides = array<i32>} : memref<16x128xf32, #tpu.memory_space<vmem>>, vector<1x16xf32>,
        %parallel_loop3A_1397 = vector.shape_cast %parallel_loop3A_1396 : vector<1x16xf32> to vector<16xf32>
        %parallel_loop3A_1398 = arith.addf %parallel_loop3A_1337, %parallel_loop3A_1369 : vector<16xf32>
        %parallel_loop3A_1399 = arith.constant 0.000000e+00 : f32
        %parallel_loop3A_1400 = vector.broadcast %parallel_loop3A_1399 : f32 to vector<16xf32>
        %parallel_loop3A_1401 = arith.maximumf %parallel_loop3A_1398, %parallel_loop3A_1400 : vector<16xf32>
        %parallel_loop3A_1402 = arith.index_cast %parallel_loop3A_1333 : i32 to index
        %parallel_loop3A_1403 = arith.constant 0 : index
        %parallel_loop3A_1404 = tpu.vector_load %arg12[%parallel_loop3A_1402, %parallel_loop3A_1403] {strides = array<i32>} : memref<320x128xf32, #tpu.memory_space<vmem>>, vector<1x16xf32>,
        %parallel_loop3A_1405 = vector.shape_cast %parallel_loop3A_1404 : vector<1x16xf32> to vector<16xf32>
        %parallel_loop3A_1406 = vector.shape_cast %parallel_loop3A_1401 : vector<16xf32> to vector<1x16xf32>
        tpu.vector_store %arg12[%parallel_loop3A_1402, %parallel_loop3A_1403], %parallel_loop3A_1406 {strides = array<i32>} : memref<320x128xf32, #tpu.memory_space<vmem>>, vector<1x16xf32>,
        %parallel_loop3A_1407 = arith.addf %parallel_loop3A_1341, %parallel_loop3A_1373 : vector<16xf32>
        %parallel_loop3A_1408 = arith.constant 0.000000e+00 : f32
        %parallel_loop3A_1409 = vector.broadcast %parallel_loop3A_1408 : f32 to vector<16xf32>
        %parallel_loop3A_1410 = arith.maximumf %parallel_loop3A_1407, %parallel_loop3A_1409 : vector<16xf32>
        %parallel_loop3A_1411 = arith.index_cast %parallel_loop3A_1333 : i32 to index
        %parallel_loop3A_1412 = arith.constant 16 : index
        %parallel_loop3A_1413 = tpu.vector_load %arg12[%parallel_loop3A_1411, %parallel_loop3A_1412] {strides = array<i32>} : memref<320x128xf32, #tpu.memory_space<vmem>>, vector<1x16xf32>,
        %parallel_loop3A_1414 = vector.shape_cast %parallel_loop3A_1413 : vector<1x16xf32> to vector<16xf32>
        %parallel_loop3A_1415 = vector.shape_cast %parallel_loop3A_1410 : vector<16xf32> to vector<1x16xf32>
        tpu.vector_store %arg12[%parallel_loop3A_1411, %parallel_loop3A_1412], %parallel_loop3A_1415 {strides = array<i32>} : memref<320x128xf32, #tpu.memory_space<vmem>>, vector<1x16xf32>,
        %parallel_loop3A_1416 = arith.addf %parallel_loop3A_1345, %parallel_loop3A_1377 : vector<16xf32>
        %parallel_loop3A_1417 = arith.constant 0.000000e+00 : f32
        %parallel_loop3A_1418 = vector.broadcast %parallel_loop3A_1417 : f32 to vector<16xf32>
        %parallel_loop3A_1419 = arith.maximumf %parallel_loop3A_1416, %parallel_loop3A_1418 : vector<16xf32>
        %parallel_loop3A_1420 = arith.index_cast %parallel_loop3A_1333 : i32 to index
        %parallel_loop3A_1421 = arith.constant 32 : index
        %parallel_loop3A_1422 = tpu.vector_load %arg12[%parallel_loop3A_1420, %parallel_loop3A_1421] {strides = array<i32>} : memref<320x128xf32, #tpu.memory_space<vmem>>, vector<1x16xf32>,
        %parallel_loop3A_1423 = vector.shape_cast %parallel_loop3A_1422 : vector<1x16xf32> to vector<16xf32>
        %parallel_loop3A_1424 = vector.shape_cast %parallel_loop3A_1419 : vector<16xf32> to vector<1x16xf32>
        tpu.vector_store %arg12[%parallel_loop3A_1420, %parallel_loop3A_1421], %parallel_loop3A_1424 {strides = array<i32>} : memref<320x128xf32, #tpu.memory_space<vmem>>, vector<1x16xf32>,
        %parallel_loop3A_1425 = arith.addf %parallel_loop3A_1349, %parallel_loop3A_1381 : vector<16xf32>
        %parallel_loop3A_1426 = arith.constant 0.000000e+00 : f32
        %parallel_loop3A_1427 = vector.broadcast %parallel_loop3A_1426 : f32 to vector<16xf32>
        %parallel_loop3A_1428 = arith.maximumf %parallel_loop3A_1425, %parallel_loop3A_1427 : vector<16xf32>
        %parallel_loop3A_1429 = arith.index_cast %parallel_loop3A_1333 : i32 to index
        %parallel_loop3A_1430 = arith.constant 48 : index
        %parallel_loop3A_1431 = tpu.vector_load %arg12[%parallel_loop3A_1429, %parallel_loop3A_1430] {strides = array<i32>} : memref<320x128xf32, #tpu.memory_space<vmem>>, vector<1x16xf32>,
        %parallel_loop3A_1432 = vector.shape_cast %parallel_loop3A_1431 : vector<1x16xf32> to vector<16xf32>
        %parallel_loop3A_1433 = vector.shape_cast %parallel_loop3A_1428 : vector<16xf32> to vector<1x16xf32>
        tpu.vector_store %arg12[%parallel_loop3A_1429, %parallel_loop3A_1430], %parallel_loop3A_1433 {strides = array<i32>} : memref<320x128xf32, #tpu.memory_space<vmem>>, vector<1x16xf32>,
        %parallel_loop3A_1434 = arith.addf %parallel_loop3A_1353, %parallel_loop3A_1385 : vector<16xf32>
        %parallel_loop3A_1435 = arith.constant 0.000000e+00 : f32
        %parallel_loop3A_1436 = vector.broadcast %parallel_loop3A_1435 : f32 to vector<16xf32>
        %parallel_loop3A_1437 = arith.maximumf %parallel_loop3A_1434, %parallel_loop3A_1436 : vector<16xf32>
        %parallel_loop3A_1438 = arith.index_cast %parallel_loop3A_1333 : i32 to index
        %parallel_loop3A_1439 = arith.constant 64 : index
        %parallel_loop3A_1440 = tpu.vector_load %arg12[%parallel_loop3A_1438, %parallel_loop3A_1439] {strides = array<i32>} : memref<320x128xf32, #tpu.memory_space<vmem>>, vector<1x16xf32>,
        %parallel_loop3A_1441 = vector.shape_cast %parallel_loop3A_1440 : vector<1x16xf32> to vector<16xf32>
        %parallel_loop3A_1442 = vector.shape_cast %parallel_loop3A_1437 : vector<16xf32> to vector<1x16xf32>
        tpu.vector_store %arg12[%parallel_loop3A_1438, %parallel_loop3A_1439], %parallel_loop3A_1442 {strides = array<i32>} : memref<320x128xf32, #tpu.memory_space<vmem>>, vector<1x16xf32>,
        %parallel_loop3A_1443 = arith.addf %parallel_loop3A_1357, %parallel_loop3A_1389 : vector<16xf32>
        %parallel_loop3A_1444 = arith.constant 0.000000e+00 : f32
        %parallel_loop3A_1445 = vector.broadcast %parallel_loop3A_1444 : f32 to vector<16xf32>
        %parallel_loop3A_1446 = arith.maximumf %parallel_loop3A_1443, %parallel_loop3A_1445 : vector<16xf32>
        %parallel_loop3A_1447 = arith.index_cast %parallel_loop3A_1333 : i32 to index
        %parallel_loop3A_1448 = arith.constant 80 : index
        %parallel_loop3A_1449 = tpu.vector_load %arg12[%parallel_loop3A_1447, %parallel_loop3A_1448] {strides = array<i32>} : memref<320x128xf32, #tpu.memory_space<vmem>>, vector<1x16xf32>,
        %parallel_loop3A_1450 = vector.shape_cast %parallel_loop3A_1449 : vector<1x16xf32> to vector<16xf32>
        %parallel_loop3A_1451 = vector.shape_cast %parallel_loop3A_1446 : vector<16xf32> to vector<1x16xf32>
        tpu.vector_store %arg12[%parallel_loop3A_1447, %parallel_loop3A_1448], %parallel_loop3A_1451 {strides = array<i32>} : memref<320x128xf32, #tpu.memory_space<vmem>>, vector<1x16xf32>,
        %parallel_loop3A_1452 = arith.addf %parallel_loop3A_1361, %parallel_loop3A_1393 : vector<16xf32>
        %parallel_loop3A_1453 = arith.constant 0.000000e+00 : f32
        %parallel_loop3A_1454 = vector.broadcast %parallel_loop3A_1453 : f32 to vector<16xf32>
        %parallel_loop3A_1455 = arith.maximumf %parallel_loop3A_1452, %parallel_loop3A_1454 : vector<16xf32>
        %parallel_loop3A_1456 = arith.index_cast %parallel_loop3A_1333 : i32 to index
        %parallel_loop3A_1457 = arith.constant 96 : index
        %parallel_loop3A_1458 = tpu.vector_load %arg12[%parallel_loop3A_1456, %parallel_loop3A_1457] {strides = array<i32>} : memref<320x128xf32, #tpu.memory_space<vmem>>, vector<1x16xf32>,
        %parallel_loop3A_1459 = vector.shape_cast %parallel_loop3A_1458 : vector<1x16xf32> to vector<16xf32>
        %parallel_loop3A_1460 = vector.shape_cast %parallel_loop3A_1455 : vector<16xf32> to vector<1x16xf32>
        tpu.vector_store %arg12[%parallel_loop3A_1456, %parallel_loop3A_1457], %parallel_loop3A_1460 {strides = array<i32>} : memref<320x128xf32, #tpu.memory_space<vmem>>, vector<1x16xf32>,
        %parallel_loop3A_1461 = arith.addf %parallel_loop3A_1365, %parallel_loop3A_1397 : vector<16xf32>
        %parallel_loop3A_1462 = arith.constant 0.000000e+00 : f32
        %parallel_loop3A_1463 = vector.broadcast %parallel_loop3A_1462 : f32 to vector<16xf32>
        %parallel_loop3A_1464 = arith.maximumf %parallel_loop3A_1461, %parallel_loop3A_1463 : vector<16xf32>
        %parallel_loop3A_1465 = arith.index_cast %parallel_loop3A_1333 : i32 to index
        %parallel_loop3A_1466 = arith.constant 112 : index
        %parallel_loop3A_1467 = tpu.vector_load %arg12[%parallel_loop3A_1465, %parallel_loop3A_1466] {strides = array<i32>} : memref<320x128xf32, #tpu.memory_space<vmem>>, vector<1x16xf32>,
        %parallel_loop3A_1468 = vector.shape_cast %parallel_loop3A_1467 : vector<1x16xf32> to vector<16xf32>
        %parallel_loop3A_1469 = vector.shape_cast %parallel_loop3A_1464 : vector<16xf32> to vector<1x16xf32>
        tpu.vector_store %arg12[%parallel_loop3A_1465, %parallel_loop3A_1466], %parallel_loop3A_1469 {strides = array<i32>} : memref<320x128xf32, #tpu.memory_space<vmem>>, vector<1x16xf32>,
        %parallel_loop3A_1470 = arith.constant 16 : i32
        %parallel_loop3A_1471 = arith.muli %parallel_loop3A_303, %parallel_loop3A_1470 : i32
        %parallel_loop3A_1472 = arith.addi %mul3A_275, %parallel_loop3A_1471 : i32
        %parallel_loop3A_1473 = arith.constant 8 : i32
        %parallel_loop3A_1474 = arith.addi %parallel_loop3A_1472, %parallel_loop3A_1473 : i32
        %parallel_loop3A_1475 = arith.index_cast %parallel_loop3A_1474 : i32 to index
        %parallel_loop3A_1476 = arith.constant 0 : index
        %parallel_loop3A_1477 = tpu.vector_load %arg12[%parallel_loop3A_1475, %parallel_loop3A_1476] {strides = array<i32>} : memref<320x128xf32, #tpu.memory_space<vmem>>, vector<1x16xf32>,
        %parallel_loop3A_1478 = vector.shape_cast %parallel_loop3A_1477 : vector<1x16xf32> to vector<16xf32>
        %parallel_loop3A_1479 = arith.index_cast %parallel_loop3A_1474 : i32 to index
        %parallel_loop3A_1480 = arith.constant 16 : index
        %parallel_loop3A_1481 = tpu.vector_load %arg12[%parallel_loop3A_1479, %parallel_loop3A_1480] {strides = array<i32>} : memref<320x128xf32, #tpu.memory_space<vmem>>, vector<1x16xf32>,
        %parallel_loop3A_1482 = vector.shape_cast %parallel_loop3A_1481 : vector<1x16xf32> to vector<16xf32>
        %parallel_loop3A_1483 = arith.index_cast %parallel_loop3A_1474 : i32 to index
        %parallel_loop3A_1484 = arith.constant 32 : index
        %parallel_loop3A_1485 = tpu.vector_load %arg12[%parallel_loop3A_1483, %parallel_loop3A_1484] {strides = array<i32>} : memref<320x128xf32, #tpu.memory_space<vmem>>, vector<1x16xf32>,
        %parallel_loop3A_1486 = vector.shape_cast %parallel_loop3A_1485 : vector<1x16xf32> to vector<16xf32>
        %parallel_loop3A_1487 = arith.index_cast %parallel_loop3A_1474 : i32 to index
        %parallel_loop3A_1488 = arith.constant 48 : index
        %parallel_loop3A_1489 = tpu.vector_load %arg12[%parallel_loop3A_1487, %parallel_loop3A_1488] {strides = array<i32>} : memref<320x128xf32, #tpu.memory_space<vmem>>, vector<1x16xf32>,
        %parallel_loop3A_1490 = vector.shape_cast %parallel_loop3A_1489 : vector<1x16xf32> to vector<16xf32>
        %parallel_loop3A_1491 = arith.index_cast %parallel_loop3A_1474 : i32 to index
        %parallel_loop3A_1492 = arith.constant 64 : index
        %parallel_loop3A_1493 = tpu.vector_load %arg12[%parallel_loop3A_1491, %parallel_loop3A_1492] {strides = array<i32>} : memref<320x128xf32, #tpu.memory_space<vmem>>, vector<1x16xf32>,
        %parallel_loop3A_1494 = vector.shape_cast %parallel_loop3A_1493 : vector<1x16xf32> to vector<16xf32>
        %parallel_loop3A_1495 = arith.index_cast %parallel_loop3A_1474 : i32 to index
        %parallel_loop3A_1496 = arith.constant 80 : index
        %parallel_loop3A_1497 = tpu.vector_load %arg12[%parallel_loop3A_1495, %parallel_loop3A_1496] {strides = array<i32>} : memref<320x128xf32, #tpu.memory_space<vmem>>, vector<1x16xf32>,
        %parallel_loop3A_1498 = vector.shape_cast %parallel_loop3A_1497 : vector<1x16xf32> to vector<16xf32>
        %parallel_loop3A_1499 = arith.index_cast %parallel_loop3A_1474 : i32 to index
        %parallel_loop3A_1500 = arith.constant 96 : index
        %parallel_loop3A_1501 = tpu.vector_load %arg12[%parallel_loop3A_1499, %parallel_loop3A_1500] {strides = array<i32>} : memref<320x128xf32, #tpu.memory_space<vmem>>, vector<1x16xf32>,
        %parallel_loop3A_1502 = vector.shape_cast %parallel_loop3A_1501 : vector<1x16xf32> to vector<16xf32>
        %parallel_loop3A_1503 = arith.index_cast %parallel_loop3A_1474 : i32 to index
        %parallel_loop3A_1504 = arith.constant 112 : index
        %parallel_loop3A_1505 = tpu.vector_load %arg12[%parallel_loop3A_1503, %parallel_loop3A_1504] {strides = array<i32>} : memref<320x128xf32, #tpu.memory_space<vmem>>, vector<1x16xf32>,
        %parallel_loop3A_1506 = vector.shape_cast %parallel_loop3A_1505 : vector<1x16xf32> to vector<16xf32>
        %parallel_loop3A_1507 = arith.index_cast %parallel_loop3A_327 : i32 to index
        %parallel_loop3A_1508 = arith.constant 0 : index
        %parallel_loop3A_1509 = tpu.vector_load %arg11[%parallel_loop3A_1507, %parallel_loop3A_1508] {strides = array<i32>} : memref<16x128xf32, #tpu.memory_space<vmem>>, vector<1x16xf32>,
        %parallel_loop3A_1510 = vector.shape_cast %parallel_loop3A_1509 : vector<1x16xf32> to vector<16xf32>
        %parallel_loop3A_1511 = arith.index_cast %parallel_loop3A_327 : i32 to index
        %parallel_loop3A_1512 = arith.constant 16 : index
        %parallel_loop3A_1513 = tpu.vector_load %arg11[%parallel_loop3A_1511, %parallel_loop3A_1512] {strides = array<i32>} : memref<16x128xf32, #tpu.memory_space<vmem>>, vector<1x16xf32>,
        %parallel_loop3A_1514 = vector.shape_cast %parallel_loop3A_1513 : vector<1x16xf32> to vector<16xf32>
        %parallel_loop3A_1515 = arith.index_cast %parallel_loop3A_327 : i32 to index
        %parallel_loop3A_1516 = arith.constant 32 : index
        %parallel_loop3A_1517 = tpu.vector_load %arg11[%parallel_loop3A_1515, %parallel_loop3A_1516] {strides = array<i32>} : memref<16x128xf32, #tpu.memory_space<vmem>>, vector<1x16xf32>,
        %parallel_loop3A_1518 = vector.shape_cast %parallel_loop3A_1517 : vector<1x16xf32> to vector<16xf32>
        %parallel_loop3A_1519 = arith.index_cast %parallel_loop3A_327 : i32 to index
        %parallel_loop3A_1520 = arith.constant 48 : index
        %parallel_loop3A_1521 = tpu.vector_load %arg11[%parallel_loop3A_1519, %parallel_loop3A_1520] {strides = array<i32>} : memref<16x128xf32, #tpu.memory_space<vmem>>, vector<1x16xf32>,
        %parallel_loop3A_1522 = vector.shape_cast %parallel_loop3A_1521 : vector<1x16xf32> to vector<16xf32>
        %parallel_loop3A_1523 = arith.index_cast %parallel_loop3A_327 : i32 to index
        %parallel_loop3A_1524 = arith.constant 64 : index
        %parallel_loop3A_1525 = tpu.vector_load %arg11[%parallel_loop3A_1523, %parallel_loop3A_1524] {strides = array<i32>} : memref<16x128xf32, #tpu.memory_space<vmem>>, vector<1x16xf32>,
        %parallel_loop3A_1526 = vector.shape_cast %parallel_loop3A_1525 : vector<1x16xf32> to vector<16xf32>
        %parallel_loop3A_1527 = arith.index_cast %parallel_loop3A_327 : i32 to index
        %parallel_loop3A_1528 = arith.constant 80 : index
        %parallel_loop3A_1529 = tpu.vector_load %arg11[%parallel_loop3A_1527, %parallel_loop3A_1528] {strides = array<i32>} : memref<16x128xf32, #tpu.memory_space<vmem>>, vector<1x16xf32>,
        %parallel_loop3A_1530 = vector.shape_cast %parallel_loop3A_1529 : vector<1x16xf32> to vector<16xf32>
        %parallel_loop3A_1531 = arith.index_cast %parallel_loop3A_327 : i32 to index
        %parallel_loop3A_1532 = arith.constant 96 : index
        %parallel_loop3A_1533 = tpu.vector_load %arg11[%parallel_loop3A_1531, %parallel_loop3A_1532] {strides = array<i32>} : memref<16x128xf32, #tpu.memory_space<vmem>>, vector<1x16xf32>,
        %parallel_loop3A_1534 = vector.shape_cast %parallel_loop3A_1533 : vector<1x16xf32> to vector<16xf32>
        %parallel_loop3A_1535 = arith.index_cast %parallel_loop3A_327 : i32 to index
        %parallel_loop3A_1536 = arith.constant 112 : index
        %parallel_loop3A_1537 = tpu.vector_load %arg11[%parallel_loop3A_1535, %parallel_loop3A_1536] {strides = array<i32>} : memref<16x128xf32, #tpu.memory_space<vmem>>, vector<1x16xf32>,
        %parallel_loop3A_1538 = vector.shape_cast %parallel_loop3A_1537 : vector<1x16xf32> to vector<16xf32>
        %parallel_loop3A_1539 = arith.addf %parallel_loop3A_1478, %parallel_loop3A_1510 : vector<16xf32>
        %parallel_loop3A_1540 = arith.constant 0.000000e+00 : f32
        %parallel_loop3A_1541 = vector.broadcast %parallel_loop3A_1540 : f32 to vector<16xf32>
        %parallel_loop3A_1542 = arith.maximumf %parallel_loop3A_1539, %parallel_loop3A_1541 : vector<16xf32>
        %parallel_loop3A_1543 = arith.index_cast %parallel_loop3A_1474 : i32 to index
        %parallel_loop3A_1544 = arith.constant 0 : index
        %parallel_loop3A_1545 = tpu.vector_load %arg12[%parallel_loop3A_1543, %parallel_loop3A_1544] {strides = array<i32>} : memref<320x128xf32, #tpu.memory_space<vmem>>, vector<1x16xf32>,
        %parallel_loop3A_1546 = vector.shape_cast %parallel_loop3A_1545 : vector<1x16xf32> to vector<16xf32>
        %parallel_loop3A_1547 = vector.shape_cast %parallel_loop3A_1542 : vector<16xf32> to vector<1x16xf32>
        tpu.vector_store %arg12[%parallel_loop3A_1543, %parallel_loop3A_1544], %parallel_loop3A_1547 {strides = array<i32>} : memref<320x128xf32, #tpu.memory_space<vmem>>, vector<1x16xf32>,
        %parallel_loop3A_1548 = arith.addf %parallel_loop3A_1482, %parallel_loop3A_1514 : vector<16xf32>
        %parallel_loop3A_1549 = arith.constant 0.000000e+00 : f32
        %parallel_loop3A_1550 = vector.broadcast %parallel_loop3A_1549 : f32 to vector<16xf32>
        %parallel_loop3A_1551 = arith.maximumf %parallel_loop3A_1548, %parallel_loop3A_1550 : vector<16xf32>
        %parallel_loop3A_1552 = arith.index_cast %parallel_loop3A_1474 : i32 to index
        %parallel_loop3A_1553 = arith.constant 16 : index
        %parallel_loop3A_1554 = tpu.vector_load %arg12[%parallel_loop3A_1552, %parallel_loop3A_1553] {strides = array<i32>} : memref<320x128xf32, #tpu.memory_space<vmem>>, vector<1x16xf32>,
        %parallel_loop3A_1555 = vector.shape_cast %parallel_loop3A_1554 : vector<1x16xf32> to vector<16xf32>
        %parallel_loop3A_1556 = vector.shape_cast %parallel_loop3A_1551 : vector<16xf32> to vector<1x16xf32>
        tpu.vector_store %arg12[%parallel_loop3A_1552, %parallel_loop3A_1553], %parallel_loop3A_1556 {strides = array<i32>} : memref<320x128xf32, #tpu.memory_space<vmem>>, vector<1x16xf32>,
        %parallel_loop3A_1557 = arith.addf %parallel_loop3A_1486, %parallel_loop3A_1518 : vector<16xf32>
        %parallel_loop3A_1558 = arith.constant 0.000000e+00 : f32
        %parallel_loop3A_1559 = vector.broadcast %parallel_loop3A_1558 : f32 to vector<16xf32>
        %parallel_loop3A_1560 = arith.maximumf %parallel_loop3A_1557, %parallel_loop3A_1559 : vector<16xf32>
        %parallel_loop3A_1561 = arith.index_cast %parallel_loop3A_1474 : i32 to index
        %parallel_loop3A_1562 = arith.constant 32 : index
        %parallel_loop3A_1563 = tpu.vector_load %arg12[%parallel_loop3A_1561, %parallel_loop3A_1562] {strides = array<i32>} : memref<320x128xf32, #tpu.memory_space<vmem>>, vector<1x16xf32>,
        %parallel_loop3A_1564 = vector.shape_cast %parallel_loop3A_1563 : vector<1x16xf32> to vector<16xf32>
        %parallel_loop3A_1565 = vector.shape_cast %parallel_loop3A_1560 : vector<16xf32> to vector<1x16xf32>
        tpu.vector_store %arg12[%parallel_loop3A_1561, %parallel_loop3A_1562], %parallel_loop3A_1565 {strides = array<i32>} : memref<320x128xf32, #tpu.memory_space<vmem>>, vector<1x16xf32>,
        %parallel_loop3A_1566 = arith.addf %parallel_loop3A_1490, %parallel_loop3A_1522 : vector<16xf32>
        %parallel_loop3A_1567 = arith.constant 0.000000e+00 : f32
        %parallel_loop3A_1568 = vector.broadcast %parallel_loop3A_1567 : f32 to vector<16xf32>
        %parallel_loop3A_1569 = arith.maximumf %parallel_loop3A_1566, %parallel_loop3A_1568 : vector<16xf32>
        %parallel_loop3A_1570 = arith.index_cast %parallel_loop3A_1474 : i32 to index
        %parallel_loop3A_1571 = arith.constant 48 : index
        %parallel_loop3A_1572 = tpu.vector_load %arg12[%parallel_loop3A_1570, %parallel_loop3A_1571] {strides = array<i32>} : memref<320x128xf32, #tpu.memory_space<vmem>>, vector<1x16xf32>,
        %parallel_loop3A_1573 = vector.shape_cast %parallel_loop3A_1572 : vector<1x16xf32> to vector<16xf32>
        %parallel_loop3A_1574 = vector.shape_cast %parallel_loop3A_1569 : vector<16xf32> to vector<1x16xf32>
        tpu.vector_store %arg12[%parallel_loop3A_1570, %parallel_loop3A_1571], %parallel_loop3A_1574 {strides = array<i32>} : memref<320x128xf32, #tpu.memory_space<vmem>>, vector<1x16xf32>,
        %parallel_loop3A_1575 = arith.addf %parallel_loop3A_1494, %parallel_loop3A_1526 : vector<16xf32>
        %parallel_loop3A_1576 = arith.constant 0.000000e+00 : f32
        %parallel_loop3A_1577 = vector.broadcast %parallel_loop3A_1576 : f32 to vector<16xf32>
        %parallel_loop3A_1578 = arith.maximumf %parallel_loop3A_1575, %parallel_loop3A_1577 : vector<16xf32>
        %parallel_loop3A_1579 = arith.index_cast %parallel_loop3A_1474 : i32 to index
        %parallel_loop3A_1580 = arith.constant 64 : index
        %parallel_loop3A_1581 = tpu.vector_load %arg12[%parallel_loop3A_1579, %parallel_loop3A_1580] {strides = array<i32>} : memref<320x128xf32, #tpu.memory_space<vmem>>, vector<1x16xf32>,
        %parallel_loop3A_1582 = vector.shape_cast %parallel_loop3A_1581 : vector<1x16xf32> to vector<16xf32>
        %parallel_loop3A_1583 = vector.shape_cast %parallel_loop3A_1578 : vector<16xf32> to vector<1x16xf32>
        tpu.vector_store %arg12[%parallel_loop3A_1579, %parallel_loop3A_1580], %parallel_loop3A_1583 {strides = array<i32>} : memref<320x128xf32, #tpu.memory_space<vmem>>, vector<1x16xf32>,
        %parallel_loop3A_1584 = arith.addf %parallel_loop3A_1498, %parallel_loop3A_1530 : vector<16xf32>
        %parallel_loop3A_1585 = arith.constant 0.000000e+00 : f32
        %parallel_loop3A_1586 = vector.broadcast %parallel_loop3A_1585 : f32 to vector<16xf32>
        %parallel_loop3A_1587 = arith.maximumf %parallel_loop3A_1584, %parallel_loop3A_1586 : vector<16xf32>
        %parallel_loop3A_1588 = arith.index_cast %parallel_loop3A_1474 : i32 to index
        %parallel_loop3A_1589 = arith.constant 80 : index
        %parallel_loop3A_1590 = tpu.vector_load %arg12[%parallel_loop3A_1588, %parallel_loop3A_1589] {strides = array<i32>} : memref<320x128xf32, #tpu.memory_space<vmem>>, vector<1x16xf32>,
        %parallel_loop3A_1591 = vector.shape_cast %parallel_loop3A_1590 : vector<1x16xf32> to vector<16xf32>
        %parallel_loop3A_1592 = vector.shape_cast %parallel_loop3A_1587 : vector<16xf32> to vector<1x16xf32>
        tpu.vector_store %arg12[%parallel_loop3A_1588, %parallel_loop3A_1589], %parallel_loop3A_1592 {strides = array<i32>} : memref<320x128xf32, #tpu.memory_space<vmem>>, vector<1x16xf32>,
        %parallel_loop3A_1593 = arith.addf %parallel_loop3A_1502, %parallel_loop3A_1534 : vector<16xf32>
        %parallel_loop3A_1594 = arith.constant 0.000000e+00 : f32
        %parallel_loop3A_1595 = vector.broadcast %parallel_loop3A_1594 : f32 to vector<16xf32>
        %parallel_loop3A_1596 = arith.maximumf %parallel_loop3A_1593, %parallel_loop3A_1595 : vector<16xf32>
        %parallel_loop3A_1597 = arith.index_cast %parallel_loop3A_1474 : i32 to index
        %parallel_loop3A_1598 = arith.constant 96 : index
        %parallel_loop3A_1599 = tpu.vector_load %arg12[%parallel_loop3A_1597, %parallel_loop3A_1598] {strides = array<i32>} : memref<320x128xf32, #tpu.memory_space<vmem>>, vector<1x16xf32>,
        %parallel_loop3A_1600 = vector.shape_cast %parallel_loop3A_1599 : vector<1x16xf32> to vector<16xf32>
        %parallel_loop3A_1601 = vector.shape_cast %parallel_loop3A_1596 : vector<16xf32> to vector<1x16xf32>
        tpu.vector_store %arg12[%parallel_loop3A_1597, %parallel_loop3A_1598], %parallel_loop3A_1601 {strides = array<i32>} : memref<320x128xf32, #tpu.memory_space<vmem>>, vector<1x16xf32>,
        %parallel_loop3A_1602 = arith.addf %parallel_loop3A_1506, %parallel_loop3A_1538 : vector<16xf32>
        %parallel_loop3A_1603 = arith.constant 0.000000e+00 : f32
        %parallel_loop3A_1604 = vector.broadcast %parallel_loop3A_1603 : f32 to vector<16xf32>
        %parallel_loop3A_1605 = arith.maximumf %parallel_loop3A_1602, %parallel_loop3A_1604 : vector<16xf32>
        %parallel_loop3A_1606 = arith.index_cast %parallel_loop3A_1474 : i32 to index
        %parallel_loop3A_1607 = arith.constant 112 : index
        %parallel_loop3A_1608 = tpu.vector_load %arg12[%parallel_loop3A_1606, %parallel_loop3A_1607] {strides = array<i32>} : memref<320x128xf32, #tpu.memory_space<vmem>>, vector<1x16xf32>,
        %parallel_loop3A_1609 = vector.shape_cast %parallel_loop3A_1608 : vector<1x16xf32> to vector<16xf32>
        %parallel_loop3A_1610 = vector.shape_cast %parallel_loop3A_1605 : vector<16xf32> to vector<1x16xf32>
        tpu.vector_store %arg12[%parallel_loop3A_1606, %parallel_loop3A_1607], %parallel_loop3A_1610 {strides = array<i32>} : memref<320x128xf32, #tpu.memory_space<vmem>>, vector<1x16xf32>,
        %parallel_loop3A_1611 = arith.constant 16 : i32
        %parallel_loop3A_1612 = arith.muli %parallel_loop3A_303, %parallel_loop3A_1611 : i32
        %parallel_loop3A_1613 = arith.addi %mul3A_275, %parallel_loop3A_1612 : i32
        %parallel_loop3A_1614 = arith.constant 9 : i32
        %parallel_loop3A_1615 = arith.addi %parallel_loop3A_1613, %parallel_loop3A_1614 : i32
        %parallel_loop3A_1616 = arith.index_cast %parallel_loop3A_1615 : i32 to index
        %parallel_loop3A_1617 = arith.constant 0 : index
        %parallel_loop3A_1618 = tpu.vector_load %arg12[%parallel_loop3A_1616, %parallel_loop3A_1617] {strides = array<i32>} : memref<320x128xf32, #tpu.memory_space<vmem>>, vector<1x16xf32>,
        %parallel_loop3A_1619 = vector.shape_cast %parallel_loop3A_1618 : vector<1x16xf32> to vector<16xf32>
        %parallel_loop3A_1620 = arith.index_cast %parallel_loop3A_1615 : i32 to index
        %parallel_loop3A_1621 = arith.constant 16 : index
        %parallel_loop3A_1622 = tpu.vector_load %arg12[%parallel_loop3A_1620, %parallel_loop3A_1621] {strides = array<i32>} : memref<320x128xf32, #tpu.memory_space<vmem>>, vector<1x16xf32>,
        %parallel_loop3A_1623 = vector.shape_cast %parallel_loop3A_1622 : vector<1x16xf32> to vector<16xf32>
        %parallel_loop3A_1624 = arith.index_cast %parallel_loop3A_1615 : i32 to index
        %parallel_loop3A_1625 = arith.constant 32 : index
        %parallel_loop3A_1626 = tpu.vector_load %arg12[%parallel_loop3A_1624, %parallel_loop3A_1625] {strides = array<i32>} : memref<320x128xf32, #tpu.memory_space<vmem>>, vector<1x16xf32>,
        %parallel_loop3A_1627 = vector.shape_cast %parallel_loop3A_1626 : vector<1x16xf32> to vector<16xf32>
        %parallel_loop3A_1628 = arith.index_cast %parallel_loop3A_1615 : i32 to index
        %parallel_loop3A_1629 = arith.constant 48 : index
        %parallel_loop3A_1630 = tpu.vector_load %arg12[%parallel_loop3A_1628, %parallel_loop3A_1629] {strides = array<i32>} : memref<320x128xf32, #tpu.memory_space<vmem>>, vector<1x16xf32>,
        %parallel_loop3A_1631 = vector.shape_cast %parallel_loop3A_1630 : vector<1x16xf32> to vector<16xf32>
        %parallel_loop3A_1632 = arith.index_cast %parallel_loop3A_1615 : i32 to index
        %parallel_loop3A_1633 = arith.constant 64 : index
        %parallel_loop3A_1634 = tpu.vector_load %arg12[%parallel_loop3A_1632, %parallel_loop3A_1633] {strides = array<i32>} : memref<320x128xf32, #tpu.memory_space<vmem>>, vector<1x16xf32>,
        %parallel_loop3A_1635 = vector.shape_cast %parallel_loop3A_1634 : vector<1x16xf32> to vector<16xf32>
        %parallel_loop3A_1636 = arith.index_cast %parallel_loop3A_1615 : i32 to index
        %parallel_loop3A_1637 = arith.constant 80 : index
        %parallel_loop3A_1638 = tpu.vector_load %arg12[%parallel_loop3A_1636, %parallel_loop3A_1637] {strides = array<i32>} : memref<320x128xf32, #tpu.memory_space<vmem>>, vector<1x16xf32>,
        %parallel_loop3A_1639 = vector.shape_cast %parallel_loop3A_1638 : vector<1x16xf32> to vector<16xf32>
        %parallel_loop3A_1640 = arith.index_cast %parallel_loop3A_1615 : i32 to index
        %parallel_loop3A_1641 = arith.constant 96 : index
        %parallel_loop3A_1642 = tpu.vector_load %arg12[%parallel_loop3A_1640, %parallel_loop3A_1641] {strides = array<i32>} : memref<320x128xf32, #tpu.memory_space<vmem>>, vector<1x16xf32>,
        %parallel_loop3A_1643 = vector.shape_cast %parallel_loop3A_1642 : vector<1x16xf32> to vector<16xf32>
        %parallel_loop3A_1644 = arith.index_cast %parallel_loop3A_1615 : i32 to index
        %parallel_loop3A_1645 = arith.constant 112 : index
        %parallel_loop3A_1646 = tpu.vector_load %arg12[%parallel_loop3A_1644, %parallel_loop3A_1645] {strides = array<i32>} : memref<320x128xf32, #tpu.memory_space<vmem>>, vector<1x16xf32>,
        %parallel_loop3A_1647 = vector.shape_cast %parallel_loop3A_1646 : vector<1x16xf32> to vector<16xf32>
        %parallel_loop3A_1648 = arith.index_cast %parallel_loop3A_329 : i32 to index
        %parallel_loop3A_1649 = arith.constant 0 : index
        %parallel_loop3A_1650 = tpu.vector_load %arg11[%parallel_loop3A_1648, %parallel_loop3A_1649] {strides = array<i32>} : memref<16x128xf32, #tpu.memory_space<vmem>>, vector<1x16xf32>,
        %parallel_loop3A_1651 = vector.shape_cast %parallel_loop3A_1650 : vector<1x16xf32> to vector<16xf32>
        %parallel_loop3A_1652 = arith.index_cast %parallel_loop3A_329 : i32 to index
        %parallel_loop3A_1653 = arith.constant 16 : index
        %parallel_loop3A_1654 = tpu.vector_load %arg11[%parallel_loop3A_1652, %parallel_loop3A_1653] {strides = array<i32>} : memref<16x128xf32, #tpu.memory_space<vmem>>, vector<1x16xf32>,
        %parallel_loop3A_1655 = vector.shape_cast %parallel_loop3A_1654 : vector<1x16xf32> to vector<16xf32>
        %parallel_loop3A_1656 = arith.index_cast %parallel_loop3A_329 : i32 to index
        %parallel_loop3A_1657 = arith.constant 32 : index
        %parallel_loop3A_1658 = tpu.vector_load %arg11[%parallel_loop3A_1656, %parallel_loop3A_1657] {strides = array<i32>} : memref<16x128xf32, #tpu.memory_space<vmem>>, vector<1x16xf32>,
        %parallel_loop3A_1659 = vector.shape_cast %parallel_loop3A_1658 : vector<1x16xf32> to vector<16xf32>
        %parallel_loop3A_1660 = arith.index_cast %parallel_loop3A_329 : i32 to index
        %parallel_loop3A_1661 = arith.constant 48 : index
        %parallel_loop3A_1662 = tpu.vector_load %arg11[%parallel_loop3A_1660, %parallel_loop3A_1661] {strides = array<i32>} : memref<16x128xf32, #tpu.memory_space<vmem>>, vector<1x16xf32>,
        %parallel_loop3A_1663 = vector.shape_cast %parallel_loop3A_1662 : vector<1x16xf32> to vector<16xf32>
        %parallel_loop3A_1664 = arith.index_cast %parallel_loop3A_329 : i32 to index
        %parallel_loop3A_1665 = arith.constant 64 : index
        %parallel_loop3A_1666 = tpu.vector_load %arg11[%parallel_loop3A_1664, %parallel_loop3A_1665] {strides = array<i32>} : memref<16x128xf32, #tpu.memory_space<vmem>>, vector<1x16xf32>,
        %parallel_loop3A_1667 = vector.shape_cast %parallel_loop3A_1666 : vector<1x16xf32> to vector<16xf32>
        %parallel_loop3A_1668 = arith.index_cast %parallel_loop3A_329 : i32 to index
        %parallel_loop3A_1669 = arith.constant 80 : index
        %parallel_loop3A_1670 = tpu.vector_load %arg11[%parallel_loop3A_1668, %parallel_loop3A_1669] {strides = array<i32>} : memref<16x128xf32, #tpu.memory_space<vmem>>, vector<1x16xf32>,
        %parallel_loop3A_1671 = vector.shape_cast %parallel_loop3A_1670 : vector<1x16xf32> to vector<16xf32>
        %parallel_loop3A_1672 = arith.index_cast %parallel_loop3A_329 : i32 to index
        %parallel_loop3A_1673 = arith.constant 96 : index
        %parallel_loop3A_1674 = tpu.vector_load %arg11[%parallel_loop3A_1672, %parallel_loop3A_1673] {strides = array<i32>} : memref<16x128xf32, #tpu.memory_space<vmem>>, vector<1x16xf32>,
        %parallel_loop3A_1675 = vector.shape_cast %parallel_loop3A_1674 : vector<1x16xf32> to vector<16xf32>
        %parallel_loop3A_1676 = arith.index_cast %parallel_loop3A_329 : i32 to index
        %parallel_loop3A_1677 = arith.constant 112 : index
        %parallel_loop3A_1678 = tpu.vector_load %arg11[%parallel_loop3A_1676, %parallel_loop3A_1677] {strides = array<i32>} : memref<16x128xf32, #tpu.memory_space<vmem>>, vector<1x16xf32>,
        %parallel_loop3A_1679 = vector.shape_cast %parallel_loop3A_1678 : vector<1x16xf32> to vector<16xf32>
        %parallel_loop3A_1680 = arith.addf %parallel_loop3A_1619, %parallel_loop3A_1651 : vector<16xf32>
        %parallel_loop3A_1681 = arith.constant 0.000000e+00 : f32
        %parallel_loop3A_1682 = vector.broadcast %parallel_loop3A_1681 : f32 to vector<16xf32>
        %parallel_loop3A_1683 = arith.maximumf %parallel_loop3A_1680, %parallel_loop3A_1682 : vector<16xf32>
        %parallel_loop3A_1684 = arith.index_cast %parallel_loop3A_1615 : i32 to index
        %parallel_loop3A_1685 = arith.constant 0 : index
        %parallel_loop3A_1686 = tpu.vector_load %arg12[%parallel_loop3A_1684, %parallel_loop3A_1685] {strides = array<i32>} : memref<320x128xf32, #tpu.memory_space<vmem>>, vector<1x16xf32>,
        %parallel_loop3A_1687 = vector.shape_cast %parallel_loop3A_1686 : vector<1x16xf32> to vector<16xf32>
        %parallel_loop3A_1688 = vector.shape_cast %parallel_loop3A_1683 : vector<16xf32> to vector<1x16xf32>
        tpu.vector_store %arg12[%parallel_loop3A_1684, %parallel_loop3A_1685], %parallel_loop3A_1688 {strides = array<i32>} : memref<320x128xf32, #tpu.memory_space<vmem>>, vector<1x16xf32>,
        %parallel_loop3A_1689 = arith.addf %parallel_loop3A_1623, %parallel_loop3A_1655 : vector<16xf32>
        %parallel_loop3A_1690 = arith.constant 0.000000e+00 : f32
        %parallel_loop3A_1691 = vector.broadcast %parallel_loop3A_1690 : f32 to vector<16xf32>
        %parallel_loop3A_1692 = arith.maximumf %parallel_loop3A_1689, %parallel_loop3A_1691 : vector<16xf32>
        %parallel_loop3A_1693 = arith.index_cast %parallel_loop3A_1615 : i32 to index
        %parallel_loop3A_1694 = arith.constant 16 : index
        %parallel_loop3A_1695 = tpu.vector_load %arg12[%parallel_loop3A_1693, %parallel_loop3A_1694] {strides = array<i32>} : memref<320x128xf32, #tpu.memory_space<vmem>>, vector<1x16xf32>,
        %parallel_loop3A_1696 = vector.shape_cast %parallel_loop3A_1695 : vector<1x16xf32> to vector<16xf32>
        %parallel_loop3A_1697 = vector.shape_cast %parallel_loop3A_1692 : vector<16xf32> to vector<1x16xf32>
        tpu.vector_store %arg12[%parallel_loop3A_1693, %parallel_loop3A_1694], %parallel_loop3A_1697 {strides = array<i32>} : memref<320x128xf32, #tpu.memory_space<vmem>>, vector<1x16xf32>,
        %parallel_loop3A_1698 = arith.addf %parallel_loop3A_1627, %parallel_loop3A_1659 : vector<16xf32>
        %parallel_loop3A_1699 = arith.constant 0.000000e+00 : f32
        %parallel_loop3A_1700 = vector.broadcast %parallel_loop3A_1699 : f32 to vector<16xf32>
        %parallel_loop3A_1701 = arith.maximumf %parallel_loop3A_1698, %parallel_loop3A_1700 : vector<16xf32>
        %parallel_loop3A_1702 = arith.index_cast %parallel_loop3A_1615 : i32 to index
        %parallel_loop3A_1703 = arith.constant 32 : index
        %parallel_loop3A_1704 = tpu.vector_load %arg12[%parallel_loop3A_1702, %parallel_loop3A_1703] {strides = array<i32>} : memref<320x128xf32, #tpu.memory_space<vmem>>, vector<1x16xf32>,
        %parallel_loop3A_1705 = vector.shape_cast %parallel_loop3A_1704 : vector<1x16xf32> to vector<16xf32>
        %parallel_loop3A_1706 = vector.shape_cast %parallel_loop3A_1701 : vector<16xf32> to vector<1x16xf32>
        tpu.vector_store %arg12[%parallel_loop3A_1702, %parallel_loop3A_1703], %parallel_loop3A_1706 {strides = array<i32>} : memref<320x128xf32, #tpu.memory_space<vmem>>, vector<1x16xf32>,
        %parallel_loop3A_1707 = arith.addf %parallel_loop3A_1631, %parallel_loop3A_1663 : vector<16xf32>
        %parallel_loop3A_1708 = arith.constant 0.000000e+00 : f32
        %parallel_loop3A_1709 = vector.broadcast %parallel_loop3A_1708 : f32 to vector<16xf32>
        %parallel_loop3A_1710 = arith.maximumf %parallel_loop3A_1707, %parallel_loop3A_1709 : vector<16xf32>
        %parallel_loop3A_1711 = arith.index_cast %parallel_loop3A_1615 : i32 to index
        %parallel_loop3A_1712 = arith.constant 48 : index
        %parallel_loop3A_1713 = tpu.vector_load %arg12[%parallel_loop3A_1711, %parallel_loop3A_1712] {strides = array<i32>} : memref<320x128xf32, #tpu.memory_space<vmem>>, vector<1x16xf32>,
        %parallel_loop3A_1714 = vector.shape_cast %parallel_loop3A_1713 : vector<1x16xf32> to vector<16xf32>
        %parallel_loop3A_1715 = vector.shape_cast %parallel_loop3A_1710 : vector<16xf32> to vector<1x16xf32>
        tpu.vector_store %arg12[%parallel_loop3A_1711, %parallel_loop3A_1712], %parallel_loop3A_1715 {strides = array<i32>} : memref<320x128xf32, #tpu.memory_space<vmem>>, vector<1x16xf32>,
        %parallel_loop3A_1716 = arith.addf %parallel_loop3A_1635, %parallel_loop3A_1667 : vector<16xf32>
        %parallel_loop3A_1717 = arith.constant 0.000000e+00 : f32
        %parallel_loop3A_1718 = vector.broadcast %parallel_loop3A_1717 : f32 to vector<16xf32>
        %parallel_loop3A_1719 = arith.maximumf %parallel_loop3A_1716, %parallel_loop3A_1718 : vector<16xf32>
        %parallel_loop3A_1720 = arith.index_cast %parallel_loop3A_1615 : i32 to index
        %parallel_loop3A_1721 = arith.constant 64 : index
        %parallel_loop3A_1722 = tpu.vector_load %arg12[%parallel_loop3A_1720, %parallel_loop3A_1721] {strides = array<i32>} : memref<320x128xf32, #tpu.memory_space<vmem>>, vector<1x16xf32>,
        %parallel_loop3A_1723 = vector.shape_cast %parallel_loop3A_1722 : vector<1x16xf32> to vector<16xf32>
        %parallel_loop3A_1724 = vector.shape_cast %parallel_loop3A_1719 : vector<16xf32> to vector<1x16xf32>
        tpu.vector_store %arg12[%parallel_loop3A_1720, %parallel_loop3A_1721], %parallel_loop3A_1724 {strides = array<i32>} : memref<320x128xf32, #tpu.memory_space<vmem>>, vector<1x16xf32>,
        %parallel_loop3A_1725 = arith.addf %parallel_loop3A_1639, %parallel_loop3A_1671 : vector<16xf32>
        %parallel_loop3A_1726 = arith.constant 0.000000e+00 : f32
        %parallel_loop3A_1727 = vector.broadcast %parallel_loop3A_1726 : f32 to vector<16xf32>
        %parallel_loop3A_1728 = arith.maximumf %parallel_loop3A_1725, %parallel_loop3A_1727 : vector<16xf32>
        %parallel_loop3A_1729 = arith.index_cast %parallel_loop3A_1615 : i32 to index
        %parallel_loop3A_1730 = arith.constant 80 : index
        %parallel_loop3A_1731 = tpu.vector_load %arg12[%parallel_loop3A_1729, %parallel_loop3A_1730] {strides = array<i32>} : memref<320x128xf32, #tpu.memory_space<vmem>>, vector<1x16xf32>,
        %parallel_loop3A_1732 = vector.shape_cast %parallel_loop3A_1731 : vector<1x16xf32> to vector<16xf32>
        %parallel_loop3A_1733 = vector.shape_cast %parallel_loop3A_1728 : vector<16xf32> to vector<1x16xf32>
        tpu.vector_store %arg12[%parallel_loop3A_1729, %parallel_loop3A_1730], %parallel_loop3A_1733 {strides = array<i32>} : memref<320x128xf32, #tpu.memory_space<vmem>>, vector<1x16xf32>,
        %parallel_loop3A_1734 = arith.addf %parallel_loop3A_1643, %parallel_loop3A_1675 : vector<16xf32>
        %parallel_loop3A_1735 = arith.constant 0.000000e+00 : f32
        %parallel_loop3A_1736 = vector.broadcast %parallel_loop3A_1735 : f32 to vector<16xf32>
        %parallel_loop3A_1737 = arith.maximumf %parallel_loop3A_1734, %parallel_loop3A_1736 : vector<16xf32>
        %parallel_loop3A_1738 = arith.index_cast %parallel_loop3A_1615 : i32 to index
        %parallel_loop3A_1739 = arith.constant 96 : index
        %parallel_loop3A_1740 = tpu.vector_load %arg12[%parallel_loop3A_1738, %parallel_loop3A_1739] {strides = array<i32>} : memref<320x128xf32, #tpu.memory_space<vmem>>, vector<1x16xf32>,
        %parallel_loop3A_1741 = vector.shape_cast %parallel_loop3A_1740 : vector<1x16xf32> to vector<16xf32>
        %parallel_loop3A_1742 = vector.shape_cast %parallel_loop3A_1737 : vector<16xf32> to vector<1x16xf32>
        tpu.vector_store %arg12[%parallel_loop3A_1738, %parallel_loop3A_1739], %parallel_loop3A_1742 {strides = array<i32>} : memref<320x128xf32, #tpu.memory_space<vmem>>, vector<1x16xf32>,
        %parallel_loop3A_1743 = arith.addf %parallel_loop3A_1647, %parallel_loop3A_1679 : vector<16xf32>
        %parallel_loop3A_1744 = arith.constant 0.000000e+00 : f32
        %parallel_loop3A_1745 = vector.broadcast %parallel_loop3A_1744 : f32 to vector<16xf32>
        %parallel_loop3A_1746 = arith.maximumf %parallel_loop3A_1743, %parallel_loop3A_1745 : vector<16xf32>
        %parallel_loop3A_1747 = arith.index_cast %parallel_loop3A_1615 : i32 to index
        %parallel_loop3A_1748 = arith.constant 112 : index
        %parallel_loop3A_1749 = tpu.vector_load %arg12[%parallel_loop3A_1747, %parallel_loop3A_1748] {strides = array<i32>} : memref<320x128xf32, #tpu.memory_space<vmem>>, vector<1x16xf32>,
        %parallel_loop3A_1750 = vector.shape_cast %parallel_loop3A_1749 : vector<1x16xf32> to vector<16xf32>
        %parallel_loop3A_1751 = vector.shape_cast %parallel_loop3A_1746 : vector<16xf32> to vector<1x16xf32>
        tpu.vector_store %arg12[%parallel_loop3A_1747, %parallel_loop3A_1748], %parallel_loop3A_1751 {strides = array<i32>} : memref<320x128xf32, #tpu.memory_space<vmem>>, vector<1x16xf32>,
        %parallel_loop3A_1752 = arith.constant 16 : i32
        %parallel_loop3A_1753 = arith.muli %parallel_loop3A_303, %parallel_loop3A_1752 : i32
        %parallel_loop3A_1754 = arith.addi %mul3A_275, %parallel_loop3A_1753 : i32
        %parallel_loop3A_1755 = arith.constant 10 : i32
        %parallel_loop3A_1756 = arith.addi %parallel_loop3A_1754, %parallel_loop3A_1755 : i32
        %parallel_loop3A_1757 = arith.index_cast %parallel_loop3A_1756 : i32 to index
        %parallel_loop3A_1758 = arith.constant 0 : index
        %parallel_loop3A_1759 = tpu.vector_load %arg12[%parallel_loop3A_1757, %parallel_loop3A_1758] {strides = array<i32>} : memref<320x128xf32, #tpu.memory_space<vmem>>, vector<1x16xf32>,
        %parallel_loop3A_1760 = vector.shape_cast %parallel_loop3A_1759 : vector<1x16xf32> to vector<16xf32>
        %parallel_loop3A_1761 = arith.index_cast %parallel_loop3A_1756 : i32 to index
        %parallel_loop3A_1762 = arith.constant 16 : index
        %parallel_loop3A_1763 = tpu.vector_load %arg12[%parallel_loop3A_1761, %parallel_loop3A_1762] {strides = array<i32>} : memref<320x128xf32, #tpu.memory_space<vmem>>, vector<1x16xf32>,
        %parallel_loop3A_1764 = vector.shape_cast %parallel_loop3A_1763 : vector<1x16xf32> to vector<16xf32>
        %parallel_loop3A_1765 = arith.index_cast %parallel_loop3A_1756 : i32 to index
        %parallel_loop3A_1766 = arith.constant 32 : index
        %parallel_loop3A_1767 = tpu.vector_load %arg12[%parallel_loop3A_1765, %parallel_loop3A_1766] {strides = array<i32>} : memref<320x128xf32, #tpu.memory_space<vmem>>, vector<1x16xf32>,
        %parallel_loop3A_1768 = vector.shape_cast %parallel_loop3A_1767 : vector<1x16xf32> to vector<16xf32>
        %parallel_loop3A_1769 = arith.index_cast %parallel_loop3A_1756 : i32 to index
        %parallel_loop3A_1770 = arith.constant 48 : index
        %parallel_loop3A_1771 = tpu.vector_load %arg12[%parallel_loop3A_1769, %parallel_loop3A_1770] {strides = array<i32>} : memref<320x128xf32, #tpu.memory_space<vmem>>, vector<1x16xf32>,
        %parallel_loop3A_1772 = vector.shape_cast %parallel_loop3A_1771 : vector<1x16xf32> to vector<16xf32>
        %parallel_loop3A_1773 = arith.index_cast %parallel_loop3A_1756 : i32 to index
        %parallel_loop3A_1774 = arith.constant 64 : index
        %parallel_loop3A_1775 = tpu.vector_load %arg12[%parallel_loop3A_1773, %parallel_loop3A_1774] {strides = array<i32>} : memref<320x128xf32, #tpu.memory_space<vmem>>, vector<1x16xf32>,
        %parallel_loop3A_1776 = vector.shape_cast %parallel_loop3A_1775 : vector<1x16xf32> to vector<16xf32>
        %parallel_loop3A_1777 = arith.index_cast %parallel_loop3A_1756 : i32 to index
        %parallel_loop3A_1778 = arith.constant 80 : index
        %parallel_loop3A_1779 = tpu.vector_load %arg12[%parallel_loop3A_1777, %parallel_loop3A_1778] {strides = array<i32>} : memref<320x128xf32, #tpu.memory_space<vmem>>, vector<1x16xf32>,
        %parallel_loop3A_1780 = vector.shape_cast %parallel_loop3A_1779 : vector<1x16xf32> to vector<16xf32>
        %parallel_loop3A_1781 = arith.index_cast %parallel_loop3A_1756 : i32 to index
        %parallel_loop3A_1782 = arith.constant 96 : index
        %parallel_loop3A_1783 = tpu.vector_load %arg12[%parallel_loop3A_1781, %parallel_loop3A_1782] {strides = array<i32>} : memref<320x128xf32, #tpu.memory_space<vmem>>, vector<1x16xf32>,
        %parallel_loop3A_1784 = vector.shape_cast %parallel_loop3A_1783 : vector<1x16xf32> to vector<16xf32>
        %parallel_loop3A_1785 = arith.index_cast %parallel_loop3A_1756 : i32 to index
        %parallel_loop3A_1786 = arith.constant 112 : index
        %parallel_loop3A_1787 = tpu.vector_load %arg12[%parallel_loop3A_1785, %parallel_loop3A_1786] {strides = array<i32>} : memref<320x128xf32, #tpu.memory_space<vmem>>, vector<1x16xf32>,
        %parallel_loop3A_1788 = vector.shape_cast %parallel_loop3A_1787 : vector<1x16xf32> to vector<16xf32>
        %parallel_loop3A_1789 = arith.index_cast %parallel_loop3A_331 : i32 to index
        %parallel_loop3A_1790 = arith.constant 0 : index
        %parallel_loop3A_1791 = tpu.vector_load %arg11[%parallel_loop3A_1789, %parallel_loop3A_1790] {strides = array<i32>} : memref<16x128xf32, #tpu.memory_space<vmem>>, vector<1x16xf32>,
        %parallel_loop3A_1792 = vector.shape_cast %parallel_loop3A_1791 : vector<1x16xf32> to vector<16xf32>
        %parallel_loop3A_1793 = arith.index_cast %parallel_loop3A_331 : i32 to index
        %parallel_loop3A_1794 = arith.constant 16 : index
        %parallel_loop3A_1795 = tpu.vector_load %arg11[%parallel_loop3A_1793, %parallel_loop3A_1794] {strides = array<i32>} : memref<16x128xf32, #tpu.memory_space<vmem>>, vector<1x16xf32>,
        %parallel_loop3A_1796 = vector.shape_cast %parallel_loop3A_1795 : vector<1x16xf32> to vector<16xf32>
        %parallel_loop3A_1797 = arith.index_cast %parallel_loop3A_331 : i32 to index
        %parallel_loop3A_1798 = arith.constant 32 : index
        %parallel_loop3A_1799 = tpu.vector_load %arg11[%parallel_loop3A_1797, %parallel_loop3A_1798] {strides = array<i32>} : memref<16x128xf32, #tpu.memory_space<vmem>>, vector<1x16xf32>,
        %parallel_loop3A_1800 = vector.shape_cast %parallel_loop3A_1799 : vector<1x16xf32> to vector<16xf32>
        %parallel_loop3A_1801 = arith.index_cast %parallel_loop3A_331 : i32 to index
        %parallel_loop3A_1802 = arith.constant 48 : index
        %parallel_loop3A_1803 = tpu.vector_load %arg11[%parallel_loop3A_1801, %parallel_loop3A_1802] {strides = array<i32>} : memref<16x128xf32, #tpu.memory_space<vmem>>, vector<1x16xf32>,
        %parallel_loop3A_1804 = vector.shape_cast %parallel_loop3A_1803 : vector<1x16xf32> to vector<16xf32>
        %parallel_loop3A_1805 = arith.index_cast %parallel_loop3A_331 : i32 to index
        %parallel_loop3A_1806 = arith.constant 64 : index
        %parallel_loop3A_1807 = tpu.vector_load %arg11[%parallel_loop3A_1805, %parallel_loop3A_1806] {strides = array<i32>} : memref<16x128xf32, #tpu.memory_space<vmem>>, vector<1x16xf32>,
        %parallel_loop3A_1808 = vector.shape_cast %parallel_loop3A_1807 : vector<1x16xf32> to vector<16xf32>
        %parallel_loop3A_1809 = arith.index_cast %parallel_loop3A_331 : i32 to index
        %parallel_loop3A_1810 = arith.constant 80 : index
        %parallel_loop3A_1811 = tpu.vector_load %arg11[%parallel_loop3A_1809, %parallel_loop3A_1810] {strides = array<i32>} : memref<16x128xf32, #tpu.memory_space<vmem>>, vector<1x16xf32>,
        %parallel_loop3A_1812 = vector.shape_cast %parallel_loop3A_1811 : vector<1x16xf32> to vector<16xf32>
        %parallel_loop3A_1813 = arith.index_cast %parallel_loop3A_331 : i32 to index
        %parallel_loop3A_1814 = arith.constant 96 : index
        %parallel_loop3A_1815 = tpu.vector_load %arg11[%parallel_loop3A_1813, %parallel_loop3A_1814] {strides = array<i32>} : memref<16x128xf32, #tpu.memory_space<vmem>>, vector<1x16xf32>,
        %parallel_loop3A_1816 = vector.shape_cast %parallel_loop3A_1815 : vector<1x16xf32> to vector<16xf32>
        %parallel_loop3A_1817 = arith.index_cast %parallel_loop3A_331 : i32 to index
        %parallel_loop3A_1818 = arith.constant 112 : index
        %parallel_loop3A_1819 = tpu.vector_load %arg11[%parallel_loop3A_1817, %parallel_loop3A_1818] {strides = array<i32>} : memref<16x128xf32, #tpu.memory_space<vmem>>, vector<1x16xf32>,
        %parallel_loop3A_1820 = vector.shape_cast %parallel_loop3A_1819 : vector<1x16xf32> to vector<16xf32>
        %parallel_loop3A_1821 = arith.addf %parallel_loop3A_1760, %parallel_loop3A_1792 : vector<16xf32>
        %parallel_loop3A_1822 = arith.constant 0.000000e+00 : f32
        %parallel_loop3A_1823 = vector.broadcast %parallel_loop3A_1822 : f32 to vector<16xf32>
        %parallel_loop3A_1824 = arith.maximumf %parallel_loop3A_1821, %parallel_loop3A_1823 : vector<16xf32>
        %parallel_loop3A_1825 = arith.index_cast %parallel_loop3A_1756 : i32 to index
        %parallel_loop3A_1826 = arith.constant 0 : index
        %parallel_loop3A_1827 = tpu.vector_load %arg12[%parallel_loop3A_1825, %parallel_loop3A_1826] {strides = array<i32>} : memref<320x128xf32, #tpu.memory_space<vmem>>, vector<1x16xf32>,
        %parallel_loop3A_1828 = vector.shape_cast %parallel_loop3A_1827 : vector<1x16xf32> to vector<16xf32>
        %parallel_loop3A_1829 = vector.shape_cast %parallel_loop3A_1824 : vector<16xf32> to vector<1x16xf32>
        tpu.vector_store %arg12[%parallel_loop3A_1825, %parallel_loop3A_1826], %parallel_loop3A_1829 {strides = array<i32>} : memref<320x128xf32, #tpu.memory_space<vmem>>, vector<1x16xf32>,
        %parallel_loop3A_1830 = arith.addf %parallel_loop3A_1764, %parallel_loop3A_1796 : vector<16xf32>
        %parallel_loop3A_1831 = arith.constant 0.000000e+00 : f32
        %parallel_loop3A_1832 = vector.broadcast %parallel_loop3A_1831 : f32 to vector<16xf32>
        %parallel_loop3A_1833 = arith.maximumf %parallel_loop3A_1830, %parallel_loop3A_1832 : vector<16xf32>
        %parallel_loop3A_1834 = arith.index_cast %parallel_loop3A_1756 : i32 to index
        %parallel_loop3A_1835 = arith.constant 16 : index
        %parallel_loop3A_1836 = tpu.vector_load %arg12[%parallel_loop3A_1834, %parallel_loop3A_1835] {strides = array<i32>} : memref<320x128xf32, #tpu.memory_space<vmem>>, vector<1x16xf32>,
        %parallel_loop3A_1837 = vector.shape_cast %parallel_loop3A_1836 : vector<1x16xf32> to vector<16xf32>
        %parallel_loop3A_1838 = vector.shape_cast %parallel_loop3A_1833 : vector<16xf32> to vector<1x16xf32>
        tpu.vector_store %arg12[%parallel_loop3A_1834, %parallel_loop3A_1835], %parallel_loop3A_1838 {strides = array<i32>} : memref<320x128xf32, #tpu.memory_space<vmem>>, vector<1x16xf32>,
        %parallel_loop3A_1839 = arith.addf %parallel_loop3A_1768, %parallel_loop3A_1800 : vector<16xf32>
        %parallel_loop3A_1840 = arith.constant 0.000000e+00 : f32
        %parallel_loop3A_1841 = vector.broadcast %parallel_loop3A_1840 : f32 to vector<16xf32>
        %parallel_loop3A_1842 = arith.maximumf %parallel_loop3A_1839, %parallel_loop3A_1841 : vector<16xf32>
        %parallel_loop3A_1843 = arith.index_cast %parallel_loop3A_1756 : i32 to index
        %parallel_loop3A_1844 = arith.constant 32 : index
        %parallel_loop3A_1845 = tpu.vector_load %arg12[%parallel_loop3A_1843, %parallel_loop3A_1844] {strides = array<i32>} : memref<320x128xf32, #tpu.memory_space<vmem>>, vector<1x16xf32>,
        %parallel_loop3A_1846 = vector.shape_cast %parallel_loop3A_1845 : vector<1x16xf32> to vector<16xf32>
        %parallel_loop3A_1847 = vector.shape_cast %parallel_loop3A_1842 : vector<16xf32> to vector<1x16xf32>
        tpu.vector_store %arg12[%parallel_loop3A_1843, %parallel_loop3A_1844], %parallel_loop3A_1847 {strides = array<i32>} : memref<320x128xf32, #tpu.memory_space<vmem>>, vector<1x16xf32>,
        %parallel_loop3A_1848 = arith.addf %parallel_loop3A_1772, %parallel_loop3A_1804 : vector<16xf32>
        %parallel_loop3A_1849 = arith.constant 0.000000e+00 : f32
        %parallel_loop3A_1850 = vector.broadcast %parallel_loop3A_1849 : f32 to vector<16xf32>
        %parallel_loop3A_1851 = arith.maximumf %parallel_loop3A_1848, %parallel_loop3A_1850 : vector<16xf32>
        %parallel_loop3A_1852 = arith.index_cast %parallel_loop3A_1756 : i32 to index
        %parallel_loop3A_1853 = arith.constant 48 : index
        %parallel_loop3A_1854 = tpu.vector_load %arg12[%parallel_loop3A_1852, %parallel_loop3A_1853] {strides = array<i32>} : memref<320x128xf32, #tpu.memory_space<vmem>>, vector<1x16xf32>,
        %parallel_loop3A_1855 = vector.shape_cast %parallel_loop3A_1854 : vector<1x16xf32> to vector<16xf32>
        %parallel_loop3A_1856 = vector.shape_cast %parallel_loop3A_1851 : vector<16xf32> to vector<1x16xf32>
        tpu.vector_store %arg12[%parallel_loop3A_1852, %parallel_loop3A_1853], %parallel_loop3A_1856 {strides = array<i32>} : memref<320x128xf32, #tpu.memory_space<vmem>>, vector<1x16xf32>,
        %parallel_loop3A_1857 = arith.addf %parallel_loop3A_1776, %parallel_loop3A_1808 : vector<16xf32>
        %parallel_loop3A_1858 = arith.constant 0.000000e+00 : f32
        %parallel_loop3A_1859 = vector.broadcast %parallel_loop3A_1858 : f32 to vector<16xf32>
        %parallel_loop3A_1860 = arith.maximumf %parallel_loop3A_1857, %parallel_loop3A_1859 : vector<16xf32>
        %parallel_loop3A_1861 = arith.index_cast %parallel_loop3A_1756 : i32 to index
        %parallel_loop3A_1862 = arith.constant 64 : index
        %parallel_loop3A_1863 = tpu.vector_load %arg12[%parallel_loop3A_1861, %parallel_loop3A_1862] {strides = array<i32>} : memref<320x128xf32, #tpu.memory_space<vmem>>, vector<1x16xf32>,
        %parallel_loop3A_1864 = vector.shape_cast %parallel_loop3A_1863 : vector<1x16xf32> to vector<16xf32>
        %parallel_loop3A_1865 = vector.shape_cast %parallel_loop3A_1860 : vector<16xf32> to vector<1x16xf32>
        tpu.vector_store %arg12[%parallel_loop3A_1861, %parallel_loop3A_1862], %parallel_loop3A_1865 {strides = array<i32>} : memref<320x128xf32, #tpu.memory_space<vmem>>, vector<1x16xf32>,
        %parallel_loop3A_1866 = arith.addf %parallel_loop3A_1780, %parallel_loop3A_1812 : vector<16xf32>
        %parallel_loop3A_1867 = arith.constant 0.000000e+00 : f32
        %parallel_loop3A_1868 = vector.broadcast %parallel_loop3A_1867 : f32 to vector<16xf32>
        %parallel_loop3A_1869 = arith.maximumf %parallel_loop3A_1866, %parallel_loop3A_1868 : vector<16xf32>
        %parallel_loop3A_1870 = arith.index_cast %parallel_loop3A_1756 : i32 to index
        %parallel_loop3A_1871 = arith.constant 80 : index
        %parallel_loop3A_1872 = tpu.vector_load %arg12[%parallel_loop3A_1870, %parallel_loop3A_1871] {strides = array<i32>} : memref<320x128xf32, #tpu.memory_space<vmem>>, vector<1x16xf32>,
        %parallel_loop3A_1873 = vector.shape_cast %parallel_loop3A_1872 : vector<1x16xf32> to vector<16xf32>
        %parallel_loop3A_1874 = vector.shape_cast %parallel_loop3A_1869 : vector<16xf32> to vector<1x16xf32>
        tpu.vector_store %arg12[%parallel_loop3A_1870, %parallel_loop3A_1871], %parallel_loop3A_1874 {strides = array<i32>} : memref<320x128xf32, #tpu.memory_space<vmem>>, vector<1x16xf32>,
        %parallel_loop3A_1875 = arith.addf %parallel_loop3A_1784, %parallel_loop3A_1816 : vector<16xf32>
        %parallel_loop3A_1876 = arith.constant 0.000000e+00 : f32
        %parallel_loop3A_1877 = vector.broadcast %parallel_loop3A_1876 : f32 to vector<16xf32>
        %parallel_loop3A_1878 = arith.maximumf %parallel_loop3A_1875, %parallel_loop3A_1877 : vector<16xf32>
        %parallel_loop3A_1879 = arith.index_cast %parallel_loop3A_1756 : i32 to index
        %parallel_loop3A_1880 = arith.constant 96 : index
        %parallel_loop3A_1881 = tpu.vector_load %arg12[%parallel_loop3A_1879, %parallel_loop3A_1880] {strides = array<i32>} : memref<320x128xf32, #tpu.memory_space<vmem>>, vector<1x16xf32>,
        %parallel_loop3A_1882 = vector.shape_cast %parallel_loop3A_1881 : vector<1x16xf32> to vector<16xf32>
        %parallel_loop3A_1883 = vector.shape_cast %parallel_loop3A_1878 : vector<16xf32> to vector<1x16xf32>
        tpu.vector_store %arg12[%parallel_loop3A_1879, %parallel_loop3A_1880], %parallel_loop3A_1883 {strides = array<i32>} : memref<320x128xf32, #tpu.memory_space<vmem>>, vector<1x16xf32>,
        %parallel_loop3A_1884 = arith.addf %parallel_loop3A_1788, %parallel_loop3A_1820 : vector<16xf32>
        %parallel_loop3A_1885 = arith.constant 0.000000e+00 : f32
        %parallel_loop3A_1886 = vector.broadcast %parallel_loop3A_1885 : f32 to vector<16xf32>
        %parallel_loop3A_1887 = arith.maximumf %parallel_loop3A_1884, %parallel_loop3A_1886 : vector<16xf32>
        %parallel_loop3A_1888 = arith.index_cast %parallel_loop3A_1756 : i32 to index
        %parallel_loop3A_1889 = arith.constant 112 : index
        %parallel_loop3A_1890 = tpu.vector_load %arg12[%parallel_loop3A_1888, %parallel_loop3A_1889] {strides = array<i32>} : memref<320x128xf32, #tpu.memory_space<vmem>>, vector<1x16xf32>,
        %parallel_loop3A_1891 = vector.shape_cast %parallel_loop3A_1890 : vector<1x16xf32> to vector<16xf32>
        %parallel_loop3A_1892 = vector.shape_cast %parallel_loop3A_1887 : vector<16xf32> to vector<1x16xf32>
        tpu.vector_store %arg12[%parallel_loop3A_1888, %parallel_loop3A_1889], %parallel_loop3A_1892 {strides = array<i32>} : memref<320x128xf32, #tpu.memory_space<vmem>>, vector<1x16xf32>,
        %parallel_loop3A_1893 = arith.constant 16 : i32
        %parallel_loop3A_1894 = arith.muli %parallel_loop3A_303, %parallel_loop3A_1893 : i32
        %parallel_loop3A_1895 = arith.addi %mul3A_275, %parallel_loop3A_1894 : i32
        %parallel_loop3A_1896 = arith.constant 11 : i32
        %parallel_loop3A_1897 = arith.addi %parallel_loop3A_1895, %parallel_loop3A_1896 : i32
        %parallel_loop3A_1898 = arith.index_cast %parallel_loop3A_1897 : i32 to index
        %parallel_loop3A_1899 = arith.constant 0 : index
        %parallel_loop3A_1900 = tpu.vector_load %arg12[%parallel_loop3A_1898, %parallel_loop3A_1899] {strides = array<i32>} : memref<320x128xf32, #tpu.memory_space<vmem>>, vector<1x16xf32>,
        %parallel_loop3A_1901 = vector.shape_cast %parallel_loop3A_1900 : vector<1x16xf32> to vector<16xf32>
        %parallel_loop3A_1902 = arith.index_cast %parallel_loop3A_1897 : i32 to index
        %parallel_loop3A_1903 = arith.constant 16 : index
        %parallel_loop3A_1904 = tpu.vector_load %arg12[%parallel_loop3A_1902, %parallel_loop3A_1903] {strides = array<i32>} : memref<320x128xf32, #tpu.memory_space<vmem>>, vector<1x16xf32>,
        %parallel_loop3A_1905 = vector.shape_cast %parallel_loop3A_1904 : vector<1x16xf32> to vector<16xf32>
        %parallel_loop3A_1906 = arith.index_cast %parallel_loop3A_1897 : i32 to index
        %parallel_loop3A_1907 = arith.constant 32 : index
        %parallel_loop3A_1908 = tpu.vector_load %arg12[%parallel_loop3A_1906, %parallel_loop3A_1907] {strides = array<i32>} : memref<320x128xf32, #tpu.memory_space<vmem>>, vector<1x16xf32>,
        %parallel_loop3A_1909 = vector.shape_cast %parallel_loop3A_1908 : vector<1x16xf32> to vector<16xf32>
        %parallel_loop3A_1910 = arith.index_cast %parallel_loop3A_1897 : i32 to index
        %parallel_loop3A_1911 = arith.constant 48 : index
        %parallel_loop3A_1912 = tpu.vector_load %arg12[%parallel_loop3A_1910, %parallel_loop3A_1911] {strides = array<i32>} : memref<320x128xf32, #tpu.memory_space<vmem>>, vector<1x16xf32>,
        %parallel_loop3A_1913 = vector.shape_cast %parallel_loop3A_1912 : vector<1x16xf32> to vector<16xf32>
        %parallel_loop3A_1914 = arith.index_cast %parallel_loop3A_1897 : i32 to index
        %parallel_loop3A_1915 = arith.constant 64 : index
        %parallel_loop3A_1916 = tpu.vector_load %arg12[%parallel_loop3A_1914, %parallel_loop3A_1915] {strides = array<i32>} : memref<320x128xf32, #tpu.memory_space<vmem>>, vector<1x16xf32>,
        %parallel_loop3A_1917 = vector.shape_cast %parallel_loop3A_1916 : vector<1x16xf32> to vector<16xf32>
        %parallel_loop3A_1918 = arith.index_cast %parallel_loop3A_1897 : i32 to index
        %parallel_loop3A_1919 = arith.constant 80 : index
        %parallel_loop3A_1920 = tpu.vector_load %arg12[%parallel_loop3A_1918, %parallel_loop3A_1919] {strides = array<i32>} : memref<320x128xf32, #tpu.memory_space<vmem>>, vector<1x16xf32>,
        %parallel_loop3A_1921 = vector.shape_cast %parallel_loop3A_1920 : vector<1x16xf32> to vector<16xf32>
        %parallel_loop3A_1922 = arith.index_cast %parallel_loop3A_1897 : i32 to index
        %parallel_loop3A_1923 = arith.constant 96 : index
        %parallel_loop3A_1924 = tpu.vector_load %arg12[%parallel_loop3A_1922, %parallel_loop3A_1923] {strides = array<i32>} : memref<320x128xf32, #tpu.memory_space<vmem>>, vector<1x16xf32>,
        %parallel_loop3A_1925 = vector.shape_cast %parallel_loop3A_1924 : vector<1x16xf32> to vector<16xf32>
        %parallel_loop3A_1926 = arith.index_cast %parallel_loop3A_1897 : i32 to index
        %parallel_loop3A_1927 = arith.constant 112 : index
        %parallel_loop3A_1928 = tpu.vector_load %arg12[%parallel_loop3A_1926, %parallel_loop3A_1927] {strides = array<i32>} : memref<320x128xf32, #tpu.memory_space<vmem>>, vector<1x16xf32>,
        %parallel_loop3A_1929 = vector.shape_cast %parallel_loop3A_1928 : vector<1x16xf32> to vector<16xf32>
        %parallel_loop3A_1930 = arith.index_cast %parallel_loop3A_333 : i32 to index
        %parallel_loop3A_1931 = arith.constant 0 : index
        %parallel_loop3A_1932 = tpu.vector_load %arg11[%parallel_loop3A_1930, %parallel_loop3A_1931] {strides = array<i32>} : memref<16x128xf32, #tpu.memory_space<vmem>>, vector<1x16xf32>,
        %parallel_loop3A_1933 = vector.shape_cast %parallel_loop3A_1932 : vector<1x16xf32> to vector<16xf32>
        %parallel_loop3A_1934 = arith.index_cast %parallel_loop3A_333 : i32 to index
        %parallel_loop3A_1935 = arith.constant 16 : index
        %parallel_loop3A_1936 = tpu.vector_load %arg11[%parallel_loop3A_1934, %parallel_loop3A_1935] {strides = array<i32>} : memref<16x128xf32, #tpu.memory_space<vmem>>, vector<1x16xf32>,
        %parallel_loop3A_1937 = vector.shape_cast %parallel_loop3A_1936 : vector<1x16xf32> to vector<16xf32>
        %parallel_loop3A_1938 = arith.index_cast %parallel_loop3A_333 : i32 to index
        %parallel_loop3A_1939 = arith.constant 32 : index
        %parallel_loop3A_1940 = tpu.vector_load %arg11[%parallel_loop3A_1938, %parallel_loop3A_1939] {strides = array<i32>} : memref<16x128xf32, #tpu.memory_space<vmem>>, vector<1x16xf32>,
        %parallel_loop3A_1941 = vector.shape_cast %parallel_loop3A_1940 : vector<1x16xf32> to vector<16xf32>
        %parallel_loop3A_1942 = arith.index_cast %parallel_loop3A_333 : i32 to index
        %parallel_loop3A_1943 = arith.constant 48 : index
        %parallel_loop3A_1944 = tpu.vector_load %arg11[%parallel_loop3A_1942, %parallel_loop3A_1943] {strides = array<i32>} : memref<16x128xf32, #tpu.memory_space<vmem>>, vector<1x16xf32>,
        %parallel_loop3A_1945 = vector.shape_cast %parallel_loop3A_1944 : vector<1x16xf32> to vector<16xf32>
        %parallel_loop3A_1946 = arith.index_cast %parallel_loop3A_333 : i32 to index
        %parallel_loop3A_1947 = arith.constant 64 : index
        %parallel_loop3A_1948 = tpu.vector_load %arg11[%parallel_loop3A_1946, %parallel_loop3A_1947] {strides = array<i32>} : memref<16x128xf32, #tpu.memory_space<vmem>>, vector<1x16xf32>,
        %parallel_loop3A_1949 = vector.shape_cast %parallel_loop3A_1948 : vector<1x16xf32> to vector<16xf32>
        %parallel_loop3A_1950 = arith.index_cast %parallel_loop3A_333 : i32 to index
        %parallel_loop3A_1951 = arith.constant 80 : index
        %parallel_loop3A_1952 = tpu.vector_load %arg11[%parallel_loop3A_1950, %parallel_loop3A_1951] {strides = array<i32>} : memref<16x128xf32, #tpu.memory_space<vmem>>, vector<1x16xf32>,
        %parallel_loop3A_1953 = vector.shape_cast %parallel_loop3A_1952 : vector<1x16xf32> to vector<16xf32>
        %parallel_loop3A_1954 = arith.index_cast %parallel_loop3A_333 : i32 to index
        %parallel_loop3A_1955 = arith.constant 96 : index
        %parallel_loop3A_1956 = tpu.vector_load %arg11[%parallel_loop3A_1954, %parallel_loop3A_1955] {strides = array<i32>} : memref<16x128xf32, #tpu.memory_space<vmem>>, vector<1x16xf32>,
        %parallel_loop3A_1957 = vector.shape_cast %parallel_loop3A_1956 : vector<1x16xf32> to vector<16xf32>
        %parallel_loop3A_1958 = arith.index_cast %parallel_loop3A_333 : i32 to index
        %parallel_loop3A_1959 = arith.constant 112 : index
        %parallel_loop3A_1960 = tpu.vector_load %arg11[%parallel_loop3A_1958, %parallel_loop3A_1959] {strides = array<i32>} : memref<16x128xf32, #tpu.memory_space<vmem>>, vector<1x16xf32>,
        %parallel_loop3A_1961 = vector.shape_cast %parallel_loop3A_1960 : vector<1x16xf32> to vector<16xf32>
        %parallel_loop3A_1962 = arith.addf %parallel_loop3A_1901, %parallel_loop3A_1933 : vector<16xf32>
        %parallel_loop3A_1963 = arith.constant 0.000000e+00 : f32
        %parallel_loop3A_1964 = vector.broadcast %parallel_loop3A_1963 : f32 to vector<16xf32>
        %parallel_loop3A_1965 = arith.maximumf %parallel_loop3A_1962, %parallel_loop3A_1964 : vector<16xf32>
        %parallel_loop3A_1966 = arith.index_cast %parallel_loop3A_1897 : i32 to index
        %parallel_loop3A_1967 = arith.constant 0 : index
        %parallel_loop3A_1968 = tpu.vector_load %arg12[%parallel_loop3A_1966, %parallel_loop3A_1967] {strides = array<i32>} : memref<320x128xf32, #tpu.memory_space<vmem>>, vector<1x16xf32>,
        %parallel_loop3A_1969 = vector.shape_cast %parallel_loop3A_1968 : vector<1x16xf32> to vector<16xf32>
        %parallel_loop3A_1970 = vector.shape_cast %parallel_loop3A_1965 : vector<16xf32> to vector<1x16xf32>
        tpu.vector_store %arg12[%parallel_loop3A_1966, %parallel_loop3A_1967], %parallel_loop3A_1970 {strides = array<i32>} : memref<320x128xf32, #tpu.memory_space<vmem>>, vector<1x16xf32>,
        %parallel_loop3A_1971 = arith.addf %parallel_loop3A_1905, %parallel_loop3A_1937 : vector<16xf32>
        %parallel_loop3A_1972 = arith.constant 0.000000e+00 : f32
        %parallel_loop3A_1973 = vector.broadcast %parallel_loop3A_1972 : f32 to vector<16xf32>
        %parallel_loop3A_1974 = arith.maximumf %parallel_loop3A_1971, %parallel_loop3A_1973 : vector<16xf32>
        %parallel_loop3A_1975 = arith.index_cast %parallel_loop3A_1897 : i32 to index
        %parallel_loop3A_1976 = arith.constant 16 : index
        %parallel_loop3A_1977 = tpu.vector_load %arg12[%parallel_loop3A_1975, %parallel_loop3A_1976] {strides = array<i32>} : memref<320x128xf32, #tpu.memory_space<vmem>>, vector<1x16xf32>,
        %parallel_loop3A_1978 = vector.shape_cast %parallel_loop3A_1977 : vector<1x16xf32> to vector<16xf32>
        %parallel_loop3A_1979 = vector.shape_cast %parallel_loop3A_1974 : vector<16xf32> to vector<1x16xf32>
        tpu.vector_store %arg12[%parallel_loop3A_1975, %parallel_loop3A_1976], %parallel_loop3A_1979 {strides = array<i32>} : memref<320x128xf32, #tpu.memory_space<vmem>>, vector<1x16xf32>,
        %parallel_loop3A_1980 = arith.addf %parallel_loop3A_1909, %parallel_loop3A_1941 : vector<16xf32>
        %parallel_loop3A_1981 = arith.constant 0.000000e+00 : f32
        %parallel_loop3A_1982 = vector.broadcast %parallel_loop3A_1981 : f32 to vector<16xf32>
        %parallel_loop3A_1983 = arith.maximumf %parallel_loop3A_1980, %parallel_loop3A_1982 : vector<16xf32>
        %parallel_loop3A_1984 = arith.index_cast %parallel_loop3A_1897 : i32 to index
        %parallel_loop3A_1985 = arith.constant 32 : index
        %parallel_loop3A_1986 = tpu.vector_load %arg12[%parallel_loop3A_1984, %parallel_loop3A_1985] {strides = array<i32>} : memref<320x128xf32, #tpu.memory_space<vmem>>, vector<1x16xf32>,
        %parallel_loop3A_1987 = vector.shape_cast %parallel_loop3A_1986 : vector<1x16xf32> to vector<16xf32>
        %parallel_loop3A_1988 = vector.shape_cast %parallel_loop3A_1983 : vector<16xf32> to vector<1x16xf32>
        tpu.vector_store %arg12[%parallel_loop3A_1984, %parallel_loop3A_1985], %parallel_loop3A_1988 {strides = array<i32>} : memref<320x128xf32, #tpu.memory_space<vmem>>, vector<1x16xf32>,
        %parallel_loop3A_1989 = arith.addf %parallel_loop3A_1913, %parallel_loop3A_1945 : vector<16xf32>
        %parallel_loop3A_1990 = arith.constant 0.000000e+00 : f32
        %parallel_loop3A_1991 = vector.broadcast %parallel_loop3A_1990 : f32 to vector<16xf32>
        %parallel_loop3A_1992 = arith.maximumf %parallel_loop3A_1989, %parallel_loop3A_1991 : vector<16xf32>
        %parallel_loop3A_1993 = arith.index_cast %parallel_loop3A_1897 : i32 to index
        %parallel_loop3A_1994 = arith.constant 48 : index
        %parallel_loop3A_1995 = tpu.vector_load %arg12[%parallel_loop3A_1993, %parallel_loop3A_1994] {strides = array<i32>} : memref<320x128xf32, #tpu.memory_space<vmem>>, vector<1x16xf32>,
        %parallel_loop3A_1996 = vector.shape_cast %parallel_loop3A_1995 : vector<1x16xf32> to vector<16xf32>
        %parallel_loop3A_1997 = vector.shape_cast %parallel_loop3A_1992 : vector<16xf32> to vector<1x16xf32>
        tpu.vector_store %arg12[%parallel_loop3A_1993, %parallel_loop3A_1994], %parallel_loop3A_1997 {strides = array<i32>} : memref<320x128xf32, #tpu.memory_space<vmem>>, vector<1x16xf32>,
        %parallel_loop3A_1998 = arith.addf %parallel_loop3A_1917, %parallel_loop3A_1949 : vector<16xf32>
        %parallel_loop3A_1999 = arith.constant 0.000000e+00 : f32
        %parallel_loop3A_2000 = vector.broadcast %parallel_loop3A_1999 : f32 to vector<16xf32>
        %parallel_loop3A_2001 = arith.maximumf %parallel_loop3A_1998, %parallel_loop3A_2000 : vector<16xf32>
        %parallel_loop3A_2002 = arith.index_cast %parallel_loop3A_1897 : i32 to index
        %parallel_loop3A_2003 = arith.constant 64 : index
        %parallel_loop3A_2004 = tpu.vector_load %arg12[%parallel_loop3A_2002, %parallel_loop3A_2003] {strides = array<i32>} : memref<320x128xf32, #tpu.memory_space<vmem>>, vector<1x16xf32>,
        %parallel_loop3A_2005 = vector.shape_cast %parallel_loop3A_2004 : vector<1x16xf32> to vector<16xf32>
        %parallel_loop3A_2006 = vector.shape_cast %parallel_loop3A_2001 : vector<16xf32> to vector<1x16xf32>
        tpu.vector_store %arg12[%parallel_loop3A_2002, %parallel_loop3A_2003], %parallel_loop3A_2006 {strides = array<i32>} : memref<320x128xf32, #tpu.memory_space<vmem>>, vector<1x16xf32>,
        %parallel_loop3A_2007 = arith.addf %parallel_loop3A_1921, %parallel_loop3A_1953 : vector<16xf32>
        %parallel_loop3A_2008 = arith.constant 0.000000e+00 : f32
        %parallel_loop3A_2009 = vector.broadcast %parallel_loop3A_2008 : f32 to vector<16xf32>
        %parallel_loop3A_2010 = arith.maximumf %parallel_loop3A_2007, %parallel_loop3A_2009 : vector<16xf32>
        %parallel_loop3A_2011 = arith.index_cast %parallel_loop3A_1897 : i32 to index
        %parallel_loop3A_2012 = arith.constant 80 : index
        %parallel_loop3A_2013 = tpu.vector_load %arg12[%parallel_loop3A_2011, %parallel_loop3A_2012] {strides = array<i32>} : memref<320x128xf32, #tpu.memory_space<vmem>>, vector<1x16xf32>,
        %parallel_loop3A_2014 = vector.shape_cast %parallel_loop3A_2013 : vector<1x16xf32> to vector<16xf32>
        %parallel_loop3A_2015 = vector.shape_cast %parallel_loop3A_2010 : vector<16xf32> to vector<1x16xf32>
        tpu.vector_store %arg12[%parallel_loop3A_2011, %parallel_loop3A_2012], %parallel_loop3A_2015 {strides = array<i32>} : memref<320x128xf32, #tpu.memory_space<vmem>>, vector<1x16xf32>,
        %parallel_loop3A_2016 = arith.addf %parallel_loop3A_1925, %parallel_loop3A_1957 : vector<16xf32>
        %parallel_loop3A_2017 = arith.constant 0.000000e+00 : f32
        %parallel_loop3A_2018 = vector.broadcast %parallel_loop3A_2017 : f32 to vector<16xf32>
        %parallel_loop3A_2019 = arith.maximumf %parallel_loop3A_2016, %parallel_loop3A_2018 : vector<16xf32>
        %parallel_loop3A_2020 = arith.index_cast %parallel_loop3A_1897 : i32 to index
        %parallel_loop3A_2021 = arith.constant 96 : index
        %parallel_loop3A_2022 = tpu.vector_load %arg12[%parallel_loop3A_2020, %parallel_loop3A_2021] {strides = array<i32>} : memref<320x128xf32, #tpu.memory_space<vmem>>, vector<1x16xf32>,
        %parallel_loop3A_2023 = vector.shape_cast %parallel_loop3A_2022 : vector<1x16xf32> to vector<16xf32>
        %parallel_loop3A_2024 = vector.shape_cast %parallel_loop3A_2019 : vector<16xf32> to vector<1x16xf32>
        tpu.vector_store %arg12[%parallel_loop3A_2020, %parallel_loop3A_2021], %parallel_loop3A_2024 {strides = array<i32>} : memref<320x128xf32, #tpu.memory_space<vmem>>, vector<1x16xf32>,
        %parallel_loop3A_2025 = arith.addf %parallel_loop3A_1929, %parallel_loop3A_1961 : vector<16xf32>
        %parallel_loop3A_2026 = arith.constant 0.000000e+00 : f32
        %parallel_loop3A_2027 = vector.broadcast %parallel_loop3A_2026 : f32 to vector<16xf32>
        %parallel_loop3A_2028 = arith.maximumf %parallel_loop3A_2025, %parallel_loop3A_2027 : vector<16xf32>
        %parallel_loop3A_2029 = arith.index_cast %parallel_loop3A_1897 : i32 to index
        %parallel_loop3A_2030 = arith.constant 112 : index
        %parallel_loop3A_2031 = tpu.vector_load %arg12[%parallel_loop3A_2029, %parallel_loop3A_2030] {strides = array<i32>} : memref<320x128xf32, #tpu.memory_space<vmem>>, vector<1x16xf32>,
        %parallel_loop3A_2032 = vector.shape_cast %parallel_loop3A_2031 : vector<1x16xf32> to vector<16xf32>
        %parallel_loop3A_2033 = vector.shape_cast %parallel_loop3A_2028 : vector<16xf32> to vector<1x16xf32>
        tpu.vector_store %arg12[%parallel_loop3A_2029, %parallel_loop3A_2030], %parallel_loop3A_2033 {strides = array<i32>} : memref<320x128xf32, #tpu.memory_space<vmem>>, vector<1x16xf32>,
        %parallel_loop3A_2034 = arith.constant 16 : i32
        %parallel_loop3A_2035 = arith.muli %parallel_loop3A_303, %parallel_loop3A_2034 : i32
        %parallel_loop3A_2036 = arith.addi %mul3A_275, %parallel_loop3A_2035 : i32
        %parallel_loop3A_2037 = arith.constant 12 : i32
        %parallel_loop3A_2038 = arith.addi %parallel_loop3A_2036, %parallel_loop3A_2037 : i32
        %parallel_loop3A_2039 = arith.index_cast %parallel_loop3A_2038 : i32 to index
        %parallel_loop3A_2040 = arith.constant 0 : index
        %parallel_loop3A_2041 = tpu.vector_load %arg12[%parallel_loop3A_2039, %parallel_loop3A_2040] {strides = array<i32>} : memref<320x128xf32, #tpu.memory_space<vmem>>, vector<1x16xf32>,
        %parallel_loop3A_2042 = vector.shape_cast %parallel_loop3A_2041 : vector<1x16xf32> to vector<16xf32>
        %parallel_loop3A_2043 = arith.index_cast %parallel_loop3A_2038 : i32 to index
        %parallel_loop3A_2044 = arith.constant 16 : index
        %parallel_loop3A_2045 = tpu.vector_load %arg12[%parallel_loop3A_2043, %parallel_loop3A_2044] {strides = array<i32>} : memref<320x128xf32, #tpu.memory_space<vmem>>, vector<1x16xf32>,
        %parallel_loop3A_2046 = vector.shape_cast %parallel_loop3A_2045 : vector<1x16xf32> to vector<16xf32>
        %parallel_loop3A_2047 = arith.index_cast %parallel_loop3A_2038 : i32 to index
        %parallel_loop3A_2048 = arith.constant 32 : index
        %parallel_loop3A_2049 = tpu.vector_load %arg12[%parallel_loop3A_2047, %parallel_loop3A_2048] {strides = array<i32>} : memref<320x128xf32, #tpu.memory_space<vmem>>, vector<1x16xf32>,
        %parallel_loop3A_2050 = vector.shape_cast %parallel_loop3A_2049 : vector<1x16xf32> to vector<16xf32>
        %parallel_loop3A_2051 = arith.index_cast %parallel_loop3A_2038 : i32 to index
        %parallel_loop3A_2052 = arith.constant 48 : index
        %parallel_loop3A_2053 = tpu.vector_load %arg12[%parallel_loop3A_2051, %parallel_loop3A_2052] {strides = array<i32>} : memref<320x128xf32, #tpu.memory_space<vmem>>, vector<1x16xf32>,
        %parallel_loop3A_2054 = vector.shape_cast %parallel_loop3A_2053 : vector<1x16xf32> to vector<16xf32>
        %parallel_loop3A_2055 = arith.index_cast %parallel_loop3A_2038 : i32 to index
        %parallel_loop3A_2056 = arith.constant 64 : index
        %parallel_loop3A_2057 = tpu.vector_load %arg12[%parallel_loop3A_2055, %parallel_loop3A_2056] {strides = array<i32>} : memref<320x128xf32, #tpu.memory_space<vmem>>, vector<1x16xf32>,
        %parallel_loop3A_2058 = vector.shape_cast %parallel_loop3A_2057 : vector<1x16xf32> to vector<16xf32>
        %parallel_loop3A_2059 = arith.index_cast %parallel_loop3A_2038 : i32 to index
        %parallel_loop3A_2060 = arith.constant 80 : index
        %parallel_loop3A_2061 = tpu.vector_load %arg12[%parallel_loop3A_2059, %parallel_loop3A_2060] {strides = array<i32>} : memref<320x128xf32, #tpu.memory_space<vmem>>, vector<1x16xf32>,
        %parallel_loop3A_2062 = vector.shape_cast %parallel_loop3A_2061 : vector<1x16xf32> to vector<16xf32>
        %parallel_loop3A_2063 = arith.index_cast %parallel_loop3A_2038 : i32 to index
        %parallel_loop3A_2064 = arith.constant 96 : index
        %parallel_loop3A_2065 = tpu.vector_load %arg12[%parallel_loop3A_2063, %parallel_loop3A_2064] {strides = array<i32>} : memref<320x128xf32, #tpu.memory_space<vmem>>, vector<1x16xf32>,
        %parallel_loop3A_2066 = vector.shape_cast %parallel_loop3A_2065 : vector<1x16xf32> to vector<16xf32>
        %parallel_loop3A_2067 = arith.index_cast %parallel_loop3A_2038 : i32 to index
        %parallel_loop3A_2068 = arith.constant 112 : index
        %parallel_loop3A_2069 = tpu.vector_load %arg12[%parallel_loop3A_2067, %parallel_loop3A_2068] {strides = array<i32>} : memref<320x128xf32, #tpu.memory_space<vmem>>, vector<1x16xf32>,
        %parallel_loop3A_2070 = vector.shape_cast %parallel_loop3A_2069 : vector<1x16xf32> to vector<16xf32>
        %parallel_loop3A_2071 = arith.index_cast %parallel_loop3A_335 : i32 to index
        %parallel_loop3A_2072 = arith.constant 0 : index
        %parallel_loop3A_2073 = tpu.vector_load %arg11[%parallel_loop3A_2071, %parallel_loop3A_2072] {strides = array<i32>} : memref<16x128xf32, #tpu.memory_space<vmem>>, vector<1x16xf32>,
        %parallel_loop3A_2074 = vector.shape_cast %parallel_loop3A_2073 : vector<1x16xf32> to vector<16xf32>
        %parallel_loop3A_2075 = arith.index_cast %parallel_loop3A_335 : i32 to index
        %parallel_loop3A_2076 = arith.constant 16 : index
        %parallel_loop3A_2077 = tpu.vector_load %arg11[%parallel_loop3A_2075, %parallel_loop3A_2076] {strides = array<i32>} : memref<16x128xf32, #tpu.memory_space<vmem>>, vector<1x16xf32>,
        %parallel_loop3A_2078 = vector.shape_cast %parallel_loop3A_2077 : vector<1x16xf32> to vector<16xf32>
        %parallel_loop3A_2079 = arith.index_cast %parallel_loop3A_335 : i32 to index
        %parallel_loop3A_2080 = arith.constant 32 : index
        %parallel_loop3A_2081 = tpu.vector_load %arg11[%parallel_loop3A_2079, %parallel_loop3A_2080] {strides = array<i32>} : memref<16x128xf32, #tpu.memory_space<vmem>>, vector<1x16xf32>,
        %parallel_loop3A_2082 = vector.shape_cast %parallel_loop3A_2081 : vector<1x16xf32> to vector<16xf32>
        %parallel_loop3A_2083 = arith.index_cast %parallel_loop3A_335 : i32 to index
        %parallel_loop3A_2084 = arith.constant 48 : index
        %parallel_loop3A_2085 = tpu.vector_load %arg11[%parallel_loop3A_2083, %parallel_loop3A_2084] {strides = array<i32>} : memref<16x128xf32, #tpu.memory_space<vmem>>, vector<1x16xf32>,
        %parallel_loop3A_2086 = vector.shape_cast %parallel_loop3A_2085 : vector<1x16xf32> to vector<16xf32>
        %parallel_loop3A_2087 = arith.index_cast %parallel_loop3A_335 : i32 to index
        %parallel_loop3A_2088 = arith.constant 64 : index
        %parallel_loop3A_2089 = tpu.vector_load %arg11[%parallel_loop3A_2087, %parallel_loop3A_2088] {strides = array<i32>} : memref<16x128xf32, #tpu.memory_space<vmem>>, vector<1x16xf32>,
        %parallel_loop3A_2090 = vector.shape_cast %parallel_loop3A_2089 : vector<1x16xf32> to vector<16xf32>
        %parallel_loop3A_2091 = arith.index_cast %parallel_loop3A_335 : i32 to index
        %parallel_loop3A_2092 = arith.constant 80 : index
        %parallel_loop3A_2093 = tpu.vector_load %arg11[%parallel_loop3A_2091, %parallel_loop3A_2092] {strides = array<i32>} : memref<16x128xf32, #tpu.memory_space<vmem>>, vector<1x16xf32>,
        %parallel_loop3A_2094 = vector.shape_cast %parallel_loop3A_2093 : vector<1x16xf32> to vector<16xf32>
        %parallel_loop3A_2095 = arith.index_cast %parallel_loop3A_335 : i32 to index
        %parallel_loop3A_2096 = arith.constant 96 : index
        %parallel_loop3A_2097 = tpu.vector_load %arg11[%parallel_loop3A_2095, %parallel_loop3A_2096] {strides = array<i32>} : memref<16x128xf32, #tpu.memory_space<vmem>>, vector<1x16xf32>,
        %parallel_loop3A_2098 = vector.shape_cast %parallel_loop3A_2097 : vector<1x16xf32> to vector<16xf32>
        %parallel_loop3A_2099 = arith.index_cast %parallel_loop3A_335 : i32 to index
        %parallel_loop3A_2100 = arith.constant 112 : index
        %parallel_loop3A_2101 = tpu.vector_load %arg11[%parallel_loop3A_2099, %parallel_loop3A_2100] {strides = array<i32>} : memref<16x128xf32, #tpu.memory_space<vmem>>, vector<1x16xf32>,
        %parallel_loop3A_2102 = vector.shape_cast %parallel_loop3A_2101 : vector<1x16xf32> to vector<16xf32>
        %parallel_loop3A_2103 = arith.addf %parallel_loop3A_2042, %parallel_loop3A_2074 : vector<16xf32>
        %parallel_loop3A_2104 = arith.constant 0.000000e+00 : f32
        %parallel_loop3A_2105 = vector.broadcast %parallel_loop3A_2104 : f32 to vector<16xf32>
        %parallel_loop3A_2106 = arith.maximumf %parallel_loop3A_2103, %parallel_loop3A_2105 : vector<16xf32>
        %parallel_loop3A_2107 = arith.index_cast %parallel_loop3A_2038 : i32 to index
        %parallel_loop3A_2108 = arith.constant 0 : index
        %parallel_loop3A_2109 = tpu.vector_load %arg12[%parallel_loop3A_2107, %parallel_loop3A_2108] {strides = array<i32>} : memref<320x128xf32, #tpu.memory_space<vmem>>, vector<1x16xf32>,
        %parallel_loop3A_2110 = vector.shape_cast %parallel_loop3A_2109 : vector<1x16xf32> to vector<16xf32>
        %parallel_loop3A_2111 = vector.shape_cast %parallel_loop3A_2106 : vector<16xf32> to vector<1x16xf32>
        tpu.vector_store %arg12[%parallel_loop3A_2107, %parallel_loop3A_2108], %parallel_loop3A_2111 {strides = array<i32>} : memref<320x128xf32, #tpu.memory_space<vmem>>, vector<1x16xf32>,
        %parallel_loop3A_2112 = arith.addf %parallel_loop3A_2046, %parallel_loop3A_2078 : vector<16xf32>
        %parallel_loop3A_2113 = arith.constant 0.000000e+00 : f32
        %parallel_loop3A_2114 = vector.broadcast %parallel_loop3A_2113 : f32 to vector<16xf32>
        %parallel_loop3A_2115 = arith.maximumf %parallel_loop3A_2112, %parallel_loop3A_2114 : vector<16xf32>
        %parallel_loop3A_2116 = arith.index_cast %parallel_loop3A_2038 : i32 to index
        %parallel_loop3A_2117 = arith.constant 16 : index
        %parallel_loop3A_2118 = tpu.vector_load %arg12[%parallel_loop3A_2116, %parallel_loop3A_2117] {strides = array<i32>} : memref<320x128xf32, #tpu.memory_space<vmem>>, vector<1x16xf32>,
        %parallel_loop3A_2119 = vector.shape_cast %parallel_loop3A_2118 : vector<1x16xf32> to vector<16xf32>
        %parallel_loop3A_2120 = vector.shape_cast %parallel_loop3A_2115 : vector<16xf32> to vector<1x16xf32>
        tpu.vector_store %arg12[%parallel_loop3A_2116, %parallel_loop3A_2117], %parallel_loop3A_2120 {strides = array<i32>} : memref<320x128xf32, #tpu.memory_space<vmem>>, vector<1x16xf32>,
        %parallel_loop3A_2121 = arith.addf %parallel_loop3A_2050, %parallel_loop3A_2082 : vector<16xf32>
        %parallel_loop3A_2122 = arith.constant 0.000000e+00 : f32
        %parallel_loop3A_2123 = vector.broadcast %parallel_loop3A_2122 : f32 to vector<16xf32>
        %parallel_loop3A_2124 = arith.maximumf %parallel_loop3A_2121, %parallel_loop3A_2123 : vector<16xf32>
        %parallel_loop3A_2125 = arith.index_cast %parallel_loop3A_2038 : i32 to index
        %parallel_loop3A_2126 = arith.constant 32 : index
        %parallel_loop3A_2127 = tpu.vector_load %arg12[%parallel_loop3A_2125, %parallel_loop3A_2126] {strides = array<i32>} : memref<320x128xf32, #tpu.memory_space<vmem>>, vector<1x16xf32>,
        %parallel_loop3A_2128 = vector.shape_cast %parallel_loop3A_2127 : vector<1x16xf32> to vector<16xf32>
        %parallel_loop3A_2129 = vector.shape_cast %parallel_loop3A_2124 : vector<16xf32> to vector<1x16xf32>
        tpu.vector_store %arg12[%parallel_loop3A_2125, %parallel_loop3A_2126], %parallel_loop3A_2129 {strides = array<i32>} : memref<320x128xf32, #tpu.memory_space<vmem>>, vector<1x16xf32>,
        %parallel_loop3A_2130 = arith.addf %parallel_loop3A_2054, %parallel_loop3A_2086 : vector<16xf32>
        %parallel_loop3A_2131 = arith.constant 0.000000e+00 : f32
        %parallel_loop3A_2132 = vector.broadcast %parallel_loop3A_2131 : f32 to vector<16xf32>
        %parallel_loop3A_2133 = arith.maximumf %parallel_loop3A_2130, %parallel_loop3A_2132 : vector<16xf32>
        %parallel_loop3A_2134 = arith.index_cast %parallel_loop3A_2038 : i32 to index
        %parallel_loop3A_2135 = arith.constant 48 : index
        %parallel_loop3A_2136 = tpu.vector_load %arg12[%parallel_loop3A_2134, %parallel_loop3A_2135] {strides = array<i32>} : memref<320x128xf32, #tpu.memory_space<vmem>>, vector<1x16xf32>,
        %parallel_loop3A_2137 = vector.shape_cast %parallel_loop3A_2136 : vector<1x16xf32> to vector<16xf32>
        %parallel_loop3A_2138 = vector.shape_cast %parallel_loop3A_2133 : vector<16xf32> to vector<1x16xf32>
        tpu.vector_store %arg12[%parallel_loop3A_2134, %parallel_loop3A_2135], %parallel_loop3A_2138 {strides = array<i32>} : memref<320x128xf32, #tpu.memory_space<vmem>>, vector<1x16xf32>,
        %parallel_loop3A_2139 = arith.addf %parallel_loop3A_2058, %parallel_loop3A_2090 : vector<16xf32>
        %parallel_loop3A_2140 = arith.constant 0.000000e+00 : f32
        %parallel_loop3A_2141 = vector.broadcast %parallel_loop3A_2140 : f32 to vector<16xf32>
        %parallel_loop3A_2142 = arith.maximumf %parallel_loop3A_2139, %parallel_loop3A_2141 : vector<16xf32>
        %parallel_loop3A_2143 = arith.index_cast %parallel_loop3A_2038 : i32 to index
        %parallel_loop3A_2144 = arith.constant 64 : index
        %parallel_loop3A_2145 = tpu.vector_load %arg12[%parallel_loop3A_2143, %parallel_loop3A_2144] {strides = array<i32>} : memref<320x128xf32, #tpu.memory_space<vmem>>, vector<1x16xf32>,
        %parallel_loop3A_2146 = vector.shape_cast %parallel_loop3A_2145 : vector<1x16xf32> to vector<16xf32>
        %parallel_loop3A_2147 = vector.shape_cast %parallel_loop3A_2142 : vector<16xf32> to vector<1x16xf32>
        tpu.vector_store %arg12[%parallel_loop3A_2143, %parallel_loop3A_2144], %parallel_loop3A_2147 {strides = array<i32>} : memref<320x128xf32, #tpu.memory_space<vmem>>, vector<1x16xf32>,
        %parallel_loop3A_2148 = arith.addf %parallel_loop3A_2062, %parallel_loop3A_2094 : vector<16xf32>
        %parallel_loop3A_2149 = arith.constant 0.000000e+00 : f32
        %parallel_loop3A_2150 = vector.broadcast %parallel_loop3A_2149 : f32 to vector<16xf32>
        %parallel_loop3A_2151 = arith.maximumf %parallel_loop3A_2148, %parallel_loop3A_2150 : vector<16xf32>
        %parallel_loop3A_2152 = arith.index_cast %parallel_loop3A_2038 : i32 to index
        %parallel_loop3A_2153 = arith.constant 80 : index
        %parallel_loop3A_2154 = tpu.vector_load %arg12[%parallel_loop3A_2152, %parallel_loop3A_2153] {strides = array<i32>} : memref<320x128xf32, #tpu.memory_space<vmem>>, vector<1x16xf32>,
        %parallel_loop3A_2155 = vector.shape_cast %parallel_loop3A_2154 : vector<1x16xf32> to vector<16xf32>
        %parallel_loop3A_2156 = vector.shape_cast %parallel_loop3A_2151 : vector<16xf32> to vector<1x16xf32>
        tpu.vector_store %arg12[%parallel_loop3A_2152, %parallel_loop3A_2153], %parallel_loop3A_2156 {strides = array<i32>} : memref<320x128xf32, #tpu.memory_space<vmem>>, vector<1x16xf32>,
        %parallel_loop3A_2157 = arith.addf %parallel_loop3A_2066, %parallel_loop3A_2098 : vector<16xf32>
        %parallel_loop3A_2158 = arith.constant 0.000000e+00 : f32
        %parallel_loop3A_2159 = vector.broadcast %parallel_loop3A_2158 : f32 to vector<16xf32>
        %parallel_loop3A_2160 = arith.maximumf %parallel_loop3A_2157, %parallel_loop3A_2159 : vector<16xf32>
        %parallel_loop3A_2161 = arith.index_cast %parallel_loop3A_2038 : i32 to index
        %parallel_loop3A_2162 = arith.constant 96 : index
        %parallel_loop3A_2163 = tpu.vector_load %arg12[%parallel_loop3A_2161, %parallel_loop3A_2162] {strides = array<i32>} : memref<320x128xf32, #tpu.memory_space<vmem>>, vector<1x16xf32>,
        %parallel_loop3A_2164 = vector.shape_cast %parallel_loop3A_2163 : vector<1x16xf32> to vector<16xf32>
        %parallel_loop3A_2165 = vector.shape_cast %parallel_loop3A_2160 : vector<16xf32> to vector<1x16xf32>
        tpu.vector_store %arg12[%parallel_loop3A_2161, %parallel_loop3A_2162], %parallel_loop3A_2165 {strides = array<i32>} : memref<320x128xf32, #tpu.memory_space<vmem>>, vector<1x16xf32>,
        %parallel_loop3A_2166 = arith.addf %parallel_loop3A_2070, %parallel_loop3A_2102 : vector<16xf32>
        %parallel_loop3A_2167 = arith.constant 0.000000e+00 : f32
        %parallel_loop3A_2168 = vector.broadcast %parallel_loop3A_2167 : f32 to vector<16xf32>
        %parallel_loop3A_2169 = arith.maximumf %parallel_loop3A_2166, %parallel_loop3A_2168 : vector<16xf32>
        %parallel_loop3A_2170 = arith.index_cast %parallel_loop3A_2038 : i32 to index
        %parallel_loop3A_2171 = arith.constant 112 : index
        %parallel_loop3A_2172 = tpu.vector_load %arg12[%parallel_loop3A_2170, %parallel_loop3A_2171] {strides = array<i32>} : memref<320x128xf32, #tpu.memory_space<vmem>>, vector<1x16xf32>,
        %parallel_loop3A_2173 = vector.shape_cast %parallel_loop3A_2172 : vector<1x16xf32> to vector<16xf32>
        %parallel_loop3A_2174 = vector.shape_cast %parallel_loop3A_2169 : vector<16xf32> to vector<1x16xf32>
        tpu.vector_store %arg12[%parallel_loop3A_2170, %parallel_loop3A_2171], %parallel_loop3A_2174 {strides = array<i32>} : memref<320x128xf32, #tpu.memory_space<vmem>>, vector<1x16xf32>,
        %parallel_loop3A_2175 = arith.constant 16 : i32
        %parallel_loop3A_2176 = arith.muli %parallel_loop3A_303, %parallel_loop3A_2175 : i32
        %parallel_loop3A_2177 = arith.addi %mul3A_275, %parallel_loop3A_2176 : i32
        %parallel_loop3A_2178 = arith.constant 13 : i32
        %parallel_loop3A_2179 = arith.addi %parallel_loop3A_2177, %parallel_loop3A_2178 : i32
        %parallel_loop3A_2180 = arith.index_cast %parallel_loop3A_2179 : i32 to index
        %parallel_loop3A_2181 = arith.constant 0 : index
        %parallel_loop3A_2182 = tpu.vector_load %arg12[%parallel_loop3A_2180, %parallel_loop3A_2181] {strides = array<i32>} : memref<320x128xf32, #tpu.memory_space<vmem>>, vector<1x16xf32>,
        %parallel_loop3A_2183 = vector.shape_cast %parallel_loop3A_2182 : vector<1x16xf32> to vector<16xf32>
        %parallel_loop3A_2184 = arith.index_cast %parallel_loop3A_2179 : i32 to index
        %parallel_loop3A_2185 = arith.constant 16 : index
        %parallel_loop3A_2186 = tpu.vector_load %arg12[%parallel_loop3A_2184, %parallel_loop3A_2185] {strides = array<i32>} : memref<320x128xf32, #tpu.memory_space<vmem>>, vector<1x16xf32>,
        %parallel_loop3A_2187 = vector.shape_cast %parallel_loop3A_2186 : vector<1x16xf32> to vector<16xf32>
        %parallel_loop3A_2188 = arith.index_cast %parallel_loop3A_2179 : i32 to index
        %parallel_loop3A_2189 = arith.constant 32 : index
        %parallel_loop3A_2190 = tpu.vector_load %arg12[%parallel_loop3A_2188, %parallel_loop3A_2189] {strides = array<i32>} : memref<320x128xf32, #tpu.memory_space<vmem>>, vector<1x16xf32>,
        %parallel_loop3A_2191 = vector.shape_cast %parallel_loop3A_2190 : vector<1x16xf32> to vector<16xf32>
        %parallel_loop3A_2192 = arith.index_cast %parallel_loop3A_2179 : i32 to index
        %parallel_loop3A_2193 = arith.constant 48 : index
        %parallel_loop3A_2194 = tpu.vector_load %arg12[%parallel_loop3A_2192, %parallel_loop3A_2193] {strides = array<i32>} : memref<320x128xf32, #tpu.memory_space<vmem>>, vector<1x16xf32>,
        %parallel_loop3A_2195 = vector.shape_cast %parallel_loop3A_2194 : vector<1x16xf32> to vector<16xf32>
        %parallel_loop3A_2196 = arith.index_cast %parallel_loop3A_2179 : i32 to index
        %parallel_loop3A_2197 = arith.constant 64 : index
        %parallel_loop3A_2198 = tpu.vector_load %arg12[%parallel_loop3A_2196, %parallel_loop3A_2197] {strides = array<i32>} : memref<320x128xf32, #tpu.memory_space<vmem>>, vector<1x16xf32>,
        %parallel_loop3A_2199 = vector.shape_cast %parallel_loop3A_2198 : vector<1x16xf32> to vector<16xf32>
        %parallel_loop3A_2200 = arith.index_cast %parallel_loop3A_2179 : i32 to index
        %parallel_loop3A_2201 = arith.constant 80 : index
        %parallel_loop3A_2202 = tpu.vector_load %arg12[%parallel_loop3A_2200, %parallel_loop3A_2201] {strides = array<i32>} : memref<320x128xf32, #tpu.memory_space<vmem>>, vector<1x16xf32>,
        %parallel_loop3A_2203 = vector.shape_cast %parallel_loop3A_2202 : vector<1x16xf32> to vector<16xf32>
        %parallel_loop3A_2204 = arith.index_cast %parallel_loop3A_2179 : i32 to index
        %parallel_loop3A_2205 = arith.constant 96 : index
        %parallel_loop3A_2206 = tpu.vector_load %arg12[%parallel_loop3A_2204, %parallel_loop3A_2205] {strides = array<i32>} : memref<320x128xf32, #tpu.memory_space<vmem>>, vector<1x16xf32>,
        %parallel_loop3A_2207 = vector.shape_cast %parallel_loop3A_2206 : vector<1x16xf32> to vector<16xf32>
        %parallel_loop3A_2208 = arith.index_cast %parallel_loop3A_2179 : i32 to index
        %parallel_loop3A_2209 = arith.constant 112 : index
        %parallel_loop3A_2210 = tpu.vector_load %arg12[%parallel_loop3A_2208, %parallel_loop3A_2209] {strides = array<i32>} : memref<320x128xf32, #tpu.memory_space<vmem>>, vector<1x16xf32>,
        %parallel_loop3A_2211 = vector.shape_cast %parallel_loop3A_2210 : vector<1x16xf32> to vector<16xf32>
        %parallel_loop3A_2212 = arith.index_cast %parallel_loop3A_337 : i32 to index
        %parallel_loop3A_2213 = arith.constant 0 : index
        %parallel_loop3A_2214 = tpu.vector_load %arg11[%parallel_loop3A_2212, %parallel_loop3A_2213] {strides = array<i32>} : memref<16x128xf32, #tpu.memory_space<vmem>>, vector<1x16xf32>,
        %parallel_loop3A_2215 = vector.shape_cast %parallel_loop3A_2214 : vector<1x16xf32> to vector<16xf32>
        %parallel_loop3A_2216 = arith.index_cast %parallel_loop3A_337 : i32 to index
        %parallel_loop3A_2217 = arith.constant 16 : index
        %parallel_loop3A_2218 = tpu.vector_load %arg11[%parallel_loop3A_2216, %parallel_loop3A_2217] {strides = array<i32>} : memref<16x128xf32, #tpu.memory_space<vmem>>, vector<1x16xf32>,
        %parallel_loop3A_2219 = vector.shape_cast %parallel_loop3A_2218 : vector<1x16xf32> to vector<16xf32>
        %parallel_loop3A_2220 = arith.index_cast %parallel_loop3A_337 : i32 to index
        %parallel_loop3A_2221 = arith.constant 32 : index
        %parallel_loop3A_2222 = tpu.vector_load %arg11[%parallel_loop3A_2220, %parallel_loop3A_2221] {strides = array<i32>} : memref<16x128xf32, #tpu.memory_space<vmem>>, vector<1x16xf32>,
        %parallel_loop3A_2223 = vector.shape_cast %parallel_loop3A_2222 : vector<1x16xf32> to vector<16xf32>
        %parallel_loop3A_2224 = arith.index_cast %parallel_loop3A_337 : i32 to index
        %parallel_loop3A_2225 = arith.constant 48 : index
        %parallel_loop3A_2226 = tpu.vector_load %arg11[%parallel_loop3A_2224, %parallel_loop3A_2225] {strides = array<i32>} : memref<16x128xf32, #tpu.memory_space<vmem>>, vector<1x16xf32>,
        %parallel_loop3A_2227 = vector.shape_cast %parallel_loop3A_2226 : vector<1x16xf32> to vector<16xf32>
        %parallel_loop3A_2228 = arith.index_cast %parallel_loop3A_337 : i32 to index
        %parallel_loop3A_2229 = arith.constant 64 : index
        %parallel_loop3A_2230 = tpu.vector_load %arg11[%parallel_loop3A_2228, %parallel_loop3A_2229] {strides = array<i32>} : memref<16x128xf32, #tpu.memory_space<vmem>>, vector<1x16xf32>,
        %parallel_loop3A_2231 = vector.shape_cast %parallel_loop3A_2230 : vector<1x16xf32> to vector<16xf32>
        %parallel_loop3A_2232 = arith.index_cast %parallel_loop3A_337 : i32 to index
        %parallel_loop3A_2233 = arith.constant 80 : index
        %parallel_loop3A_2234 = tpu.vector_load %arg11[%parallel_loop3A_2232, %parallel_loop3A_2233] {strides = array<i32>} : memref<16x128xf32, #tpu.memory_space<vmem>>, vector<1x16xf32>,
        %parallel_loop3A_2235 = vector.shape_cast %parallel_loop3A_2234 : vector<1x16xf32> to vector<16xf32>
        %parallel_loop3A_2236 = arith.index_cast %parallel_loop3A_337 : i32 to index
        %parallel_loop3A_2237 = arith.constant 96 : index
        %parallel_loop3A_2238 = tpu.vector_load %arg11[%parallel_loop3A_2236, %parallel_loop3A_2237] {strides = array<i32>} : memref<16x128xf32, #tpu.memory_space<vmem>>, vector<1x16xf32>,
        %parallel_loop3A_2239 = vector.shape_cast %parallel_loop3A_2238 : vector<1x16xf32> to vector<16xf32>
        %parallel_loop3A_2240 = arith.index_cast %parallel_loop3A_337 : i32 to index
        %parallel_loop3A_2241 = arith.constant 112 : index
        %parallel_loop3A_2242 = tpu.vector_load %arg11[%parallel_loop3A_2240, %parallel_loop3A_2241] {strides = array<i32>} : memref<16x128xf32, #tpu.memory_space<vmem>>, vector<1x16xf32>,
        %parallel_loop3A_2243 = vector.shape_cast %parallel_loop3A_2242 : vector<1x16xf32> to vector<16xf32>
        %parallel_loop3A_2244 = arith.addf %parallel_loop3A_2183, %parallel_loop3A_2215 : vector<16xf32>
        %parallel_loop3A_2245 = arith.constant 0.000000e+00 : f32
        %parallel_loop3A_2246 = vector.broadcast %parallel_loop3A_2245 : f32 to vector<16xf32>
        %parallel_loop3A_2247 = arith.maximumf %parallel_loop3A_2244, %parallel_loop3A_2246 : vector<16xf32>
        %parallel_loop3A_2248 = arith.index_cast %parallel_loop3A_2179 : i32 to index
        %parallel_loop3A_2249 = arith.constant 0 : index
        %parallel_loop3A_2250 = tpu.vector_load %arg12[%parallel_loop3A_2248, %parallel_loop3A_2249] {strides = array<i32>} : memref<320x128xf32, #tpu.memory_space<vmem>>, vector<1x16xf32>,
        %parallel_loop3A_2251 = vector.shape_cast %parallel_loop3A_2250 : vector<1x16xf32> to vector<16xf32>
        %parallel_loop3A_2252 = vector.shape_cast %parallel_loop3A_2247 : vector<16xf32> to vector<1x16xf32>
        tpu.vector_store %arg12[%parallel_loop3A_2248, %parallel_loop3A_2249], %parallel_loop3A_2252 {strides = array<i32>} : memref<320x128xf32, #tpu.memory_space<vmem>>, vector<1x16xf32>,
        %parallel_loop3A_2253 = arith.addf %parallel_loop3A_2187, %parallel_loop3A_2219 : vector<16xf32>
        %parallel_loop3A_2254 = arith.constant 0.000000e+00 : f32
        %parallel_loop3A_2255 = vector.broadcast %parallel_loop3A_2254 : f32 to vector<16xf32>
        %parallel_loop3A_2256 = arith.maximumf %parallel_loop3A_2253, %parallel_loop3A_2255 : vector<16xf32>
        %parallel_loop3A_2257 = arith.index_cast %parallel_loop3A_2179 : i32 to index
        %parallel_loop3A_2258 = arith.constant 16 : index
        %parallel_loop3A_2259 = tpu.vector_load %arg12[%parallel_loop3A_2257, %parallel_loop3A_2258] {strides = array<i32>} : memref<320x128xf32, #tpu.memory_space<vmem>>, vector<1x16xf32>,
        %parallel_loop3A_2260 = vector.shape_cast %parallel_loop3A_2259 : vector<1x16xf32> to vector<16xf32>
        %parallel_loop3A_2261 = vector.shape_cast %parallel_loop3A_2256 : vector<16xf32> to vector<1x16xf32>
        tpu.vector_store %arg12[%parallel_loop3A_2257, %parallel_loop3A_2258], %parallel_loop3A_2261 {strides = array<i32>} : memref<320x128xf32, #tpu.memory_space<vmem>>, vector<1x16xf32>,
        %parallel_loop3A_2262 = arith.addf %parallel_loop3A_2191, %parallel_loop3A_2223 : vector<16xf32>
        %parallel_loop3A_2263 = arith.constant 0.000000e+00 : f32
        %parallel_loop3A_2264 = vector.broadcast %parallel_loop3A_2263 : f32 to vector<16xf32>
        %parallel_loop3A_2265 = arith.maximumf %parallel_loop3A_2262, %parallel_loop3A_2264 : vector<16xf32>
        %parallel_loop3A_2266 = arith.index_cast %parallel_loop3A_2179 : i32 to index
        %parallel_loop3A_2267 = arith.constant 32 : index
        %parallel_loop3A_2268 = tpu.vector_load %arg12[%parallel_loop3A_2266, %parallel_loop3A_2267] {strides = array<i32>} : memref<320x128xf32, #tpu.memory_space<vmem>>, vector<1x16xf32>,
        %parallel_loop3A_2269 = vector.shape_cast %parallel_loop3A_2268 : vector<1x16xf32> to vector<16xf32>
        %parallel_loop3A_2270 = vector.shape_cast %parallel_loop3A_2265 : vector<16xf32> to vector<1x16xf32>
        tpu.vector_store %arg12[%parallel_loop3A_2266, %parallel_loop3A_2267], %parallel_loop3A_2270 {strides = array<i32>} : memref<320x128xf32, #tpu.memory_space<vmem>>, vector<1x16xf32>,
        %parallel_loop3A_2271 = arith.addf %parallel_loop3A_2195, %parallel_loop3A_2227 : vector<16xf32>
        %parallel_loop3A_2272 = arith.constant 0.000000e+00 : f32
        %parallel_loop3A_2273 = vector.broadcast %parallel_loop3A_2272 : f32 to vector<16xf32>
        %parallel_loop3A_2274 = arith.maximumf %parallel_loop3A_2271, %parallel_loop3A_2273 : vector<16xf32>
        %parallel_loop3A_2275 = arith.index_cast %parallel_loop3A_2179 : i32 to index
        %parallel_loop3A_2276 = arith.constant 48 : index
        %parallel_loop3A_2277 = tpu.vector_load %arg12[%parallel_loop3A_2275, %parallel_loop3A_2276] {strides = array<i32>} : memref<320x128xf32, #tpu.memory_space<vmem>>, vector<1x16xf32>,
        %parallel_loop3A_2278 = vector.shape_cast %parallel_loop3A_2277 : vector<1x16xf32> to vector<16xf32>
        %parallel_loop3A_2279 = vector.shape_cast %parallel_loop3A_2274 : vector<16xf32> to vector<1x16xf32>
        tpu.vector_store %arg12[%parallel_loop3A_2275, %parallel_loop3A_2276], %parallel_loop3A_2279 {strides = array<i32>} : memref<320x128xf32, #tpu.memory_space<vmem>>, vector<1x16xf32>,
        %parallel_loop3A_2280 = arith.addf %parallel_loop3A_2199, %parallel_loop3A_2231 : vector<16xf32>
        %parallel_loop3A_2281 = arith.constant 0.000000e+00 : f32
        %parallel_loop3A_2282 = vector.broadcast %parallel_loop3A_2281 : f32 to vector<16xf32>
        %parallel_loop3A_2283 = arith.maximumf %parallel_loop3A_2280, %parallel_loop3A_2282 : vector<16xf32>
        %parallel_loop3A_2284 = arith.index_cast %parallel_loop3A_2179 : i32 to index
        %parallel_loop3A_2285 = arith.constant 64 : index
        %parallel_loop3A_2286 = tpu.vector_load %arg12[%parallel_loop3A_2284, %parallel_loop3A_2285] {strides = array<i32>} : memref<320x128xf32, #tpu.memory_space<vmem>>, vector<1x16xf32>,
        %parallel_loop3A_2287 = vector.shape_cast %parallel_loop3A_2286 : vector<1x16xf32> to vector<16xf32>
        %parallel_loop3A_2288 = vector.shape_cast %parallel_loop3A_2283 : vector<16xf32> to vector<1x16xf32>
        tpu.vector_store %arg12[%parallel_loop3A_2284, %parallel_loop3A_2285], %parallel_loop3A_2288 {strides = array<i32>} : memref<320x128xf32, #tpu.memory_space<vmem>>, vector<1x16xf32>,
        %parallel_loop3A_2289 = arith.addf %parallel_loop3A_2203, %parallel_loop3A_2235 : vector<16xf32>
        %parallel_loop3A_2290 = arith.constant 0.000000e+00 : f32
        %parallel_loop3A_2291 = vector.broadcast %parallel_loop3A_2290 : f32 to vector<16xf32>
        %parallel_loop3A_2292 = arith.maximumf %parallel_loop3A_2289, %parallel_loop3A_2291 : vector<16xf32>
        %parallel_loop3A_2293 = arith.index_cast %parallel_loop3A_2179 : i32 to index
        %parallel_loop3A_2294 = arith.constant 80 : index
        %parallel_loop3A_2295 = tpu.vector_load %arg12[%parallel_loop3A_2293, %parallel_loop3A_2294] {strides = array<i32>} : memref<320x128xf32, #tpu.memory_space<vmem>>, vector<1x16xf32>,
        %parallel_loop3A_2296 = vector.shape_cast %parallel_loop3A_2295 : vector<1x16xf32> to vector<16xf32>
        %parallel_loop3A_2297 = vector.shape_cast %parallel_loop3A_2292 : vector<16xf32> to vector<1x16xf32>
        tpu.vector_store %arg12[%parallel_loop3A_2293, %parallel_loop3A_2294], %parallel_loop3A_2297 {strides = array<i32>} : memref<320x128xf32, #tpu.memory_space<vmem>>, vector<1x16xf32>,
        %parallel_loop3A_2298 = arith.addf %parallel_loop3A_2207, %parallel_loop3A_2239 : vector<16xf32>
        %parallel_loop3A_2299 = arith.constant 0.000000e+00 : f32
        %parallel_loop3A_2300 = vector.broadcast %parallel_loop3A_2299 : f32 to vector<16xf32>
        %parallel_loop3A_2301 = arith.maximumf %parallel_loop3A_2298, %parallel_loop3A_2300 : vector<16xf32>
        %parallel_loop3A_2302 = arith.index_cast %parallel_loop3A_2179 : i32 to index
        %parallel_loop3A_2303 = arith.constant 96 : index
        %parallel_loop3A_2304 = tpu.vector_load %arg12[%parallel_loop3A_2302, %parallel_loop3A_2303] {strides = array<i32>} : memref<320x128xf32, #tpu.memory_space<vmem>>, vector<1x16xf32>,
        %parallel_loop3A_2305 = vector.shape_cast %parallel_loop3A_2304 : vector<1x16xf32> to vector<16xf32>
        %parallel_loop3A_2306 = vector.shape_cast %parallel_loop3A_2301 : vector<16xf32> to vector<1x16xf32>
        tpu.vector_store %arg12[%parallel_loop3A_2302, %parallel_loop3A_2303], %parallel_loop3A_2306 {strides = array<i32>} : memref<320x128xf32, #tpu.memory_space<vmem>>, vector<1x16xf32>,
        %parallel_loop3A_2307 = arith.addf %parallel_loop3A_2211, %parallel_loop3A_2243 : vector<16xf32>
        %parallel_loop3A_2308 = arith.constant 0.000000e+00 : f32
        %parallel_loop3A_2309 = vector.broadcast %parallel_loop3A_2308 : f32 to vector<16xf32>
        %parallel_loop3A_2310 = arith.maximumf %parallel_loop3A_2307, %parallel_loop3A_2309 : vector<16xf32>
        %parallel_loop3A_2311 = arith.index_cast %parallel_loop3A_2179 : i32 to index
        %parallel_loop3A_2312 = arith.constant 112 : index
        %parallel_loop3A_2313 = tpu.vector_load %arg12[%parallel_loop3A_2311, %parallel_loop3A_2312] {strides = array<i32>} : memref<320x128xf32, #tpu.memory_space<vmem>>, vector<1x16xf32>,
        %parallel_loop3A_2314 = vector.shape_cast %parallel_loop3A_2313 : vector<1x16xf32> to vector<16xf32>
        %parallel_loop3A_2315 = vector.shape_cast %parallel_loop3A_2310 : vector<16xf32> to vector<1x16xf32>
        tpu.vector_store %arg12[%parallel_loop3A_2311, %parallel_loop3A_2312], %parallel_loop3A_2315 {strides = array<i32>} : memref<320x128xf32, #tpu.memory_space<vmem>>, vector<1x16xf32>,
        %parallel_loop3A_2316 = arith.constant 16 : i32
        %parallel_loop3A_2317 = arith.muli %parallel_loop3A_303, %parallel_loop3A_2316 : i32
        %parallel_loop3A_2318 = arith.addi %mul3A_275, %parallel_loop3A_2317 : i32
        %parallel_loop3A_2319 = arith.constant 14 : i32
        %parallel_loop3A_2320 = arith.addi %parallel_loop3A_2318, %parallel_loop3A_2319 : i32
        %parallel_loop3A_2321 = arith.index_cast %parallel_loop3A_2320 : i32 to index
        %parallel_loop3A_2322 = arith.constant 0 : index
        %parallel_loop3A_2323 = tpu.vector_load %arg12[%parallel_loop3A_2321, %parallel_loop3A_2322] {strides = array<i32>} : memref<320x128xf32, #tpu.memory_space<vmem>>, vector<1x16xf32>,
        %parallel_loop3A_2324 = vector.shape_cast %parallel_loop3A_2323 : vector<1x16xf32> to vector<16xf32>
        %parallel_loop3A_2325 = arith.index_cast %parallel_loop3A_2320 : i32 to index
        %parallel_loop3A_2326 = arith.constant 16 : index
        %parallel_loop3A_2327 = tpu.vector_load %arg12[%parallel_loop3A_2325, %parallel_loop3A_2326] {strides = array<i32>} : memref<320x128xf32, #tpu.memory_space<vmem>>, vector<1x16xf32>,
        %parallel_loop3A_2328 = vector.shape_cast %parallel_loop3A_2327 : vector<1x16xf32> to vector<16xf32>
        %parallel_loop3A_2329 = arith.index_cast %parallel_loop3A_2320 : i32 to index
        %parallel_loop3A_2330 = arith.constant 32 : index
        %parallel_loop3A_2331 = tpu.vector_load %arg12[%parallel_loop3A_2329, %parallel_loop3A_2330] {strides = array<i32>} : memref<320x128xf32, #tpu.memory_space<vmem>>, vector<1x16xf32>,
        %parallel_loop3A_2332 = vector.shape_cast %parallel_loop3A_2331 : vector<1x16xf32> to vector<16xf32>
        %parallel_loop3A_2333 = arith.index_cast %parallel_loop3A_2320 : i32 to index
        %parallel_loop3A_2334 = arith.constant 48 : index
        %parallel_loop3A_2335 = tpu.vector_load %arg12[%parallel_loop3A_2333, %parallel_loop3A_2334] {strides = array<i32>} : memref<320x128xf32, #tpu.memory_space<vmem>>, vector<1x16xf32>,
        %parallel_loop3A_2336 = vector.shape_cast %parallel_loop3A_2335 : vector<1x16xf32> to vector<16xf32>
        %parallel_loop3A_2337 = arith.index_cast %parallel_loop3A_2320 : i32 to index
        %parallel_loop3A_2338 = arith.constant 64 : index
        %parallel_loop3A_2339 = tpu.vector_load %arg12[%parallel_loop3A_2337, %parallel_loop3A_2338] {strides = array<i32>} : memref<320x128xf32, #tpu.memory_space<vmem>>, vector<1x16xf32>,
        %parallel_loop3A_2340 = vector.shape_cast %parallel_loop3A_2339 : vector<1x16xf32> to vector<16xf32>
        %parallel_loop3A_2341 = arith.index_cast %parallel_loop3A_2320 : i32 to index
        %parallel_loop3A_2342 = arith.constant 80 : index
        %parallel_loop3A_2343 = tpu.vector_load %arg12[%parallel_loop3A_2341, %parallel_loop3A_2342] {strides = array<i32>} : memref<320x128xf32, #tpu.memory_space<vmem>>, vector<1x16xf32>,
        %parallel_loop3A_2344 = vector.shape_cast %parallel_loop3A_2343 : vector<1x16xf32> to vector<16xf32>
        %parallel_loop3A_2345 = arith.index_cast %parallel_loop3A_2320 : i32 to index
        %parallel_loop3A_2346 = arith.constant 96 : index
        %parallel_loop3A_2347 = tpu.vector_load %arg12[%parallel_loop3A_2345, %parallel_loop3A_2346] {strides = array<i32>} : memref<320x128xf32, #tpu.memory_space<vmem>>, vector<1x16xf32>,
        %parallel_loop3A_2348 = vector.shape_cast %parallel_loop3A_2347 : vector<1x16xf32> to vector<16xf32>
        %parallel_loop3A_2349 = arith.index_cast %parallel_loop3A_2320 : i32 to index
        %parallel_loop3A_2350 = arith.constant 112 : index
        %parallel_loop3A_2351 = tpu.vector_load %arg12[%parallel_loop3A_2349, %parallel_loop3A_2350] {strides = array<i32>} : memref<320x128xf32, #tpu.memory_space<vmem>>, vector<1x16xf32>,
        %parallel_loop3A_2352 = vector.shape_cast %parallel_loop3A_2351 : vector<1x16xf32> to vector<16xf32>
        %parallel_loop3A_2353 = arith.index_cast %parallel_loop3A_339 : i32 to index
        %parallel_loop3A_2354 = arith.constant 0 : index
        %parallel_loop3A_2355 = tpu.vector_load %arg11[%parallel_loop3A_2353, %parallel_loop3A_2354] {strides = array<i32>} : memref<16x128xf32, #tpu.memory_space<vmem>>, vector<1x16xf32>,
        %parallel_loop3A_2356 = vector.shape_cast %parallel_loop3A_2355 : vector<1x16xf32> to vector<16xf32>
        %parallel_loop3A_2357 = arith.index_cast %parallel_loop3A_339 : i32 to index
        %parallel_loop3A_2358 = arith.constant 16 : index
        %parallel_loop3A_2359 = tpu.vector_load %arg11[%parallel_loop3A_2357, %parallel_loop3A_2358] {strides = array<i32>} : memref<16x128xf32, #tpu.memory_space<vmem>>, vector<1x16xf32>,
        %parallel_loop3A_2360 = vector.shape_cast %parallel_loop3A_2359 : vector<1x16xf32> to vector<16xf32>
        %parallel_loop3A_2361 = arith.index_cast %parallel_loop3A_339 : i32 to index
        %parallel_loop3A_2362 = arith.constant 32 : index
        %parallel_loop3A_2363 = tpu.vector_load %arg11[%parallel_loop3A_2361, %parallel_loop3A_2362] {strides = array<i32>} : memref<16x128xf32, #tpu.memory_space<vmem>>, vector<1x16xf32>,
        %parallel_loop3A_2364 = vector.shape_cast %parallel_loop3A_2363 : vector<1x16xf32> to vector<16xf32>
        %parallel_loop3A_2365 = arith.index_cast %parallel_loop3A_339 : i32 to index
        %parallel_loop3A_2366 = arith.constant 48 : index
        %parallel_loop3A_2367 = tpu.vector_load %arg11[%parallel_loop3A_2365, %parallel_loop3A_2366] {strides = array<i32>} : memref<16x128xf32, #tpu.memory_space<vmem>>, vector<1x16xf32>,
        %parallel_loop3A_2368 = vector.shape_cast %parallel_loop3A_2367 : vector<1x16xf32> to vector<16xf32>
        %parallel_loop3A_2369 = arith.index_cast %parallel_loop3A_339 : i32 to index
        %parallel_loop3A_2370 = arith.constant 64 : index
        %parallel_loop3A_2371 = tpu.vector_load %arg11[%parallel_loop3A_2369, %parallel_loop3A_2370] {strides = array<i32>} : memref<16x128xf32, #tpu.memory_space<vmem>>, vector<1x16xf32>,
        %parallel_loop3A_2372 = vector.shape_cast %parallel_loop3A_2371 : vector<1x16xf32> to vector<16xf32>
        %parallel_loop3A_2373 = arith.index_cast %parallel_loop3A_339 : i32 to index
        %parallel_loop3A_2374 = arith.constant 80 : index
        %parallel_loop3A_2375 = tpu.vector_load %arg11[%parallel_loop3A_2373, %parallel_loop3A_2374] {strides = array<i32>} : memref<16x128xf32, #tpu.memory_space<vmem>>, vector<1x16xf32>,
        %parallel_loop3A_2376 = vector.shape_cast %parallel_loop3A_2375 : vector<1x16xf32> to vector<16xf32>
        %parallel_loop3A_2377 = arith.index_cast %parallel_loop3A_339 : i32 to index
        %parallel_loop3A_2378 = arith.constant 96 : index
        %parallel_loop3A_2379 = tpu.vector_load %arg11[%parallel_loop3A_2377, %parallel_loop3A_2378] {strides = array<i32>} : memref<16x128xf32, #tpu.memory_space<vmem>>, vector<1x16xf32>,
        %parallel_loop3A_2380 = vector.shape_cast %parallel_loop3A_2379 : vector<1x16xf32> to vector<16xf32>
        %parallel_loop3A_2381 = arith.index_cast %parallel_loop3A_339 : i32 to index
        %parallel_loop3A_2382 = arith.constant 112 : index
        %parallel_loop3A_2383 = tpu.vector_load %arg11[%parallel_loop3A_2381, %parallel_loop3A_2382] {strides = array<i32>} : memref<16x128xf32, #tpu.memory_space<vmem>>, vector<1x16xf32>,
        %parallel_loop3A_2384 = vector.shape_cast %parallel_loop3A_2383 : vector<1x16xf32> to vector<16xf32>
        %parallel_loop3A_2385 = arith.addf %parallel_loop3A_2324, %parallel_loop3A_2356 : vector<16xf32>
        %parallel_loop3A_2386 = arith.constant 0.000000e+00 : f32
        %parallel_loop3A_2387 = vector.broadcast %parallel_loop3A_2386 : f32 to vector<16xf32>
        %parallel_loop3A_2388 = arith.maximumf %parallel_loop3A_2385, %parallel_loop3A_2387 : vector<16xf32>
        %parallel_loop3A_2389 = arith.index_cast %parallel_loop3A_2320 : i32 to index
        %parallel_loop3A_2390 = arith.constant 0 : index
        %parallel_loop3A_2391 = tpu.vector_load %arg12[%parallel_loop3A_2389, %parallel_loop3A_2390] {strides = array<i32>} : memref<320x128xf32, #tpu.memory_space<vmem>>, vector<1x16xf32>,
        %parallel_loop3A_2392 = vector.shape_cast %parallel_loop3A_2391 : vector<1x16xf32> to vector<16xf32>
        %parallel_loop3A_2393 = vector.shape_cast %parallel_loop3A_2388 : vector<16xf32> to vector<1x16xf32>
        tpu.vector_store %arg12[%parallel_loop3A_2389, %parallel_loop3A_2390], %parallel_loop3A_2393 {strides = array<i32>} : memref<320x128xf32, #tpu.memory_space<vmem>>, vector<1x16xf32>,
        %parallel_loop3A_2394 = arith.addf %parallel_loop3A_2328, %parallel_loop3A_2360 : vector<16xf32>
        %parallel_loop3A_2395 = arith.constant 0.000000e+00 : f32
        %parallel_loop3A_2396 = vector.broadcast %parallel_loop3A_2395 : f32 to vector<16xf32>
        %parallel_loop3A_2397 = arith.maximumf %parallel_loop3A_2394, %parallel_loop3A_2396 : vector<16xf32>
        %parallel_loop3A_2398 = arith.index_cast %parallel_loop3A_2320 : i32 to index
        %parallel_loop3A_2399 = arith.constant 16 : index
        %parallel_loop3A_2400 = tpu.vector_load %arg12[%parallel_loop3A_2398, %parallel_loop3A_2399] {strides = array<i32>} : memref<320x128xf32, #tpu.memory_space<vmem>>, vector<1x16xf32>,
        %parallel_loop3A_2401 = vector.shape_cast %parallel_loop3A_2400 : vector<1x16xf32> to vector<16xf32>
        %parallel_loop3A_2402 = vector.shape_cast %parallel_loop3A_2397 : vector<16xf32> to vector<1x16xf32>
        tpu.vector_store %arg12[%parallel_loop3A_2398, %parallel_loop3A_2399], %parallel_loop3A_2402 {strides = array<i32>} : memref<320x128xf32, #tpu.memory_space<vmem>>, vector<1x16xf32>,
        %parallel_loop3A_2403 = arith.addf %parallel_loop3A_2332, %parallel_loop3A_2364 : vector<16xf32>
        %parallel_loop3A_2404 = arith.constant 0.000000e+00 : f32
        %parallel_loop3A_2405 = vector.broadcast %parallel_loop3A_2404 : f32 to vector<16xf32>
        %parallel_loop3A_2406 = arith.maximumf %parallel_loop3A_2403, %parallel_loop3A_2405 : vector<16xf32>
        %parallel_loop3A_2407 = arith.index_cast %parallel_loop3A_2320 : i32 to index
        %parallel_loop3A_2408 = arith.constant 32 : index
        %parallel_loop3A_2409 = tpu.vector_load %arg12[%parallel_loop3A_2407, %parallel_loop3A_2408] {strides = array<i32>} : memref<320x128xf32, #tpu.memory_space<vmem>>, vector<1x16xf32>,
        %parallel_loop3A_2410 = vector.shape_cast %parallel_loop3A_2409 : vector<1x16xf32> to vector<16xf32>
        %parallel_loop3A_2411 = vector.shape_cast %parallel_loop3A_2406 : vector<16xf32> to vector<1x16xf32>
        tpu.vector_store %arg12[%parallel_loop3A_2407, %parallel_loop3A_2408], %parallel_loop3A_2411 {strides = array<i32>} : memref<320x128xf32, #tpu.memory_space<vmem>>, vector<1x16xf32>,
        %parallel_loop3A_2412 = arith.addf %parallel_loop3A_2336, %parallel_loop3A_2368 : vector<16xf32>
        %parallel_loop3A_2413 = arith.constant 0.000000e+00 : f32
        %parallel_loop3A_2414 = vector.broadcast %parallel_loop3A_2413 : f32 to vector<16xf32>
        %parallel_loop3A_2415 = arith.maximumf %parallel_loop3A_2412, %parallel_loop3A_2414 : vector<16xf32>
        %parallel_loop3A_2416 = arith.index_cast %parallel_loop3A_2320 : i32 to index
        %parallel_loop3A_2417 = arith.constant 48 : index
        %parallel_loop3A_2418 = tpu.vector_load %arg12[%parallel_loop3A_2416, %parallel_loop3A_2417] {strides = array<i32>} : memref<320x128xf32, #tpu.memory_space<vmem>>, vector<1x16xf32>,
        %parallel_loop3A_2419 = vector.shape_cast %parallel_loop3A_2418 : vector<1x16xf32> to vector<16xf32>
        %parallel_loop3A_2420 = vector.shape_cast %parallel_loop3A_2415 : vector<16xf32> to vector<1x16xf32>
        tpu.vector_store %arg12[%parallel_loop3A_2416, %parallel_loop3A_2417], %parallel_loop3A_2420 {strides = array<i32>} : memref<320x128xf32, #tpu.memory_space<vmem>>, vector<1x16xf32>,
        %parallel_loop3A_2421 = arith.addf %parallel_loop3A_2340, %parallel_loop3A_2372 : vector<16xf32>
        %parallel_loop3A_2422 = arith.constant 0.000000e+00 : f32
        %parallel_loop3A_2423 = vector.broadcast %parallel_loop3A_2422 : f32 to vector<16xf32>
        %parallel_loop3A_2424 = arith.maximumf %parallel_loop3A_2421, %parallel_loop3A_2423 : vector<16xf32>
        %parallel_loop3A_2425 = arith.index_cast %parallel_loop3A_2320 : i32 to index
        %parallel_loop3A_2426 = arith.constant 64 : index
        %parallel_loop3A_2427 = tpu.vector_load %arg12[%parallel_loop3A_2425, %parallel_loop3A_2426] {strides = array<i32>} : memref<320x128xf32, #tpu.memory_space<vmem>>, vector<1x16xf32>,
        %parallel_loop3A_2428 = vector.shape_cast %parallel_loop3A_2427 : vector<1x16xf32> to vector<16xf32>
        %parallel_loop3A_2429 = vector.shape_cast %parallel_loop3A_2424 : vector<16xf32> to vector<1x16xf32>
        tpu.vector_store %arg12[%parallel_loop3A_2425, %parallel_loop3A_2426], %parallel_loop3A_2429 {strides = array<i32>} : memref<320x128xf32, #tpu.memory_space<vmem>>, vector<1x16xf32>,
        %parallel_loop3A_2430 = arith.addf %parallel_loop3A_2344, %parallel_loop3A_2376 : vector<16xf32>
        %parallel_loop3A_2431 = arith.constant 0.000000e+00 : f32
        %parallel_loop3A_2432 = vector.broadcast %parallel_loop3A_2431 : f32 to vector<16xf32>
        %parallel_loop3A_2433 = arith.maximumf %parallel_loop3A_2430, %parallel_loop3A_2432 : vector<16xf32>
        %parallel_loop3A_2434 = arith.index_cast %parallel_loop3A_2320 : i32 to index
        %parallel_loop3A_2435 = arith.constant 80 : index
        %parallel_loop3A_2436 = tpu.vector_load %arg12[%parallel_loop3A_2434, %parallel_loop3A_2435] {strides = array<i32>} : memref<320x128xf32, #tpu.memory_space<vmem>>, vector<1x16xf32>,
        %parallel_loop3A_2437 = vector.shape_cast %parallel_loop3A_2436 : vector<1x16xf32> to vector<16xf32>
        %parallel_loop3A_2438 = vector.shape_cast %parallel_loop3A_2433 : vector<16xf32> to vector<1x16xf32>
        tpu.vector_store %arg12[%parallel_loop3A_2434, %parallel_loop3A_2435], %parallel_loop3A_2438 {strides = array<i32>} : memref<320x128xf32, #tpu.memory_space<vmem>>, vector<1x16xf32>,
        %parallel_loop3A_2439 = arith.addf %parallel_loop3A_2348, %parallel_loop3A_2380 : vector<16xf32>
        %parallel_loop3A_2440 = arith.constant 0.000000e+00 : f32
        %parallel_loop3A_2441 = vector.broadcast %parallel_loop3A_2440 : f32 to vector<16xf32>
        %parallel_loop3A_2442 = arith.maximumf %parallel_loop3A_2439, %parallel_loop3A_2441 : vector<16xf32>
        %parallel_loop3A_2443 = arith.index_cast %parallel_loop3A_2320 : i32 to index
        %parallel_loop3A_2444 = arith.constant 96 : index
        %parallel_loop3A_2445 = tpu.vector_load %arg12[%parallel_loop3A_2443, %parallel_loop3A_2444] {strides = array<i32>} : memref<320x128xf32, #tpu.memory_space<vmem>>, vector<1x16xf32>,
        %parallel_loop3A_2446 = vector.shape_cast %parallel_loop3A_2445 : vector<1x16xf32> to vector<16xf32>
        %parallel_loop3A_2447 = vector.shape_cast %parallel_loop3A_2442 : vector<16xf32> to vector<1x16xf32>
        tpu.vector_store %arg12[%parallel_loop3A_2443, %parallel_loop3A_2444], %parallel_loop3A_2447 {strides = array<i32>} : memref<320x128xf32, #tpu.memory_space<vmem>>, vector<1x16xf32>,
        %parallel_loop3A_2448 = arith.addf %parallel_loop3A_2352, %parallel_loop3A_2384 : vector<16xf32>
        %parallel_loop3A_2449 = arith.constant 0.000000e+00 : f32
        %parallel_loop3A_2450 = vector.broadcast %parallel_loop3A_2449 : f32 to vector<16xf32>
        %parallel_loop3A_2451 = arith.maximumf %parallel_loop3A_2448, %parallel_loop3A_2450 : vector<16xf32>
        %parallel_loop3A_2452 = arith.index_cast %parallel_loop3A_2320 : i32 to index
        %parallel_loop3A_2453 = arith.constant 112 : index
        %parallel_loop3A_2454 = tpu.vector_load %arg12[%parallel_loop3A_2452, %parallel_loop3A_2453] {strides = array<i32>} : memref<320x128xf32, #tpu.memory_space<vmem>>, vector<1x16xf32>,
        %parallel_loop3A_2455 = vector.shape_cast %parallel_loop3A_2454 : vector<1x16xf32> to vector<16xf32>
        %parallel_loop3A_2456 = vector.shape_cast %parallel_loop3A_2451 : vector<16xf32> to vector<1x16xf32>
        tpu.vector_store %arg12[%parallel_loop3A_2452, %parallel_loop3A_2453], %parallel_loop3A_2456 {strides = array<i32>} : memref<320x128xf32, #tpu.memory_space<vmem>>, vector<1x16xf32>,
        %parallel_loop3A_2457 = arith.constant 16 : i32
        %parallel_loop3A_2458 = arith.muli %parallel_loop3A_303, %parallel_loop3A_2457 : i32
        %parallel_loop3A_2459 = arith.addi %mul3A_275, %parallel_loop3A_2458 : i32
        %parallel_loop3A_2460 = arith.constant 15 : i32
        %parallel_loop3A_2461 = arith.addi %parallel_loop3A_2459, %parallel_loop3A_2460 : i32
        %parallel_loop3A_2462 = arith.index_cast %parallel_loop3A_2461 : i32 to index
        %parallel_loop3A_2463 = arith.constant 0 : index
        %parallel_loop3A_2464 = tpu.vector_load %arg12[%parallel_loop3A_2462, %parallel_loop3A_2463] {strides = array<i32>} : memref<320x128xf32, #tpu.memory_space<vmem>>, vector<1x16xf32>,
        %parallel_loop3A_2465 = vector.shape_cast %parallel_loop3A_2464 : vector<1x16xf32> to vector<16xf32>
        %parallel_loop3A_2466 = arith.index_cast %parallel_loop3A_2461 : i32 to index
        %parallel_loop3A_2467 = arith.constant 16 : index
        %parallel_loop3A_2468 = tpu.vector_load %arg12[%parallel_loop3A_2466, %parallel_loop3A_2467] {strides = array<i32>} : memref<320x128xf32, #tpu.memory_space<vmem>>, vector<1x16xf32>,
        %parallel_loop3A_2469 = vector.shape_cast %parallel_loop3A_2468 : vector<1x16xf32> to vector<16xf32>
        %parallel_loop3A_2470 = arith.index_cast %parallel_loop3A_2461 : i32 to index
        %parallel_loop3A_2471 = arith.constant 32 : index
        %parallel_loop3A_2472 = tpu.vector_load %arg12[%parallel_loop3A_2470, %parallel_loop3A_2471] {strides = array<i32>} : memref<320x128xf32, #tpu.memory_space<vmem>>, vector<1x16xf32>,
        %parallel_loop3A_2473 = vector.shape_cast %parallel_loop3A_2472 : vector<1x16xf32> to vector<16xf32>
        %parallel_loop3A_2474 = arith.index_cast %parallel_loop3A_2461 : i32 to index
        %parallel_loop3A_2475 = arith.constant 48 : index
        %parallel_loop3A_2476 = tpu.vector_load %arg12[%parallel_loop3A_2474, %parallel_loop3A_2475] {strides = array<i32>} : memref<320x128xf32, #tpu.memory_space<vmem>>, vector<1x16xf32>,
        %parallel_loop3A_2477 = vector.shape_cast %parallel_loop3A_2476 : vector<1x16xf32> to vector<16xf32>
        %parallel_loop3A_2478 = arith.index_cast %parallel_loop3A_2461 : i32 to index
        %parallel_loop3A_2479 = arith.constant 64 : index
        %parallel_loop3A_2480 = tpu.vector_load %arg12[%parallel_loop3A_2478, %parallel_loop3A_2479] {strides = array<i32>} : memref<320x128xf32, #tpu.memory_space<vmem>>, vector<1x16xf32>,
        %parallel_loop3A_2481 = vector.shape_cast %parallel_loop3A_2480 : vector<1x16xf32> to vector<16xf32>
        %parallel_loop3A_2482 = arith.index_cast %parallel_loop3A_2461 : i32 to index
        %parallel_loop3A_2483 = arith.constant 80 : index
        %parallel_loop3A_2484 = tpu.vector_load %arg12[%parallel_loop3A_2482, %parallel_loop3A_2483] {strides = array<i32>} : memref<320x128xf32, #tpu.memory_space<vmem>>, vector<1x16xf32>,
        %parallel_loop3A_2485 = vector.shape_cast %parallel_loop3A_2484 : vector<1x16xf32> to vector<16xf32>
        %parallel_loop3A_2486 = arith.index_cast %parallel_loop3A_2461 : i32 to index
        %parallel_loop3A_2487 = arith.constant 96 : index
        %parallel_loop3A_2488 = tpu.vector_load %arg12[%parallel_loop3A_2486, %parallel_loop3A_2487] {strides = array<i32>} : memref<320x128xf32, #tpu.memory_space<vmem>>, vector<1x16xf32>,
        %parallel_loop3A_2489 = vector.shape_cast %parallel_loop3A_2488 : vector<1x16xf32> to vector<16xf32>
        %parallel_loop3A_2490 = arith.index_cast %parallel_loop3A_2461 : i32 to index
        %parallel_loop3A_2491 = arith.constant 112 : index
        %parallel_loop3A_2492 = tpu.vector_load %arg12[%parallel_loop3A_2490, %parallel_loop3A_2491] {strides = array<i32>} : memref<320x128xf32, #tpu.memory_space<vmem>>, vector<1x16xf32>,
        %parallel_loop3A_2493 = vector.shape_cast %parallel_loop3A_2492 : vector<1x16xf32> to vector<16xf32>
        %parallel_loop3A_2494 = arith.index_cast %parallel_loop3A_341 : i32 to index
        %parallel_loop3A_2495 = arith.constant 0 : index
        %parallel_loop3A_2496 = tpu.vector_load %arg11[%parallel_loop3A_2494, %parallel_loop3A_2495] {strides = array<i32>} : memref<16x128xf32, #tpu.memory_space<vmem>>, vector<1x16xf32>,
        %parallel_loop3A_2497 = vector.shape_cast %parallel_loop3A_2496 : vector<1x16xf32> to vector<16xf32>
        %parallel_loop3A_2498 = arith.index_cast %parallel_loop3A_341 : i32 to index
        %parallel_loop3A_2499 = arith.constant 16 : index
        %parallel_loop3A_2500 = tpu.vector_load %arg11[%parallel_loop3A_2498, %parallel_loop3A_2499] {strides = array<i32>} : memref<16x128xf32, #tpu.memory_space<vmem>>, vector<1x16xf32>,
        %parallel_loop3A_2501 = vector.shape_cast %parallel_loop3A_2500 : vector<1x16xf32> to vector<16xf32>
        %parallel_loop3A_2502 = arith.index_cast %parallel_loop3A_341 : i32 to index
        %parallel_loop3A_2503 = arith.constant 32 : index
        %parallel_loop3A_2504 = tpu.vector_load %arg11[%parallel_loop3A_2502, %parallel_loop3A_2503] {strides = array<i32>} : memref<16x128xf32, #tpu.memory_space<vmem>>, vector<1x16xf32>,
        %parallel_loop3A_2505 = vector.shape_cast %parallel_loop3A_2504 : vector<1x16xf32> to vector<16xf32>
        %parallel_loop3A_2506 = arith.index_cast %parallel_loop3A_341 : i32 to index
        %parallel_loop3A_2507 = arith.constant 48 : index
        %parallel_loop3A_2508 = tpu.vector_load %arg11[%parallel_loop3A_2506, %parallel_loop3A_2507] {strides = array<i32>} : memref<16x128xf32, #tpu.memory_space<vmem>>, vector<1x16xf32>,
        %parallel_loop3A_2509 = vector.shape_cast %parallel_loop3A_2508 : vector<1x16xf32> to vector<16xf32>
        %parallel_loop3A_2510 = arith.index_cast %parallel_loop3A_341 : i32 to index
        %parallel_loop3A_2511 = arith.constant 64 : index
        %parallel_loop3A_2512 = tpu.vector_load %arg11[%parallel_loop3A_2510, %parallel_loop3A_2511] {strides = array<i32>} : memref<16x128xf32, #tpu.memory_space<vmem>>, vector<1x16xf32>,
        %parallel_loop3A_2513 = vector.shape_cast %parallel_loop3A_2512 : vector<1x16xf32> to vector<16xf32>
        %parallel_loop3A_2514 = arith.index_cast %parallel_loop3A_341 : i32 to index
        %parallel_loop3A_2515 = arith.constant 80 : index
        %parallel_loop3A_2516 = tpu.vector_load %arg11[%parallel_loop3A_2514, %parallel_loop3A_2515] {strides = array<i32>} : memref<16x128xf32, #tpu.memory_space<vmem>>, vector<1x16xf32>,
        %parallel_loop3A_2517 = vector.shape_cast %parallel_loop3A_2516 : vector<1x16xf32> to vector<16xf32>
        %parallel_loop3A_2518 = arith.index_cast %parallel_loop3A_341 : i32 to index
        %parallel_loop3A_2519 = arith.constant 96 : index
        %parallel_loop3A_2520 = tpu.vector_load %arg11[%parallel_loop3A_2518, %parallel_loop3A_2519] {strides = array<i32>} : memref<16x128xf32, #tpu.memory_space<vmem>>, vector<1x16xf32>,
        %parallel_loop3A_2521 = vector.shape_cast %parallel_loop3A_2520 : vector<1x16xf32> to vector<16xf32>
        %parallel_loop3A_2522 = arith.index_cast %parallel_loop3A_341 : i32 to index
        %parallel_loop3A_2523 = arith.constant 112 : index
        %parallel_loop3A_2524 = tpu.vector_load %arg11[%parallel_loop3A_2522, %parallel_loop3A_2523] {strides = array<i32>} : memref<16x128xf32, #tpu.memory_space<vmem>>, vector<1x16xf32>,
        %parallel_loop3A_2525 = vector.shape_cast %parallel_loop3A_2524 : vector<1x16xf32> to vector<16xf32>
        %parallel_loop3A_2526 = arith.addf %parallel_loop3A_2465, %parallel_loop3A_2497 : vector<16xf32>
        %parallel_loop3A_2527 = arith.constant 0.000000e+00 : f32
        %parallel_loop3A_2528 = vector.broadcast %parallel_loop3A_2527 : f32 to vector<16xf32>
        %parallel_loop3A_2529 = arith.maximumf %parallel_loop3A_2526, %parallel_loop3A_2528 : vector<16xf32>
        %parallel_loop3A_2530 = arith.index_cast %parallel_loop3A_2461 : i32 to index
        %parallel_loop3A_2531 = arith.constant 0 : index
        %parallel_loop3A_2532 = tpu.vector_load %arg12[%parallel_loop3A_2530, %parallel_loop3A_2531] {strides = array<i32>} : memref<320x128xf32, #tpu.memory_space<vmem>>, vector<1x16xf32>,
        %parallel_loop3A_2533 = vector.shape_cast %parallel_loop3A_2532 : vector<1x16xf32> to vector<16xf32>
        %parallel_loop3A_2534 = vector.shape_cast %parallel_loop3A_2529 : vector<16xf32> to vector<1x16xf32>
        tpu.vector_store %arg12[%parallel_loop3A_2530, %parallel_loop3A_2531], %parallel_loop3A_2534 {strides = array<i32>} : memref<320x128xf32, #tpu.memory_space<vmem>>, vector<1x16xf32>,
        %parallel_loop3A_2535 = arith.addf %parallel_loop3A_2469, %parallel_loop3A_2501 : vector<16xf32>
        %parallel_loop3A_2536 = arith.constant 0.000000e+00 : f32
        %parallel_loop3A_2537 = vector.broadcast %parallel_loop3A_2536 : f32 to vector<16xf32>
        %parallel_loop3A_2538 = arith.maximumf %parallel_loop3A_2535, %parallel_loop3A_2537 : vector<16xf32>
        %parallel_loop3A_2539 = arith.index_cast %parallel_loop3A_2461 : i32 to index
        %parallel_loop3A_2540 = arith.constant 16 : index
        %parallel_loop3A_2541 = tpu.vector_load %arg12[%parallel_loop3A_2539, %parallel_loop3A_2540] {strides = array<i32>} : memref<320x128xf32, #tpu.memory_space<vmem>>, vector<1x16xf32>,
        %parallel_loop3A_2542 = vector.shape_cast %parallel_loop3A_2541 : vector<1x16xf32> to vector<16xf32>
        %parallel_loop3A_2543 = vector.shape_cast %parallel_loop3A_2538 : vector<16xf32> to vector<1x16xf32>
        tpu.vector_store %arg12[%parallel_loop3A_2539, %parallel_loop3A_2540], %parallel_loop3A_2543 {strides = array<i32>} : memref<320x128xf32, #tpu.memory_space<vmem>>, vector<1x16xf32>,
        %parallel_loop3A_2544 = arith.addf %parallel_loop3A_2473, %parallel_loop3A_2505 : vector<16xf32>
        %parallel_loop3A_2545 = arith.constant 0.000000e+00 : f32
        %parallel_loop3A_2546 = vector.broadcast %parallel_loop3A_2545 : f32 to vector<16xf32>
        %parallel_loop3A_2547 = arith.maximumf %parallel_loop3A_2544, %parallel_loop3A_2546 : vector<16xf32>
        %parallel_loop3A_2548 = arith.index_cast %parallel_loop3A_2461 : i32 to index
        %parallel_loop3A_2549 = arith.constant 32 : index
        %parallel_loop3A_2550 = tpu.vector_load %arg12[%parallel_loop3A_2548, %parallel_loop3A_2549] {strides = array<i32>} : memref<320x128xf32, #tpu.memory_space<vmem>>, vector<1x16xf32>,
        %parallel_loop3A_2551 = vector.shape_cast %parallel_loop3A_2550 : vector<1x16xf32> to vector<16xf32>
        %parallel_loop3A_2552 = vector.shape_cast %parallel_loop3A_2547 : vector<16xf32> to vector<1x16xf32>
        tpu.vector_store %arg12[%parallel_loop3A_2548, %parallel_loop3A_2549], %parallel_loop3A_2552 {strides = array<i32>} : memref<320x128xf32, #tpu.memory_space<vmem>>, vector<1x16xf32>,
        %parallel_loop3A_2553 = arith.addf %parallel_loop3A_2477, %parallel_loop3A_2509 : vector<16xf32>
        %parallel_loop3A_2554 = arith.constant 0.000000e+00 : f32
        %parallel_loop3A_2555 = vector.broadcast %parallel_loop3A_2554 : f32 to vector<16xf32>
        %parallel_loop3A_2556 = arith.maximumf %parallel_loop3A_2553, %parallel_loop3A_2555 : vector<16xf32>
        %parallel_loop3A_2557 = arith.index_cast %parallel_loop3A_2461 : i32 to index
        %parallel_loop3A_2558 = arith.constant 48 : index
        %parallel_loop3A_2559 = tpu.vector_load %arg12[%parallel_loop3A_2557, %parallel_loop3A_2558] {strides = array<i32>} : memref<320x128xf32, #tpu.memory_space<vmem>>, vector<1x16xf32>,
        %parallel_loop3A_2560 = vector.shape_cast %parallel_loop3A_2559 : vector<1x16xf32> to vector<16xf32>
        %parallel_loop3A_2561 = vector.shape_cast %parallel_loop3A_2556 : vector<16xf32> to vector<1x16xf32>
        tpu.vector_store %arg12[%parallel_loop3A_2557, %parallel_loop3A_2558], %parallel_loop3A_2561 {strides = array<i32>} : memref<320x128xf32, #tpu.memory_space<vmem>>, vector<1x16xf32>,
        %parallel_loop3A_2562 = arith.addf %parallel_loop3A_2481, %parallel_loop3A_2513 : vector<16xf32>
        %parallel_loop3A_2563 = arith.constant 0.000000e+00 : f32
        %parallel_loop3A_2564 = vector.broadcast %parallel_loop3A_2563 : f32 to vector<16xf32>
        %parallel_loop3A_2565 = arith.maximumf %parallel_loop3A_2562, %parallel_loop3A_2564 : vector<16xf32>
        %parallel_loop3A_2566 = arith.index_cast %parallel_loop3A_2461 : i32 to index
        %parallel_loop3A_2567 = arith.constant 64 : index
        %parallel_loop3A_2568 = tpu.vector_load %arg12[%parallel_loop3A_2566, %parallel_loop3A_2567] {strides = array<i32>} : memref<320x128xf32, #tpu.memory_space<vmem>>, vector<1x16xf32>,
        %parallel_loop3A_2569 = vector.shape_cast %parallel_loop3A_2568 : vector<1x16xf32> to vector<16xf32>
        %parallel_loop3A_2570 = vector.shape_cast %parallel_loop3A_2565 : vector<16xf32> to vector<1x16xf32>
        tpu.vector_store %arg12[%parallel_loop3A_2566, %parallel_loop3A_2567], %parallel_loop3A_2570 {strides = array<i32>} : memref<320x128xf32, #tpu.memory_space<vmem>>, vector<1x16xf32>,
        %parallel_loop3A_2571 = arith.addf %parallel_loop3A_2485, %parallel_loop3A_2517 : vector<16xf32>
        %parallel_loop3A_2572 = arith.constant 0.000000e+00 : f32
        %parallel_loop3A_2573 = vector.broadcast %parallel_loop3A_2572 : f32 to vector<16xf32>
        %parallel_loop3A_2574 = arith.maximumf %parallel_loop3A_2571, %parallel_loop3A_2573 : vector<16xf32>
        %parallel_loop3A_2575 = arith.index_cast %parallel_loop3A_2461 : i32 to index
        %parallel_loop3A_2576 = arith.constant 80 : index
        %parallel_loop3A_2577 = tpu.vector_load %arg12[%parallel_loop3A_2575, %parallel_loop3A_2576] {strides = array<i32>} : memref<320x128xf32, #tpu.memory_space<vmem>>, vector<1x16xf32>,
        %parallel_loop3A_2578 = vector.shape_cast %parallel_loop3A_2577 : vector<1x16xf32> to vector<16xf32>
        %parallel_loop3A_2579 = vector.shape_cast %parallel_loop3A_2574 : vector<16xf32> to vector<1x16xf32>
        tpu.vector_store %arg12[%parallel_loop3A_2575, %parallel_loop3A_2576], %parallel_loop3A_2579 {strides = array<i32>} : memref<320x128xf32, #tpu.memory_space<vmem>>, vector<1x16xf32>,
        %parallel_loop3A_2580 = arith.addf %parallel_loop3A_2489, %parallel_loop3A_2521 : vector<16xf32>
        %parallel_loop3A_2581 = arith.constant 0.000000e+00 : f32
        %parallel_loop3A_2582 = vector.broadcast %parallel_loop3A_2581 : f32 to vector<16xf32>
        %parallel_loop3A_2583 = arith.maximumf %parallel_loop3A_2580, %parallel_loop3A_2582 : vector<16xf32>
        %parallel_loop3A_2584 = arith.index_cast %parallel_loop3A_2461 : i32 to index
        %parallel_loop3A_2585 = arith.constant 96 : index
        %parallel_loop3A_2586 = tpu.vector_load %arg12[%parallel_loop3A_2584, %parallel_loop3A_2585] {strides = array<i32>} : memref<320x128xf32, #tpu.memory_space<vmem>>, vector<1x16xf32>,
        %parallel_loop3A_2587 = vector.shape_cast %parallel_loop3A_2586 : vector<1x16xf32> to vector<16xf32>
        %parallel_loop3A_2588 = vector.shape_cast %parallel_loop3A_2583 : vector<16xf32> to vector<1x16xf32>
        tpu.vector_store %arg12[%parallel_loop3A_2584, %parallel_loop3A_2585], %parallel_loop3A_2588 {strides = array<i32>} : memref<320x128xf32, #tpu.memory_space<vmem>>, vector<1x16xf32>,
        %parallel_loop3A_2589 = arith.addf %parallel_loop3A_2493, %parallel_loop3A_2525 : vector<16xf32>
        %parallel_loop3A_2590 = arith.constant 0.000000e+00 : f32
        %parallel_loop3A_2591 = vector.broadcast %parallel_loop3A_2590 : f32 to vector<16xf32>
        %parallel_loop3A_2592 = arith.maximumf %parallel_loop3A_2589, %parallel_loop3A_2591 : vector<16xf32>
        %parallel_loop3A_2593 = arith.index_cast %parallel_loop3A_2461 : i32 to index
        %parallel_loop3A_2594 = arith.constant 112 : index
        %parallel_loop3A_2595 = tpu.vector_load %arg12[%parallel_loop3A_2593, %parallel_loop3A_2594] {strides = array<i32>} : memref<320x128xf32, #tpu.memory_space<vmem>>, vector<1x16xf32>,
        %parallel_loop3A_2596 = vector.shape_cast %parallel_loop3A_2595 : vector<1x16xf32> to vector<16xf32>
        %parallel_loop3A_2597 = vector.shape_cast %parallel_loop3A_2592 : vector<16xf32> to vector<1x16xf32>
        tpu.vector_store %arg12[%parallel_loop3A_2593, %parallel_loop3A_2594], %parallel_loop3A_2597 {strides = array<i32>} : memref<320x128xf32, #tpu.memory_space<vmem>>, vector<1x16xf32>,
      } {sc.loop_unroll_factor = 1 : i64, sc.parallel_access}
      %mul3A_279 = arith.constant 80 : i32
      %mul3A_280 = arith.muli %rem3A_248, %mul3A_279 : i32
      %multiple_of3A_281 = tpu.assume_multiple %mul3A_280, 80 : i32
      %dma_start3A_282 = arith.constant 0 : i32
      %dma_start3A_283 = tpu.memref_slice %arg12[%multiple_of3A_281, %dma_start3A_282] : memref<320x128xf32, #tpu.memory_space<vmem>> -> memref<80x128xf32, #tpu.memory_space<vmem>>
      %dma_start3A_284 = arith.constant 0 : i32
      %dma_start3A_285 = tpu.memref_slice %arg9[%rem3A_248, %dma_start3A_284] : memref<4x80xi32, #tpu.memory_space<vmem>> -> memref<1x80xi32, #tpu.memory_space<vmem>>
      %dma_start3A_286 = tpu.memref_squeeze %dma_start3A_285 : memref<1x80xi32, #tpu.memory_space<vmem>> -> memref<80xi32, #tpu.memory_space<vmem>>
      %dma_start3A_287 = arith.constant 0 : i32
      %dma_start3A_288 = arith.constant 0 : i32
      %dma_start3A_289 = tpu.memref_slice %arg13[%dma_start3A_287, %dma_start3A_288] : memref<10240x128xf32, #tpu.memory_space<vmem_shared>> -> memref<10240x128xf32, #tpu.memory_space<vmem_shared>>
      %dma_start3A_290 = tpu.memref_slice %arg15[%rem3A_248] : memref<4x!tpu.dma_semaphore, #tpu.memory_space<semaphore_mem>> -> memref<1x!tpu.dma_semaphore, #tpu.memory_space<semaphore_mem>>
      %dma_start3A_291 = tpu.memref_squeeze %dma_start3A_290 : memref<1x!tpu.dma_semaphore, #tpu.memory_space<semaphore_mem>> -> memref<!tpu.dma_semaphore, #tpu.memory_space<semaphore_mem>>
      tpu.enqueue_indirect_dma source(%dma_start3A_283 : memref<80x128xf32, #tpu.memory_space<vmem>>) target(%dma_start3A_289 : memref<10240x128xf32, #tpu.memory_space<vmem_shared>>) offsets(%dma_start3A_286 : memref<80xi32, #tpu.memory_space<vmem>>) semaphore(%dma_start3A_291 : memref<!tpu.dma_semaphore, #tpu.memory_space<semaphore_mem>>) {add = true}
      %ge3A = arith.constant 2 : i32
      %ge3A_292 = arith.cmpi sge, %scan3A_247, %ge3A : i32
      %convert_element_type3A_293 = arith.extui %ge3A_292 : i1 to i32
      %cond3A_294 = arith.constant 0 : i32
      %cond3A_295 = arith.cmpi ne, %convert_element_type3A_293, %cond3A_294 : i32
      scf.if %cond3A_295 {
        %mul3A_303 = arith.constant 80 : i32
        %mul3A_304 = arith.muli %rem3A_256, %mul3A_303 : i32
        %multiple_of3A_305 = tpu.assume_multiple %mul3A_304, 80 : i32
        %dma_wait3A_306 = arith.constant 0 : i32
        %dma_wait3A_307 = tpu.memref_slice %arg12[%multiple_of3A_305, %dma_wait3A_306] : memref<320x128xf32, #tpu.memory_space<vmem>> -> memref<80x128xf32, #tpu.memory_space<vmem>>
        %dma_wait3A_308 = arith.constant 0 : i32
        %dma_wait3A_309 = tpu.memref_slice %arg9[%rem3A_256, %dma_wait3A_308] : memref<4x80xi32, #tpu.memory_space<vmem>> -> memref<1x80xi32, #tpu.memory_space<vmem>>
        %dma_wait3A_310 = tpu.memref_squeeze %dma_wait3A_309 : memref<1x80xi32, #tpu.memory_space<vmem>> -> memref<80xi32, #tpu.memory_space<vmem>>
        %dma_wait3A_311 = arith.constant 0 : i32
        %dma_wait3A_312 = arith.constant 0 : i32
        %dma_wait3A_313 = tpu.memref_slice %arg13[%dma_wait3A_311, %dma_wait3A_312] : memref<10240x128xf32, #tpu.memory_space<vmem_shared>> -> memref<10240x128xf32, #tpu.memory_space<vmem_shared>>
        %dma_wait3A_314 = tpu.memref_slice %arg15[%rem3A_256] : memref<4x!tpu.dma_semaphore, #tpu.memory_space<semaphore_mem>> -> memref<1x!tpu.dma_semaphore, #tpu.memory_space<semaphore_mem>>
        %dma_wait3A_315 = tpu.memref_squeeze %dma_wait3A_314 : memref<1x!tpu.dma_semaphore, #tpu.memory_space<semaphore_mem>> -> memref<!tpu.dma_semaphore, #tpu.memory_space<semaphore_mem>>
        tpu.wait_indirect_dma semaphore(%dma_wait3A_315 : memref<!tpu.dma_semaphore, #tpu.memory_space<semaphore_mem>>) src(%dma_wait3A_307 : memref<80x128xf32, #tpu.memory_space<vmem>>) dst(%dma_wait3A_313 : memref<10240x128xf32, #tpu.memory_space<vmem_shared>>)
      } else {
      }
      %add3A_296 = arith.constant 2 : i32
      %add3A_297 = arith.addi %scan3A_247, %add3A_296 : i32
      %lt3A_298 = arith.constant 125 : i32
      %lt3A_299 = arith.cmpi slt, %add3A_297, %lt3A_298 : i32
      %convert_element_type3A_300 = arith.extui %lt3A_299 : i1 to i32
      %cond3A_301 = arith.constant 0 : i32
      %cond3A_302 = arith.cmpi ne, %convert_element_type3A_300, %cond3A_301 : i32
      scf.if %cond3A_302 {
        %add3A_303 = arith.constant 2 : i32
        %add3A_304 = arith.addi %scan3A_247, %add3A_303 : i32
        %mul3A_305 = arith.constant 80 : i32
        %mul3A_306 = arith.muli %add3A_304, %mul3A_305 : i32
        %add3A_307 = arith.addi %mul3A_2, %mul3A_306 : i32
        %dma_start3A_308 = arith.constant 0 : i32
        %dma_start3A_309 = tpu.memref_slice %arg8[%rem3A_256, %dma_start3A_308] : memref<4x80xi32, #tpu.memory_space<vmem>> -> memref<1x80xi32, #tpu.memory_space<vmem>>
        %dma_start3A_310 = tpu.memref_squeeze %dma_start3A_309 : memref<1x80xi32, #tpu.memory_space<vmem>> -> memref<80xi32, #tpu.memory_space<vmem>>
        %dma_start3A_311 = tpu.memref_slice %arg4[%add3A_307] : memref<320000xi32, #tpu.memory_space<hbm>> -> memref<80xi32, #tpu.memory_space<hbm>>
        %dma_start3A_312 = tpu.memref_slice %arg16[%rem3A_256] : memref<4x!tpu.dma_semaphore, #tpu.memory_space<semaphore_mem>> -> memref<1x!tpu.dma_semaphore, #tpu.memory_space<semaphore_mem>>
        %dma_start3A_313 = tpu.memref_squeeze %dma_start3A_312 : memref<1x!tpu.dma_semaphore, #tpu.memory_space<semaphore_mem>> -> memref<!tpu.dma_semaphore, #tpu.memory_space<semaphore_mem>>
        %dma_start3A_314 = arith.constant 0 : i32
        %dma_start3A_315 = tpu.memref_slice %arg8[%rem3A_256, %dma_start3A_314] : memref<4x80xi32, #tpu.memory_space<vmem>> -> memref<1x80xi32, #tpu.memory_space<vmem>>
        %dma_start3A_316 = tpu.memref_squeeze %dma_start3A_315 : memref<1x80xi32, #tpu.memory_space<vmem>> -> memref<80xi32, #tpu.memory_space<vmem>>
        %dma_start3A_317 = tpu.memref_slice %arg4[%add3A_307] : memref<320000xi32, #tpu.memory_space<hbm>> -> memref<80xi32, #tpu.memory_space<hbm>>
        tpu.enqueue_dma source(%dma_start3A_317 : memref<80xi32, #tpu.memory_space<hbm>>) target(%dma_start3A_316 : memref<80xi32, #tpu.memory_space<vmem>>) target_semaphore(%dma_start3A_313 : memref<!tpu.dma_semaphore, #tpu.memory_space<semaphore_mem>>)
        %dma_start3A_318 = arith.constant 0 : i32
        %dma_start3A_319 = tpu.memref_slice %arg9[%rem3A_256, %dma_start3A_318] : memref<4x80xi32, #tpu.memory_space<vmem>> -> memref<1x80xi32, #tpu.memory_space<vmem>>
        %dma_start3A_320 = tpu.memref_squeeze %dma_start3A_319 : memref<1x80xi32, #tpu.memory_space<vmem>> -> memref<80xi32, #tpu.memory_space<vmem>>
        %dma_start3A_321 = tpu.memref_slice %arg5[%add3A_307] : memref<320000xi32, #tpu.memory_space<hbm>> -> memref<80xi32, #tpu.memory_space<hbm>>
        %dma_start3A_322 = tpu.memref_slice %arg16[%rem3A_256] : memref<4x!tpu.dma_semaphore, #tpu.memory_space<semaphore_mem>> -> memref<1x!tpu.dma_semaphore, #tpu.memory_space<semaphore_mem>>
        %dma_start3A_323 = tpu.memref_squeeze %dma_start3A_322 : memref<1x!tpu.dma_semaphore, #tpu.memory_space<semaphore_mem>> -> memref<!tpu.dma_semaphore, #tpu.memory_space<semaphore_mem>>
        %dma_start3A_324 = arith.constant 0 : i32
        %dma_start3A_325 = tpu.memref_slice %arg9[%rem3A_256, %dma_start3A_324] : memref<4x80xi32, #tpu.memory_space<vmem>> -> memref<1x80xi32, #tpu.memory_space<vmem>>
        %dma_start3A_326 = tpu.memref_squeeze %dma_start3A_325 : memref<1x80xi32, #tpu.memory_space<vmem>> -> memref<80xi32, #tpu.memory_space<vmem>>
        %dma_start3A_327 = tpu.memref_slice %arg5[%add3A_307] : memref<320000xi32, #tpu.memory_space<hbm>> -> memref<80xi32, #tpu.memory_space<hbm>>
        tpu.enqueue_dma source(%dma_start3A_327 : memref<80xi32, #tpu.memory_space<hbm>>) target(%dma_start3A_326 : memref<80xi32, #tpu.memory_space<vmem>>) target_semaphore(%dma_start3A_323 : memref<!tpu.dma_semaphore, #tpu.memory_space<semaphore_mem>>)
        %dma_start3A_328 = arith.constant 0 : i32
        %dma_start3A_329 = tpu.memref_slice %arg10[%rem3A_256, %dma_start3A_328] : memref<4x80xi32, #tpu.memory_space<vmem>> -> memref<1x80xi32, #tpu.memory_space<vmem>>
        %dma_start3A_330 = tpu.memref_squeeze %dma_start3A_329 : memref<1x80xi32, #tpu.memory_space<vmem>> -> memref<80xi32, #tpu.memory_space<vmem>>
        %dma_start3A_331 = tpu.memref_slice %arg6[%add3A_307] : memref<320000xi32, #tpu.memory_space<hbm>> -> memref<80xi32, #tpu.memory_space<hbm>>
        %dma_start3A_332 = tpu.memref_slice %arg16[%rem3A_256] : memref<4x!tpu.dma_semaphore, #tpu.memory_space<semaphore_mem>> -> memref<1x!tpu.dma_semaphore, #tpu.memory_space<semaphore_mem>>
        %dma_start3A_333 = tpu.memref_squeeze %dma_start3A_332 : memref<1x!tpu.dma_semaphore, #tpu.memory_space<semaphore_mem>> -> memref<!tpu.dma_semaphore, #tpu.memory_space<semaphore_mem>>
        %dma_start3A_334 = arith.constant 0 : i32
        %dma_start3A_335 = tpu.memref_slice %arg10[%rem3A_256, %dma_start3A_334] : memref<4x80xi32, #tpu.memory_space<vmem>> -> memref<1x80xi32, #tpu.memory_space<vmem>>
        %dma_start3A_336 = tpu.memref_squeeze %dma_start3A_335 : memref<1x80xi32, #tpu.memory_space<vmem>> -> memref<80xi32, #tpu.memory_space<vmem>>
        %dma_start3A_337 = tpu.memref_slice %arg6[%add3A_307] : memref<320000xi32, #tpu.memory_space<hbm>> -> memref<80xi32, #tpu.memory_space<hbm>>
        tpu.enqueue_dma source(%dma_start3A_337 : memref<80xi32, #tpu.memory_space<hbm>>) target(%dma_start3A_336 : memref<80xi32, #tpu.memory_space<vmem>>) target_semaphore(%dma_start3A_333 : memref<!tpu.dma_semaphore, #tpu.memory_space<semaphore_mem>>)
      } else {
      }
    }
    %scan3A_187 = arith.constant 125 : i32
    %multiple_of3A_188 = arith.constant 240 : i32
    %multiple_of3A_189 = tpu.assume_multiple %multiple_of3A_188, 80 : i32
    %dma_wait3A_190 = arith.constant 3 : i32
    %dma_wait3A_191 = arith.constant 3 : i32
    %dma_wait3A_192 = arith.constant 0 : i32
    %dma_wait3A_193 = tpu.memref_slice %arg12[%multiple_of3A_189, %dma_wait3A_192] : memref<320x128xf32, #tpu.memory_space<vmem>> -> memref<80x128xf32, #tpu.memory_space<vmem>>
    %dma_wait3A_194 = arith.constant 0 : i32
    %dma_wait3A_195 = tpu.memref_slice %arg9[%dma_wait3A_190, %dma_wait3A_194] : memref<4x80xi32, #tpu.memory_space<vmem>> -> memref<1x80xi32, #tpu.memory_space<vmem>>
    %dma_wait3A_196 = tpu.memref_squeeze %dma_wait3A_195 : memref<1x80xi32, #tpu.memory_space<vmem>> -> memref<80xi32, #tpu.memory_space<vmem>>
    %dma_wait3A_197 = arith.constant 0 : i32
    %dma_wait3A_198 = arith.constant 0 : i32
    %dma_wait3A_199 = tpu.memref_slice %arg13[%dma_wait3A_197, %dma_wait3A_198] : memref<10240x128xf32, #tpu.memory_space<vmem_shared>> -> memref<10240x128xf32, #tpu.memory_space<vmem_shared>>
    %dma_wait3A_200 = tpu.memref_slice %arg15[%dma_wait3A_191] : memref<4x!tpu.dma_semaphore, #tpu.memory_space<semaphore_mem>> -> memref<1x!tpu.dma_semaphore, #tpu.memory_space<semaphore_mem>>
    %dma_wait3A_201 = tpu.memref_squeeze %dma_wait3A_200 : memref<1x!tpu.dma_semaphore, #tpu.memory_space<semaphore_mem>> -> memref<!tpu.dma_semaphore, #tpu.memory_space<semaphore_mem>>
    tpu.wait_indirect_dma semaphore(%dma_wait3A_201 : memref<!tpu.dma_semaphore, #tpu.memory_space<semaphore_mem>>) src(%dma_wait3A_193 : memref<80x128xf32, #tpu.memory_space<vmem>>) dst(%dma_wait3A_199 : memref<10240x128xf32, #tpu.memory_space<vmem_shared>>)
    %multiple_of3A_202 = arith.constant 0 : i32
    %multiple_of3A_203 = tpu.assume_multiple %multiple_of3A_202, 80 : i32
    %dma_wait3A_204 = arith.constant 0 : i32
    %dma_wait3A_205 = arith.constant 0 : i32
    %dma_wait3A_206 = arith.constant 0 : i32
    %dma_wait3A_207 = tpu.memref_slice %arg12[%multiple_of3A_203, %dma_wait3A_206] : memref<320x128xf32, #tpu.memory_space<vmem>> -> memref<80x128xf32, #tpu.memory_space<vmem>>
    %dma_wait3A_208 = arith.constant 0 : i32
    %dma_wait3A_209 = tpu.memref_slice %arg9[%dma_wait3A_204, %dma_wait3A_208] : memref<4x80xi32, #tpu.memory_space<vmem>> -> memref<1x80xi32, #tpu.memory_space<vmem>>
    %dma_wait3A_210 = tpu.memref_squeeze %dma_wait3A_209 : memref<1x80xi32, #tpu.memory_space<vmem>> -> memref<80xi32, #tpu.memory_space<vmem>>
    %dma_wait3A_211 = arith.constant 0 : i32
    %dma_wait3A_212 = arith.constant 0 : i32
    %dma_wait3A_213 = tpu.memref_slice %arg13[%dma_wait3A_211, %dma_wait3A_212] : memref<10240x128xf32, #tpu.memory_space<vmem_shared>> -> memref<10240x128xf32, #tpu.memory_space<vmem_shared>>
    %dma_wait3A_214 = tpu.memref_slice %arg15[%dma_wait3A_205] : memref<4x!tpu.dma_semaphore, #tpu.memory_space<semaphore_mem>> -> memref<1x!tpu.dma_semaphore, #tpu.memory_space<semaphore_mem>>
    %dma_wait3A_215 = tpu.memref_squeeze %dma_wait3A_214 : memref<1x!tpu.dma_semaphore, #tpu.memory_space<semaphore_mem>> -> memref<!tpu.dma_semaphore, #tpu.memory_space<semaphore_mem>>
    tpu.wait_indirect_dma semaphore(%dma_wait3A_215 : memref<!tpu.dma_semaphore, #tpu.memory_space<semaphore_mem>>) src(%dma_wait3A_207 : memref<80x128xf32, #tpu.memory_space<vmem>>) dst(%dma_wait3A_213 : memref<10240x128xf32, #tpu.memory_space<vmem_shared>>)
    %barrier3A_216 = arith.constant 0 : index
    tpu.barrier barrier_id(%barrier3A_216)
    %mul3A_217 = arith.constant 5 : i32
    %mul3A_218 = arith.muli %arg1, %mul3A_217 : i32
    %add3A_219 = arith.constant 0 : i32
    %add3A_220 = arith.addi %mul3A_218, %add3A_219 : i32
    %mul3A_221 = arith.constant 128 : i32
    %mul3A_222 = arith.muli %add3A_220, %mul3A_221 : i32
    "tpu.region"() ({
      %run_scoped3A = tpu.sem_alloc : memref<!tpu.dma_semaphore, #tpu.memory_space<semaphore_mem>>
      %dma_start3A_247 = arith.constant 0 : i32
      %dma_start3A_248 = tpu.memref_slice %arg7[%arg0, %mul3A_222, %dma_start3A_247] : memref<2x10240x128xf32, #tpu.memory_space<hbm>> -> memref<1x128x128xf32, #tpu.memory_space<hbm>>
      %dma_start3A_249 = tpu.memref_squeeze %dma_start3A_248 : memref<1x128x128xf32, #tpu.memory_space<hbm>> -> memref<128x128xf32, #tpu.memory_space<hbm>>
      %dma_start3A_250 = arith.constant 0 : i32
      %dma_start3A_251 = tpu.memref_slice %arg13[%mul3A_222, %dma_start3A_250] : memref<10240x128xf32, #tpu.memory_space<vmem_shared>> -> memref<128x128xf32, #tpu.memory_space<vmem_shared>>
      tpu.enqueue_dma source(%dma_start3A_251 : memref<128x128xf32, #tpu.memory_space<vmem_shared>>) target(%dma_start3A_249 : memref<128x128xf32, #tpu.memory_space<hbm>>) target_semaphore(%run_scoped3A : memref<!tpu.dma_semaphore, #tpu.memory_space<semaphore_mem>>)
      %dma_wait3A_252 = arith.constant 0 : i32
      %dma_wait3A_253 = tpu.memref_slice %arg7[%arg0, %mul3A_222, %dma_wait3A_252] : memref<2x10240x128xf32, #tpu.memory_space<hbm>> -> memref<1x128x128xf32, #tpu.memory_space<hbm>>
      %dma_wait3A_254 = tpu.memref_squeeze %dma_wait3A_253 : memref<1x128x128xf32, #tpu.memory_space<hbm>> -> memref<128x128xf32, #tpu.memory_space<hbm>>
      %dma_wait3A_255 = arith.constant 0 : i32
      %dma_wait3A_256 = tpu.memref_slice %arg13[%mul3A_222, %dma_wait3A_255] : memref<10240x128xf32, #tpu.memory_space<vmem_shared>> -> memref<128x128xf32, #tpu.memory_space<vmem_shared>>
      tpu.wait_dma2 semaphore(%run_scoped3A : memref<!tpu.dma_semaphore, #tpu.memory_space<semaphore_mem>>) src(%dma_wait3A_256 : memref<128x128xf32, #tpu.memory_space<vmem_shared>>) dst(%dma_wait3A_254 : memref<128x128xf32, #tpu.memory_space<hbm>>)
      tpu.yield
    }) : () -> ()
    %mul3A_223 = arith.constant 5 : i32
    %mul3A_224 = arith.muli %arg1, %mul3A_223 : i32
    %add3A_225 = arith.constant 1 : i32
    %add3A_226 = arith.addi %mul3A_224, %add3A_225 : i32
    %mul3A_227 = arith.constant 128 : i32
    %mul3A_228 = arith.muli %add3A_226, %mul3A_227 : i32
    "tpu.region"() ({
      %run_scoped3A = tpu.sem_alloc : memref<!tpu.dma_semaphore, #tpu.memory_space<semaphore_mem>>
      %dma_start3A_247 = arith.constant 0 : i32
      %dma_start3A_248 = tpu.memref_slice %arg7[%arg0, %mul3A_228, %dma_start3A_247] : memref<2x10240x128xf32, #tpu.memory_space<hbm>> -> memref<1x128x128xf32, #tpu.memory_space<hbm>>
      %dma_start3A_249 = tpu.memref_squeeze %dma_start3A_248 : memref<1x128x128xf32, #tpu.memory_space<hbm>> -> memref<128x128xf32, #tpu.memory_space<hbm>>
      %dma_start3A_250 = arith.constant 0 : i32
      %dma_start3A_251 = tpu.memref_slice %arg13[%mul3A_228, %dma_start3A_250] : memref<10240x128xf32, #tpu.memory_space<vmem_shared>> -> memref<128x128xf32, #tpu.memory_space<vmem_shared>>
      tpu.enqueue_dma source(%dma_start3A_251 : memref<128x128xf32, #tpu.memory_space<vmem_shared>>) target(%dma_start3A_249 : memref<128x128xf32, #tpu.memory_space<hbm>>) target_semaphore(%run_scoped3A : memref<!tpu.dma_semaphore, #tpu.memory_space<semaphore_mem>>)
      %dma_wait3A_252 = arith.constant 0 : i32
      %dma_wait3A_253 = tpu.memref_slice %arg7[%arg0, %mul3A_228, %dma_wait3A_252] : memref<2x10240x128xf32, #tpu.memory_space<hbm>> -> memref<1x128x128xf32, #tpu.memory_space<hbm>>
      %dma_wait3A_254 = tpu.memref_squeeze %dma_wait3A_253 : memref<1x128x128xf32, #tpu.memory_space<hbm>> -> memref<128x128xf32, #tpu.memory_space<hbm>>
      %dma_wait3A_255 = arith.constant 0 : i32
      %dma_wait3A_256 = tpu.memref_slice %arg13[%mul3A_228, %dma_wait3A_255] : memref<10240x128xf32, #tpu.memory_space<vmem_shared>> -> memref<128x128xf32, #tpu.memory_space<vmem_shared>>
      tpu.wait_dma2 semaphore(%run_scoped3A : memref<!tpu.dma_semaphore, #tpu.memory_space<semaphore_mem>>) src(%dma_wait3A_256 : memref<128x128xf32, #tpu.memory_space<vmem_shared>>) dst(%dma_wait3A_254 : memref<128x128xf32, #tpu.memory_space<hbm>>)
      tpu.yield
    }) : () -> ()
    %mul3A_229 = arith.constant 5 : i32
    %mul3A_230 = arith.muli %arg1, %mul3A_229 : i32
    %add3A_231 = arith.constant 2 : i32
    %add3A_232 = arith.addi %mul3A_230, %add3A_231 : i32
    %mul3A_233 = arith.constant 128 : i32
    %mul3A_234 = arith.muli %add3A_232, %mul3A_233 : i32
    "tpu.region"() ({
      %run_scoped3A = tpu.sem_alloc : memref<!tpu.dma_semaphore, #tpu.memory_space<semaphore_mem>>
      %dma_start3A_247 = arith.constant 0 : i32
      %dma_start3A_248 = tpu.memref_slice %arg7[%arg0, %mul3A_234, %dma_start3A_247] : memref<2x10240x128xf32, #tpu.memory_space<hbm>> -> memref<1x128x128xf32, #tpu.memory_space<hbm>>
      %dma_start3A_249 = tpu.memref_squeeze %dma_start3A_248 : memref<1x128x128xf32, #tpu.memory_space<hbm>> -> memref<128x128xf32, #tpu.memory_space<hbm>>
      %dma_start3A_250 = arith.constant 0 : i32
      %dma_start3A_251 = tpu.memref_slice %arg13[%mul3A_234, %dma_start3A_250] : memref<10240x128xf32, #tpu.memory_space<vmem_shared>> -> memref<128x128xf32, #tpu.memory_space<vmem_shared>>
      tpu.enqueue_dma source(%dma_start3A_251 : memref<128x128xf32, #tpu.memory_space<vmem_shared>>) target(%dma_start3A_249 : memref<128x128xf32, #tpu.memory_space<hbm>>) target_semaphore(%run_scoped3A : memref<!tpu.dma_semaphore, #tpu.memory_space<semaphore_mem>>)
      %dma_wait3A_252 = arith.constant 0 : i32
      %dma_wait3A_253 = tpu.memref_slice %arg7[%arg0, %mul3A_234, %dma_wait3A_252] : memref<2x10240x128xf32, #tpu.memory_space<hbm>> -> memref<1x128x128xf32, #tpu.memory_space<hbm>>
      %dma_wait3A_254 = tpu.memref_squeeze %dma_wait3A_253 : memref<1x128x128xf32, #tpu.memory_space<hbm>> -> memref<128x128xf32, #tpu.memory_space<hbm>>
      %dma_wait3A_255 = arith.constant 0 : i32
      %dma_wait3A_256 = tpu.memref_slice %arg13[%mul3A_234, %dma_wait3A_255] : memref<10240x128xf32, #tpu.memory_space<vmem_shared>> -> memref<128x128xf32, #tpu.memory_space<vmem_shared>>
      tpu.wait_dma2 semaphore(%run_scoped3A : memref<!tpu.dma_semaphore, #tpu.memory_space<semaphore_mem>>) src(%dma_wait3A_256 : memref<128x128xf32, #tpu.memory_space<vmem_shared>>) dst(%dma_wait3A_254 : memref<128x128xf32, #tpu.memory_space<hbm>>)
      tpu.yield
    }) : () -> ()
    %mul3A_235 = arith.constant 5 : i32
    %mul3A_236 = arith.muli %arg1, %mul3A_235 : i32
    %add3A_237 = arith.constant 3 : i32
    %add3A_238 = arith.addi %mul3A_236, %add3A_237 : i32
    %mul3A_239 = arith.constant 128 : i32
    %mul3A_240 = arith.muli %add3A_238, %mul3A_239 : i32
    "tpu.region"() ({
      %run_scoped3A = tpu.sem_alloc : memref<!tpu.dma_semaphore, #tpu.memory_space<semaphore_mem>>
      %dma_start3A_247 = arith.constant 0 : i32
      %dma_start3A_248 = tpu.memref_slice %arg7[%arg0, %mul3A_240, %dma_start3A_247] : memref<2x10240x128xf32, #tpu.memory_space<hbm>> -> memref<1x128x128xf32, #tpu.memory_space<hbm>>
      %dma_start3A_249 = tpu.memref_squeeze %dma_start3A_248 : memref<1x128x128xf32, #tpu.memory_space<hbm>> -> memref<128x128xf32, #tpu.memory_space<hbm>>
      %dma_start3A_250 = arith.constant 0 : i32
      %dma_start3A_251 = tpu.memref_slice %arg13[%mul3A_240, %dma_start3A_250] : memref<10240x128xf32, #tpu.memory_space<vmem_shared>> -> memref<128x128xf32, #tpu.memory_space<vmem_shared>>
      tpu.enqueue_dma source(%dma_start3A_251 : memref<128x128xf32, #tpu.memory_space<vmem_shared>>) target(%dma_start3A_249 : memref<128x128xf32, #tpu.memory_space<hbm>>) target_semaphore(%run_scoped3A : memref<!tpu.dma_semaphore, #tpu.memory_space<semaphore_mem>>)
      %dma_wait3A_252 = arith.constant 0 : i32
      %dma_wait3A_253 = tpu.memref_slice %arg7[%arg0, %mul3A_240, %dma_wait3A_252] : memref<2x10240x128xf32, #tpu.memory_space<hbm>> -> memref<1x128x128xf32, #tpu.memory_space<hbm>>
      %dma_wait3A_254 = tpu.memref_squeeze %dma_wait3A_253 : memref<1x128x128xf32, #tpu.memory_space<hbm>> -> memref<128x128xf32, #tpu.memory_space<hbm>>
      %dma_wait3A_255 = arith.constant 0 : i32
      %dma_wait3A_256 = tpu.memref_slice %arg13[%mul3A_240, %dma_wait3A_255] : memref<10240x128xf32, #tpu.memory_space<vmem_shared>> -> memref<128x128xf32, #tpu.memory_space<vmem_shared>>
      tpu.wait_dma2 semaphore(%run_scoped3A : memref<!tpu.dma_semaphore, #tpu.memory_space<semaphore_mem>>) src(%dma_wait3A_256 : memref<128x128xf32, #tpu.memory_space<vmem_shared>>) dst(%dma_wait3A_254 : memref<128x128xf32, #tpu.memory_space<hbm>>)
      tpu.yield
    }) : () -> ()
    %mul3A_241 = arith.constant 5 : i32
    %mul3A_242 = arith.muli %arg1, %mul3A_241 : i32
    %add3A_243 = arith.constant 4 : i32
    %add3A_244 = arith.addi %mul3A_242, %add3A_243 : i32
    %mul3A_245 = arith.constant 128 : i32
    %mul3A_246 = arith.muli %add3A_244, %mul3A_245 : i32
    "tpu.region"() ({
      %run_scoped3A = tpu.sem_alloc : memref<!tpu.dma_semaphore, #tpu.memory_space<semaphore_mem>>
      %dma_start3A_247 = arith.constant 0 : i32
      %dma_start3A_248 = tpu.memref_slice %arg7[%arg0, %mul3A_246, %dma_start3A_247] : memref<2x10240x128xf32, #tpu.memory_space<hbm>> -> memref<1x128x128xf32, #tpu.memory_space<hbm>>
      %dma_start3A_249 = tpu.memref_squeeze %dma_start3A_248 : memref<1x128x128xf32, #tpu.memory_space<hbm>> -> memref<128x128xf32, #tpu.memory_space<hbm>>
      %dma_start3A_250 = arith.constant 0 : i32
      %dma_start3A_251 = tpu.memref_slice %arg13[%mul3A_246, %dma_start3A_250] : memref<10240x128xf32, #tpu.memory_space<vmem_shared>> -> memref<128x128xf32, #tpu.memory_space<vmem_shared>>
      tpu.enqueue_dma source(%dma_start3A_251 : memref<128x128xf32, #tpu.memory_space<vmem_shared>>) target(%dma_start3A_249 : memref<128x128xf32, #tpu.memory_space<hbm>>) target_semaphore(%run_scoped3A : memref<!tpu.dma_semaphore, #tpu.memory_space<semaphore_mem>>)
      %dma_wait3A_252 = arith.constant 0 : i32
      %dma_wait3A_253 = tpu.memref_slice %arg7[%arg0, %mul3A_246, %dma_wait3A_252] : memref<2x10240x128xf32, #tpu.memory_space<hbm>> -> memref<1x128x128xf32, #tpu.memory_space<hbm>>
      %dma_wait3A_254 = tpu.memref_squeeze %dma_wait3A_253 : memref<1x128x128xf32, #tpu.memory_space<hbm>> -> memref<128x128xf32, #tpu.memory_space<hbm>>
      %dma_wait3A_255 = arith.constant 0 : i32
      %dma_wait3A_256 = tpu.memref_slice %arg13[%mul3A_246, %dma_wait3A_255] : memref<10240x128xf32, #tpu.memory_space<vmem_shared>> -> memref<128x128xf32, #tpu.memory_space<vmem_shared>>
      tpu.wait_dma2 semaphore(%run_scoped3A : memref<!tpu.dma_semaphore, #tpu.memory_space<semaphore_mem>>) src(%dma_wait3A_256 : memref<128x128xf32, #tpu.memory_space<vmem_shared>>) dst(%dma_wait3A_254 : memref<128x128xf32, #tpu.memory_space<hbm>>)
      tpu.yield
    }) : () -> ()
    return
  }
}

module attributes {stable_mosaic.version = 14 : i64} {
  func.func @_prep_body(%arg0: i32, %arg1: memref<3x32000xi32, #tpu.memory_space<vmem>>, %arg2: memref<16x8xf32, #tpu.memory_space<vmem>>, %arg3: memref<8x128xf32, #tpu.memory_space<vmem>>, %arg4: memref<1x128xf32, #tpu.memory_space<vmem>>, %arg5: memref<1x32000xi32, #tpu.memory_space<vmem>>, %arg6: memref<16x128xf32, #tpu.memory_space<vmem>>) attributes {dimension_semantics = [#tpu.dimension_semantics<arbitrary>], iteration_bounds = array<i64: 10>, scalar_prefetch = 0 : i64, scratch_operands = 0 : i64, tpu.core_type = #tpu.core_type<tc>, window_params = [{transform_indices = @transform_0, window_bounds = array<i64: 3, 32000>}, {pipeline_mode = #tpu.pipeline_mode<synchronous>, transform_indices = @transform_1, window_bounds = array<i64: 16, 8>}, {pipeline_mode = #tpu.pipeline_mode<synchronous>, transform_indices = @transform_2, window_bounds = array<i64: 8, 128>}, {pipeline_mode = #tpu.pipeline_mode<synchronous>, transform_indices = @transform_3, window_bounds = array<i64: 1, 128>}, {transform_indices = @transform_4, window_bounds = array<i64: 1, 32000>}, {pipeline_mode = #tpu.pipeline_mode<synchronous>, transform_indices = @transform_5, window_bounds = array<i64: 16, 128>}]} {
    %get3A = arith.constant 0 : index
    %get3A_0 = arith.constant 0 : index
    %get3A_1 = vector.load %arg1[%get3A, %get3A_0] : memref<3x32000xi32, #tpu.memory_space<vmem>>, vector<3x32000xi32>
    %slice3A = vector.extract_strided_slice %get3A_1 {offsets = [0, 0], sizes = [1, 32000], strides = [1, 1]} : vector<3x32000xi32> to vector<1x32000xi32>
    %slice3A_2 = vector.extract_strided_slice %get3A_1 {offsets = [1, 0], sizes = [1, 32000], strides = [1, 1]} : vector<3x32000xi32> to vector<1x32000xi32>
    %mul3A = arith.constant 3 : i32
    %mul3A_3 = vector.broadcast %mul3A : i32 to vector<1x32000xi32>
    %mul3A_4 = arith.muli %mul3A_3, %slice3A_2 : vector<1x32000xi32>
    %add3A = arith.addi %slice3A, %mul3A_4 : vector<1x32000xi32>
    %slice3A_5 = vector.extract_strided_slice %get3A_1 {offsets = [2, 0], sizes = [1, 32000], strides = [1, 1]} : vector<3x32000xi32> to vector<1x32000xi32>
    %mul3A_6 = arith.constant 7 : i32
    %mul3A_7 = vector.broadcast %mul3A_6 : i32 to vector<1x32000xi32>
    %mul3A_8 = arith.muli %mul3A_7, %slice3A_5 : vector<1x32000xi32>
    %add3A_9 = arith.addi %add3A, %mul3A_8 : vector<1x32000xi32>
    %and3A = arith.constant 15 : i32
    %and3A_10 = vector.broadcast %and3A : i32 to vector<1x32000xi32>
    %and3A_11 = arith.andi %add3A_9, %and3A_10 : vector<1x32000xi32>
    %swap3A = arith.constant 0 : index
    %swap3A_12 = arith.constant 0 : index
    %swap3A_13 = vector.load %arg5[%swap3A, %swap3A_12] : memref<1x32000xi32, #tpu.memory_space<vmem>>, vector<1x32000xi32>
    tpu.vector_store %arg5[%swap3A, %swap3A_12], %and3A_11 {strides = array<i32>} : memref<1x32000xi32, #tpu.memory_space<vmem>>, vector<1x32000xi32>,
    %eq3A = arith.constant 0 : i32
    %eq3A_14 = arith.cmpi eq, %arg0, %eq3A : i32
    %convert_element_type3A = arith.extui %eq3A_14 : i1 to i32
    %cond3A = arith.constant 0 : i32
    %cond3A_15 = arith.cmpi ne, %convert_element_type3A, %cond3A : i32
    scf.if %cond3A_15 {
      %get3A_16 = arith.constant 0 : index
      %get3A_17 = arith.constant 0 : index
      %get3A_18 = vector.load %arg2[%get3A_16, %get3A_17] : memref<16x8xf32, #tpu.memory_space<vmem>>, vector<16x8xf32>
      %get3A_19 = arith.constant 0 : index
      %get3A_20 = arith.constant 0 : index
      %get3A_21 = vector.load %arg3[%get3A_19, %get3A_20] : memref<8x128xf32, #tpu.memory_space<vmem>>, vector<8x128xf32>
      %dot_general3A = arith.constant dense<0.000000e+00> : vector<16x128xf32>
      %dot_general3A_22 = tpu.matmul %get3A_18, %get3A_21, %dot_general3A {dimension_numbers = #tpu.dot_dimension_numbers<[1], [0], [0], [1], [0, 0, 1, 1], [], []>, transpose_lhs_hint = false} : vector<16x8xf32>, vector<8x128xf32>, vector<16x128xf32> -> vector<16x128xf32>
      %get3A_23 = arith.constant 0 : index
      %get3A_24 = arith.constant 0 : index
      %get3A_25 = vector.load %arg4[%get3A_23, %get3A_24] : memref<1x128xf32, #tpu.memory_space<vmem>>, vector<1x128xf32>
      %add3A_26 = vector.broadcast %get3A_25 : vector<1x128xf32> to vector<16x128xf32>
      %add3A_27 = arith.addf %dot_general3A_22, %add3A_26 : vector<16x128xf32>
      %swap3A_28 = arith.constant 0 : index
      %swap3A_29 = arith.constant 0 : index
      %swap3A_30 = vector.load %arg6[%swap3A_28, %swap3A_29] : memref<16x128xf32, #tpu.memory_space<vmem>>, vector<16x128xf32>
      tpu.vector_store %arg6[%swap3A_28, %swap3A_29], %add3A_27 {strides = array<i32>} : memref<16x128xf32, #tpu.memory_space<vmem>>, vector<16x128xf32>,
    } else {
    }
    return
  }
  func.func @transform_0(%arg0: i32) -> (i32, i32) {
    %c0_i32 = arith.constant 0 : i32
    %c0_i32_0 = arith.constant 0 : i32
    return %c0_i32, %arg0 : i32, i32
  }
  func.func @transform_1(%arg0: i32) -> (i32, i32) {
    %c0_i32 = arith.constant 0 : i32
    %c0_i32_0 = arith.constant 0 : i32
    %c0_i32_1 = arith.constant 0 : i32
    return %c0_i32, %c0_i32_0 : i32, i32
  }
  func.func @transform_2(%arg0: i32) -> (i32, i32) {
    %c0_i32 = arith.constant 0 : i32
    %c0_i32_0 = arith.constant 0 : i32
    %c0_i32_1 = arith.constant 0 : i32
    return %c0_i32, %c0_i32_0 : i32, i32
  }
  func.func @transform_3(%arg0: i32) -> (i32, i32) {
    %c0_i32 = arith.constant 0 : i32
    %c0_i32_0 = arith.constant 0 : i32
    %c0_i32_1 = arith.constant 0 : i32
    return %c0_i32, %c0_i32_0 : i32, i32
  }
  func.func @transform_4(%arg0: i32) -> (i32, i32) {
    %c0_i32 = arith.constant 0 : i32
    %c0_i32_0 = arith.constant 0 : i32
    return %c0_i32, %arg0 : i32, i32
  }
  func.func @transform_5(%arg0: i32) -> (i32, i32) {
    %c0_i32 = arith.constant 0 : i32
    %c0_i32_0 = arith.constant 0 : i32
    %c0_i32_1 = arith.constant 0 : i32
    return %c0_i32, %c0_i32_0 : i32, i32
  }
}

module attributes {stable_mosaic.version = 14 : i64} {
  func.func @_mlp_body(%arg0: i32, %arg1: memref<2000x128xf32, #tpu.memory_space<vmem>>, %arg2: memref<2x2000x128xf32, #tpu.memory_space<vmem>>, %arg3: memref<128x128xf32, #tpu.memory_space<vmem>>, %arg4: memref<1x128xf32, #tpu.memory_space<vmem>>, %arg5: memref<128x128xf32, #tpu.memory_space<vmem>>, %arg6: memref<1x128xf32, #tpu.memory_space<vmem>>, %arg7: memref<1x1xf32, #tpu.memory_space<smem>>, %arg8: memref<2000x128xf32, #tpu.memory_space<vmem>>) attributes {dimension_semantics = [#tpu.dimension_semantics<arbitrary>], iteration_bounds = array<i64: 5>, scalar_prefetch = 0 : i64, scratch_operands = 0 : i64, tpu.core_type = #tpu.core_type<tc>, window_params = [{transform_indices = @transform_0, window_bounds = array<i64: 2000, 128>}, {transform_indices = @transform_1, window_bounds = array<i64: 2, 2000, 128>}, {pipeline_mode = #tpu.pipeline_mode<synchronous>, transform_indices = @transform_2, window_bounds = array<i64: 128, 128>}, {pipeline_mode = #tpu.pipeline_mode<synchronous>, transform_indices = @transform_3, window_bounds = array<i64: 1, 128>}, {pipeline_mode = #tpu.pipeline_mode<synchronous>, transform_indices = @transform_4, window_bounds = array<i64: 128, 128>}, {pipeline_mode = #tpu.pipeline_mode<synchronous>, transform_indices = @transform_5, window_bounds = array<i64: 1, 128>}, {transform_indices = @transform_6, window_bounds = array<i64: 1, 1>}, {transform_indices = @transform_7, window_bounds = array<i64: 2000, 128>}]} {
    %get3A = arith.constant 0 : index
    %get3A_0 = arith.constant 0 : index
    %get3A_1 = memref.load %arg7[%get3A, %get3A_0] : memref<1x1xf32, #tpu.memory_space<smem>>
    %add3A = arith.constant 1.000000e+00 : f32
    %add3A_2 = arith.addf %add3A, %get3A_1 : f32
    %get3A_3 = arith.constant 0 : index
    %get3A_4 = arith.constant 0 : index
    %get3A_5 = vector.load %arg1[%get3A_3, %get3A_4] : memref<2000x128xf32, #tpu.memory_space<vmem>>, vector<2000x128xf32>
    %mul3A = vector.broadcast %add3A_2 : f32 to vector<2000x128xf32>
    %mul3A_6 = arith.mulf %mul3A, %get3A_5 : vector<2000x128xf32>
    %get3A_7 = arith.constant 0 : index
    %get3A_8 = arith.constant 0 : index
    %get3A_9 = arith.constant 0 : index
    %get3A_10 = vector.load %arg2[%get3A_7, %get3A_8, %get3A_9] : memref<2x2000x128xf32, #tpu.memory_space<vmem>>, vector<1x2000x128xf32>
    %get3A_11 = vector.shape_cast %get3A_10 : vector<1x2000x128xf32> to vector<2000x128xf32>
    %add3A_12 = arith.addf %mul3A_6, %get3A_11 : vector<2000x128xf32>
    %get3A_13 = arith.constant 1 : index
    %get3A_14 = arith.constant 0 : index
    %get3A_15 = arith.constant 0 : index
    %get3A_16 = vector.load %arg2[%get3A_13, %get3A_14, %get3A_15] : memref<2x2000x128xf32, #tpu.memory_space<vmem>>, vector<1x2000x128xf32>
    %get3A_17 = vector.shape_cast %get3A_16 : vector<1x2000x128xf32> to vector<2000x128xf32>
    %add3A_18 = arith.addf %add3A_12, %get3A_17 : vector<2000x128xf32>
    %get3A_19 = arith.constant 0 : index
    %get3A_20 = arith.constant 0 : index
    %get3A_21 = vector.load %arg3[%get3A_19, %get3A_20] : memref<128x128xf32, #tpu.memory_space<vmem>>, vector<128x128xf32>
    %dot_general3A = arith.constant dense<0.000000e+00> : vector<2000x128xf32>
    %dot_general3A_22 = tpu.matmul %add3A_18, %get3A_21, %dot_general3A {dimension_numbers = #tpu.dot_dimension_numbers<[1], [0], [0], [1], [0, 0, 1, 1], [], []>, transpose_lhs_hint = false} : vector<2000x128xf32>, vector<128x128xf32>, vector<2000x128xf32> -> vector<2000x128xf32>
    %get3A_23 = arith.constant 0 : index
    %get3A_24 = arith.constant 0 : index
    %get3A_25 = vector.load %arg4[%get3A_23, %get3A_24] : memref<1x128xf32, #tpu.memory_space<vmem>>, vector<1x128xf32>
    %add3A_26 = vector.broadcast %get3A_25 : vector<1x128xf32> to vector<2000x128xf32>
    %add3A_27 = arith.addf %dot_general3A_22, %add3A_26 : vector<2000x128xf32>
    %max3A = arith.constant 0.000000e+00 : f32
    %max3A_28 = vector.broadcast %max3A : f32 to vector<2000x128xf32>
    %max3A_29 = arith.maximumf %add3A_27, %max3A_28 : vector<2000x128xf32>
    %get3A_30 = arith.constant 0 : index
    %get3A_31 = arith.constant 0 : index
    %get3A_32 = vector.load %arg5[%get3A_30, %get3A_31] : memref<128x128xf32, #tpu.memory_space<vmem>>, vector<128x128xf32>
    %dot_general3A_33 = arith.constant dense<0.000000e+00> : vector<2000x128xf32>
    %dot_general3A_34 = tpu.matmul %max3A_29, %get3A_32, %dot_general3A_33 {dimension_numbers = #tpu.dot_dimension_numbers<[1], [0], [0], [1], [0, 0, 1, 1], [], []>, transpose_lhs_hint = false} : vector<2000x128xf32>, vector<128x128xf32>, vector<2000x128xf32> -> vector<2000x128xf32>
    %get3A_35 = arith.constant 0 : index
    %get3A_36 = arith.constant 0 : index
    %get3A_37 = vector.load %arg6[%get3A_35, %get3A_36] : memref<1x128xf32, #tpu.memory_space<vmem>>, vector<1x128xf32>
    %add3A_38 = vector.broadcast %get3A_37 : vector<1x128xf32> to vector<2000x128xf32>
    %add3A_39 = arith.addf %dot_general3A_34, %add3A_38 : vector<2000x128xf32>
    %swap3A = arith.constant 0 : index
    %swap3A_40 = arith.constant 0 : index
    %swap3A_41 = vector.load %arg8[%swap3A, %swap3A_40] : memref<2000x128xf32, #tpu.memory_space<vmem>>, vector<2000x128xf32>
    tpu.vector_store %arg8[%swap3A, %swap3A_40], %add3A_39 {strides = array<i32>} : memref<2000x128xf32, #tpu.memory_space<vmem>>, vector<2000x128xf32>,
    return
  }
  func.func @transform_0(%arg0: i32) -> (i32, i32) {
    %c0_i32 = arith.constant 0 : i32
    %c0_i32_0 = arith.constant 0 : i32
    return %arg0, %c0_i32 : i32, i32
  }
  func.func @transform_1(%arg0: i32) -> (i32, i32, i32) {
    %c0_i32 = arith.constant 0 : i32
    %c0_i32_0 = arith.constant 0 : i32
    %c0_i32_1 = arith.constant 0 : i32
    return %c0_i32, %arg0, %c0_i32_0 : i32, i32, i32
  }
  func.func @transform_2(%arg0: i32) -> (i32, i32) {
    %c0_i32 = arith.constant 0 : i32
    %c0_i32_0 = arith.constant 0 : i32
    %c0_i32_1 = arith.constant 0 : i32
    return %c0_i32, %c0_i32_0 : i32, i32
  }
  func.func @transform_3(%arg0: i32) -> (i32, i32) {
    %c0_i32 = arith.constant 0 : i32
    %c0_i32_0 = arith.constant 0 : i32
    %c0_i32_1 = arith.constant 0 : i32
    return %c0_i32, %c0_i32_0 : i32, i32
  }
  func.func @transform_4(%arg0: i32) -> (i32, i32) {
    %c0_i32 = arith.constant 0 : i32
    %c0_i32_0 = arith.constant 0 : i32
    %c0_i32_1 = arith.constant 0 : i32
    return %c0_i32, %c0_i32_0 : i32, i32
  }
  func.func @transform_5(%arg0: i32) -> (i32, i32) {
    %c0_i32 = arith.constant 0 : i32
    %c0_i32_0 = arith.constant 0 : i32
    %c0_i32_1 = arith.constant 0 : i32
    return %c0_i32, %c0_i32_0 : i32, i32
  }
  func.func @transform_6(%arg0: i32) -> (i32, i32) {
    %c0_i32 = arith.constant 0 : i32
    %c0_i32_0 = arith.constant 0 : i32
    %c0_i32_1 = arith.constant 0 : i32
    return %c0_i32, %c0_i32_0 : i32, i32
  }
  func.func @transform_7(%arg0: i32) -> (i32, i32) {
    %c0_i32 = arith.constant 0 : i32
    %c0_i32_0 = arith.constant 0 : i32
    return %arg0, %c0_i32 : i32, i32
  }
}

</mosaic_0001>

<sc_bundles>
// kernel: kernel.5.cloned.1.call-start
scs
__scs_entry_jumppad:
0x0: {  	(pc) =	sbr.rel $0x88, $3  }
0x1: {  	(tag) =	ssettag $0x0;
	lr =	simm.s32 $0x1  }
0x2: {  	[smem:$0x3F96] =	sst lr;
	_ =	strace $0xD0000000  }
0x3: {  	_ = 	snop  }
0x4: {  	_ = 	snop  }
0x5: {  	_ = 	snop  }
0x6: {  	_ = 	snop  }
0x7: {  	_ = 	snop  }
__scs_overlays_trampoline_lowered:
0x8: {  	[smem:$0x3FA5] =	sst s0  }
0x9: {  	[smem:$0x3FA6] =	sst s1  }
0xa: {  	[smem:$0x3FA7] =	sst s2  }
0xb: {  	[smem:$0x3FA8] =	sst s3  }
0xc: {  	[smem:$0x3FA9] =	sst s4  }
0xd: {  	[smem:$0x3FAA] =	sst s5  }
0xe: {  	[smem:$0x3FAB] =	sst s6  }
0xf: {  	[smem:$0x3FAC] =	sst s7  }
0x10: {  	[smem:$0x3FAD] =	sst s8  }
0x11: {  	[smem:$0x3FAE] =	sst s9;
	s0 =	simm.s32 @!p0 $0x0  }
0x12: {  	s1 =	sld [smem:$0x3F94];
	s0 =	simm.s32 @p0 $0x1  }
0x13: {  	[smem:$0x3FAF] =	sst s0;
	s0 =	simm.s32 @!p1 $0x0  }
0x14: {  	s2 =	sld [smem:$0x3F93];
	s0 =	simm.s32 @p1 $0x1  }
0x15: {  	[smem:$0x3FB0] =	sst s0;
	s0 =	simm.s32 @!p2 $0x0  }
0x16: {  	s3 =	sld [smem:$0x3FDB];
	s0 =	simm.s32 @p2 $0x1  }
0x17: {  	s4 =	simm.s32 $0x1BF5;
	[smem:$0x3FB2] =	sst s0  }
0x18: {  	s0 =	sld [smem:$0x3F95];
	_ =	swait.ge [sflag:s4], $0x0  }
0x19: {  	s7 =	sld [smem:$0x3F96]  }
0x1a: {  	s8 =	sadd.s32 $0xFFFFE003, lr  }
0x1b: {  	s9 =	sadd.s32 $0xFFFFFEF7, lr;
	s5 =	simm.s32 $0xFFFFFFFF;
	p2 =	slt.u32 s8, $0xFFFFF086  }
0x1c: {  	p1 =	slt.u32 s9, $0xF7A;
	s5 =	simm.s32 @!p2 $0x0  }
0x1d: {  	s5 =	simm.s32 @p1 $0x1;
	p0 =	seq.s32 s7, s2  }
0x1e: {  	s7 =	smul.u32 @!p0 $0xF7A, s2;
	p2 =	seq.s32 @!p0 s5, $0x0  }
0x1f: {  	s9 =	smul.u32 $0xF7A, s1;
	s8 =	simm.s32 @!p0 $0x1BF5;
	p2 =	por !p2, p0  }
0x20: {  	[sflag:s8] =	ssyncset.s32 @!p0 $0xFFFFF086;
	s6 =	sadd.s32 @!p0 s3, s7;
	s7 =	simm.s32 @!p0 $0x108  }
0x21: {  	s3 =	sadd.s32 s3, s9;
	s6 =	sadd.s32 @!p0 $0x88, s6;
	s7 =	simm.s32 @p2 $0x1082  }
0x22: {  	[simem:s7], [sflag:s8] =	dma.local @!p0 [hbm:s6], $0xF7A  }
0x23: {  	s9 =	sor.u32 $0xD0000000, s2;
	s6 =	simm.s32 $0x108;
	_ =	swait.ge @!p0 [sflag:s8], $0x0  }
0x24: {  	s3 =	sadd.s32 $0x88, s3;
	s6 =	simm.s32 @!p1 $0x1082;
	[sflag:s4] =	ssyncset.s32 $0xFFFFF086  }
0x25: {  	[simem:s6], [sflag:s4] =	dma.local [hbm:s3], $0xF7A  }
0x26: {  	[smem:$0x3F96] =	sst s1;
	(tag) =	ssettag s2;
	_ =	strace s9  }
0x27: {  	s1 =	sld [smem:$0x3FA6]  }
0x28: {  	s2 =	sld [smem:$0x3FA7]  }
0x29: {  	s4 =	sld [smem:$0x3FA9]  }
0x2a: {  	p0 =	seq.s32 s5, $0x0;
	s5 =	sld [smem:$0x3FAA]  }
0x2b: {  	s6 =	sld [smem:$0x3FAB]  }
0x2c: {  	s7 =	sld [smem:$0x3FAC]  }
0x2d: {  	s3 =	simm.s32 $0x108;
	s8 =	sld [smem:$0x3FAD]  }
0x2e: {  	s3 =	simm.s32 @!p0 $0x1082;
	s9 =	sld [smem:$0x3FAE]  }
0x2f: {  	lr =	sadd.s32 s0, s3;
	s0 =	sld [smem:$0x3FA5]  }
0x30: {  	s3 =	sld [smem:$0x3FA8]  }
0x31: {  	[smem:$0x3FB1] =	sst s10  }
0x32: {  	s10 =	sld [smem:$0x3FAF];
	_ =	sdelay $0x3  }
0x33: {  	p0 =	seq.s32 s10, $0x1;
	s10 =	sld [smem:$0x3FB1];
	_ =	sdelay $0x3  }
0x34: {  	[smem:$0x3FB1] =	sst s10  }
0x35: {  	s10 =	sld [smem:$0x3FB0];
	_ =	sdelay $0x3  }
0x36: {  	p1 =	seq.s32 s10, $0x1;
	s10 =	sld [smem:$0x3FB1];
	_ =	sdelay $0x3  }
0x37: {  	[smem:$0x3FB1] =	sst s10  }
0x38: {  	s10 =	sld [smem:$0x3FB2]  }
0x39: {  	_ = 	snop;
	(pc) =	sbr.ind lr, $3  }
0x3a: {  	_ = 	snop  }
0x3b: {  	_ = 	snop  }
0x3c: {  	p2 =	seq.s32 s10, $0x1;
	s10 =	sld [smem:$0x3FB1]  }
0x3d: {  	_ =	shalt  }
0x3e: {  	_ =	shalt  }
0x3f: {  	_ =	shalt  }
0x40: {  	_ =	shalt  }
0x41: {  	_ =	shalt  }
0x42: {  	_ =	shalt  }
0x43: {  	_ =	shalt  }
0x44: {  	_ =	shalt  }
0x45: {  	_ =	shalt  }
0x46: {  	_ =	shalt  }
0x47: {  	_ =	shalt  }
0x48: {  	_ =	shalt  }
0x49: {  	_ =	shalt  }
0x4a: {  	_ =	shalt  }
0x4b: {  	_ =	shalt  }
0x4c: {  	_ =	shalt  }
0x4d: {  	_ =	shalt  }
0x4e: {  	_ =	shalt  }
0x4f: {  	_ =	shalt  }
0x50: {  	_ =	shalt  }
0x51: {  	_ =	shalt  }
0x52: {  	_ =	shalt  }
0x53: {  	_ =	shalt  }
0x54: {  	_ =	shalt  }
0x55: {  	_ =	shalt  }
0x56: {  	_ =	shalt  }
0x57: {  	_ =	shalt  }
0x58: {  	_ =	shalt  }
0x59: {  	_ =	shalt  }
0x5a: {  	_ =	shalt  }
0x5b: {  	_ =	shalt  }
0x5c: {  	_ =	shalt  }
0x5d: {  	_ =	shalt  }
0x5e: {  	_ =	shalt  }
0x5f: {  	_ =	shalt  }
0x60: {  	_ =	shalt  }
0x61: {  	_ =	shalt  }
0x62: {  	_ =	shalt  }
0x63: {  	_ =	shalt  }
0x64: {  	_ =	shalt  }
0x65: {  	_ =	shalt  }
0x66: {  	_ =	shalt  }
0x67: {  	_ =	shalt  }
0x68: {  	_ =	shalt  }
0x69: {  	_ =	shalt  }
0x6a: {  	_ =	shalt  }
0x6b: {  	_ =	shalt  }
0x6c: {  	_ =	shalt  }
0x6d: {  	_ =	shalt  }
0x6e: {  	_ =	shalt  }
0x6f: {  	_ =	shalt  }
0x70: {  	_ =	shalt  }
0x71: {  	_ =	shalt  }
0x72: {  	_ =	shalt  }
0x73: {  	_ =	shalt  }
0x74: {  	_ =	shalt  }
0x75: {  	_ =	shalt  }
0x76: {  	_ =	shalt  }
0x77: {  	_ =	shalt  }
0x78: {  	_ =	shalt  }
0x79: {  	_ =	shalt  }
0x7a: {  	_ =	shalt  }
0x7b: {  	_ =	shalt  }
0x7c: {  	_ =	shalt  }
0x7d: {  	_ =	shalt  }
0x7e: {  	_ =	shalt  }
0x7f: {  	_ =	shalt  }
0x80: {  	_ =	shalt  }
0x81: {  	_ =	shalt  }
0x82: {  	_ =	shalt  }
0x83: {  	_ =	shalt  }
0x84: {  	_ =	shalt  }
0x85: {  	_ =	shalt  }
0x86: {  	_ =	shalt  }
0x87: {  	_ =	shalt  }
.Lfunc_end0:
.L_simem_size_0:
called_computation_lowered:
.L_overlay_start_0:
0x88: {  	s2 =	sld [smem:$0x3FD9]  }
0x89: {  	s3 =	sld [smem:$0x3FFE];
	_ =	sdelay $0x1  }
0x8a: {  	s1 =	srdreg.scid  }
0x8b: {  	s0 =	sand.u32 $0x1, s1  }
0x8c: {  	s17 =	sshll.u32 s0, $0xA;
	s2 =	sadd.s32 s3, s2  }
0x8d: {  	s2 =	sadd.s32 s2, s17  }
0x8e: {  	[smem:$0x3FBD] =	sst s2  }
0x8f: {  	_ = 	snop  }
0x90: {  	s2 =	sld [smem:$0x3FC9]  }
0x91: {  	s18 =	sld [smem:$0x3FD0];
	(tm) =	ssettm $0x1  }
0x92: {  	s4 =	sld [smem:$0x3FFB];
	_ =	sdelay $0x3  }
0x93: {  	_ =	strace s4  }
0x94: {  	s4 =	sld [smem:$0x3FFC];
	_ =	sdelay $0x3  }
0x95: {  	_ =	strace s4  }
0x96: {  	s4 =	sld [smem:$0x3FFD];
	_ =	sdelay $0x3  }
0x97: {  	_ =	strace s4  }
0x98: {  	_ =	strace $0x8FFFFFFF  }
0x99: {  	s19 =	sld [smem:$0x3FDB];
	_ =	sdelay $0x1  }
0x9a: {  	s5 =	simm.s32 $_scs_section_size  }
0x9b: {  	s6 =	simm.s32 $_size__tile_overlayer_lowered;
	s7 =	simm.s32 $_tile_overlayer_lowered  }
0x9c: {  	s22 =	simm.s32 $0x1BFF;
	s21 =	sshll.u32 s7, $0x1;
	s4 =	sadd.s32 s5, s19  }
0x9d: {  	s8 =	simm.s32 $0x0;
	s20 =	sshll.u32 s6, $0x1;
	s6 =	sadd.s32 s21, s4  }
0x9e: {  	[timem:s8], [sflag:s22] =	dma.local [hbm:s6], s20  }
0x9f: {  	_ =	swait.ge [sflag:s22], s20  }
0xa0: {  	s5 =	ssub.s32 $0x0, s20;
	[sflag:s22] =	ssyncset.done $0x0  }
0xa1: {  	[sflag:s22] =	ssyncadd.s32 s5;
	_ =	sdelay $0x1  }
0xa2: {  	s23 =	simm.s32 $0x1B8B  }
0xa3: {  	_ =	swait.ge [sflag:s23], $0x1  }
0xa4: {  	[sflag:s23] =	ssyncset.done $0x0  }
0xa5: {  	s25 =	simm.s32 $0x1B8E;
	s24 =	sld [smem:$0x3FFE];
	[sflag:s23] =	ssyncadd.s32 $0xFFFFFFFF  }
0xa6: {  	s26 =	simm.s32 $execute0_lowered;
	[smem:$0x3FD2] =	sst s25  }
0xa7: {  	s6 =	sshll.u32 s26, $0x1;
	_ =	strace $0x80000046;
	[dreg:$0x1] =	wrdreg $0xFFFFFFFF  }
0xa8: {  	s28 =	simm.s32 $_size_execute0_lowered;
	s4 =	sadd.s32 s4, s6;
	[dreg:$0x0] =	wrdreg $0x0  }
0xa9: {  	s6 =	sshll.u32 s28, $0x1;
	[dreg:$0x2] =	wrdreg s4  }
0xaa: {  	[dreg:$0x3] =	wrdreg s6  }
0xab: {  	[dreg:$0x4] =	wrdreg $0xC0  }
0xac: {  	_ =	task [dreg:s8], $0x5FFFF  }
0xad: {  	[dreg:$0x1] =	wrdreg $0xFFFFFFFF  }
0xae: {  	[dreg:$0x0] =	wrdreg $0x60  }
0xaf: {  	[dreg:$0x2] =	wrdreg s2  }
0xb0: {  	[dreg:$0x3] =	wrdreg s24  }
0xb1: {  	[dreg:$0x4] =	wrdreg s18  }
0xb2: {  	[dreg:$0x5] =	wrdreg $0xAE000  }
0xb3: {  	[dreg:$0x6] =	wrdreg $0x9  }
0xb4: {  	_ =	task.clear_ibuf [dreg:s8], $0x7FFFF;
	_ =	strace $0x90000046  }
0xb5: {  	s29 =	simm.s32 $0x9;
	_ =	strace $0x80000048  }
0xb6: {  	_ =	swait.ge [sflag:s29], $0x1  }
0xb7: {  	[sflag:s29] =	ssyncadd.s32 $0xFFFFFFFF  }
0xb8: {  	_ =	strace $0x90000048  }
0xb9: {  	_ =	sfence  }
0xba: {  	s30 =	sld [smem:$0x0];
	_ =	sdelay $0x2  }
0xbb: {  	s31 =	sshll.u32 s1, $0xD;
	s1 =	sshrl.u32 s1, $0x2  }
0xbc: {  	s3 =	sand.u32 $0x4000, s31;
	s1 =	sadd.s32 s1, s30  }
0xbd: {  	s0 =	sor.u32 s3, s0;
	s1 =	sshll.u32 s1, $0x11  }
0xbe: {  	s0 =	sor.u32 s1, s0  }
0xbf: {  	s0 =	sadd.s32 $0x8F2B, s0  }
0xc0: {  	[sflag:s0] =	ssyncadd.remote.s32 $0x1  }
0xc1: {  	_ =	sfence.sel $0xFFFF  }
0xc2: {  	[dreg:$0x0] =	wrdreg $0xFFFFFFFF;
	(pc) =	sbr.abs _section_cstart, $3  }
0xc3: {  	[dreg:$0x1] =	wrdreg $0xFFFFFFFF  }
0xc4: {  	_ =	task.clear_ibuf [dreg:s8], $0x2FFFF;
	_ =	strace $0x9FFFFFFF  }
0xc5: {  	(tm) =	ssettm $0x7FFFFFFF  }
tec
execute0_lowered:
.L_overlay_start_1:
0x0: {  	(tag) =	ssettag $0x1  }
0x1: {  	s1 =	rddreg [dreg:$0x0]  }
0x2: {  	s0 =	rddreg [dreg:$0x1]  }
0x3: {  	s2 =	rddreg [dreg:$0x2]  }
0x4: {  	s3 =	rddreg [dreg:$0x3];
	s4 =	srdreg.scid  }
0x5: {  	s5 =	simm.s32 $0x0;
	s13 =	stileid.u32;
	s4 =	sand.u32 $0x1, s4  }
0x6: {  	[smem:$0x7FF] =	sst s5;
	s7 =	sadd.s32 $0xB000, s0;
	s9 =	sadd.s32 $0xB200, s0  }
0x7: {  	s10 =	smul.u32 $0x50000, s13;
	s6 =	sshll.u32 s4, $0x4;
	_ =	strace $0x80000047  }
0x8: {  	[dreg:$0x5] =	wrdreg s7;
	s7 =	sadd.s32 $0x1200, s0;
	s21 =	ssub.s32 $0x2, s4  }
0x9: {  	s0 =	sadd.s32 $0x15000, s0;
	s4 =	smul.u32 $0x140000, s4;
	s6 =	sor.u32 s13, s6  }
0xa: {  	s11 =	sshrl.u32 s21, $0x1;
	s10 =	sshrl.u32 s10, $0x2;
	s13 =	smul.u32 $0x14000, s13  }
0xb: {  	s8 =	smul.u32 $0x2710, s6;
	s6 =	ssub.s32 s21, s11;
	s10 =	sadd.s32 s10, s3  }
0xc: {  	s24 =	sadd.s32 s13, s4;
	s14 =	sadd.s32 $0x4000, s13;
	s28 =	sadd.s32 $0x8000, s13  }
0xd: {  	s29 =	sadd.s32 $0xC000, s13;
	s13 =	sadd.s32 $0x10000, s13;
	s6 =	smax.u32 s6, $0x1  }
0xe: {  	s31 =	sadd.s32 $0xA000, s10;
	s12 =	sshrl.u32 s8, $0x3;
	s11 =	sshrl.u32 s24, $0x3  }
0xf: {  	s25 =	sadd.s32 s4, s14;
	s16 =	sadd.s32 s4, s28;
	s17 =	sadd.s32 s4, s29  }
0x10: {  	s21 =	sadd.s32 s28, s3;
	[dreg:$0x11] =	wrdreg s6;
	s28 =	sadd.s32 $0x2800, s10  }
0x11: {  	s4 =	sadd.s32 s4, s13;
	s22 =	sadd.s32 s7, s12;
	[dreg:$0x16] =	wrdreg s28  }
0x12: {  	s20 =	sadd.s32 s14, s3;
	s23 =	sadd.s32 s2, s12;
	[dreg:$0x6] =	wrdreg s22  }
0x13: {  	s6 =	sadd.s32 $0x11800, s10;
	s15 =	sadd.s32 s9, s12;
	[dreg:$0x7] =	wrdreg s23  }
0x14: {  	s14 =	simm.s32 $0x50;
	s11 =	sadd.s32 s0, s11;
	[dreg:$0x8] =	wrdreg s15  }
0x15: {  	s26 =	sshrl.u32 s25, $0x3;
	s24 =	sshrl.u32 s21, $0x3;
	[dreg:$0x9] =	wrdreg s11  }
0x16: {  	s16 =	sshrl.u32 s16, $0x3;
	s11 =	sadd.s32 s0, s26;
	[dreg:$0x13] =	wrdreg s24  }
0x17: {  	s17 =	sshrl.u32 s17, $0x3;
	s16 =	sadd.s32 s0, s16;
	[dreg:$0xa] =	wrdreg s11  }
0x18: {  	s4 =	sshrl.u32 s4, $0x3;
	s30 =	sadd.s32 s0, s17;
	[dreg:$0xb] =	wrdreg s16  }
0x19: {  	s12 =	sadd.s32 $0xA, s12;
	s0 =	sadd.s32 s0, s4;
	[dreg:$0xc] =	wrdreg s30  }
0x1a: {  	s17 =	sadd.s32 s7, s12;
	s18 =	sadd.s32 s2, s12;
	[dreg:$0xd] =	wrdreg s0  }
0x1b: {  	s19 =	sadd.s32 s9, s12;
	s22 =	sadd.s32 s29, s3;
	[dreg:$0xe] =	wrdreg s17  }
0x1c: {  	s23 =	sadd.s32 s13, s3;
	s29 =	sadd.s32 $0x5000, s10;
	[dreg:$0xf] =	wrdreg s18  }
0x1d: {  	s4 =	sadd.s32 $0xF000, s10;
	s12 =	simm.s32 $0xE00;
	[dreg:$0x10] =	wrdreg s19  }
0x1e: {  	s13 =	simm.s32 $0x9;
	s0 =	sshrl.u32 s20, $0x3;
	[dreg:$0x17] =	wrdreg s29  }
0x1f: {  	s15 =	simm.s32 $0x8;
	s25 =	sshrl.u32 s22, $0x3;
	[dreg:$0x12] =	wrdreg s0  }
0x20: {  	s26 =	sshrl.u32 s23, $0x3;
	s30 =	sadd.s32 $0x7800, s10;
	[dreg:$0x14] =	wrdreg s25  }
0x21: {  	s11 =	simm.s32 $0xD;
	s16 =	simm.s32 $0x5;
	[dreg:$0x15] =	wrdreg s26  }
0x22: {  	v0 =	vimm.f32 $0.0e+00;
	s17 =	simm.s32 $0x0;
	[dreg:$0x18] =	wrdreg s30;
	s0 =	sadd.s32 $0xC800, s10  }
.LBB2_1:
0x23: {  	s18 =	rddreg [dreg:$0x5];
	s19 =	simm.s32 $0x600  }
0x24: {  	[tilespmem:s19], [sflag:$0xD] =	stream.linear.gather [hbm4b:s18+s5], $0x800, $0x38;
	[tilespmem:$0x1EE00] =	vst v63  }
0x25: {  	_ =	swait.ge [sflag:s11], $0x800  }
0x26: {  	[sflag:s11] =	ssyncset.done $0x0  }
0x27: {  	s18 =	simm.s32 $0x0;
	s19 =	simm.s32 $0x200;
	[sflag:s11] =	ssyncadd.s32 $0xFFFFF800  }
.LBB2_2:
0x28: {  	p0 =	sne.s32 s19, $0x9E00;
	[tilespmem:s18+$0xE70] =	vst v0  }
0x29: {  	[tilespmem:s18+$0xE00] =	vst v0  }
0x2a: {  	[tilespmem:s18+$0xE10] =	vst v0  }
.Ltmp0:
0x2b: {  	[tilespmem:s18+$0xE20] =	vst v0;
	(pc) =	sbr.rel @p0 .LBB2_2-.Ltmp0, $4  }
0x2c: {  	[tilespmem:s18+$0xE30] =	vst v0  }
0x2d: {  	[tilespmem:s18+$0xE40] =	vst v0  }
0x2e: {  	[tilespmem:s18+$0xE50] =	vst v0  }
0x2f: {  	[tilespmem:s18+$0xE60] =	vst v0;
	s18 =	sshra.s32 s19, $0x2;
	s19 =	sadd.s32 $0x200, s19  }
0x30: {  	[tilespmem:s18+$0xE70] =	vst v0  }
0x31: {  	[tilespmem:s18+$0xE00] =	vst v0  }
0x32: {  	[tilespmem:s18+$0xE10] =	vst v0  }
0x33: {  	[tilespmem:s18+$0xE20] =	vst v0  }
0x34: {  	[tilespmem:s18+$0xE30] =	vst v0  }
0x35: {  	[tilespmem:s18+$0xE40] =	vst v0  }
0x36: {  	[tilespmem:s18+$0xE50] =	vst v0  }
0x37: {  	[tilespmem:s18+$0xE60] =	vst v0  }
0x38: {  	[spmem:s10] =	stream.linear.scatter [tilespmem:s12], [sflag:$0xD], $0x2800, $0x38;
	[tilespmem:$0x1EE00] =	vst v63  }
0x39: {  	_ =	swait.ge [sflag:s11], $0x2800  }
0x3a: {  	[sflag:s11] =	ssyncset.done $0x0  }
0x3b: {  	s29 =	rddreg [dreg:$0x16];
	[sflag:s11] =	ssyncadd.s32 $0xFFFFD800  }
0x3c: {  	[spmem:s29] =	stream.linear.scatter [tilespmem:s12], [sflag:$0xD], $0x2800, $0x38;
	[tilespmem:$0x1EE00] =	vst v63  }
0x3d: {  	_ =	swait.ge [sflag:s11], $0x2800  }
0x3e: {  	[sflag:s11] =	ssyncset.done $0x0  }
0x3f: {  	s30 =	rddreg [dreg:$0x17];
	[sflag:s11] =	ssyncadd.s32 $0xFFFFD800  }
0x40: {  	[spmem:s30] =	stream.linear.scatter [tilespmem:s12], [sflag:$0xD], $0x2800, $0x38;
	[tilespmem:$0x1EE00] =	vst v63  }
0x41: {  	_ =	swait.ge [sflag:s11], $0x2800  }
0x42: {  	[sflag:s11] =	ssyncset.done $0x0  }
0x43: {  	s19 =	rddreg [dreg:$0x18];
	[sflag:s11] =	ssyncadd.s32 $0xFFFFD800  }
0x44: {  	[spmem:s19] =	stream.linear.scatter [tilespmem:s12], [sflag:$0xD], $0x2800, $0x38;
	[tilespmem:$0x1EE00] =	vst v63  }
0x45: {  	_ =	swait.ge [sflag:s11], $0x2800  }
0x46: {  	[sflag:s11] =	ssyncset.done $0x0  }
0x47: {  	[sflag:s11] =	ssyncadd.s32 $0xFFFFD800  }
0x48: {  	[spmem:s31] =	stream.linear.scatter [tilespmem:s12], [sflag:$0xD], $0x2800, $0x38;
	[tilespmem:$0x1EE00] =	vst v63  }
0x49: {  	_ =	swait.ge [sflag:s11], $0x2800  }
0x4a: {  	[sflag:s11] =	ssyncset.done $0x0  }
0x4b: {  	[sflag:s11] =	ssyncadd.s32 $0xFFFFD800  }
0x4c: {  	[spmem:s0] =	stream.linear.scatter [tilespmem:s12], [sflag:$0xD], $0x2800, $0x38;
	[tilespmem:$0x1EE00] =	vst v63  }
0x4d: {  	_ =	swait.ge [sflag:s11], $0x2800  }
0x4e: {  	[sflag:s11] =	ssyncset.done $0x0  }
0x4f: {  	[sflag:s11] =	ssyncadd.s32 $0xFFFFD800  }
0x50: {  	[spmem:s4] =	stream.linear.scatter [tilespmem:s12], [sflag:$0xD], $0x2800, $0x38;
	[tilespmem:$0x1EE00] =	vst v63  }
0x51: {  	_ =	swait.ge [sflag:s11], $0x2800  }
0x52: {  	[sflag:s11] =	ssyncset.done $0x0  }
0x53: {  	[sflag:s11] =	ssyncadd.s32 $0xFFFFD800  }
0x54: {  	[spmem:s6] =	stream.linear.scatter [tilespmem:s12], [sflag:$0xD], $0x2800, $0x38;
	[tilespmem:$0x1EE00] =	vst v63  }
0x55: {  	_ =	swait.ge [sflag:s11], $0x2800  }
0x56: {  	[sflag:s11] =	ssyncset.done $0x0  }
0x57: {  	[sflag:s11] =	ssyncadd.s32 $0xFFFFD800  }
0x58: {  	[bflag:$0x0] =	sbarrier.arrive $0xFFFF  }
0x59: {  	s19 =	simm.s32 $0x0;
	s20 =	rddreg [dreg:$0x6]  }
0x5a: {  	[tilespmem:s19], [sflag:$0x9] =	stream.linear.gather [hbm4b:s20+s19], $0x50, $0x38;
	[tilespmem:$0x1EE00] =	vst v63  }
0x5b: {  	s21 =	rddreg [dreg:$0x7];
	s20 =	simm.s32 $0x200  }
0x5c: {  	[tilespmem:s20], [sflag:$0x9] =	stream.linear.gather [hbm4b:s21+s19], $0x50, $0x38;
	[tilespmem:$0x1EE00] =	vst v63  }
0x5d: {  	s23 =	simm.s32 $0x400;
	s22 =	rddreg [dreg:$0x8]  }
0x5e: {  	[tilespmem:s23], [sflag:$0x9] =	stream.linear.gather [hbm4b:s22+s19], $0x50, $0x38;
	[tilespmem:$0x1EE00] =	vst v63  }
0x5f: {  	s25 =	simm.s32 $0x80;
	s24 =	rddreg [dreg:$0xe]  }
0x60: {  	[tilespmem:s25], [sflag:$0xA] =	stream.linear.gather [hbm4b:s24+s19], $0x50, $0x38;
	[tilespmem:$0x1EE00] =	vst v63  }
0x61: {  	s28 =	simm.s32 $0x280;
	s26 =	rddreg [dreg:$0xf]  }
0x62: {  	[tilespmem:s28], [sflag:$0xA] =	stream.linear.gather [hbm4b:s26+s19], $0x50, $0x38;
	[tilespmem:$0x1EE00] =	vst v63  }
0x63: {  	s30 =	simm.s32 $0x480;
	s29 =	rddreg [dreg:$0x10]  }
0x64: {  	[tilespmem:s30], [sflag:$0xA] =	stream.linear.gather [hbm4b:s29+s19], $0x50, $0x38;
	[tilespmem:$0x1EE00] =	vst v63  }
0x65: {  	_ =	swait.ge [sflag:s13], $0x50  }
0x66: {  	[sflag:s13] =	ssyncset.done $0x0  }
0x67: {  	[sflag:s13] =	ssyncadd.s32 $0xFFFFFFB0  }
0x68: {  	_ =	swait.ge [sflag:s13], $0x50  }
0x69: {  	[sflag:s13] =	ssyncset.done $0x0  }
0x6a: {  	[sflag:s13] =	ssyncadd.s32 $0xFFFFFFB0  }
0x6b: {  	_ =	swait.ge [sflag:s13], $0x50  }
0x6c: {  	[sflag:s13] =	ssyncset.done $0x0  }
0x6d: {  	[sflag:s13] =	ssyncadd.s32 $0xFFFFFFB0  }
0x6e: {  	[tilespmem:s12], [sflag:$0x1] =	stream.indirect.gather [hbm4b:s1+s14], $0x80, s19, s14, $0xb8;
	[tilespmem:$0x1EE00] =	vst v63  }
.LBB2_4:
0x6f: {  	s20 =	sand.u32 $0x3, s19  }
0x70: {  	s18 =	smov.u32 s19;
	s21 =	sadd.s32 $0x1, s20  }
0x71: {  	s19 =	sadd.s32 $0x1, s19;
	p0 =	seq.s32 s18, $0x7C;
	_ =	swait.ge [sflag:s21], $0x2800  }
0x72: {  	s22 =	sand.u32 @!p0 $0x3, s19;
	[sflag:s21] =	ssyncset.done $0x0  }
0x73: {  	s23 =	sadd.s32 @!p0 $0x9, s22;
	[sflag:s21] =	ssyncadd.s32 $0xFFFFD800  }
0x74: {  	_ =	swait.ge @!p0 [sflag:s23], $0x50  }
0x75: {  	[sflag:s23] =	ssyncset.done @!p0 $0x0  }
0x76: {  	[sflag:s23] =	ssyncadd.s32 @!p0 $0xFFFFFFB0  }
0x77: {  	_ =	swait.ge @!p0 [sflag:s23], $0x50  }
0x78: {  	s30 =	sshll.u32 s20, $0x9;
	[sflag:s23] =	ssyncset.done @!p0 $0x0  }
0x79: {  	s21 =	sshrl.u32 s30, $0x2;
	[sflag:s23] =	ssyncadd.s32 @!p0 $0xFFFFFFB0  }
0x7a: {  	s24 =	smul.u32 @!p0 $0xA000, s22;
	s25 =	sor.u32 $0x400, s21;
	_ =	swait.ge @!p0 [sflag:s23], $0x50  }
0x7b: {  	v2 =	vmov s25;
	[sflag:s23] =	ssyncset.done @!p0 $0x0  }
0x7c: {  	s25 =	sshll.u32 @!p0 s22, $0x7;
	[sflag:s23] =	ssyncadd.s32 @!p0 $0xFFFFFFB0;
	s23 =	sshrl.u32 @!p0 s24, $0x2  }
0x7d: {  	s22 =	sadd.s32 @!p0 $0x1, s22;
	s24 =	simm.s32 @!p0 $0x50;
	s23 =	sadd.s32 @!p0 $0xE00, s23  }
0x7e: {  	[tilespmem:s23], [sflag:s22] =	stream.indirect.gather @!p0 [hbm4b:s1+s24], $0x80, s25, s24, $0xb8;
	[tilespmem:$0x1EE00] =	vst v63  }
0x7f: {  	s24 =	simm.s32 $0x0  }
0x80: {  	v1 =	vld.idx.msk [tilespmem:v2+s24+$0x0 ss:$0x1], $0xffff;
	_ =	sdelay $0x4  }
0x81: {  	v1 =	vshll.u32 v1, $0x9  }
0x82: {  	v1 =	vshra.s32 v1, $0x2  }
0x83: {  	(v2sf) =	vpush v1, $0x0;
	_ =	sdelay $0x5  }
0x84: {  	s26 =	smul.u32 $0x50, s20;
	_ =	sdelay $0x1  }
0x85: {  	s25 =	sadd.s32 $0x0, s26  }
0x86: {  	s22 =	sshll.u32 s25, $0x7  }
0x87: {  	s22 =	sand.u32 $0x3FFFFF80, s22  }
0x88: {  	v3 =	vld [tilespmem:s22+$0xE00]  }
0x89: {  	v4 =	vld [tilespmem:s22+$0xE10]  }
0x8a: {  	v5 =	vld [tilespmem:s22+$0xE20]  }
0x8b: {  	v6 =	vld [tilespmem:s22+$0xE30]  }
0x8c: {  	v7 =	vld [tilespmem:s22+$0xE40];
	s30 =	spop (v2sf)  }
0x8d: {  	v11 =	vld [tilespmem:s30+$0x600]  }
0x8e: {  	v12 =	vld [tilespmem:s30+$0x610]  }
0x8f: {  	v8 =	vld [tilespmem:s22+$0xE50]  }
0x90: {  	(v2sf) =	vpush v1, $0x1;
	v13 =	vld [tilespmem:s30+$0x620]  }
0x91: {  	v14 =	vld [tilespmem:s30+$0x630]  }
0x92: {  	v15 =	vld [tilespmem:s30+$0x640];
	v3 =	vadd.f32 v11, v3  }
0x93: {  	v16 =	vld [tilespmem:s30+$0x650];
	v4 =	vadd.f32 v12, v4  }
0x94: {  	v40 =	vld [tilespmem:s30+$0x670];
	v3 =	vmax.f32 v3, $0.0e+00  }
0x95: {  	v11 =	vld [tilespmem:s30+$0x660];
	v4 =	vmax.f32 v4, $0.0e+00;
	[tilespmem:s22+$0xE00] =	vst v3;
	v3 =	vadd.f32 v13, v5  }
0x96: {  	v9 =	vld [tilespmem:s22+$0xE60];
	[tilespmem:s22+$0xE10] =	vst v4;
	v4 =	vadd.f32 v14, v6  }
0x97: {  	v10 =	vld [tilespmem:s22+$0xE70];
	v3 =	vmax.f32 v3, $0.0e+00  }
0x98: {  	v5 =	vld [tilespmem:s22+$0xE80];
	v4 =	vmax.f32 v4, $0.0e+00;
	[tilespmem:s22+$0xE20] =	vst v3;
	v3 =	vadd.f32 v15, v7  }
0x99: {  	v6 =	vld [tilespmem:s22+$0xE90];
	[tilespmem:s22+$0xE30] =	vst v4;
	v4 =	vadd.f32 v16, v8  }
0x9a: {  	v7 =	vld [tilespmem:s22+$0xEA0];
	v3 =	vmax.f32 v3, $0.0e+00  }
0x9b: {  	v8 =	vld [tilespmem:s22+$0xEB0];
	v4 =	vmax.f32 v4, $0.0e+00;
	[tilespmem:s22+$0xE40] =	vst v3;
	v3 =	vadd.f32 v11, v9  }
0x9c: {  	v9 =	vld [tilespmem:s22+$0xEC0];
	[tilespmem:s22+$0xE50] =	vst v4;
	v4 =	vadd.f32 v40, v10  }
0x9d: {  	v10 =	vld [tilespmem:s22+$0xED0];
	v3 =	vmax.f32 v3, $0.0e+00  }
0x9e: {  	[tilespmem:s22+$0xE60] =	vst v3;
	v3 =	vmax.f32 v4, $0.0e+00;
	v4 =	vld [tilespmem:s22+$0xEE0]  }
0x9f: {  	s24 =	spop (v2sf);
	[tilespmem:s22+$0xE70] =	vst v3;
	v3 =	vld [tilespmem:s22+$0xEF0]  }
0xa0: {  	(v2sf) =	vpush v1, $0x2;
	v11 =	vld [tilespmem:s24+$0x600]  }
0xa1: {  	v41 =	vld [tilespmem:s24+$0x610]  }
0xa2: {  	v46 =	vld [tilespmem:s24+$0x670]  }
0xa3: {  	v42 =	vld [tilespmem:s24+$0x620]  }
0xa4: {  	v43 =	vld [tilespmem:s24+$0x630]  }
0xa5: {  	v5 =	vadd.f32 v11, v5;
	v11 =	vld [tilespmem:s24+$0x660]  }
0xa6: {  	v44 =	vld [tilespmem:s24+$0x640];
	v6 =	vadd.f32 v41, v6  }
0xa7: {  	v45 =	vld [tilespmem:s24+$0x650];
	v3 =	vadd.f32 v46, v3;
	v5 =	vmax.f32 v5, $0.0e+00  }
0xa8: {  	v6 =	vmax.f32 v6, $0.0e+00;
	[tilespmem:s22+$0xE80] =	vst v5;
	v5 =	vadd.f32 v42, v7  }
0xa9: {  	v3 =	vmax.f32 v3, $0.0e+00;
	v7 =	vld [tilespmem:s22+$0xF00];
	[tilespmem:s22+$0xE90] =	vst v6;
	v6 =	vadd.f32 v43, v8  }
0xaa: {  	v8 =	vld [tilespmem:s22+$0xF10];
	[tilespmem:s22+$0xEF0] =	vst v3;
	v5 =	vmax.f32 v5, $0.0e+00;
	v4 =	vadd.f32 v11, v4  }
0xab: {  	v3 =	vld [tilespmem:s22+$0xF70];
	v6 =	vmax.f32 v6, $0.0e+00;
	[tilespmem:s22+$0xEA0] =	vst v5;
	v5 =	vadd.f32 v44, v9  }
0xac: {  	v9 =	vld [tilespmem:s22+$0xF20];
	[tilespmem:s22+$0xEB0] =	vst v6;
	v6 =	vadd.f32 v45, v10;
	v4 =	vmax.f32 v4, $0.0e+00  }
0xad: {  	v10 =	vld [tilespmem:s22+$0xF30];
	v5 =	vmax.f32 v5, $0.0e+00;
	[tilespmem:s22+$0xEE0] =	vst v4  }
0xae: {  	[tilespmem:s22+$0xEC0] =	vst v5;
	v5 =	vmax.f32 v6, $0.0e+00;
	v6 =	vld [tilespmem:s22+$0xF40]  }
0xaf: {  	s25 =	spop (v2sf);
	[tilespmem:s22+$0xED0] =	vst v5;
	v5 =	vld [tilespmem:s22+$0xF50]  }
0xb0: {  	v11 =	vld [tilespmem:s25+$0x600]  }
0xb1: {  	(v2sf) =	vpush v1, $0x3;
	v47 =	vld [tilespmem:s25+$0x610]  }
0xb2: {  	v48 =	vld [tilespmem:s25+$0x620]  }
0xb3: {  	v50 =	vld [tilespmem:s25+$0x640]  }
0xb4: {  	v51 =	vld [tilespmem:s25+$0x650]  }
0xb5: {  	v52 =	vld [tilespmem:s25+$0x670]  }
0xb6: {  	v49 =	vld [tilespmem:s25+$0x630];
	v7 =	vadd.f32 v11, v7  }
0xb7: {  	v4 =	vld [tilespmem:s22+$0xF60];
	v8 =	vadd.f32 v47, v8  }
0xb8: {  	v11 =	vld [tilespmem:s25+$0x660];
	v6 =	vadd.f32 v50, v6;
	v7 =	vmax.f32 v7, $0.0e+00  }
0xb9: {  	v5 =	vadd.f32 v51, v5;
	v8 =	vmax.f32 v8, $0.0e+00;
	[tilespmem:s22+$0xF00] =	vst v7  }
0xba: {  	v3 =	vadd.f32 v52, v3;
	v6 =	vmax.f32 v6, $0.0e+00;
	v7 =	vadd.f32 v48, v9;
	v9 =	vld [tilespmem:s22+$0xF80];
	[tilespmem:s22+$0xF10] =	vst v8  }
0xbb: {  	v5 =	vmax.f32 v5, $0.0e+00;
	v8 =	vadd.f32 v49, v10;
	v10 =	vld [tilespmem:s22+$0xF90];
	[tilespmem:s22+$0xF40] =	vst v6  }
0xbc: {  	v3 =	vmax.f32 v3, $0.0e+00;
	v6 =	vld [tilespmem:s22+$0xFC0];
	[tilespmem:s22+$0xF50] =	vst v5  }
0xbd: {  	v5 =	vld [tilespmem:s22+$0xFD0];
	[tilespmem:s22+$0xF70] =	vst v3;
	v7 =	vmax.f32 v7, $0.0e+00;
	v4 =	vadd.f32 v11, v4  }
0xbe: {  	v3 =	vld [tilespmem:s22+$0xFF0];
	[tilespmem:s22+$0xF20] =	vst v7;
	v7 =	vmax.f32 v8, $0.0e+00  }
0xbf: {  	v8 =	vld [tilespmem:s22+$0xFA0];
	[tilespmem:s22+$0xF30] =	vst v7;
	v4 =	vmax.f32 v4, $0.0e+00  }
0xc0: {  	s30 =	spop (v2sf);
	v7 =	vld [tilespmem:s22+$0xFB0];
	[tilespmem:s22+$0xF60] =	vst v4  }
0xc1: {  	v11 =	vld [tilespmem:s30+$0x600]  }
0xc2: {  	(v2sf) =	vpush v1, $0x4;
	v53 =	vld [tilespmem:s30+$0x610]  }
0xc3: {  	v54 =	vld [tilespmem:s30+$0x620]  }
0xc4: {  	v55 =	vld [tilespmem:s30+$0x630]  }
0xc5: {  	v56 =	vld [tilespmem:s30+$0x640]  }
0xc6: {  	v57 =	vld [tilespmem:s30+$0x650]  }
0xc7: {  	v58 =	vld [tilespmem:s30+$0x670];
	v9 =	vadd.f32 v11, v9  }
0xc8: {  	v4 =	vld [tilespmem:s22+$0xFE0];
	v8 =	vadd.f32 v54, v8  }
0xc9: {  	v11 =	vld [tilespmem:s30+$0x660];
	v7 =	vadd.f32 v55, v7;
	v9 =	vmax.f32 v9, $0.0e+00  }
0xca: {  	v10 =	vadd.f32 v53, v10;
	v6 =	vadd.f32 v56, v6;
	v8 =	vmax.f32 v8, $0.0e+00;
	[tilespmem:s22+$0xF80] =	vst v9  }
0xcb: {  	v59 =	vld [tilespmem:s22+$0x1070];
	v5 =	vadd.f32 v57, v5;
	v7 =	vmax.f32 v7, $0.0e+00;
	[tilespmem:s22+$0xFA0] =	vst v8  }
0xcc: {  	v3 =	vadd.f32 v58, v3;
	v6 =	vmax.f32 v6, $0.0e+00;
	v9 =	vmax.f32 v10, $0.0e+00;
	v10 =	vld [tilespmem:s22+$0x1000];
	[tilespmem:s22+$0xFB0] =	vst v7  }
0xcd: {  	v5 =	vmax.f32 v5, $0.0e+00;
	v8 =	vld [tilespmem:s22+$0x1020];
	[tilespmem:s22+$0xFC0] =	vst v6  }
0xce: {  	v3 =	vmax.f32 v3, $0.0e+00;
	v7 =	vld [tilespmem:s22+$0x1030];
	[tilespmem:s22+$0xFD0] =	vst v5;
	v4 =	vadd.f32 v11, v4  }
0xcf: {  	v6 =	vld [tilespmem:s22+$0x1040];
	[tilespmem:s22+$0xFF0] =	vst v3  }
0xd0: {  	[tilespmem:s22+$0xF90] =	vst v9;
	v9 =	vld [tilespmem:s22+$0x1010];
	v4 =	vmax.f32 v4, $0.0e+00  }
0xd1: {  	v11 =	vld [tilespmem:s22+$0x1050];
	s24 =	spop (v2sf);
	[tilespmem:s22+$0xFE0] =	vst v4  }
0xd2: {  	v3 =	vld [tilespmem:s24+$0x600]  }
0xd3: {  	(v2sf) =	vpush v1, $0x5;
	v60 =	vld [tilespmem:s24+$0x620]  }
0xd4: {  	v61 =	vld [tilespmem:s24+$0x630]  }
0xd5: {  	v5 =	vld [tilespmem:s24+$0x610]  }
0xd6: {  	v62 =	vld [tilespmem:s24+$0x640]  }
0xd7: {  	v63 =	vld [tilespmem:s24+$0x650];
	v3 =	vadd.f32 v3, v10  }
0xd8: {  	v4 =	vld [tilespmem:s22+$0x1060];
	v8 =	vadd.f32 v60, v8  }
0xd9: {  	v10 =	vld [tilespmem:s24+$0x660];
	v7 =	vadd.f32 v61, v7;
	v3 =	vmax.f32 v3, $0.0e+00  }
0xda: {  	v17 =	vld [tilespmem:s24+$0x670];
	v5 =	vadd.f32 v5, v9;
	v8 =	vmax.f32 v8, $0.0e+00;
	[tilespmem:s22+$0x1000] =	vst v3  }
0xdb: {  	v6 =	vadd.f32 v62, v6;
	v9 =	vld [tilespmem:s22+$0x10B0];
	[tilespmem:s22+$0x1020] =	vst v8;
	v8 =	vmax.f32 v7, $0.0e+00  }
0xdc: {  	v5 =	vmax.f32 v5, $0.0e+00;
	v3 =	vld [tilespmem:s22+$0x1080];
	[tilespmem:s22+$0x1030] =	vst v8;
	v8 =	vadd.f32 v63, v11  }
0xdd: {  	v6 =	vmax.f32 v6, $0.0e+00;
	[tilespmem:s22+$0x1010] =	vst v5;
	v5 =	vld [tilespmem:s22+$0x1090]  }
0xde: {  	v7 =	vld [tilespmem:s22+$0x10A0];
	[tilespmem:s22+$0x1040] =	vst v6;
	v4 =	vadd.f32 v10, v4;
	v6 =	vmax.f32 v8, $0.0e+00  }
0xdf: {  	v10 =	vld [tilespmem:s22+$0x10C0];
	[tilespmem:s22+$0x1050] =	vst v6;
	v6 =	vadd.f32 v17, v59  }
0xe0: {  	s25 =	smul.u32 $0xA000, s20;
	v8 =	vld [tilespmem:s22+$0x10D0];
	v4 =	vmax.f32 v4, $0.0e+00  }
0xe1: {  	[tilespmem:s22+$0x1060] =	vst v4;
	v4 =	vmax.f32 v6, $0.0e+00;
	v6 =	vld [tilespmem:s22+$0x10E0]  }
0xe2: {  	s23 =	sadd.s32 $0x2, s18;
	s30 =	sshrl.u32 s25, $0x2;
	s29 =	spop (v2sf);
	[tilespmem:s22+$0x1070] =	vst v4;
	v4 =	vld [tilespmem:s22+$0x10F0]  }
0xe3: {  	s28 =	simm.s32 $0x1;
	s25 =	sadd.s32 $0xE00, s30;
	s24 =	sand.u32 $0x3, s23;
	(v2sf) =	vpush v1, $0x6;
	v11 =	vld [tilespmem:s29+$0x600]  }
.LBB2_5:
0xe4: {  	p0 =	sne.s32 s28, $0x4;
	v12 =	vld [tilespmem:s29+$0x610]  }
0xe5: {  	v13 =	vld [tilespmem:s29+$0x620]  }
0xe6: {  	v14 =	vld [tilespmem:s29+$0x630]  }
0xe7: {  	v15 =	vld [tilespmem:s29+$0x640]  }
0xe8: {  	v16 =	vld [tilespmem:s29+$0x650];
	v3 =	vadd.f32 v11, v3  }
0xe9: {  	v11 =	vld [tilespmem:s29+$0x660];
	v5 =	vadd.f32 v12, v5  }
0xea: {  	v12 =	vld [tilespmem:s29+$0x670];
	v3 =	vmax.f32 v3, $0.0e+00;
	v7 =	vadd.f32 v13, v7  }
0xeb: {  	[tilespmem:s22+$0x1080] =	vst v3;
	v3 =	vmax.f32 v5, $0.0e+00;
	v5 =	vadd.f32 v14, v9;
	v9 =	vld [tilespmem:s22+$0x1100]  }
0xec: {  	[tilespmem:s22+$0x1090] =	vst v3;
	v3 =	vmax.f32 v7, $0.0e+00;
	v7 =	vadd.f32 v15, v10;
	v10 =	vld [tilespmem:s22+$0x1110]  }
0xed: {  	[tilespmem:s22+$0x10A0] =	vst v3;
	v3 =	vmax.f32 v5, $0.0e+00;
	v5 =	vadd.f32 v16, v8;
	v8 =	vld [tilespmem:s22+$0x1120]  }
0xee: {  	[tilespmem:s22+$0x10B0] =	vst v3;
	v3 =	vmax.f32 v7, $0.0e+00;
	v6 =	vadd.f32 v11, v6;
	v7 =	vld [tilespmem:s22+$0x1130]  }
0xef: {  	[tilespmem:s22+$0x10C0] =	vst v3;
	v3 =	vmax.f32 v5, $0.0e+00;
	v4 =	vadd.f32 v12, v4;
	v5 =	vld [tilespmem:s22+$0x1140]  }
0xf0: {  	[tilespmem:s22+$0x10D0] =	vst v3;
	v3 =	vmax.f32 v6, $0.0e+00;
	v6 =	vld [tilespmem:s22+$0x1150]  }
0xf1: {  	[tilespmem:s22+$0x10E0] =	vst v3;
	v3 =	vmax.f32 v4, $0.0e+00;
	v4 =	vld [tilespmem:s22+$0x1160]  }
0xf2: {  	[tilespmem:s22+$0x10F0] =	vst v3;
	v3 =	vld [tilespmem:s22+$0x1170];
	s29 =	spop (v2sf)  }
0xf3: {  	v11 =	vld [tilespmem:s29+$0x600];
	(v2sf) =	vpush v1, $0x7  }
0xf4: {  	v12 =	vld [tilespmem:s29+$0x610]  }
0xf5: {  	v13 =	vld [tilespmem:s29+$0x620]  }
0xf6: {  	v14 =	vld [tilespmem:s29+$0x630]  }
0xf7: {  	v15 =	vld [tilespmem:s29+$0x640]  }
0xf8: {  	v16 =	vld [tilespmem:s29+$0x650];
	v9 =	vadd.f32 v11, v9  }
0xf9: {  	v11 =	vld [tilespmem:s29+$0x660];
	v10 =	vadd.f32 v12, v10  }
0xfa: {  	v12 =	vld [tilespmem:s29+$0x670];
	v9 =	vmax.f32 v9, $0.0e+00;
	v8 =	vadd.f32 v13, v8  }
0xfb: {  	[tilespmem:s22+$0x1100] =	vst v9;
	v9 =	vmax.f32 v10, $0.0e+00;
	v7 =	vadd.f32 v14, v7;
	v10 =	vld [tilespmem:s22+$0x1180]  }
0xfc: {  	[tilespmem:s22+$0x1110] =	vst v9;
	v8 =	vmax.f32 v8, $0.0e+00;
	v5 =	vadd.f32 v15, v5;
	v9 =	vld [tilespmem:s22+$0x1190]  }
0xfd: {  	[tilespmem:s22+$0x1120] =	vst v8;
	v7 =	vmax.f32 v7, $0.0e+00;
	v6 =	vadd.f32 v16, v6;
	v8 =	vld [tilespmem:s22+$0x11A0]  }
0xfe: {  	[tilespmem:s22+$0x1130] =	vst v7;
	v5 =	vmax.f32 v5, $0.0e+00;
	v4 =	vadd.f32 v11, v4;
	v7 =	vld [tilespmem:s22+$0x11B0]  }
0xff: {  	[tilespmem:s22+$0x1140] =	vst v5;
	v5 =	vmax.f32 v6, $0.0e+00;
	v3 =	vadd.f32 v12, v3;
	v6 =	vld [tilespmem:s22+$0x11C0]  }
0x100: {  	[tilespmem:s22+$0x1150] =	vst v5;
	v4 =	vmax.f32 v4, $0.0e+00;
	v5 =	vld [tilespmem:s22+$0x11D0]  }
0x101: {  	[tilespmem:s22+$0x1160] =	vst v4;
	v3 =	vmax.f32 v3, $0.0e+00;
	v4 =	vld [tilespmem:s22+$0x11E0]  }
0x102: {  	[tilespmem:s22+$0x1170] =	vst v3;
	v3 =	vld [tilespmem:s22+$0x11F0];
	s29 =	spop (v2sf)  }
0x103: {  	v11 =	vld [tilespmem:s29+$0x600];
	(v2sf) =	vpush v1, $0x8  }
0x104: {  	v12 =	vld [tilespmem:s29+$0x610]  }
0x105: {  	v13 =	vld [tilespmem:s29+$0x620]  }
0x106: {  	v14 =	vld [tilespmem:s29+$0x630]  }
0x107: {  	v15 =	vld [tilespmem:s29+$0x640]  }
0x108: {  	v16 =	vld [tilespmem:s29+$0x650];
	v10 =	vadd.f32 v11, v10  }
0x109: {  	v11 =	vld [tilespmem:s29+$0x660];
	v9 =	vadd.f32 v12, v9  }
0x10a: {  	v12 =	vld [tilespmem:s29+$0x670];
	v10 =	vmax.f32 v10, $0.0e+00;
	v8 =	vadd.f32 v13, v8  }
0x10b: {  	[tilespmem:s22+$0x1180] =	vst v10;
	v9 =	vmax.f32 v9, $0.0e+00;
	v7 =	vadd.f32 v14, v7;
	v10 =	vld [tilespmem:s22+$0x1200]  }
0x10c: {  	[tilespmem:s22+$0x1190] =	vst v9;
	v8 =	vmax.f32 v8, $0.0e+00;
	v6 =	vadd.f32 v15, v6;
	v9 =	vld [tilespmem:s22+$0x1210]  }
0x10d: {  	[tilespmem:s22+$0x11A0] =	vst v8;
	v7 =	vmax.f32 v7, $0.0e+00;
	v5 =	vadd.f32 v16, v5;
	v8 =	vld [tilespmem:s22+$0x1220]  }
0x10e: {  	[tilespmem:s22+$0x11B0] =	vst v7;
	v6 =	vmax.f32 v6, $0.0e+00;
	v4 =	vadd.f32 v11, v4;
	v7 =	vld [tilespmem:s22+$0x1230]  }
0x10f: {  	[tilespmem:s22+$0x11C0] =	vst v6;
	v5 =	vmax.f32 v5, $0.0e+00;
	v3 =	vadd.f32 v12, v3;
	v6 =	vld [tilespmem:s22+$0x1240]  }
0x110: {  	[tilespmem:s22+$0x11D0] =	vst v5;
	v4 =	vmax.f32 v4, $0.0e+00;
	v5 =	vld [tilespmem:s22+$0x1250]  }
0x111: {  	[tilespmem:s22+$0x11E0] =	vst v4;
	v3 =	vmax.f32 v3, $0.0e+00;
	v4 =	vld [tilespmem:s22+$0x1260]  }
0x112: {  	[tilespmem:s22+$0x11F0] =	vst v3;
	v3 =	vld [tilespmem:s22+$0x1270];
	s29 =	spop (v2sf)  }
0x113: {  	v11 =	vld [tilespmem:s29+$0x600];
	(v2sf) =	vpush v1, $0x9  }
0x114: {  	v12 =	vld [tilespmem:s29+$0x610]  }
0x115: {  	v13 =	vld [tilespmem:s29+$0x620]  }
0x116: {  	v14 =	vld [tilespmem:s29+$0x630]  }
0x117: {  	v15 =	vld [tilespmem:s29+$0x640]  }
0x118: {  	v16 =	vld [tilespmem:s29+$0x650];
	v10 =	vadd.f32 v11, v10  }
0x119: {  	v11 =	vld [tilespmem:s29+$0x660];
	v9 =	vadd.f32 v12, v9  }
0x11a: {  	v12 =	vld [tilespmem:s29+$0x670];
	v10 =	vmax.f32 v10, $0.0e+00;
	v8 =	vadd.f32 v13, v8  }
0x11b: {  	[tilespmem:s22+$0x1200] =	vst v10;
	v9 =	vmax.f32 v9, $0.0e+00;
	v7 =	vadd.f32 v14, v7;
	v10 =	vld [tilespmem:s22+$0x1280]  }
0x11c: {  	[tilespmem:s22+$0x1210] =	vst v9;
	v8 =	vmax.f32 v8, $0.0e+00;
	v6 =	vadd.f32 v15, v6;
	v9 =	vld [tilespmem:s22+$0x1290]  }
0x11d: {  	[tilespmem:s22+$0x1220] =	vst v8;
	v7 =	vmax.f32 v7, $0.0e+00;
	v5 =	vadd.f32 v16, v5;
	v8 =	vld [tilespmem:s22+$0x12A0]  }
0x11e: {  	[tilespmem:s22+$0x1230] =	vst v7;
	v6 =	vmax.f32 v6, $0.0e+00;
	v4 =	vadd.f32 v11, v4;
	v7 =	vld [tilespmem:s22+$0x12B0]  }
0x11f: {  	[tilespmem:s22+$0x1240] =	vst v6;
	v5 =	vmax.f32 v5, $0.0e+00;
	v3 =	vadd.f32 v12, v3;
	v6 =	vld [tilespmem:s22+$0x12C0]  }
0x120: {  	[tilespmem:s22+$0x1250] =	vst v5;
	v4 =	vmax.f32 v4, $0.0e+00;
	v5 =	vld [tilespmem:s22+$0x12D0]  }
0x121: {  	[tilespmem:s22+$0x1260] =	vst v4;
	v3 =	vmax.f32 v3, $0.0e+00;
	v4 =	vld [tilespmem:s22+$0x12E0]  }
0x122: {  	[tilespmem:s22+$0x1270] =	vst v3;
	v3 =	vld [tilespmem:s22+$0x12F0];
	s29 =	spop (v2sf)  }
0x123: {  	v11 =	vld [tilespmem:s29+$0x600];
	(v2sf) =	vpush v1, $0xA  }
0x124: {  	v12 =	vld [tilespmem:s29+$0x610]  }
0x125: {  	v13 =	vld [tilespmem:s29+$0x620]  }
0x126: {  	v14 =	vld [tilespmem:s29+$0x630]  }
0x127: {  	v15 =	vld [tilespmem:s29+$0x640]  }
0x128: {  	v16 =	vld [tilespmem:s29+$0x650];
	v10 =	vadd.f32 v11, v10  }
0x129: {  	v11 =	vld [tilespmem:s29+$0x660];
	v9 =	vadd.f32 v12, v9  }
0x12a: {  	v12 =	vld [tilespmem:s29+$0x670];
	v10 =	vmax.f32 v10, $0.0e+00;
	v8 =	vadd.f32 v13, v8  }
0x12b: {  	[tilespmem:s22+$0x1280] =	vst v10;
	v9 =	vmax.f32 v9, $0.0e+00;
	v7 =	vadd.f32 v14, v7;
	v10 =	vld [tilespmem:s22+$0x1300]  }
0x12c: {  	[tilespmem:s22+$0x1290] =	vst v9;
	v8 =	vmax.f32 v8, $0.0e+00;
	v6 =	vadd.f32 v15, v6;
	v9 =	vld [tilespmem:s22+$0x1310]  }
0x12d: {  	[tilespmem:s22+$0x12A0] =	vst v8;
	v7 =	vmax.f32 v7, $0.0e+00;
	v5 =	vadd.f32 v16, v5;
	v8 =	vld [tilespmem:s22+$0x1320]  }
0x12e: {  	[tilespmem:s22+$0x12B0] =	vst v7;
	v6 =	vmax.f32 v6, $0.0e+00;
	v4 =	vadd.f32 v11, v4;
	v7 =	vld [tilespmem:s22+$0x1330]  }
0x12f: {  	[tilespmem:s22+$0x12C0] =	vst v6;
	v5 =	vmax.f32 v5, $0.0e+00;
	v3 =	vadd.f32 v12, v3;
	v6 =	vld [tilespmem:s22+$0x1340]  }
0x130: {  	[tilespmem:s22+$0x12D0] =	vst v5;
	v4 =	vmax.f32 v4, $0.0e+00;
	v5 =	vld [tilespmem:s22+$0x1350]  }
0x131: {  	[tilespmem:s22+$0x12E0] =	vst v4;
	v3 =	vmax.f32 v3, $0.0e+00;
	v4 =	vld [tilespmem:s22+$0x1360]  }
0x132: {  	[tilespmem:s22+$0x12F0] =	vst v3;
	v3 =	vld [tilespmem:s22+$0x1370];
	s29 =	spop (v2sf)  }
0x133: {  	v11 =	vld [tilespmem:s29+$0x600];
	(v2sf) =	vpush v1, $0xB  }
0x134: {  	v12 =	vld [tilespmem:s29+$0x610]  }
0x135: {  	v13 =	vld [tilespmem:s29+$0x620]  }
0x136: {  	v14 =	vld [tilespmem:s29+$0x630]  }
0x137: {  	v15 =	vld [tilespmem:s29+$0x640]  }
0x138: {  	v16 =	vld [tilespmem:s29+$0x650];
	v10 =	vadd.f32 v11, v10  }
0x139: {  	v11 =	vld [tilespmem:s29+$0x660];
	v9 =	vadd.f32 v12, v9  }
0x13a: {  	v12 =	vld [tilespmem:s29+$0x670];
	v10 =	vmax.f32 v10, $0.0e+00;
	v8 =	vadd.f32 v13, v8  }
0x13b: {  	[tilespmem:s22+$0x1300] =	vst v10;
	v9 =	vmax.f32 v9, $0.0e+00;
	v7 =	vadd.f32 v14, v7;
	v10 =	vld [tilespmem:s22+$0x1380]  }
0x13c: {  	[tilespmem:s22+$0x1310] =	vst v9;
	v8 =	vmax.f32 v8, $0.0e+00;
	v6 =	vadd.f32 v15, v6;
	v9 =	vld [tilespmem:s22+$0x1390]  }
0x13d: {  	[tilespmem:s22+$0x1320] =	vst v8;
	v7 =	vmax.f32 v7, $0.0e+00;
	v5 =	vadd.f32 v16, v5;
	v8 =	vld [tilespmem:s22+$0x13A0]  }
0x13e: {  	[tilespmem:s22+$0x1330] =	vst v7;
	v6 =	vmax.f32 v6, $0.0e+00;
	v4 =	vadd.f32 v11, v4;
	v7 =	vld [tilespmem:s22+$0x13B0]  }
0x13f: {  	[tilespmem:s22+$0x1340] =	vst v6;
	v5 =	vmax.f32 v5, $0.0e+00;
	v3 =	vadd.f32 v12, v3;
	v6 =	vld [tilespmem:s22+$0x13C0]  }
0x140: {  	[tilespmem:s22+$0x1350] =	vst v5;
	v4 =	vmax.f32 v4, $0.0e+00;
	v5 =	vld [tilespmem:s22+$0x13D0]  }
0x141: {  	[tilespmem:s22+$0x1360] =	vst v4;
	v3 =	vmax.f32 v3, $0.0e+00;
	v4 =	vld [tilespmem:s22+$0x13E0]  }
0x142: {  	[tilespmem:s22+$0x1370] =	vst v3;
	v3 =	vld [tilespmem:s22+$0x13F0];
	s29 =	spop (v2sf)  }
0x143: {  	v11 =	vld [tilespmem:s29+$0x600];
	(v2sf) =	vpush v1, $0xC  }
0x144: {  	v12 =	vld [tilespmem:s29+$0x610]  }
0x145: {  	v13 =	vld [tilespmem:s29+$0x620]  }
0x146: {  	v14 =	vld [tilespmem:s29+$0x630]  }
0x147: {  	v15 =	vld [tilespmem:s29+$0x640]  }
0x148: {  	v16 =	vld [tilespmem:s29+$0x650];
	v10 =	vadd.f32 v11, v10  }
0x149: {  	v11 =	vld [tilespmem:s29+$0x660];
	v9 =	vadd.f32 v12, v9  }
0x14a: {  	v12 =	vld [tilespmem:s29+$0x670];
	v10 =	vmax.f32 v10, $0.0e+00;
	v8 =	vadd.f32 v13, v8  }
0x14b: {  	[tilespmem:s22+$0x1380] =	vst v10;
	v9 =	vmax.f32 v9, $0.0e+00;
	v7 =	vadd.f32 v14, v7;
	v10 =	vld [tilespmem:s22+$0x1400]  }
0x14c: {  	[tilespmem:s22+$0x1390] =	vst v9;
	v8 =	vmax.f32 v8, $0.0e+00;
	v6 =	vadd.f32 v15, v6;
	v9 =	vld [tilespmem:s22+$0x1410]  }
0x14d: {  	[tilespmem:s22+$0x13A0] =	vst v8;
	v7 =	vmax.f32 v7, $0.0e+00;
	v5 =	vadd.f32 v16, v5;
	v8 =	vld [tilespmem:s22+$0x1420]  }
0x14e: {  	[tilespmem:s22+$0x13B0] =	vst v7;
	v6 =	vmax.f32 v6, $0.0e+00;
	v4 =	vadd.f32 v11, v4;
	v7 =	vld [tilespmem:s22+$0x1430]  }
0x14f: {  	[tilespmem:s22+$0x13C0] =	vst v6;
	v5 =	vmax.f32 v5, $0.0e+00;
	v3 =	vadd.f32 v12, v3;
	v6 =	vld [tilespmem:s22+$0x1440]  }
0x150: {  	[tilespmem:s22+$0x13D0] =	vst v5;
	v4 =	vmax.f32 v4, $0.0e+00;
	v5 =	vld [tilespmem:s22+$0x1450]  }
0x151: {  	[tilespmem:s22+$0x13E0] =	vst v4;
	v3 =	vmax.f32 v3, $0.0e+00;
	v4 =	vld [tilespmem:s22+$0x1460]  }
0x152: {  	[tilespmem:s22+$0x13F0] =	vst v3;
	v3 =	vld [tilespmem:s22+$0x1470];
	s29 =	spop (v2sf)  }
0x153: {  	v11 =	vld [tilespmem:s29+$0x600];
	(v2sf) =	vpush v1, $0xD  }
0x154: {  	v12 =	vld [tilespmem:s29+$0x610]  }
0x155: {  	v13 =	vld [tilespmem:s29+$0x620]  }
0x156: {  	v14 =	vld [tilespmem:s29+$0x630]  }
0x157: {  	v15 =	vld [tilespmem:s29+$0x640]  }
0x158: {  	v16 =	vld [tilespmem:s29+$0x650];
	v10 =	vadd.f32 v11, v10  }
0x159: {  	v11 =	vld [tilespmem:s29+$0x660];
	v9 =	vadd.f32 v12, v9  }
0x15a: {  	v12 =	vld [tilespmem:s29+$0x670];
	v10 =	vmax.f32 v10, $0.0e+00;
	v8 =	vadd.f32 v13, v8  }
0x15b: {  	[tilespmem:s22+$0x1400] =	vst v10;
	v9 =	vmax.f32 v9, $0.0e+00;
	v7 =	vadd.f32 v14, v7;
	v10 =	vld [tilespmem:s22+$0x1480]  }
0x15c: {  	[tilespmem:s22+$0x1410] =	vst v9;
	v8 =	vmax.f32 v8, $0.0e+00;
	v6 =	vadd.f32 v15, v6;
	v9 =	vld [tilespmem:s22+$0x1490]  }
0x15d: {  	[tilespmem:s22+$0x1420] =	vst v8;
	v7 =	vmax.f32 v7, $0.0e+00;
	v5 =	vadd.f32 v16, v5;
	v8 =	vld [tilespmem:s22+$0x14A0]  }
0x15e: {  	[tilespmem:s22+$0x1430] =	vst v7;
	v6 =	vmax.f32 v6, $0.0e+00;
	v4 =	vadd.f32 v11, v4;
	v7 =	vld [tilespmem:s22+$0x14B0]  }
0x15f: {  	[tilespmem:s22+$0x1440] =	vst v6;
	v5 =	vmax.f32 v5, $0.0e+00;
	v3 =	vadd.f32 v12, v3;
	v6 =	vld [tilespmem:s22+$0x14C0]  }
0x160: {  	[tilespmem:s22+$0x1450] =	vst v5;
	v4 =	vmax.f32 v4, $0.0e+00;
	v5 =	vld [tilespmem:s22+$0x14D0]  }
0x161: {  	[tilespmem:s22+$0x1460] =	vst v4;
	v3 =	vmax.f32 v3, $0.0e+00;
	v4 =	vld [tilespmem:s22+$0x14E0]  }
0x162: {  	[tilespmem:s22+$0x1470] =	vst v3;
	v3 =	vld [tilespmem:s22+$0x14F0];
	s29 =	spop (v2sf)  }
0x163: {  	v11 =	vld [tilespmem:s29+$0x600];
	(v2sf) =	vpush v1, $0xE  }
0x164: {  	v12 =	vld [tilespmem:s29+$0x610]  }
0x165: {  	v13 =	vld [tilespmem:s29+$0x620]  }
0x166: {  	v14 =	vld [tilespmem:s29+$0x630]  }
0x167: {  	v15 =	vld [tilespmem:s29+$0x640]  }
0x168: {  	v16 =	vld [tilespmem:s29+$0x650];
	v10 =	vadd.f32 v11, v10  }
0x169: {  	v11 =	vld [tilespmem:s29+$0x660];
	v9 =	vadd.f32 v12, v9  }
0x16a: {  	v12 =	vld [tilespmem:s29+$0x670];
	v10 =	vmax.f32 v10, $0.0e+00;
	v8 =	vadd.f32 v13, v8  }
0x16b: {  	[tilespmem:s22+$0x1480] =	vst v10;
	v9 =	vmax.f32 v9, $0.0e+00;
	v7 =	vadd.f32 v14, v7;
	v10 =	vld [tilespmem:s22+$0x1500]  }
0x16c: {  	[tilespmem:s22+$0x1490] =	vst v9;
	v8 =	vmax.f32 v8, $0.0e+00;
	v6 =	vadd.f32 v15, v6;
	v9 =	vld [tilespmem:s22+$0x1510]  }
0x16d: {  	[tilespmem:s22+$0x14A0] =	vst v8;
	v7 =	vmax.f32 v7, $0.0e+00;
	v5 =	vadd.f32 v16, v5;
	v8 =	vld [tilespmem:s22+$0x1520]  }
0x16e: {  	[tilespmem:s22+$0x14B0] =	vst v7;
	v6 =	vmax.f32 v6, $0.0e+00;
	v4 =	vadd.f32 v11, v4;
	v7 =	vld [tilespmem:s22+$0x1530]  }
0x16f: {  	[tilespmem:s22+$0x14C0] =	vst v6;
	v5 =	vmax.f32 v5, $0.0e+00;
	v3 =	vadd.f32 v12, v3;
	v6 =	vld [tilespmem:s22+$0x1540]  }
0x170: {  	[tilespmem:s22+$0x14D0] =	vst v5;
	v4 =	vmax.f32 v4, $0.0e+00;
	v5 =	vld [tilespmem:s22+$0x1550]  }
0x171: {  	[tilespmem:s22+$0x14E0] =	vst v4;
	v3 =	vmax.f32 v3, $0.0e+00;
	v4 =	vld [tilespmem:s22+$0x1560]  }
0x172: {  	[tilespmem:s22+$0x14F0] =	vst v3;
	v3 =	vld [tilespmem:s22+$0x1570];
	s29 =	spop (v2sf)  }
0x173: {  	v11 =	vld [tilespmem:s29+$0x600];
	(v2sf) =	vpush v1, $0xF  }
0x174: {  	v1 =	vld [tilespmem:s29+$0x610]  }
0x175: {  	v12 =	vld [tilespmem:s29+$0x620]  }
0x176: {  	v13 =	vld [tilespmem:s29+$0x630]  }
0x177: {  	v14 =	vld [tilespmem:s29+$0x640]  }
0x178: {  	v15 =	vld [tilespmem:s29+$0x650];
	v10 =	vadd.f32 v11, v10  }
0x179: {  	v11 =	vld [tilespmem:s29+$0x660];
	v1 =	vadd.f32 v1, v9  }
0x17a: {  	v9 =	vld [tilespmem:s29+$0x670];
	v10 =	vmax.f32 v10, $0.0e+00;
	v8 =	vadd.f32 v12, v8  }
0x17b: {  	s29 =	sshll.u32 s28, $0x4;
	[tilespmem:s22+$0x1500] =	vst v10;
	v1 =	vmax.f32 v1, $0.0e+00;
	v7 =	vadd.f32 v13, v7;
	v10 =	vld [tilespmem:s22+$0x1580]  }
0x17c: {  	v12 =	vld.idx.msk [tilespmem:v2+s29+$0x0 ss:$0x1], $0xffff;
	[tilespmem:s22+$0x1510] =	vst v1;
	v1 =	vmax.f32 v8, $0.0e+00;
	v6 =	vadd.f32 v14, v6  }
0x17d: {  	[tilespmem:s22+$0x1520] =	vst v1;
	v1 =	vmax.f32 v7, $0.0e+00;
	v5 =	vadd.f32 v15, v5;
	v7 =	vld [tilespmem:s22+$0x1590]  }
0x17e: {  	[tilespmem:s22+$0x1530] =	vst v1;
	v1 =	vmax.f32 v6, $0.0e+00;
	v4 =	vadd.f32 v11, v4;
	v6 =	vld [tilespmem:s22+$0x15A0]  }
0x17f: {  	[tilespmem:s22+$0x1540] =	vst v1;
	v1 =	vmax.f32 v5, $0.0e+00;
	v3 =	vadd.f32 v9, v3;
	v5 =	vld [tilespmem:s22+$0x15B0]  }
0x180: {  	[tilespmem:s22+$0x1550] =	vst v1;
	v1 =	vmax.f32 v4, $0.0e+00;
	v4 =	vld [tilespmem:s22+$0x15C0]  }
0x181: {  	[tilespmem:s22+$0x1560] =	vst v1;
	v1 =	vmax.f32 v3, $0.0e+00;
	v3 =	vld [tilespmem:s22+$0x15D0]  }
0x182: {  	v8 =	vshll.u32 v12, $0x9;
	[tilespmem:s22+$0x1570] =	vst v1;
	v9 =	vld [tilespmem:s22+$0x15F0];
	s30 =	spop (v2sf)  }
0x183: {  	v1 =	vshra.s32 v8, $0x2;
	v8 =	vld [tilespmem:s30+$0x670]  }
0x184: {  	(v2sf) =	vpush v1, $0x0;
	v11 =	vld [tilespmem:s22+$0x15E0]  }
0x185: {  	v12 =	vld [tilespmem:s30+$0x600]  }
0x186: {  	v13 =	vld [tilespmem:s30+$0x610]  }
0x187: {  	v14 =	vld [tilespmem:s30+$0x620]  }
0x188: {  	v15 =	vld [tilespmem:s30+$0x630];
	v8 =	vadd.f32 v8, v9  }
0x189: {  	s29 =	sadd.s32 s26, s29;
	v9 =	vld [tilespmem:s30+$0x640]  }
0x18a: {  	s29 =	sshll.u32 s29, $0x7;
	v16 =	vld [tilespmem:s30+$0x650];
	v10 =	vadd.f32 v12, v10;
	v8 =	vmax.f32 v8, $0.0e+00  }
0x18b: {  	s29 =	sand.u32 $0x3FFFFF80, s29;
	v12 =	vld [tilespmem:s30+$0x660];
	v7 =	vadd.f32 v13, v7;
	[tilespmem:s22+$0x15F0] =	vst v8  }
0x18c: {  	v8 =	vld [tilespmem:s29+$0xE00];
	v10 =	vmax.f32 v10, $0.0e+00;
	v6 =	vadd.f32 v14, v6  }
0x18d: {  	v13 =	vld [tilespmem:s29+$0xE10];
	[tilespmem:s22+$0x1580] =	vst v10;
	v7 =	vmax.f32 v7, $0.0e+00;
	v5 =	vadd.f32 v15, v5  }
0x18e: {  	v10 =	vld [tilespmem:s29+$0xE20];
	[tilespmem:s22+$0x1590] =	vst v7;
	v6 =	vmax.f32 v6, $0.0e+00;
	v4 =	vadd.f32 v9, v4  }
0x18f: {  	v7 =	vld [tilespmem:s29+$0xE30];
	[tilespmem:s22+$0x15A0] =	vst v6;
	v5 =	vmax.f32 v5, $0.0e+00;
	v3 =	vadd.f32 v16, v3  }
0x190: {  	v6 =	vld [tilespmem:s29+$0xE40];
	[tilespmem:s22+$0x15B0] =	vst v5;
	v4 =	vmax.f32 v4, $0.0e+00;
	v5 =	vadd.f32 v12, v11  }
0x191: {  	v9 =	vld [tilespmem:s29+$0xE50];
	[tilespmem:s22+$0x15C0] =	vst v4;
	v3 =	vmax.f32 v3, $0.0e+00  }
0x192: {  	v4 =	vld [tilespmem:s29+$0xE60];
	[tilespmem:s22+$0x15D0] =	vst v3;
	v3 =	vmax.f32 v5, $0.0e+00  }
0x193: {  	v5 =	vld [tilespmem:s29+$0xE70];
	s30 =	spop (v2sf);
	[tilespmem:s22+$0x15E0] =	vst v3;
	s22 =	smov.u32 s29  }
0x194: {  	v3 =	vld [tilespmem:s30+$0x600];
	(v2sf) =	vpush v1, $0x1  }
0x195: {  	v11 =	vld [tilespmem:s30+$0x610]  }
0x196: {  	v12 =	vld [tilespmem:s30+$0x620]  }
0x197: {  	v14 =	vld [tilespmem:s30+$0x630]  }
0x198: {  	v15 =	vld [tilespmem:s30+$0x640]  }
0x199: {  	v16 =	vld [tilespmem:s30+$0x650];
	v3 =	vadd.f32 v3, v8  }
0x19a: {  	v8 =	vld [tilespmem:s30+$0x660];
	v11 =	vadd.f32 v11, v13  }
0x19b: {  	v13 =	vld [tilespmem:s30+$0x670];
	v3 =	vmax.f32 v3, $0.0e+00;
	v10 =	vadd.f32 v12, v10  }
0x19c: {  	[tilespmem:s22+$0xE00] =	vst v3;
	v3 =	vmax.f32 v11, $0.0e+00;
	v7 =	vadd.f32 v14, v7;
	v11 =	vld [tilespmem:s22+$0xE80]  }
0x19d: {  	[tilespmem:s22+$0xE10] =	vst v3;
	v3 =	vmax.f32 v10, $0.0e+00;
	v6 =	vadd.f32 v15, v6;
	v10 =	vld [tilespmem:s22+$0xE90]  }
0x19e: {  	[tilespmem:s22+$0xE20] =	vst v3;
	v3 =	vmax.f32 v7, $0.0e+00;
	v7 =	vadd.f32 v16, v9;
	v9 =	vld [tilespmem:s22+$0xEA0]  }
0x19f: {  	[tilespmem:s22+$0xE30] =	vst v3;
	v3 =	vmax.f32 v6, $0.0e+00;
	v4 =	vadd.f32 v8, v4;
	v6 =	vld [tilespmem:s22+$0xEB0]  }
0x1a0: {  	[tilespmem:s22+$0xE40] =	vst v3;
	v3 =	vmax.f32 v7, $0.0e+00;
	v5 =	vadd.f32 v13, v5;
	v7 =	vld [tilespmem:s22+$0xEC0]  }
0x1a1: {  	[tilespmem:s22+$0xE50] =	vst v3;
	v3 =	vmax.f32 v4, $0.0e+00;
	v4 =	vld [tilespmem:s22+$0xED0]  }
0x1a2: {  	[tilespmem:s22+$0xE60] =	vst v3;
	v3 =	vmax.f32 v5, $0.0e+00;
	v5 =	vld [tilespmem:s22+$0xEE0]  }
0x1a3: {  	[tilespmem:s22+$0xE70] =	vst v3;
	v3 =	vld [tilespmem:s22+$0xEF0];
	s29 =	spop (v2sf)  }
0x1a4: {  	v8 =	vld [tilespmem:s29+$0x600];
	(v2sf) =	vpush v1, $0x2  }
0x1a5: {  	v12 =	vld [tilespmem:s29+$0x610]  }
0x1a6: {  	v13 =	vld [tilespmem:s29+$0x620]  }
0x1a7: {  	v14 =	vld [tilespmem:s29+$0x630]  }
0x1a8: {  	v15 =	vld [tilespmem:s29+$0x640]  }
0x1a9: {  	v16 =	vld [tilespmem:s29+$0x650];
	v8 =	vadd.f32 v8, v11  }
0x1aa: {  	v11 =	vld [tilespmem:s29+$0x660];
	v10 =	vadd.f32 v12, v10  }
0x1ab: {  	v12 =	vld [tilespmem:s29+$0x670];
	v8 =	vmax.f32 v8, $0.0e+00;
	v9 =	vadd.f32 v13, v9  }
0x1ac: {  	[tilespmem:s22+$0xE80] =	vst v8;
	v8 =	vmax.f32 v10, $0.0e+00;
	v6 =	vadd.f32 v14, v6;
	v10 =	vld [tilespmem:s22+$0xF00]  }
0x1ad: {  	[tilespmem:s22+$0xE90] =	vst v8;
	v8 =	vmax.f32 v9, $0.0e+00;
	v7 =	vadd.f32 v15, v7;
	v9 =	vld [tilespmem:s22+$0xF10]  }
0x1ae: {  	[tilespmem:s22+$0xEA0] =	vst v8;
	v6 =	vmax.f32 v6, $0.0e+00;
	v4 =	vadd.f32 v16, v4;
	v8 =	vld [tilespmem:s22+$0xF20]  }
0x1af: {  	[tilespmem:s22+$0xEB0] =	vst v6;
	v6 =	vmax.f32 v7, $0.0e+00;
	v5 =	vadd.f32 v11, v5;
	v7 =	vld [tilespmem:s22+$0xF30]  }
0x1b0: {  	[tilespmem:s22+$0xEC0] =	vst v6;
	v4 =	vmax.f32 v4, $0.0e+00;
	v3 =	vadd.f32 v12, v3;
	v6 =	vld [tilespmem:s22+$0xF40]  }
0x1b1: {  	[tilespmem:s22+$0xED0] =	vst v4;
	v4 =	vmax.f32 v5, $0.0e+00;
	v5 =	vld [tilespmem:s22+$0xF50]  }
0x1b2: {  	[tilespmem:s22+$0xEE0] =	vst v4;
	v3 =	vmax.f32 v3, $0.0e+00;
	v4 =	vld [tilespmem:s22+$0xF60]  }
0x1b3: {  	[tilespmem:s22+$0xEF0] =	vst v3;
	v3 =	vld [tilespmem:s22+$0xF70];
	s29 =	spop (v2sf)  }
0x1b4: {  	v11 =	vld [tilespmem:s29+$0x600];
	(v2sf) =	vpush v1, $0x3  }
0x1b5: {  	v12 =	vld [tilespmem:s29+$0x610]  }
0x1b6: {  	v13 =	vld [tilespmem:s29+$0x620]  }
0x1b7: {  	v14 =	vld [tilespmem:s29+$0x630]  }
0x1b8: {  	v15 =	vld [tilespmem:s29+$0x640]  }
0x1b9: {  	v16 =	vld [tilespmem:s29+$0x650];
	v10 =	vadd.f32 v11, v10  }
0x1ba: {  	v11 =	vld [tilespmem:s29+$0x660];
	v9 =	vadd.f32 v12, v9  }
0x1bb: {  	v12 =	vld [tilespmem:s29+$0x670];
	v10 =	vmax.f32 v10, $0.0e+00;
	v8 =	vadd.f32 v13, v8  }
0x1bc: {  	[tilespmem:s22+$0xF00] =	vst v10;
	v9 =	vmax.f32 v9, $0.0e+00;
	v7 =	vadd.f32 v14, v7;
	v10 =	vld [tilespmem:s22+$0xF80]  }
0x1bd: {  	[tilespmem:s22+$0xF10] =	vst v9;
	v8 =	vmax.f32 v8, $0.0e+00;
	v6 =	vadd.f32 v15, v6;
	v9 =	vld [tilespmem:s22+$0xF90]  }
0x1be: {  	[tilespmem:s22+$0xF20] =	vst v8;
	v7 =	vmax.f32 v7, $0.0e+00;
	v5 =	vadd.f32 v16, v5;
	v8 =	vld [tilespmem:s22+$0xFA0]  }
0x1bf: {  	[tilespmem:s22+$0xF30] =	vst v7;
	v6 =	vmax.f32 v6, $0.0e+00;
	v4 =	vadd.f32 v11, v4;
	v7 =	vld [tilespmem:s22+$0xFB0]  }
0x1c0: {  	[tilespmem:s22+$0xF40] =	vst v6;
	v5 =	vmax.f32 v5, $0.0e+00;
	v3 =	vadd.f32 v12, v3;
	v6 =	vld [tilespmem:s22+$0xFC0]  }
0x1c1: {  	[tilespmem:s22+$0xF50] =	vst v5;
	v4 =	vmax.f32 v4, $0.0e+00;
	v5 =	vld [tilespmem:s22+$0xFD0]  }
0x1c2: {  	[tilespmem:s22+$0xF60] =	vst v4;
	v3 =	vmax.f32 v3, $0.0e+00;
	v4 =	vld [tilespmem:s22+$0xFE0]  }
0x1c3: {  	[tilespmem:s22+$0xF70] =	vst v3;
	v3 =	vld [tilespmem:s22+$0xFF0];
	s29 =	spop (v2sf)  }
0x1c4: {  	v11 =	vld [tilespmem:s29+$0x600];
	(v2sf) =	vpush v1, $0x4  }
0x1c5: {  	v12 =	vld [tilespmem:s29+$0x610]  }
0x1c6: {  	v13 =	vld [tilespmem:s29+$0x620]  }
0x1c7: {  	v14 =	vld [tilespmem:s29+$0x630]  }
0x1c8: {  	v15 =	vld [tilespmem:s29+$0x640]  }
0x1c9: {  	v16 =	vld [tilespmem:s29+$0x650];
	v10 =	vadd.f32 v11, v10  }
0x1ca: {  	v11 =	vld [tilespmem:s29+$0x660];
	v9 =	vadd.f32 v12, v9  }
0x1cb: {  	v12 =	vld [tilespmem:s29+$0x670];
	v10 =	vmax.f32 v10, $0.0e+00;
	v8 =	vadd.f32 v13, v8  }
0x1cc: {  	[tilespmem:s22+$0xF80] =	vst v10;
	v9 =	vmax.f32 v9, $0.0e+00;
	v7 =	vadd.f32 v14, v7;
	v10 =	vld [tilespmem:s22+$0x1000]  }
0x1cd: {  	[tilespmem:s22+$0xF90] =	vst v9;
	v8 =	vmax.f32 v8, $0.0e+00;
	v6 =	vadd.f32 v15, v6;
	v9 =	vld [tilespmem:s22+$0x1010]  }
0x1ce: {  	[tilespmem:s22+$0xFA0] =	vst v8;
	v7 =	vmax.f32 v7, $0.0e+00;
	v5 =	vadd.f32 v16, v5;
	v8 =	vld [tilespmem:s22+$0x1020]  }
0x1cf: {  	[tilespmem:s22+$0xFB0] =	vst v7;
	v6 =	vmax.f32 v6, $0.0e+00;
	v4 =	vadd.f32 v11, v4;
	v7 =	vld [tilespmem:s22+$0x1030]  }
0x1d0: {  	[tilespmem:s22+$0xFC0] =	vst v6;
	v5 =	vmax.f32 v5, $0.0e+00;
	v3 =	vadd.f32 v12, v3;
	v6 =	vld [tilespmem:s22+$0x1040]  }
0x1d1: {  	[tilespmem:s22+$0xFD0] =	vst v5;
	v4 =	vmax.f32 v4, $0.0e+00;
	v11 =	vld [tilespmem:s22+$0x1050]  }
0x1d2: {  	[tilespmem:s22+$0xFE0] =	vst v4;
	v3 =	vmax.f32 v3, $0.0e+00;
	v4 =	vld [tilespmem:s22+$0x1060]  }
0x1d3: {  	[tilespmem:s22+$0xFF0] =	vst v3;
	v12 =	vld [tilespmem:s22+$0x1070];
	s29 =	spop (v2sf)  }
0x1d4: {  	v3 =	vld [tilespmem:s29+$0x600];
	(v2sf) =	vpush v1, $0x5  }
0x1d5: {  	v5 =	vld [tilespmem:s29+$0x610]  }
0x1d6: {  	v13 =	vld [tilespmem:s29+$0x620]  }
0x1d7: {  	v14 =	vld [tilespmem:s29+$0x630]  }
0x1d8: {  	v15 =	vld [tilespmem:s29+$0x640]  }
0x1d9: {  	v16 =	vld [tilespmem:s29+$0x650];
	v3 =	vadd.f32 v3, v10  }
0x1da: {  	v10 =	vld [tilespmem:s29+$0x660];
	v5 =	vadd.f32 v5, v9  }
0x1db: {  	v17 =	vld [tilespmem:s29+$0x670];
	v3 =	vmax.f32 v3, $0.0e+00;
	v8 =	vadd.f32 v13, v8  }
0x1dc: {  	[tilespmem:s22+$0x1000] =	vst v3;
	v5 =	vmax.f32 v5, $0.0e+00;
	v7 =	vadd.f32 v14, v7;
	v3 =	vld [tilespmem:s22+$0x1080]  }
0x1dd: {  	[tilespmem:s22+$0x1010] =	vst v5;
	v8 =	vmax.f32 v8, $0.0e+00;
	v6 =	vadd.f32 v15, v6;
	v5 =	vld [tilespmem:s22+$0x1090]  }
0x1de: {  	[tilespmem:s22+$0x1020] =	vst v8;
	v8 =	vmax.f32 v7, $0.0e+00;
	v11 =	vadd.f32 v16, v11;
	v7 =	vld [tilespmem:s22+$0x10A0]  }
0x1df: {  	[tilespmem:s22+$0x1030] =	vst v8;
	v6 =	vmax.f32 v6, $0.0e+00;
	v4 =	vadd.f32 v10, v4;
	v9 =	vld [tilespmem:s22+$0x10B0]  }
.Ltmp1:
0x1e0: {  	[tilespmem:s22+$0x1040] =	vst v6;
	v6 =	vmax.f32 v11, $0.0e+00;
	v11 =	vadd.f32 v17, v12;
	v10 =	vld [tilespmem:s22+$0x10C0];
	(pc) =	sbr.rel @p0 .LBB2_5-.Ltmp1, $4  }
0x1e1: {  	[tilespmem:s22+$0x1050] =	vst v6;
	v4 =	vmax.f32 v4, $0.0e+00;
	v8 =	vld [tilespmem:s22+$0x10D0]  }
0x1e2: {  	[tilespmem:s22+$0x1060] =	vst v4;
	v4 =	vmax.f32 v11, $0.0e+00;
	v6 =	vld [tilespmem:s22+$0x10E0]  }
0x1e3: {  	[tilespmem:s22+$0x1070] =	vst v4;
	v4 =	vld [tilespmem:s22+$0x10F0];
	s29 =	spop (v2sf)  }
0x1e4: {  	s28 =	sadd.s32 $0x1, s28;
	v11 =	vld [tilespmem:s29+$0x600];
	(v2sf) =	vpush v1, $0x6  }
0x1e5: {  	v2 =	vld [tilespmem:s29+$0x610];
	_ =	sdelay $0x1  }
0x1e6: {  	v12 =	vld [tilespmem:s29+$0x620]  }
0x1e7: {  	v13 =	vld [tilespmem:s29+$0x630]  }
0x1e8: {  	v14 =	vld [tilespmem:s29+$0x640];
	v3 =	vadd.f32 v11, v3  }
0x1e9: {  	v15 =	vld [tilespmem:s29+$0x650];
	v2 =	vadd.f32 v2, v5  }
0x1ea: {  	v55 =	vld [tilespmem:s29+$0x660];
	v3 =	vmax.f32 v3, $0.0e+00  }
0x1eb: {  	v56 =	vld [tilespmem:s29+$0x670];
	[tilespmem:s22+$0x1080] =	vst v3;
	v3 =	vadd.f32 v12, v7;
	v2 =	vmax.f32 v2, $0.0e+00  }
0x1ec: {  	[tilespmem:s22+$0x1090] =	vst v2;
	v2 =	vadd.f32 v13, v9  }
0x1ed: {  	v3 =	vmax.f32 v3, $0.0e+00  }
0x1ee: {  	v57 =	vld [tilespmem:s22+$0x1100];
	[tilespmem:s22+$0x10A0] =	vst v3;
	v3 =	vadd.f32 v14, v10;
	v2 =	vmax.f32 v2, $0.0e+00  }
0x1ef: {  	v58 =	vld [tilespmem:s22+$0x1110];
	[tilespmem:s22+$0x10B0] =	vst v2;
	v2 =	vadd.f32 v15, v8  }
0x1f0: {  	v59 =	vld [tilespmem:s22+$0x1120];
	v3 =	vmax.f32 v3, $0.0e+00  }
0x1f1: {  	v60 =	vld [tilespmem:s22+$0x1130];
	[tilespmem:s22+$0x10C0] =	vst v3;
	v3 =	vadd.f32 v55, v6;
	v2 =	vmax.f32 v2, $0.0e+00  }
0x1f2: {  	v61 =	vld [tilespmem:s22+$0x1140];
	[tilespmem:s22+$0x10D0] =	vst v2;
	v2 =	vadd.f32 v56, v4  }
0x1f3: {  	v62 =	vld [tilespmem:s22+$0x1150];
	v3 =	vmax.f32 v3, $0.0e+00  }
0x1f4: {  	[tilespmem:s22+$0x10E0] =	vst v3;
	v2 =	vmax.f32 v2, $0.0e+00;
	v3 =	vld [tilespmem:s22+$0x1160]  }
0x1f5: {  	s26 =	spop (v2sf);
	[tilespmem:s22+$0x10F0] =	vst v2;
	v2 =	vld [tilespmem:s22+$0x1170]  }
0x1f6: {  	(v2sf) =	vpush v1, $0x7;
	v63 =	vld [tilespmem:s26+$0x600]  }
0x1f7: {  	v18 =	vld [tilespmem:s26+$0x610]  }
0x1f8: {  	v20 =	vld [tilespmem:s26+$0x630]  }
0x1f9: {  	v22 =	vld [tilespmem:s26+$0x650]  }
0x1fa: {  	v23 =	vld [tilespmem:s26+$0x660]  }
0x1fb: {  	v24 =	vld [tilespmem:s26+$0x670];
	v5 =	vadd.f32 v63, v57  }
0x1fc: {  	v19 =	vld [tilespmem:s26+$0x620];
	v9 =	vadd.f32 v18, v58  }
0x1fd: {  	v21 =	vld [tilespmem:s26+$0x640];
	v8 =	vadd.f32 v20, v60;
	v5 =	vmax.f32 v5, $0.0e+00  }
0x1fe: {  	v26 =	vld [tilespmem:s22+$0x1180];
	v4 =	vadd.f32 v22, v62;
	v9 =	vmax.f32 v9, $0.0e+00;
	[tilespmem:s22+$0x1100] =	vst v5  }
0x1ff: {  	v27 =	vld [tilespmem:s22+$0x1190];
	v3 =	vadd.f32 v23, v3;
	v29 =	vmax.f32 v8, $0.0e+00;
	[tilespmem:s22+$0x1110] =	vst v9  }
0x200: {  	v30 =	vld [tilespmem:s22+$0x11A0];
	v2 =	vadd.f32 v24, v2;
	v4 =	vmax.f32 v4, $0.0e+00;
	[tilespmem:s22+$0x1130] =	vst v29  }
0x201: {  	v31 =	vld [tilespmem:s22+$0x11B0];
	v25 =	vadd.f32 v19, v59;
	v3 =	vmax.f32 v3, $0.0e+00;
	[tilespmem:s22+$0x1150] =	vst v4  }
0x202: {  	v32 =	vld [tilespmem:s22+$0x11C0];
	v28 =	vadd.f32 v21, v61;
	v2 =	vmax.f32 v2, $0.0e+00;
	[tilespmem:s22+$0x1160] =	vst v3  }
0x203: {  	v33 =	vld [tilespmem:s22+$0x11D0];
	v5 =	vmax.f32 v25, $0.0e+00;
	[tilespmem:s22+$0x1170] =	vst v2  }
0x204: {  	v3 =	vld [tilespmem:s22+$0x11E0];
	[tilespmem:s22+$0x1120] =	vst v5;
	v5 =	vmax.f32 v28, $0.0e+00  }
0x205: {  	v2 =	vld [tilespmem:s22+$0x11F0];
	[tilespmem:s22+$0x1140] =	vst v5;
	s28 =	spop (v2sf)  }
0x206: {  	(v2sf) =	vpush v1, $0x8;
	v34 =	vld [tilespmem:s28+$0x600]  }
0x207: {  	v35 =	vld [tilespmem:s28+$0x610]  }
0x208: {  	v37 =	vld [tilespmem:s28+$0x630]  }
0x209: {  	v38 =	vld [tilespmem:s28+$0x640]  }
0x20a: {  	v39 =	vld [tilespmem:s28+$0x650]  }
0x20b: {  	v40 =	vld [tilespmem:s28+$0x660];
	v7 =	vadd.f32 v34, v26  }
0x20c: {  	v41 =	vld [tilespmem:s28+$0x670];
	v9 =	vadd.f32 v35, v27  }
0x20d: {  	v36 =	vld [tilespmem:s28+$0x620];
	v6 =	vadd.f32 v37, v31;
	v7 =	vmax.f32 v7, $0.0e+00  }
0x20e: {  	v44 =	vld [tilespmem:s22+$0x1200];
	v5 =	vadd.f32 v38, v32;
	v43 =	vmax.f32 v9, $0.0e+00;
	[tilespmem:s22+$0x1180] =	vst v7  }
0x20f: {  	v45 =	vld [tilespmem:s22+$0x1210];
	v4 =	vadd.f32 v39, v33;
	v6 =	vmax.f32 v6, $0.0e+00;
	[tilespmem:s22+$0x1190] =	vst v43  }
0x210: {  	v46 =	vld [tilespmem:s22+$0x1220];
	v3 =	vadd.f32 v40, v3;
	v5 =	vmax.f32 v5, $0.0e+00;
	[tilespmem:s22+$0x11B0] =	vst v6  }
0x211: {  	v47 =	vld [tilespmem:s22+$0x1230];
	v2 =	vadd.f32 v41, v2;
	v4 =	vmax.f32 v4, $0.0e+00;
	[tilespmem:s22+$0x11C0] =	vst v5  }
0x212: {  	v48 =	vld [tilespmem:s22+$0x1240];
	v42 =	vadd.f32 v36, v30;
	v3 =	vmax.f32 v3, $0.0e+00;
	[tilespmem:s22+$0x11D0] =	vst v4  }
0x213: {  	v49 =	vld [tilespmem:s22+$0x1250];
	v2 =	vmax.f32 v2, $0.0e+00;
	[tilespmem:s22+$0x11E0] =	vst v3  }
0x214: {  	v7 =	vmax.f32 v42, $0.0e+00;
	v3 =	vld [tilespmem:s22+$0x1260];
	[tilespmem:s22+$0x11F0] =	vst v2  }
0x215: {  	v2 =	vld [tilespmem:s22+$0x1270];
	[tilespmem:s22+$0x11A0] =	vst v7;
	s29 =	spop (v2sf)  }
0x216: {  	(v2sf) =	vpush v1, $0x9;
	v50 =	vld [tilespmem:s29+$0x600]  }
0x217: {  	v51 =	vld [tilespmem:s29+$0x610]  }
0x218: {  	v52 =	vld [tilespmem:s29+$0x620]  }
0x219: {  	v53 =	vld [tilespmem:s29+$0x630]  }
0x21a: {  	v54 =	vld [tilespmem:s29+$0x640]  }
0x21b: {  	v55 =	vld [tilespmem:s29+$0x650];
	v9 =	vadd.f32 v50, v44  }
0x21c: {  	v56 =	vld [tilespmem:s29+$0x660];
	v8 =	vadd.f32 v51, v45  }
0x21d: {  	v57 =	vld [tilespmem:s29+$0x670];
	v7 =	vadd.f32 v52, v46;
	v9 =	vmax.f32 v9, $0.0e+00  }
0x21e: {  	v58 =	vld [tilespmem:s22+$0x1280];
	v6 =	vadd.f32 v53, v47;
	v8 =	vmax.f32 v8, $0.0e+00;
	[tilespmem:s22+$0x1200] =	vst v9  }
0x21f: {  	v59 =	vld [tilespmem:s22+$0x1290];
	v5 =	vadd.f32 v54, v48;
	v7 =	vmax.f32 v7, $0.0e+00;
	[tilespmem:s22+$0x1210] =	vst v8  }
0x220: {  	v60 =	vld [tilespmem:s22+$0x12A0];
	v4 =	vadd.f32 v55, v49;
	v6 =	vmax.f32 v6, $0.0e+00;
	[tilespmem:s22+$0x1220] =	vst v7  }
0x221: {  	v61 =	vld [tilespmem:s22+$0x12B0];
	v3 =	vadd.f32 v56, v3;
	v5 =	vmax.f32 v5, $0.0e+00;
	[tilespmem:s22+$0x1230] =	vst v6  }
0x222: {  	v62 =	vld [tilespmem:s22+$0x12C0];
	v2 =	vadd.f32 v57, v2;
	v4 =	vmax.f32 v4, $0.0e+00;
	[tilespmem:s22+$0x1240] =	vst v5  }
0x223: {  	v63 =	vld [tilespmem:s22+$0x12D0];
	v3 =	vmax.f32 v3, $0.0e+00;
	[tilespmem:s22+$0x1250] =	vst v4  }
0x224: {  	v2 =	vmax.f32 v2, $0.0e+00;
	[tilespmem:s22+$0x1260] =	vst v3;
	v3 =	vld [tilespmem:s22+$0x12E0]  }
0x225: {  	[tilespmem:s22+$0x1270] =	vst v2;
	v2 =	vld [tilespmem:s22+$0x12F0];
	s30 =	spop (v2sf)  }
0x226: {  	(v2sf) =	vpush v1, $0xA;
	v18 =	vld [tilespmem:s30+$0x600]  }
0x227: {  	v19 =	vld [tilespmem:s30+$0x610]  }
0x228: {  	v20 =	vld [tilespmem:s30+$0x620]  }
0x229: {  	v21 =	vld [tilespmem:s30+$0x630]  }
0x22a: {  	v22 =	vld [tilespmem:s30+$0x640]  }
0x22b: {  	v23 =	vld [tilespmem:s30+$0x650];
	v9 =	vadd.f32 v18, v58  }
0x22c: {  	v24 =	vld [tilespmem:s30+$0x660];
	v8 =	vadd.f32 v19, v59  }
0x22d: {  	v25 =	vld [tilespmem:s30+$0x670];
	v7 =	vadd.f32 v20, v60;
	v9 =	vmax.f32 v9, $0.0e+00  }
0x22e: {  	v29 =	vld [tilespmem:s22+$0x1330];
	v6 =	vadd.f32 v21, v61;
	v8 =	vmax.f32 v8, $0.0e+00;
	[tilespmem:s22+$0x1280] =	vst v9  }
0x22f: {  	v28 =	vld [tilespmem:s22+$0x1320];
	v5 =	vadd.f32 v22, v62;
	v7 =	vmax.f32 v7, $0.0e+00;
	[tilespmem:s22+$0x1290] =	vst v8  }
0x230: {  	v26 =	vld [tilespmem:s22+$0x1300];
	v4 =	vadd.f32 v23, v63;
	v6 =	vmax.f32 v6, $0.0e+00;
	[tilespmem:s22+$0x12A0] =	vst v7  }
0x231: {  	v27 =	vld [tilespmem:s22+$0x1310];
	v3 =	vadd.f32 v24, v3;
	v5 =	vmax.f32 v5, $0.0e+00;
	[tilespmem:s22+$0x12B0] =	vst v6  }
0x232: {  	v30 =	vld [tilespmem:s22+$0x1340];
	v2 =	vadd.f32 v25, v2;
	v4 =	vmax.f32 v4, $0.0e+00;
	[tilespmem:s22+$0x12C0] =	vst v5  }
0x233: {  	v31 =	vld [tilespmem:s22+$0x1350];
	v3 =	vmax.f32 v3, $0.0e+00;
	[tilespmem:s22+$0x12D0] =	vst v4  }
0x234: {  	v2 =	vmax.f32 v2, $0.0e+00;
	[tilespmem:s22+$0x12E0] =	vst v3;
	v3 =	vld [tilespmem:s22+$0x1360]  }
0x235: {  	[tilespmem:s22+$0x12F0] =	vst v2;
	v2 =	vld [tilespmem:s22+$0x1370];
	s28 =	spop (v2sf)  }
0x236: {  	(v2sf) =	vpush v1, $0xB;
	v32 =	vld [tilespmem:s28+$0x600]  }
0x237: {  	v33 =	vld [tilespmem:s28+$0x610]  }
0x238: {  	v34 =	vld [tilespmem:s28+$0x620]  }
0x239: {  	v35 =	vld [tilespmem:s28+$0x630]  }
0x23a: {  	v36 =	vld [tilespmem:s28+$0x640]  }
0x23b: {  	v37 =	vld [tilespmem:s28+$0x650];
	v9 =	vadd.f32 v32, v26  }
0x23c: {  	v38 =	vld [tilespmem:s28+$0x660];
	v8 =	vadd.f32 v33, v27  }
0x23d: {  	v39 =	vld [tilespmem:s28+$0x670];
	v7 =	vadd.f32 v34, v28;
	v9 =	vmax.f32 v9, $0.0e+00  }
0x23e: {  	v40 =	vld [tilespmem:s22+$0x1380];
	v6 =	vadd.f32 v35, v29;
	v8 =	vmax.f32 v8, $0.0e+00;
	[tilespmem:s22+$0x1300] =	vst v9  }
0x23f: {  	v41 =	vld [tilespmem:s22+$0x1390];
	v5 =	vadd.f32 v36, v30;
	v7 =	vmax.f32 v7, $0.0e+00;
	[tilespmem:s22+$0x1310] =	vst v8  }
0x240: {  	v42 =	vld [tilespmem:s22+$0x13A0];
	v4 =	vadd.f32 v37, v31;
	v6 =	vmax.f32 v6, $0.0e+00;
	[tilespmem:s22+$0x1320] =	vst v7  }
0x241: {  	v43 =	vld [tilespmem:s22+$0x13B0];
	v3 =	vadd.f32 v38, v3;
	v5 =	vmax.f32 v5, $0.0e+00;
	[tilespmem:s22+$0x1330] =	vst v6  }
0x242: {  	v44 =	vld [tilespmem:s22+$0x13C0];
	v2 =	vadd.f32 v39, v2;
	v4 =	vmax.f32 v4, $0.0e+00;
	[tilespmem:s22+$0x1340] =	vst v5  }
0x243: {  	v45 =	vld [tilespmem:s22+$0x13D0];
	v3 =	vmax.f32 v3, $0.0e+00;
	[tilespmem:s22+$0x1350] =	vst v4  }
0x244: {  	v2 =	vmax.f32 v2, $0.0e+00;
	[tilespmem:s22+$0x1360] =	vst v3;
	v3 =	vld [tilespmem:s22+$0x13E0]  }
0x245: {  	[tilespmem:s22+$0x1370] =	vst v2;
	v2 =	vld [tilespmem:s22+$0x13F0];
	s29 =	spop (v2sf)  }
0x246: {  	(v2sf) =	vpush v1, $0xC;
	v46 =	vld [tilespmem:s29+$0x600]  }
0x247: {  	v47 =	vld [tilespmem:s29+$0x610]  }
0x248: {  	v48 =	vld [tilespmem:s29+$0x620]  }
0x249: {  	v49 =	vld [tilespmem:s29+$0x630]  }
0x24a: {  	v50 =	vld [tilespmem:s29+$0x640]  }
0x24b: {  	v51 =	vld [tilespmem:s29+$0x650];
	v9 =	vadd.f32 v46, v40  }
0x24c: {  	v52 =	vld [tilespmem:s29+$0x660];
	v8 =	vadd.f32 v47, v41  }
0x24d: {  	v53 =	vld [tilespmem:s29+$0x670];
	v7 =	vadd.f32 v48, v42;
	v9 =	vmax.f32 v9, $0.0e+00  }
0x24e: {  	v54 =	vld [tilespmem:s22+$0x1400];
	v6 =	vadd.f32 v49, v43;
	v8 =	vmax.f32 v8, $0.0e+00;
	[tilespmem:s22+$0x1380] =	vst v9  }
0x24f: {  	v55 =	vld [tilespmem:s22+$0x1410];
	v5 =	vadd.f32 v50, v44;
	v7 =	vmax.f32 v7, $0.0e+00;
	[tilespmem:s22+$0x1390] =	vst v8  }
0x250: {  	v56 =	vld [tilespmem:s22+$0x1420];
	v4 =	vadd.f32 v51, v45;
	v6 =	vmax.f32 v6, $0.0e+00;
	[tilespmem:s22+$0x13A0] =	vst v7  }
0x251: {  	v57 =	vld [tilespmem:s22+$0x1430];
	v3 =	vadd.f32 v52, v3;
	v5 =	vmax.f32 v5, $0.0e+00;
	[tilespmem:s22+$0x13B0] =	vst v6  }
0x252: {  	v58 =	vld [tilespmem:s22+$0x1440];
	v2 =	vadd.f32 v53, v2;
	v4 =	vmax.f32 v4, $0.0e+00;
	[tilespmem:s22+$0x13C0] =	vst v5  }
0x253: {  	v59 =	vld [tilespmem:s22+$0x1450];
	v3 =	vmax.f32 v3, $0.0e+00;
	[tilespmem:s22+$0x13D0] =	vst v4  }
0x254: {  	v2 =	vmax.f32 v2, $0.0e+00;
	[tilespmem:s22+$0x13E0] =	vst v3;
	v3 =	vld [tilespmem:s22+$0x1460]  }
0x255: {  	[tilespmem:s22+$0x13F0] =	vst v2;
	v2 =	vld [tilespmem:s22+$0x1470];
	s30 =	spop (v2sf)  }
0x256: {  	(v2sf) =	vpush v1, $0xD;
	v60 =	vld [tilespmem:s30+$0x600]  }
0x257: {  	v61 =	vld [tilespmem:s30+$0x610]  }
0x258: {  	v62 =	vld [tilespmem:s30+$0x620]  }
0x259: {  	v63 =	vld [tilespmem:s30+$0x630]  }
0x25a: {  	v18 =	vld [tilespmem:s30+$0x640]  }
0x25b: {  	v19 =	vld [tilespmem:s30+$0x650];
	v9 =	vadd.f32 v60, v54  }
0x25c: {  	v20 =	vld [tilespmem:s30+$0x660];
	v8 =	vadd.f32 v61, v55  }
0x25d: {  	v21 =	vld [tilespmem:s30+$0x670];
	v7 =	vadd.f32 v62, v56;
	v9 =	vmax.f32 v9, $0.0e+00  }
0x25e: {  	v22 =	vld [tilespmem:s22+$0x1480];
	v6 =	vadd.f32 v63, v57;
	v8 =	vmax.f32 v8, $0.0e+00;
	[tilespmem:s22+$0x1400] =	vst v9  }
0x25f: {  	v23 =	vld [tilespmem:s22+$0x1490];
	v5 =	vadd.f32 v18, v58;
	v7 =	vmax.f32 v7, $0.0e+00;
	[tilespmem:s22+$0x1410] =	vst v8  }
0x260: {  	v24 =	vld [tilespmem:s22+$0x14A0];
	v4 =	vadd.f32 v19, v59;
	v6 =	vmax.f32 v6, $0.0e+00;
	[tilespmem:s22+$0x1420] =	vst v7  }
0x261: {  	v25 =	vld [tilespmem:s22+$0x14B0];
	v3 =	vadd.f32 v20, v3;
	v5 =	vmax.f32 v5, $0.0e+00;
	[tilespmem:s22+$0x1430] =	vst v6  }
0x262: {  	v26 =	vld [tilespmem:s22+$0x14C0];
	v2 =	vadd.f32 v21, v2;
	v4 =	vmax.f32 v4, $0.0e+00;
	[tilespmem:s22+$0x1440] =	vst v5  }
0x263: {  	v27 =	vld [tilespmem:s22+$0x14D0];
	v3 =	vmax.f32 v3, $0.0e+00;
	[tilespmem:s22+$0x1450] =	vst v4  }
0x264: {  	v2 =	vmax.f32 v2, $0.0e+00;
	[tilespmem:s22+$0x1460] =	vst v3;
	v3 =	vld [tilespmem:s22+$0x14E0]  }
0x265: {  	[tilespmem:s22+$0x1470] =	vst v2;
	v2 =	vld [tilespmem:s22+$0x14F0];
	s28 =	spop (v2sf)  }
0x266: {  	(v2sf) =	vpush v1, $0xE;
	v28 =	vld [tilespmem:s28+$0x600]  }
0x267: {  	v29 =	vld [tilespmem:s28+$0x610]  }
0x268: {  	v30 =	vld [tilespmem:s28+$0x620]  }
0x269: {  	v31 =	vld [tilespmem:s28+$0x630]  }
0x26a: {  	v32 =	vld [tilespmem:s28+$0x640]  }
0x26b: {  	v33 =	vld [tilespmem:s28+$0x650];
	v9 =	vadd.f32 v28, v22  }
0x26c: {  	v34 =	vld [tilespmem:s28+$0x660];
	v8 =	vadd.f32 v29, v23  }
0x26d: {  	v35 =	vld [tilespmem:s28+$0x670];
	v7 =	vadd.f32 v30, v24;
	v9 =	vmax.f32 v9, $0.0e+00  }
0x26e: {  	v6 =	vadd.f32 v31, v25;
	v8 =	vmax.f32 v8, $0.0e+00;
	[tilespmem:s22+$0x1480] =	vst v9  }
0x26f: {  	v36 =	vld [tilespmem:s22+$0x1500];
	v5 =	vadd.f32 v32, v26;
	v7 =	vmax.f32 v7, $0.0e+00;
	[tilespmem:s22+$0x1490] =	vst v8  }
0x270: {  	v37 =	vld [tilespmem:s22+$0x1510];
	v4 =	vadd.f32 v33, v27;
	v6 =	vmax.f32 v6, $0.0e+00;
	[tilespmem:s22+$0x14A0] =	vst v7  }
0x271: {  	v38 =	vld [tilespmem:s22+$0x1520];
	v3 =	vadd.f32 v34, v3;
	v5 =	vmax.f32 v5, $0.0e+00;
	[tilespmem:s22+$0x14B0] =	vst v6  }
0x272: {  	v39 =	vld [tilespmem:s22+$0x1530];
	v2 =	vadd.f32 v35, v2;
	v4 =	vmax.f32 v4, $0.0e+00;
	[tilespmem:s22+$0x14C0] =	vst v5  }
0x273: {  	v40 =	vld [tilespmem:s22+$0x1540];
	v3 =	vmax.f32 v3, $0.0e+00;
	[tilespmem:s22+$0x14D0] =	vst v4  }
0x274: {  	v41 =	vld [tilespmem:s22+$0x1550];
	v2 =	vmax.f32 v2, $0.0e+00;
	[tilespmem:s22+$0x14E0] =	vst v3  }
0x275: {  	v3 =	vld [tilespmem:s22+$0x1560];
	[tilespmem:s22+$0x14F0] =	vst v2;
	s29 =	spop (v2sf)  }
0x276: {  	v43 =	vld [tilespmem:s29+$0x610]  }
0x277: {  	(v2sf) =	vpush v1, $0xF;
	v44 =	vld [tilespmem:s29+$0x620]  }
0x278: {  	v2 =	vld [tilespmem:s22+$0x1570]  }
0x279: {  	v42 =	vld [tilespmem:s29+$0x600]  }
0x27a: {  	v46 =	vld [tilespmem:s29+$0x640]  }
0x27b: {  	v45 =	vld [tilespmem:s29+$0x630];
	v1 =	vadd.f32 v43, v37  }
0x27c: {  	v47 =	vld [tilespmem:s29+$0x650];
	v7 =	vadd.f32 v44, v38  }
0x27d: {  	v48 =	vld [tilespmem:s29+$0x660];
	v1 =	vmax.f32 v1, $0.0e+00  }
0x27e: {  	v49 =	vld [tilespmem:s29+$0x670];
	v9 =	vadd.f32 v42, v36;
	[tilespmem:s22+$0x1510] =	vst v1;
	v1 =	vmax.f32 v7, $0.0e+00  }
0x27f: {  	v50 =	vld [tilespmem:s22+$0x1580];
	[tilespmem:s22+$0x1520] =	vst v1;
	v1 =	vadd.f32 v46, v40  }
0x280: {  	v52 =	vld [tilespmem:s22+$0x1590];
	v6 =	vadd.f32 v45, v39;
	v9 =	vmax.f32 v9, $0.0e+00  }
0x281: {  	v53 =	vld [tilespmem:s22+$0x15A0];
	v4 =	vadd.f32 v47, v41;
	[tilespmem:s22+$0x1500] =	vst v9;
	v1 =	vmax.f32 v1, $0.0e+00  }
0x282: {  	v54 =	vld [tilespmem:s22+$0x15B0];
	v51 =	vmax.f32 v6, $0.0e+00;
	[tilespmem:s22+$0x1540] =	vst v1;
	v1 =	vadd.f32 v48, v3  }
0x283: {  	v56 =	vld [tilespmem:s22+$0x15E0];
	v2 =	vadd.f32 v49, v2;
	[tilespmem:s22+$0x1530] =	vst v51;
	v3 =	vmax.f32 v4, $0.0e+00  }
0x284: {  	[tilespmem:s22+$0x1550] =	vst v3;
	v3 =	vld [tilespmem:s22+$0x15C0];
	v1 =	vmax.f32 v1, $0.0e+00  }
0x285: {  	[tilespmem:s22+$0x1560] =	vst v1;
	v1 =	vmax.f32 v2, $0.0e+00;
	v2 =	vld [tilespmem:s22+$0x15D0]  }
0x286: {  	s30 =	spop (v2sf);
	[tilespmem:s22+$0x1570] =	vst v1;
	v1 =	vld [tilespmem:s22+$0x15F0]  }
0x287: {  	v55 =	vld [tilespmem:s30+$0x670]  }
0x288: {  	v57 =	vld [tilespmem:s30+$0x600]  }
0x289: {  	v58 =	vld [tilespmem:s30+$0x610]  }
0x28a: {  	v59 =	vld [tilespmem:s30+$0x620]  }
0x28b: {  	v60 =	vld [tilespmem:s30+$0x630]  }
0x28c: {  	v61 =	vld [tilespmem:s30+$0x640];
	v1 =	vadd.f32 v55, v1  }
0x28d: {  	v62 =	vld [tilespmem:s30+$0x650];
	v9 =	vadd.f32 v57, v50  }
0x28e: {  	v63 =	vld [tilespmem:s30+$0x660];
	v6 =	vadd.f32 v58, v52;
	v1 =	vmax.f32 v1, $0.0e+00  }
0x28f: {  	v5 =	vadd.f32 v59, v53;
	[tilespmem:s22+$0x15F0] =	vst v1;
	v1 =	vmax.f32 v9, $0.0e+00  }
0x290: {  	v4 =	vadd.f32 v60, v54;
	[tilespmem:s22+$0x1580] =	vst v1;
	v1 =	vmax.f32 v6, $0.0e+00  }
0x291: {  	v3 =	vadd.f32 v61, v3;
	[tilespmem:s22+$0x1590] =	vst v1;
	v1 =	vmax.f32 v5, $0.0e+00  }
0x292: {  	v2 =	vadd.f32 v62, v2;
	[tilespmem:s22+$0x15A0] =	vst v1;
	v1 =	vmax.f32 v4, $0.0e+00  }
0x293: {  	p0 =	slt.u32 s18, $0x2;
	[tilespmem:s22+$0x15B0] =	vst v1;
	v1 =	vmax.f32 v3, $0.0e+00;
	v3 =	vadd.f32 v63, v56  }
0x294: {  	p1 =	sgt.u32 @!p0 s18, $0x7A;
	[tilespmem:s22+$0x15C0] =	vst v1;
	v1 =	vmax.f32 v2, $0.0e+00  }
0x295: {  	p1 =	por p0, !p1;
	[tilespmem:s22+$0x15D0] =	vst v1;
	v1 =	vmax.f32 v3, $0.0e+00  }
0x296: {  	s21 =	sor.u32 $0x200, s21;
	s20 =	sadd.s32 $0x5, s20;
	s18 =	smul.u32 @p1 $0x50, s23;
	[tilespmem:s22+$0x15E0] =	vst v1  }
0x297: {  	[spmem:s3] =	stream.indirect.scatter.add.f32 [tilespmem:s25], [sflag:s20], $0x80, s21, s14, $0xb8;
	[tilespmem:$0x1EE00] =	vst v63  }
0x298: {  	s18 =	sadd.s32 @p1 s8, s18;
	s20 =	sadd.s32 @!p0 $0x5, s24  }
0x299: {  	s18 =	sshrl.u32 @p1 s18, $0x3;
	_ =	swait.ge @!p0 [sflag:s20], $0x2800  }
0x29a: {  	s22 =	sadd.s32 @p1 s7, s18;
	s21 =	sshll.u32 @p1 s24, $0x7;
	[sflag:s20] =	ssyncset.done @!p0 $0x0  }
0x29b: {  	[sflag:s20] =	ssyncadd.s32 @!p0 $0xFFFFD800;
	s20 =	sadd.s32 @p1 $0x9, s24;
	p0 =	sne.s32 s19, $0x7D  }
0x29c: {  	[tilespmem:s21], [sflag:s20] =	stream.linear.gather @p1 [hbm4b:s22+s5], $0x50, $0x38;
	[tilespmem:$0x1EE00] =	vst v63  }
.Ltmp2:
0x29d: {  	_ = 	snop;
	(pc) =	sbr.rel @p0 .LBB2_4-.Ltmp2, $4  }
0x29e: {  	s23 =	sadd.s32 @p1 s2, s18;
	s22 =	sor.u32 @p1 $0x200, s21  }
0x29f: {  	[tilespmem:s22], [sflag:s20] =	stream.linear.gather @p1 [hbm4b:s23+s5], $0x50, $0x38;
	[tilespmem:$0x1EE00] =	vst v63  }
0x2a0: {  	s18 =	sadd.s32 @p1 s9, s18;
	s21 =	sor.u32 @p1 $0x400, s21  }
0x2a1: {  	[tilespmem:s21], [sflag:s20] =	stream.linear.gather @p1 [hbm4b:s18+s5], $0x50, $0x38;
	[tilespmem:$0x1EE00] =	vst v63  }
0x2a2: {  	_ =	swait.ge [sflag:s15], $0x2800  }
0x2a3: {  	[sflag:s15] =	ssyncset.done $0x0  }
0x2a4: {  	[sflag:s15] =	ssyncadd.s32 $0xFFFFD800  }
0x2a5: {  	_ =	swait.ge [sflag:s16], $0x2800  }
0x2a6: {  	[sflag:s16] =	ssyncset.done $0x0  }
0x2a7: {  	s18 =	stileid.u32;
	[sflag:s16] =	ssyncadd.s32 $0xFFFFD800  }
0x2a8: {  	s18 =	sshll.u32 s18, $0x6;
	[bflag:$0x0] =	sbarrier.arrive $0xFFFF  }
0x2a9: {  	s19 =	sshrl.u32 s10, $0x3;
	s18 =	sor.u32 $0x1C0D, s18;
	s20 =	rddreg [dreg:$0x9]  }
0x2aa: {  	[hbm:s20], [sflag:s18] =	dma.local [spmem:s19], $0x800  }
0x2ab: {  	_ =	swait.ge [sflag:s11], $0x800  }
0x2ac: {  	[sflag:s11] =	ssyncset.done $0x0;
	s21 =	rddreg [dreg:$0xa]  }
0x2ad: {  	s22 =	rddreg [dreg:$0x12];
	[sflag:s11] =	ssyncadd.s32 $0xFFFFF800  }
0x2ae: {  	[hbm:s21], [sflag:s18] =	dma.local [spmem:s22], $0x800  }
0x2af: {  	_ =	swait.ge [sflag:s11], $0x800  }
0x2b0: {  	[sflag:s11] =	ssyncset.done $0x0;
	s23 =	rddreg [dreg:$0xb]  }
0x2b1: {  	s24 =	rddreg [dreg:$0x13];
	[sflag:s11] =	ssyncadd.s32 $0xFFFFF800  }
0x2b2: {  	[hbm:s23], [sflag:s18] =	dma.local [spmem:s24], $0x800  }
0x2b3: {  	_ =	swait.ge [sflag:s11], $0x800  }
0x2b4: {  	[sflag:s11] =	ssyncset.done $0x0;
	s25 =	rddreg [dreg:$0xc]  }
0x2b5: {  	s26 =	rddreg [dreg:$0x14];
	[sflag:s11] =	ssyncadd.s32 $0xFFFFF800  }
0x2b6: {  	[hbm:s25], [sflag:s18] =	dma.local [spmem:s26], $0x800  }
0x2b7: {  	_ =	swait.ge [sflag:s11], $0x800  }
0x2b8: {  	[sflag:s11] =	ssyncset.done $0x0;
	s28 =	rddreg [dreg:$0xd]  }
0x2b9: {  	s29 =	rddreg [dreg:$0x15];
	[sflag:s11] =	ssyncadd.s32 $0xFFFFF800  }
0x2ba: {  	[hbm:s28], [sflag:s18] =	dma.local [spmem:s29], $0x800  }
0x2bb: {  	_ =	swait.ge [sflag:s11], $0x800  }
0x2bc: {  	s17 =	sadd.s32 $0x1, s17;
	s30 =	rddreg [dreg:$0x11]  }
0x2bd: {  	p0 =	sne.s32 s17, s30  }
.Ltmp3:
0x2be: {  	_ = 	snop;
	(pc) =	sbr.rel @p0 .LBB2_1-.Ltmp3, $3  }
0x2bf: {  	_ =	sdelay $0x1  }
0x2c0: {  	[sflag:s11] =	ssyncset.done $0x0  }
0x2c1: {  	[sflag:s11] =	ssyncadd.s32 $0xFFFFF800  }
0x2c2: {  	_ =	sfence.sel $0x180000  }
0x2c3: {  	[bflag:$0x0] =	sbarrier.arrive $0xFFFF  }
0x2c4: {  	_ =	strace $0x90000047  }
0x2c5: {  	s0 =	stileid.u32;
	[bflag:$0x2] =	sbarrier.arrive $0xFFFF  }
0x2c6: {  	p0 =	sne.s32 s0, $0x0;
	s0 =	rddreg [dreg:$0x4]  }
0x2c7: {  	s0 =	sadd.s32 @!p0 $0x100000, s0  }
0x2c8: {  	[sflag:s0] =	ssyncadd.tile.s32 @!p0 $0x1;
	_ =	shalt  }
.Lfunc_end2:
_tile_overlayer_lowered:
.L_overlay_start_2:
0x2c9: {  	(tag) =	ssettag $0x2  }
0x2ca: {  	s0 =	rddreg [dreg:$0x0];
	s2 =	stileid.u32  }
0x2cb: {  	s1 =	rddreg [dreg:$0x1];
	p0 =	sne.s32 s2, $0x0  }
0x2cc: {  	s3 =	rddreg [dreg:$0x2];
	[bflag:$0x3] =	sbarrier.arrive $0xFFFF;
	s2 =	simm.s32 @!p0 $0x1C0D  }
0x2cd: {  	[timem:s3], [sflag:s2] =	dma.local @!p0 [hbm:s0], s1  }
0x2ce: {  	s0 =	simm.s32 @!p0 $0xD  }
0x2cf: {  	_ =	swait.ge @!p0 [sflag:s0], s1  }
0x2d0: {  	s1 =	ssub.s32 @!p0 $0x0, s1;
	[sflag:s0] =	ssyncset.done @!p0 $0x0  }
0x2d1: {  	[sflag:s0] =	ssyncadd.s32 @!p0 s1  }
0x2d2: {  	[bflag:$0x3] =	sbarrier.arrive $0xFFFF  }
0x2d3: {  	_ =	shalt  }

</sc_bundles>
